<compile_context>
chip_gen: v7x
topology: tpu7x:2x2x1
jax: 0.10.2.dev20260603
libtpu: 0.0.44.dev20260713+nightly
codegen_flags: <defaults>
</compile_context>

<pallas_src>
import functools

import jax
import jax.numpy as jnp
from jax import lax
from jax.experimental import pallas as pl
from jax.experimental.pallas import tpu as pltpu
from jax.experimental.pallas import tpu_sc as plsc

N_NODES = 100000
N_SPECIES = 119
OUT_DIM = 128
LANES = 16
NUM_WORKERS = 32
BLK = 125
BLKS_PER_W = 25
PER_W = BLK * BLKS_PER_W
WIN = PER_W + 16 - PER_W % 8
GROUPS = list(range(0, BLK - LANES + 1, LANES))
if GROUPS[-1] != BLK - LANES:
    GROUPS.append(BLK - LANES)


def _sc_embed(ns_hbm, elem_hbm, emb_hbm, out_hbm,
              ns_v, elem_v, spec_v, table_s, rows0, rows1,
              gsem, ssem0, ssem1):
    wid = lax.axis_index("s") * 2 + lax.axis_index("c")
    base = wid * PER_W
    start = pl.multiple_of(
        jnp.minimum(8 * (base // 8), N_NODES - WIN), 8)
    delta = base - start

    pltpu.sync_copy(ns_hbm.at[pl.ds(start, WIN)], ns_v)
    pltpu.sync_copy(elem_hbm, elem_v)

    @pl.when(lax.axis_index("s") == 0)
    def _():
        pltpu.sync_copy(emb_hbm, table_s)
    plsc.subcore_barrier()

    rows = (rows0, rows1)
    ssems = (ssem0, ssem1)
    scat = [None, None]
    for b in range(BLKS_PER_W):
        i = b & 1
        for off in GROUPS:
            idx = ns_v[pl.ds(delta + b * BLK + off, LANES)]
            spec_v[b, pl.ds(off, LANES)] = plsc.load_gather(elem_v, [idx])
        if scat[i] is not None:
            scat[i].wait()
        g = pltpu.async_copy(table_s.at[spec_v.at[b]], rows[i], gsem)
        g.wait()
        scat[i] = pltpu.async_copy(
            rows[i], out_hbm.at[pl.ds(base + b * BLK, BLK)], ssems[i])
    scat[0].wait()
    scat[1].wait()


@jax.jit
def _run(ns, elem, emb):
    mesh = plsc.VectorSubcoreMesh(core_axis_name="c", subcore_axis_name="s")
    f = functools.partial(
        pl.kernel,
        mesh=mesh,
        compiler_params=pltpu.CompilerParams(
            needs_layout_passes=False, use_tc_tiling_on_sc=False),
        out_type=jax.ShapeDtypeStruct((N_NODES, OUT_DIM), jnp.float32),
        scratch_types=[
            pltpu.VMEM((WIN,), jnp.int32),
            pltpu.VMEM((N_SPECIES,), jnp.int32),
            pltpu.VMEM((BLKS_PER_W, BLK), jnp.int32),
            pltpu.VMEM_SHARED((10, OUT_DIM), jnp.float32),
            pltpu.VMEM((BLK, OUT_DIM), jnp.float32),
            pltpu.VMEM((BLK, OUT_DIM), jnp.float32),
            pltpu.SemaphoreType.DMA,
            pltpu.SemaphoreType.DMA,
            pltpu.SemaphoreType.DMA,
        ],
    )(_sc_embed)
    return f(ns, elem, emb)


def kernel(node_species, element_indices, embed_table):
    return _run(jnp.asarray(node_species, jnp.int32),
                jnp.asarray(element_indices, jnp.int32),
                jnp.asarray(embed_table, jnp.float32))

# --- scband reference (transcript-rebuilt; emitter-appended) ---
"""Pipeline reference for scband-linear-node-embedding-24361054503253 (READ-ONLY COPY).

The authoritative reference and input builder live on the scoring server;
editing this copy changes nothing except your own understanding.
"""

import jax, jax.numpy as jnp
import numpy as np

NUM_SPECIES = 10
MAX_SPECIES = 119
OUT_DIM = 128  # 128x0e scalar irreps -> plain 128-dim embedding
N_NODES = 100000


def setup_inputs(seed: int = 0) -> dict:
    key = jax.random.key(seed)
    k1, k2 = jax.random.split(key)
    node_species = jax.random.randint(k1, (N_NODES,), 0, MAX_SPECIES, dtype=jnp.int64 if jax.config.read('jax_enable_x64') else jnp.int32)
    element_indices = jnp.arange(MAX_SPECIES, dtype=jnp.int32) % NUM_SPECIES
    # nn.Embed default init: normal(stddev=1/sqrt(features)) approximated here with plain normal scaling
    embed_table = jax.random.normal(k2, (NUM_SPECIES, OUT_DIM), dtype=jnp.float32) * (1.0 / jnp.sqrt(OUT_DIM))
    return {"node_species": node_species, "element_indices": element_indices, "embed_table": embed_table}


def reference(node_species, element_indices, embed_table):
    # LinearNodeEmbedding.__call__: embed(element_indices[node_species])
    # irreps_out '128x0e' filtered to '0e' and regrouped is just a 128-dim scalar block,
    # so the E3IrrepsArray wrapper is a plain float array of shape [batch, 128].
    species = jnp.take(element_indices, node_species, axis=0)
    out = jnp.take(embed_table, species, axis=0)
    return out

if __name__ == "__main__":
    import jax
    _d = setup_inputs()
    print(jax.jit(kernel)(*tuple(_d.values())))

</pallas_src>

<mosaic_0001>
#map = affine_map<(d0, d1) -> (0)>
#map1 = affine_map<(d0, d1) -> (0, 0)>
module attributes {stable_mosaic.version = 14 : i64} {
  func.func @_sc_embed(%arg0: i32, %arg1: i32, %arg2: memref<100000xi32, #tpu.memory_space<hbm>>, %arg3: memref<119xi32, #tpu.memory_space<hbm>>, %arg4: memref<10x128xf32, #tpu.memory_space<hbm>>, %arg5: memref<100000x128xf32, #tpu.memory_space<hbm>>, %arg6: memref<3136xi32, #tpu.memory_space<vmem>>, %arg7: memref<119xi32, #tpu.memory_space<vmem>>, %arg8: memref<25x125xi32, #tpu.memory_space<vmem>>, %arg9: memref<10x128xf32, #tpu.memory_space<vmem_shared>>, %arg10: memref<125x128xf32, #tpu.memory_space<vmem>>, %arg11: memref<125x128xf32, #tpu.memory_space<vmem>>, %arg12: memref<!tpu.dma_semaphore, #tpu.memory_space<semaphore_mem>>, %arg13: memref<!tpu.dma_semaphore, #tpu.memory_space<semaphore_mem>>, %arg14: memref<!tpu.dma_semaphore, #tpu.memory_space<semaphore_mem>>) attributes {dimension_semantics = [#tpu.dimension_semantics<core_parallel>, #tpu.dimension_semantics<subcore_parallel>], iteration_bounds = array<i64: 2, 16>, scalar_prefetch = 0 : i64, scratch_operands = 9 : i64, tpu.core_type = #tpu.core_type<sc_vector_subcore>, window_params = [{transform_indices = #map}, {transform_indices = #map}, {transform_indices = #map1}, {transform_indices = #map1}]} {
    %mul3A = arith.constant 2 : i32
    %mul3A_0 = arith.muli %arg1, %mul3A : i32
    %add3A = arith.addi %mul3A_0, %arg0 : i32
    %mul3A_1 = arith.constant 3125 : i32
    %mul3A_2 = arith.muli %add3A, %mul3A_1 : i32
    %jit3A = arith.constant 8 : i32
    %div3A = arith.divsi %mul3A_2, %jit3A : i32
    %sign3A = arith.constant 0 : i32
    %sign3A_3 = arith.cmpi sgt, %mul3A_2, %sign3A : i32
    %sign3A_4 = arith.extui %sign3A_3 : i1 to i32
    %sign3A_5 = arith.constant 0 : i32
    %sign3A_6 = arith.cmpi slt, %mul3A_2, %sign3A_5 : i32
    %sign3A_7 = arith.extui %sign3A_6 : i1 to i32
    %sign3A_8 = arith.subi %sign3A_4, %sign3A_7 : i32
    %sign3A_9 = arith.constant 0 : i32
    %sign3A_10 = arith.cmpi sgt, %jit3A, %sign3A_9 : i32
    %sign3A_11 = arith.extui %sign3A_10 : i1 to i32
    %sign3A_12 = arith.constant 0 : i32
    %sign3A_13 = arith.cmpi slt, %jit3A, %sign3A_12 : i32
    %sign3A_14 = arith.extui %sign3A_13 : i1 to i32
    %sign3A_15 = arith.subi %sign3A_11, %sign3A_14 : i32
    %ne3A = arith.cmpi ne, %sign3A_8, %sign3A_15 : i32
    %rem3A = arith.remsi %mul3A_2, %jit3A : i32
    %ne3A_16 = arith.constant 0 : i32
    %ne3A_17 = arith.cmpi ne, %rem3A, %ne3A_16 : i32
    %and3A = arith.andi %ne3A, %ne3A_17 : i1
    %sub3A = arith.constant 1 : i32
    %sub3A_18 = arith.subi %div3A, %sub3A : i32
    %select_n3A = arith.select %and3A, %sub3A_18, %div3A : i32
    %mul3A_19 = arith.constant 8 : i32
    %mul3A_20 = arith.muli %mul3A_19, %select_n3A : i32
    %min3A = arith.constant 96864 : i32
    %min3A_21 = arith.minsi %mul3A_20, %min3A : i32
    %multiple_of3A = tpu.assume_multiple %min3A_21, 8 : i32
    %sub3A_22 = arith.subi %mul3A_2, %multiple_of3A : i32
    "tpu.region"() ({
      %run_scoped3A = tpu.sem_alloc : memref<!tpu.dma_semaphore, #tpu.memory_space<semaphore_mem>>
      %dma_start3A_2820 = tpu.memref_slice %arg2[%multiple_of3A] : memref<100000xi32, #tpu.memory_space<hbm>> -> memref<3136xi32, #tpu.memory_space<hbm>>
      %dma_start3A_2821 = tpu.memref_slice %arg2[%multiple_of3A] : memref<100000xi32, #tpu.memory_space<hbm>> -> memref<3136xi32, #tpu.memory_space<hbm>>
      tpu.enqueue_dma source(%dma_start3A_2821 : memref<3136xi32, #tpu.memory_space<hbm>>) target(%arg6 : memref<3136xi32, #tpu.memory_space<vmem>>) target_semaphore(%run_scoped3A : memref<!tpu.dma_semaphore, #tpu.memory_space<semaphore_mem>>)
      %dma_wait3A_2822 = tpu.memref_slice %arg2[%multiple_of3A] : memref<100000xi32, #tpu.memory_space<hbm>> -> memref<3136xi32, #tpu.memory_space<hbm>>
      %dma_wait3A_2823 = tpu.memref_slice %arg2[%multiple_of3A] : memref<100000xi32, #tpu.memory_space<hbm>> -> memref<3136xi32, #tpu.memory_space<hbm>>
      tpu.wait_dma2 semaphore(%run_scoped3A : memref<!tpu.dma_semaphore, #tpu.memory_space<semaphore_mem>>) src(%dma_wait3A_2823 : memref<3136xi32, #tpu.memory_space<hbm>>) dst(%arg6 : memref<3136xi32, #tpu.memory_space<vmem>>)
      tpu.yield
    }) : () -> ()
    "tpu.region"() ({
      %run_scoped3A = tpu.sem_alloc : memref<!tpu.dma_semaphore, #tpu.memory_space<semaphore_mem>>
      tpu.enqueue_dma source(%arg3 : memref<119xi32, #tpu.memory_space<hbm>>) target(%arg7 : memref<119xi32, #tpu.memory_space<vmem>>) target_semaphore(%run_scoped3A : memref<!tpu.dma_semaphore, #tpu.memory_space<semaphore_mem>>)
      tpu.wait_dma2 semaphore(%run_scoped3A : memref<!tpu.dma_semaphore, #tpu.memory_space<semaphore_mem>>) src(%arg3 : memref<119xi32, #tpu.memory_space<hbm>>) dst(%arg7 : memref<119xi32, #tpu.memory_space<vmem>>)
      tpu.yield
    }) : () -> ()
    %eq3A = arith.constant 0 : i32
    %eq3A_23 = arith.cmpi eq, %arg1, %eq3A : i32
    %convert_element_type3A = arith.extui %eq3A_23 : i1 to i32
    %cond3A = arith.constant 0 : i32
    %cond3A_24 = arith.cmpi ne, %convert_element_type3A, %cond3A : i32
    scf.if %cond3A_24 {
      "tpu.region"() ({
        %run_scoped3A = tpu.sem_alloc : memref<!tpu.dma_semaphore, #tpu.memory_space<semaphore_mem>>
        tpu.enqueue_dma source(%arg4 : memref<10x128xf32, #tpu.memory_space<hbm>>) target(%arg9 : memref<10x128xf32, #tpu.memory_space<vmem_shared>>) target_semaphore(%run_scoped3A : memref<!tpu.dma_semaphore, #tpu.memory_space<semaphore_mem>>)
        tpu.wait_dma2 semaphore(%run_scoped3A : memref<!tpu.dma_semaphore, #tpu.memory_space<semaphore_mem>>) src(%arg4 : memref<10x128xf32, #tpu.memory_space<hbm>>) dst(%arg9 : memref<10x128xf32, #tpu.memory_space<vmem_shared>>)
        tpu.yield
      }) : () -> ()
    } else {
    }
    %barrier3A = arith.constant 0 : index
    tpu.barrier barrier_id(%barrier3A)
    %add3A_25 = arith.constant 0 : i32
    %add3A_26 = arith.addi %sub3A_22, %add3A_25 : i32
    %add3A_27 = arith.constant 0 : i32
    %add3A_28 = arith.addi %add3A_26, %add3A_27 : i32
    %get3A = arith.index_cast %add3A_28 : i32 to index
    %get3A_29 = tpu.vector_load %arg6[%get3A] {strides = array<i32>} : memref<3136xi32, #tpu.memory_space<vmem>>, vector<16xi32>,
    %gather3A = tpu.vector_load_idx %arg7[%get3A_29] : memref<119xi32, #tpu.memory_space<vmem>>[vector<16xi32>], vector<16xi32>,
    %swap3A = arith.constant 0 : i32
    %swap3A_30 = arith.index_cast %swap3A : i32 to index
    %swap3A_31 = arith.constant 0 : index
    %swap3A_32 = tpu.vector_load %arg8[%swap3A_30, %swap3A_31] {strides = array<i32>} : memref<25x125xi32, #tpu.memory_space<vmem>>, vector<16xi32>,
    tpu.vector_store %arg8[%swap3A_30, %swap3A_31], %gather3A {strides = array<i32>} : memref<25x125xi32, #tpu.memory_space<vmem>>, vector<16xi32>,
    %add3A_33 = arith.constant 0 : i32
    %add3A_34 = arith.addi %sub3A_22, %add3A_33 : i32
    %add3A_35 = arith.constant 16 : i32
    %add3A_36 = arith.addi %add3A_34, %add3A_35 : i32
    %get3A_37 = arith.index_cast %add3A_36 : i32 to index
    %get3A_38 = tpu.vector_load %arg6[%get3A_37] {strides = array<i32>} : memref<3136xi32, #tpu.memory_space<vmem>>, vector<16xi32>,
    %gather3A_39 = tpu.vector_load_idx %arg7[%get3A_38] : memref<119xi32, #tpu.memory_space<vmem>>[vector<16xi32>], vector<16xi32>,
    %swap3A_40 = arith.constant 0 : i32
    %swap3A_41 = arith.index_cast %swap3A_40 : i32 to index
    %swap3A_42 = arith.constant 16 : index
    %swap3A_43 = tpu.vector_load %arg8[%swap3A_41, %swap3A_42] {strides = array<i32>} : memref<25x125xi32, #tpu.memory_space<vmem>>, vector<16xi32>,
    tpu.vector_store %arg8[%swap3A_41, %swap3A_42], %gather3A_39 {strides = array<i32>} : memref<25x125xi32, #tpu.memory_space<vmem>>, vector<16xi32>,
    %add3A_44 = arith.constant 0 : i32
    %add3A_45 = arith.addi %sub3A_22, %add3A_44 : i32
    %add3A_46 = arith.constant 32 : i32
    %add3A_47 = arith.addi %add3A_45, %add3A_46 : i32
    %get3A_48 = arith.index_cast %add3A_47 : i32 to index
    %get3A_49 = tpu.vector_load %arg6[%get3A_48] {strides = array<i32>} : memref<3136xi32, #tpu.memory_space<vmem>>, vector<16xi32>,
    %gather3A_50 = tpu.vector_load_idx %arg7[%get3A_49] : memref<119xi32, #tpu.memory_space<vmem>>[vector<16xi32>], vector<16xi32>,
    %swap3A_51 = arith.constant 0 : i32
    %swap3A_52 = arith.index_cast %swap3A_51 : i32 to index
    %swap3A_53 = arith.constant 32 : index
    %swap3A_54 = tpu.vector_load %arg8[%swap3A_52, %swap3A_53] {strides = array<i32>} : memref<25x125xi32, #tpu.memory_space<vmem>>, vector<16xi32>,
    tpu.vector_store %arg8[%swap3A_52, %swap3A_53], %gather3A_50 {strides = array<i32>} : memref<25x125xi32, #tpu.memory_space<vmem>>, vector<16xi32>,
    %add3A_55 = arith.constant 0 : i32
    %add3A_56 = arith.addi %sub3A_22, %add3A_55 : i32
    %add3A_57 = arith.constant 48 : i32
    %add3A_58 = arith.addi %add3A_56, %add3A_57 : i32
    %get3A_59 = arith.index_cast %add3A_58 : i32 to index
    %get3A_60 = tpu.vector_load %arg6[%get3A_59] {strides = array<i32>} : memref<3136xi32, #tpu.memory_space<vmem>>, vector<16xi32>,
    %gather3A_61 = tpu.vector_load_idx %arg7[%get3A_60] : memref<119xi32, #tpu.memory_space<vmem>>[vector<16xi32>], vector<16xi32>,
    %swap3A_62 = arith.constant 0 : i32
    %swap3A_63 = arith.index_cast %swap3A_62 : i32 to index
    %swap3A_64 = arith.constant 48 : index
    %swap3A_65 = tpu.vector_load %arg8[%swap3A_63, %swap3A_64] {strides = array<i32>} : memref<25x125xi32, #tpu.memory_space<vmem>>, vector<16xi32>,
    tpu.vector_store %arg8[%swap3A_63, %swap3A_64], %gather3A_61 {strides = array<i32>} : memref<25x125xi32, #tpu.memory_space<vmem>>, vector<16xi32>,
    %add3A_66 = arith.constant 0 : i32
    %add3A_67 = arith.addi %sub3A_22, %add3A_66 : i32
    %add3A_68 = arith.constant 64 : i32
    %add3A_69 = arith.addi %add3A_67, %add3A_68 : i32
    %get3A_70 = arith.index_cast %add3A_69 : i32 to index
    %get3A_71 = tpu.vector_load %arg6[%get3A_70] {strides = array<i32>} : memref<3136xi32, #tpu.memory_space<vmem>>, vector<16xi32>,
    %gather3A_72 = tpu.vector_load_idx %arg7[%get3A_71] : memref<119xi32, #tpu.memory_space<vmem>>[vector<16xi32>], vector<16xi32>,
    %swap3A_73 = arith.constant 0 : i32
    %swap3A_74 = arith.index_cast %swap3A_73 : i32 to index
    %swap3A_75 = arith.constant 64 : index
    %swap3A_76 = tpu.vector_load %arg8[%swap3A_74, %swap3A_75] {strides = array<i32>} : memref<25x125xi32, #tpu.memory_space<vmem>>, vector<16xi32>,
    tpu.vector_store %arg8[%swap3A_74, %swap3A_75], %gather3A_72 {strides = array<i32>} : memref<25x125xi32, #tpu.memory_space<vmem>>, vector<16xi32>,
    %add3A_77 = arith.constant 0 : i32
    %add3A_78 = arith.addi %sub3A_22, %add3A_77 : i32
    %add3A_79 = arith.constant 80 : i32
    %add3A_80 = arith.addi %add3A_78, %add3A_79 : i32
    %get3A_81 = arith.index_cast %add3A_80 : i32 to index
    %get3A_82 = tpu.vector_load %arg6[%get3A_81] {strides = array<i32>} : memref<3136xi32, #tpu.memory_space<vmem>>, vector<16xi32>,
    %gather3A_83 = tpu.vector_load_idx %arg7[%get3A_82] : memref<119xi32, #tpu.memory_space<vmem>>[vector<16xi32>], vector<16xi32>,
    %swap3A_84 = arith.constant 0 : i32
    %swap3A_85 = arith.index_cast %swap3A_84 : i32 to index
    %swap3A_86 = arith.constant 80 : index
    %swap3A_87 = tpu.vector_load %arg8[%swap3A_85, %swap3A_86] {strides = array<i32>} : memref<25x125xi32, #tpu.memory_space<vmem>>, vector<16xi32>,
    tpu.vector_store %arg8[%swap3A_85, %swap3A_86], %gather3A_83 {strides = array<i32>} : memref<25x125xi32, #tpu.memory_space<vmem>>, vector<16xi32>,
    %add3A_88 = arith.constant 0 : i32
    %add3A_89 = arith.addi %sub3A_22, %add3A_88 : i32
    %add3A_90 = arith.constant 96 : i32
    %add3A_91 = arith.addi %add3A_89, %add3A_90 : i32
    %get3A_92 = arith.index_cast %add3A_91 : i32 to index
    %get3A_93 = tpu.vector_load %arg6[%get3A_92] {strides = array<i32>} : memref<3136xi32, #tpu.memory_space<vmem>>, vector<16xi32>,
    %gather3A_94 = tpu.vector_load_idx %arg7[%get3A_93] : memref<119xi32, #tpu.memory_space<vmem>>[vector<16xi32>], vector<16xi32>,
    %swap3A_95 = arith.constant 0 : i32
    %swap3A_96 = arith.index_cast %swap3A_95 : i32 to index
    %swap3A_97 = arith.constant 96 : index
    %swap3A_98 = tpu.vector_load %arg8[%swap3A_96, %swap3A_97] {strides = array<i32>} : memref<25x125xi32, #tpu.memory_space<vmem>>, vector<16xi32>,
    tpu.vector_store %arg8[%swap3A_96, %swap3A_97], %gather3A_94 {strides = array<i32>} : memref<25x125xi32, #tpu.memory_space<vmem>>, vector<16xi32>,
    %add3A_99 = arith.constant 0 : i32
    %add3A_100 = arith.addi %sub3A_22, %add3A_99 : i32
    %add3A_101 = arith.constant 109 : i32
    %add3A_102 = arith.addi %add3A_100, %add3A_101 : i32
    %get3A_103 = arith.index_cast %add3A_102 : i32 to index
    %get3A_104 = tpu.vector_load %arg6[%get3A_103] {strides = array<i32>} : memref<3136xi32, #tpu.memory_space<vmem>>, vector<16xi32>,
    %gather3A_105 = tpu.vector_load_idx %arg7[%get3A_104] : memref<119xi32, #tpu.memory_space<vmem>>[vector<16xi32>], vector<16xi32>,
    %swap3A_106 = arith.constant 0 : i32
    %swap3A_107 = arith.index_cast %swap3A_106 : i32 to index
    %swap3A_108 = arith.constant 109 : index
    %swap3A_109 = tpu.vector_load %arg8[%swap3A_107, %swap3A_108] {strides = array<i32>} : memref<25x125xi32, #tpu.memory_space<vmem>>, vector<16xi32>,
    tpu.vector_store %arg8[%swap3A_107, %swap3A_108], %gather3A_105 {strides = array<i32>} : memref<25x125xi32, #tpu.memory_space<vmem>>, vector<16xi32>,
    %dma_start3A = arith.constant 0 : i32
    %dma_start3A_110 = arith.constant 0 : i32
    %dma_start3A_111 = tpu.memref_slice %arg8[%dma_start3A, %dma_start3A_110] : memref<25x125xi32, #tpu.memory_space<vmem>> -> memref<1x125xi32, #tpu.memory_space<vmem>>
    %dma_start3A_112 = tpu.memref_squeeze %dma_start3A_111 : memref<1x125xi32, #tpu.memory_space<vmem>> -> memref<125xi32, #tpu.memory_space<vmem>>
    %dma_start3A_113 = arith.constant 0 : i32
    %dma_start3A_114 = arith.constant 0 : i32
    %dma_start3A_115 = tpu.memref_slice %arg9[%dma_start3A_113, %dma_start3A_114] : memref<10x128xf32, #tpu.memory_space<vmem_shared>> -> memref<10x128xf32, #tpu.memory_space<vmem_shared>>
    tpu.enqueue_indirect_dma source(%dma_start3A_115 : memref<10x128xf32, #tpu.memory_space<vmem_shared>>) target(%arg10 : memref<125x128xf32, #tpu.memory_space<vmem>>) offsets(%dma_start3A_112 : memref<125xi32, #tpu.memory_space<vmem>>) semaphore(%arg12 : memref<!tpu.dma_semaphore, #tpu.memory_space<semaphore_mem>>)
    %dma_wait3A = arith.constant 0 : i32
    %dma_wait3A_116 = arith.constant 0 : i32
    %dma_wait3A_117 = tpu.memref_slice %arg8[%dma_wait3A, %dma_wait3A_116] : memref<25x125xi32, #tpu.memory_space<vmem>> -> memref<1x125xi32, #tpu.memory_space<vmem>>
    %dma_wait3A_118 = tpu.memref_squeeze %dma_wait3A_117 : memref<1x125xi32, #tpu.memory_space<vmem>> -> memref<125xi32, #tpu.memory_space<vmem>>
    %dma_wait3A_119 = arith.constant 0 : i32
    %dma_wait3A_120 = arith.constant 0 : i32
    %dma_wait3A_121 = tpu.memref_slice %arg9[%dma_wait3A_119, %dma_wait3A_120] : memref<10x128xf32, #tpu.memory_space<vmem_shared>> -> memref<10x128xf32, #tpu.memory_space<vmem_shared>>
    tpu.wait_indirect_dma semaphore(%arg12 : memref<!tpu.dma_semaphore, #tpu.memory_space<semaphore_mem>>) src(%dma_wait3A_121 : memref<10x128xf32, #tpu.memory_space<vmem_shared>>) dst(%arg10 : memref<125x128xf32, #tpu.memory_space<vmem>>)
    %add3A_122 = arith.constant 0 : i32
    %add3A_123 = arith.addi %mul3A_2, %add3A_122 : i32
    %dma_start3A_124 = arith.constant 0 : i32
    %dma_start3A_125 = tpu.memref_slice %arg5[%add3A_123, %dma_start3A_124] : memref<100000x128xf32, #tpu.memory_space<hbm>> -> memref<125x128xf32, #tpu.memory_space<hbm>>
    %dma_start3A_126 = arith.constant 0 : i32
    %dma_start3A_127 = tpu.memref_slice %arg5[%add3A_123, %dma_start3A_126] : memref<100000x128xf32, #tpu.memory_space<hbm>> -> memref<125x128xf32, #tpu.memory_space<hbm>>
    tpu.enqueue_dma source(%arg10 : memref<125x128xf32, #tpu.memory_space<vmem>>) target(%dma_start3A_127 : memref<125x128xf32, #tpu.memory_space<hbm>>) target_semaphore(%arg13 : memref<!tpu.dma_semaphore, #tpu.memory_space<semaphore_mem>>)
    %add3A_128 = arith.constant 125 : i32
    %add3A_129 = arith.addi %sub3A_22, %add3A_128 : i32
    %add3A_130 = arith.constant 0 : i32
    %add3A_131 = arith.addi %add3A_129, %add3A_130 : i32
    %get3A_132 = arith.index_cast %add3A_131 : i32 to index
    %get3A_133 = tpu.vector_load %arg6[%get3A_132] {strides = array<i32>} : memref<3136xi32, #tpu.memory_space<vmem>>, vector<16xi32>,
    %gather3A_134 = tpu.vector_load_idx %arg7[%get3A_133] : memref<119xi32, #tpu.memory_space<vmem>>[vector<16xi32>], vector<16xi32>,
    %swap3A_135 = arith.constant 1 : i32
    %swap3A_136 = arith.index_cast %swap3A_135 : i32 to index
    %swap3A_137 = arith.constant 0 : index
    %swap3A_138 = tpu.vector_load %arg8[%swap3A_136, %swap3A_137] {strides = array<i32>} : memref<25x125xi32, #tpu.memory_space<vmem>>, vector<16xi32>,
    tpu.vector_store %arg8[%swap3A_136, %swap3A_137], %gather3A_134 {strides = array<i32>} : memref<25x125xi32, #tpu.memory_space<vmem>>, vector<16xi32>,
    %add3A_139 = arith.constant 125 : i32
    %add3A_140 = arith.addi %sub3A_22, %add3A_139 : i32
    %add3A_141 = arith.constant 16 : i32
    %add3A_142 = arith.addi %add3A_140, %add3A_141 : i32
    %get3A_143 = arith.index_cast %add3A_142 : i32 to index
    %get3A_144 = tpu.vector_load %arg6[%get3A_143] {strides = array<i32>} : memref<3136xi32, #tpu.memory_space<vmem>>, vector<16xi32>,
    %gather3A_145 = tpu.vector_load_idx %arg7[%get3A_144] : memref<119xi32, #tpu.memory_space<vmem>>[vector<16xi32>], vector<16xi32>,
    %swap3A_146 = arith.constant 1 : i32
    %swap3A_147 = arith.index_cast %swap3A_146 : i32 to index
    %swap3A_148 = arith.constant 16 : index
    %swap3A_149 = tpu.vector_load %arg8[%swap3A_147, %swap3A_148] {strides = array<i32>} : memref<25x125xi32, #tpu.memory_space<vmem>>, vector<16xi32>,
    tpu.vector_store %arg8[%swap3A_147, %swap3A_148], %gather3A_145 {strides = array<i32>} : memref<25x125xi32, #tpu.memory_space<vmem>>, vector<16xi32>,
    %add3A_150 = arith.constant 125 : i32
    %add3A_151 = arith.addi %sub3A_22, %add3A_150 : i32
    %add3A_152 = arith.constant 32 : i32
    %add3A_153 = arith.addi %add3A_151, %add3A_152 : i32
    %get3A_154 = arith.index_cast %add3A_153 : i32 to index
    %get3A_155 = tpu.vector_load %arg6[%get3A_154] {strides = array<i32>} : memref<3136xi32, #tpu.memory_space<vmem>>, vector<16xi32>,
    %gather3A_156 = tpu.vector_load_idx %arg7[%get3A_155] : memref<119xi32, #tpu.memory_space<vmem>>[vector<16xi32>], vector<16xi32>,
    %swap3A_157 = arith.constant 1 : i32
    %swap3A_158 = arith.index_cast %swap3A_157 : i32 to index
    %swap3A_159 = arith.constant 32 : index
    %swap3A_160 = tpu.vector_load %arg8[%swap3A_158, %swap3A_159] {strides = array<i32>} : memref<25x125xi32, #tpu.memory_space<vmem>>, vector<16xi32>,
    tpu.vector_store %arg8[%swap3A_158, %swap3A_159], %gather3A_156 {strides = array<i32>} : memref<25x125xi32, #tpu.memory_space<vmem>>, vector<16xi32>,
    %add3A_161 = arith.constant 125 : i32
    %add3A_162 = arith.addi %sub3A_22, %add3A_161 : i32
    %add3A_163 = arith.constant 48 : i32
    %add3A_164 = arith.addi %add3A_162, %add3A_163 : i32
    %get3A_165 = arith.index_cast %add3A_164 : i32 to index
    %get3A_166 = tpu.vector_load %arg6[%get3A_165] {strides = array<i32>} : memref<3136xi32, #tpu.memory_space<vmem>>, vector<16xi32>,
    %gather3A_167 = tpu.vector_load_idx %arg7[%get3A_166] : memref<119xi32, #tpu.memory_space<vmem>>[vector<16xi32>], vector<16xi32>,
    %swap3A_168 = arith.constant 1 : i32
    %swap3A_169 = arith.index_cast %swap3A_168 : i32 to index
    %swap3A_170 = arith.constant 48 : index
    %swap3A_171 = tpu.vector_load %arg8[%swap3A_169, %swap3A_170] {strides = array<i32>} : memref<25x125xi32, #tpu.memory_space<vmem>>, vector<16xi32>,
    tpu.vector_store %arg8[%swap3A_169, %swap3A_170], %gather3A_167 {strides = array<i32>} : memref<25x125xi32, #tpu.memory_space<vmem>>, vector<16xi32>,
    %add3A_172 = arith.constant 125 : i32
    %add3A_173 = arith.addi %sub3A_22, %add3A_172 : i32
    %add3A_174 = arith.constant 64 : i32
    %add3A_175 = arith.addi %add3A_173, %add3A_174 : i32
    %get3A_176 = arith.index_cast %add3A_175 : i32 to index
    %get3A_177 = tpu.vector_load %arg6[%get3A_176] {strides = array<i32>} : memref<3136xi32, #tpu.memory_space<vmem>>, vector<16xi32>,
    %gather3A_178 = tpu.vector_load_idx %arg7[%get3A_177] : memref<119xi32, #tpu.memory_space<vmem>>[vector<16xi32>], vector<16xi32>,
    %swap3A_179 = arith.constant 1 : i32
    %swap3A_180 = arith.index_cast %swap3A_179 : i32 to index
    %swap3A_181 = arith.constant 64 : index
    %swap3A_182 = tpu.vector_load %arg8[%swap3A_180, %swap3A_181] {strides = array<i32>} : memref<25x125xi32, #tpu.memory_space<vmem>>, vector<16xi32>,
    tpu.vector_store %arg8[%swap3A_180, %swap3A_181], %gather3A_178 {strides = array<i32>} : memref<25x125xi32, #tpu.memory_space<vmem>>, vector<16xi32>,
    %add3A_183 = arith.constant 125 : i32
    %add3A_184 = arith.addi %sub3A_22, %add3A_183 : i32
    %add3A_185 = arith.constant 80 : i32
    %add3A_186 = arith.addi %add3A_184, %add3A_185 : i32
    %get3A_187 = arith.index_cast %add3A_186 : i32 to index
    %get3A_188 = tpu.vector_load %arg6[%get3A_187] {strides = array<i32>} : memref<3136xi32, #tpu.memory_space<vmem>>, vector<16xi32>,
    %gather3A_189 = tpu.vector_load_idx %arg7[%get3A_188] : memref<119xi32, #tpu.memory_space<vmem>>[vector<16xi32>], vector<16xi32>,
    %swap3A_190 = arith.constant 1 : i32
    %swap3A_191 = arith.index_cast %swap3A_190 : i32 to index
    %swap3A_192 = arith.constant 80 : index
    %swap3A_193 = tpu.vector_load %arg8[%swap3A_191, %swap3A_192] {strides = array<i32>} : memref<25x125xi32, #tpu.memory_space<vmem>>, vector<16xi32>,
    tpu.vector_store %arg8[%swap3A_191, %swap3A_192], %gather3A_189 {strides = array<i32>} : memref<25x125xi32, #tpu.memory_space<vmem>>, vector<16xi32>,
    %add3A_194 = arith.constant 125 : i32
    %add3A_195 = arith.addi %sub3A_22, %add3A_194 : i32
    %add3A_196 = arith.constant 96 : i32
    %add3A_197 = arith.addi %add3A_195, %add3A_196 : i32
    %get3A_198 = arith.index_cast %add3A_197 : i32 to index
    %get3A_199 = tpu.vector_load %arg6[%get3A_198] {strides = array<i32>} : memref<3136xi32, #tpu.memory_space<vmem>>, vector<16xi32>,
    %gather3A_200 = tpu.vector_load_idx %arg7[%get3A_199] : memref<119xi32, #tpu.memory_space<vmem>>[vector<16xi32>], vector<16xi32>,
    %swap3A_201 = arith.constant 1 : i32
    %swap3A_202 = arith.index_cast %swap3A_201 : i32 to index
    %swap3A_203 = arith.constant 96 : index
    %swap3A_204 = tpu.vector_load %arg8[%swap3A_202, %swap3A_203] {strides = array<i32>} : memref<25x125xi32, #tpu.memory_space<vmem>>, vector<16xi32>,
    tpu.vector_store %arg8[%swap3A_202, %swap3A_203], %gather3A_200 {strides = array<i32>} : memref<25x125xi32, #tpu.memory_space<vmem>>, vector<16xi32>,
    %add3A_205 = arith.constant 125 : i32
    %add3A_206 = arith.addi %sub3A_22, %add3A_205 : i32
    %add3A_207 = arith.constant 109 : i32
    %add3A_208 = arith.addi %add3A_206, %add3A_207 : i32
    %get3A_209 = arith.index_cast %add3A_208 : i32 to index
    %get3A_210 = tpu.vector_load %arg6[%get3A_209] {strides = array<i32>} : memref<3136xi32, #tpu.memory_space<vmem>>, vector<16xi32>,
    %gather3A_211 = tpu.vector_load_idx %arg7[%get3A_210] : memref<119xi32, #tpu.memory_space<vmem>>[vector<16xi32>], vector<16xi32>,
    %swap3A_212 = arith.constant 1 : i32
    %swap3A_213 = arith.index_cast %swap3A_212 : i32 to index
    %swap3A_214 = arith.constant 109 : index
    %swap3A_215 = tpu.vector_load %arg8[%swap3A_213, %swap3A_214] {strides = array<i32>} : memref<25x125xi32, #tpu.memory_space<vmem>>, vector<16xi32>,
    tpu.vector_store %arg8[%swap3A_213, %swap3A_214], %gather3A_211 {strides = array<i32>} : memref<25x125xi32, #tpu.memory_space<vmem>>, vector<16xi32>,
    %dma_start3A_216 = arith.constant 1 : i32
    %dma_start3A_217 = arith.constant 0 : i32
    %dma_start3A_218 = tpu.memref_slice %arg8[%dma_start3A_216, %dma_start3A_217] : memref<25x125xi32, #tpu.memory_space<vmem>> -> memref<1x125xi32, #tpu.memory_space<vmem>>
    %dma_start3A_219 = tpu.memref_squeeze %dma_start3A_218 : memref<1x125xi32, #tpu.memory_space<vmem>> -> memref<125xi32, #tpu.memory_space<vmem>>
    %dma_start3A_220 = arith.constant 0 : i32
    %dma_start3A_221 = arith.constant 0 : i32
    %dma_start3A_222 = tpu.memref_slice %arg9[%dma_start3A_220, %dma_start3A_221] : memref<10x128xf32, #tpu.memory_space<vmem_shared>> -> memref<10x128xf32, #tpu.memory_space<vmem_shared>>
    tpu.enqueue_indirect_dma source(%dma_start3A_222 : memref<10x128xf32, #tpu.memory_space<vmem_shared>>) target(%arg11 : memref<125x128xf32, #tpu.memory_space<vmem>>) offsets(%dma_start3A_219 : memref<125xi32, #tpu.memory_space<vmem>>) semaphore(%arg12 : memref<!tpu.dma_semaphore, #tpu.memory_space<semaphore_mem>>)
    %dma_wait3A_223 = arith.constant 1 : i32
    %dma_wait3A_224 = arith.constant 0 : i32
    %dma_wait3A_225 = tpu.memref_slice %arg8[%dma_wait3A_223, %dma_wait3A_224] : memref<25x125xi32, #tpu.memory_space<vmem>> -> memref<1x125xi32, #tpu.memory_space<vmem>>
    %dma_wait3A_226 = tpu.memref_squeeze %dma_wait3A_225 : memref<1x125xi32, #tpu.memory_space<vmem>> -> memref<125xi32, #tpu.memory_space<vmem>>
    %dma_wait3A_227 = arith.constant 0 : i32
    %dma_wait3A_228 = arith.constant 0 : i32
    %dma_wait3A_229 = tpu.memref_slice %arg9[%dma_wait3A_227, %dma_wait3A_228] : memref<10x128xf32, #tpu.memory_space<vmem_shared>> -> memref<10x128xf32, #tpu.memory_space<vmem_shared>>
    tpu.wait_indirect_dma semaphore(%arg12 : memref<!tpu.dma_semaphore, #tpu.memory_space<semaphore_mem>>) src(%dma_wait3A_229 : memref<10x128xf32, #tpu.memory_space<vmem_shared>>) dst(%arg11 : memref<125x128xf32, #tpu.memory_space<vmem>>)
    %add3A_230 = arith.constant 125 : i32
    %add3A_231 = arith.addi %mul3A_2, %add3A_230 : i32
    %dma_start3A_232 = arith.constant 0 : i32
    %dma_start3A_233 = tpu.memref_slice %arg5[%add3A_231, %dma_start3A_232] : memref<100000x128xf32, #tpu.memory_space<hbm>> -> memref<125x128xf32, #tpu.memory_space<hbm>>
    %dma_start3A_234 = arith.constant 0 : i32
    %dma_start3A_235 = tpu.memref_slice %arg5[%add3A_231, %dma_start3A_234] : memref<100000x128xf32, #tpu.memory_space<hbm>> -> memref<125x128xf32, #tpu.memory_space<hbm>>
    tpu.enqueue_dma source(%arg11 : memref<125x128xf32, #tpu.memory_space<vmem>>) target(%dma_start3A_235 : memref<125x128xf32, #tpu.memory_space<hbm>>) target_semaphore(%arg14 : memref<!tpu.dma_semaphore, #tpu.memory_space<semaphore_mem>>)
    %add3A_236 = arith.constant 250 : i32
    %add3A_237 = arith.addi %sub3A_22, %add3A_236 : i32
    %add3A_238 = arith.constant 0 : i32
    %add3A_239 = arith.addi %add3A_237, %add3A_238 : i32
    %get3A_240 = arith.index_cast %add3A_239 : i32 to index
    %get3A_241 = tpu.vector_load %arg6[%get3A_240] {strides = array<i32>} : memref<3136xi32, #tpu.memory_space<vmem>>, vector<16xi32>,
    %gather3A_242 = tpu.vector_load_idx %arg7[%get3A_241] : memref<119xi32, #tpu.memory_space<vmem>>[vector<16xi32>], vector<16xi32>,
    %swap3A_243 = arith.constant 2 : i32
    %swap3A_244 = arith.index_cast %swap3A_243 : i32 to index
    %swap3A_245 = arith.constant 0 : index
    %swap3A_246 = tpu.vector_load %arg8[%swap3A_244, %swap3A_245] {strides = array<i32>} : memref<25x125xi32, #tpu.memory_space<vmem>>, vector<16xi32>,
    tpu.vector_store %arg8[%swap3A_244, %swap3A_245], %gather3A_242 {strides = array<i32>} : memref<25x125xi32, #tpu.memory_space<vmem>>, vector<16xi32>,
    %add3A_247 = arith.constant 250 : i32
    %add3A_248 = arith.addi %sub3A_22, %add3A_247 : i32
    %add3A_249 = arith.constant 16 : i32
    %add3A_250 = arith.addi %add3A_248, %add3A_249 : i32
    %get3A_251 = arith.index_cast %add3A_250 : i32 to index
    %get3A_252 = tpu.vector_load %arg6[%get3A_251] {strides = array<i32>} : memref<3136xi32, #tpu.memory_space<vmem>>, vector<16xi32>,
    %gather3A_253 = tpu.vector_load_idx %arg7[%get3A_252] : memref<119xi32, #tpu.memory_space<vmem>>[vector<16xi32>], vector<16xi32>,
    %swap3A_254 = arith.constant 2 : i32
    %swap3A_255 = arith.index_cast %swap3A_254 : i32 to index
    %swap3A_256 = arith.constant 16 : index
    %swap3A_257 = tpu.vector_load %arg8[%swap3A_255, %swap3A_256] {strides = array<i32>} : memref<25x125xi32, #tpu.memory_space<vmem>>, vector<16xi32>,
    tpu.vector_store %arg8[%swap3A_255, %swap3A_256], %gather3A_253 {strides = array<i32>} : memref<25x125xi32, #tpu.memory_space<vmem>>, vector<16xi32>,
    %add3A_258 = arith.constant 250 : i32
    %add3A_259 = arith.addi %sub3A_22, %add3A_258 : i32
    %add3A_260 = arith.constant 32 : i32
    %add3A_261 = arith.addi %add3A_259, %add3A_260 : i32
    %get3A_262 = arith.index_cast %add3A_261 : i32 to index
    %get3A_263 = tpu.vector_load %arg6[%get3A_262] {strides = array<i32>} : memref<3136xi32, #tpu.memory_space<vmem>>, vector<16xi32>,
    %gather3A_264 = tpu.vector_load_idx %arg7[%get3A_263] : memref<119xi32, #tpu.memory_space<vmem>>[vector<16xi32>], vector<16xi32>,
    %swap3A_265 = arith.constant 2 : i32
    %swap3A_266 = arith.index_cast %swap3A_265 : i32 to index
    %swap3A_267 = arith.constant 32 : index
    %swap3A_268 = tpu.vector_load %arg8[%swap3A_266, %swap3A_267] {strides = array<i32>} : memref<25x125xi32, #tpu.memory_space<vmem>>, vector<16xi32>,
    tpu.vector_store %arg8[%swap3A_266, %swap3A_267], %gather3A_264 {strides = array<i32>} : memref<25x125xi32, #tpu.memory_space<vmem>>, vector<16xi32>,
    %add3A_269 = arith.constant 250 : i32
    %add3A_270 = arith.addi %sub3A_22, %add3A_269 : i32
    %add3A_271 = arith.constant 48 : i32
    %add3A_272 = arith.addi %add3A_270, %add3A_271 : i32
    %get3A_273 = arith.index_cast %add3A_272 : i32 to index
    %get3A_274 = tpu.vector_load %arg6[%get3A_273] {strides = array<i32>} : memref<3136xi32, #tpu.memory_space<vmem>>, vector<16xi32>,
    %gather3A_275 = tpu.vector_load_idx %arg7[%get3A_274] : memref<119xi32, #tpu.memory_space<vmem>>[vector<16xi32>], vector<16xi32>,
    %swap3A_276 = arith.constant 2 : i32
    %swap3A_277 = arith.index_cast %swap3A_276 : i32 to index
    %swap3A_278 = arith.constant 48 : index
    %swap3A_279 = tpu.vector_load %arg8[%swap3A_277, %swap3A_278] {strides = array<i32>} : memref<25x125xi32, #tpu.memory_space<vmem>>, vector<16xi32>,
    tpu.vector_store %arg8[%swap3A_277, %swap3A_278], %gather3A_275 {strides = array<i32>} : memref<25x125xi32, #tpu.memory_space<vmem>>, vector<16xi32>,
    %add3A_280 = arith.constant 250 : i32
    %add3A_281 = arith.addi %sub3A_22, %add3A_280 : i32
    %add3A_282 = arith.constant 64 : i32
    %add3A_283 = arith.addi %add3A_281, %add3A_282 : i32
    %get3A_284 = arith.index_cast %add3A_283 : i32 to index
    %get3A_285 = tpu.vector_load %arg6[%get3A_284] {strides = array<i32>} : memref<3136xi32, #tpu.memory_space<vmem>>, vector<16xi32>,
    %gather3A_286 = tpu.vector_load_idx %arg7[%get3A_285] : memref<119xi32, #tpu.memory_space<vmem>>[vector<16xi32>], vector<16xi32>,
    %swap3A_287 = arith.constant 2 : i32
    %swap3A_288 = arith.index_cast %swap3A_287 : i32 to index
    %swap3A_289 = arith.constant 64 : index
    %swap3A_290 = tpu.vector_load %arg8[%swap3A_288, %swap3A_289] {strides = array<i32>} : memref<25x125xi32, #tpu.memory_space<vmem>>, vector<16xi32>,
    tpu.vector_store %arg8[%swap3A_288, %swap3A_289], %gather3A_286 {strides = array<i32>} : memref<25x125xi32, #tpu.memory_space<vmem>>, vector<16xi32>,
    %add3A_291 = arith.constant 250 : i32
    %add3A_292 = arith.addi %sub3A_22, %add3A_291 : i32
    %add3A_293 = arith.constant 80 : i32
    %add3A_294 = arith.addi %add3A_292, %add3A_293 : i32
    %get3A_295 = arith.index_cast %add3A_294 : i32 to index
    %get3A_296 = tpu.vector_load %arg6[%get3A_295] {strides = array<i32>} : memref<3136xi32, #tpu.memory_space<vmem>>, vector<16xi32>,
    %gather3A_297 = tpu.vector_load_idx %arg7[%get3A_296] : memref<119xi32, #tpu.memory_space<vmem>>[vector<16xi32>], vector<16xi32>,
    %swap3A_298 = arith.constant 2 : i32
    %swap3A_299 = arith.index_cast %swap3A_298 : i32 to index
    %swap3A_300 = arith.constant 80 : index
    %swap3A_301 = tpu.vector_load %arg8[%swap3A_299, %swap3A_300] {strides = array<i32>} : memref<25x125xi32, #tpu.memory_space<vmem>>, vector<16xi32>,
    tpu.vector_store %arg8[%swap3A_299, %swap3A_300], %gather3A_297 {strides = array<i32>} : memref<25x125xi32, #tpu.memory_space<vmem>>, vector<16xi32>,
    %add3A_302 = arith.constant 250 : i32
    %add3A_303 = arith.addi %sub3A_22, %add3A_302 : i32
    %add3A_304 = arith.constant 96 : i32
    %add3A_305 = arith.addi %add3A_303, %add3A_304 : i32
    %get3A_306 = arith.index_cast %add3A_305 : i32 to index
    %get3A_307 = tpu.vector_load %arg6[%get3A_306] {strides = array<i32>} : memref<3136xi32, #tpu.memory_space<vmem>>, vector<16xi32>,
    %gather3A_308 = tpu.vector_load_idx %arg7[%get3A_307] : memref<119xi32, #tpu.memory_space<vmem>>[vector<16xi32>], vector<16xi32>,
    %swap3A_309 = arith.constant 2 : i32
    %swap3A_310 = arith.index_cast %swap3A_309 : i32 to index
    %swap3A_311 = arith.constant 96 : index
    %swap3A_312 = tpu.vector_load %arg8[%swap3A_310, %swap3A_311] {strides = array<i32>} : memref<25x125xi32, #tpu.memory_space<vmem>>, vector<16xi32>,
    tpu.vector_store %arg8[%swap3A_310, %swap3A_311], %gather3A_308 {strides = array<i32>} : memref<25x125xi32, #tpu.memory_space<vmem>>, vector<16xi32>,
    %add3A_313 = arith.constant 250 : i32
    %add3A_314 = arith.addi %sub3A_22, %add3A_313 : i32
    %add3A_315 = arith.constant 109 : i32
    %add3A_316 = arith.addi %add3A_314, %add3A_315 : i32
    %get3A_317 = arith.index_cast %add3A_316 : i32 to index
    %get3A_318 = tpu.vector_load %arg6[%get3A_317] {strides = array<i32>} : memref<3136xi32, #tpu.memory_space<vmem>>, vector<16xi32>,
    %gather3A_319 = tpu.vector_load_idx %arg7[%get3A_318] : memref<119xi32, #tpu.memory_space<vmem>>[vector<16xi32>], vector<16xi32>,
    %swap3A_320 = arith.constant 2 : i32
    %swap3A_321 = arith.index_cast %swap3A_320 : i32 to index
    %swap3A_322 = arith.constant 109 : index
    %swap3A_323 = tpu.vector_load %arg8[%swap3A_321, %swap3A_322] {strides = array<i32>} : memref<25x125xi32, #tpu.memory_space<vmem>>, vector<16xi32>,
    tpu.vector_store %arg8[%swap3A_321, %swap3A_322], %gather3A_319 {strides = array<i32>} : memref<25x125xi32, #tpu.memory_space<vmem>>, vector<16xi32>,
    %dma_wait3A_324 = arith.constant 0 : i32
    %dma_wait3A_325 = tpu.memref_slice %arg5[%add3A_123, %dma_wait3A_324] : memref<100000x128xf32, #tpu.memory_space<hbm>> -> memref<125x128xf32, #tpu.memory_space<hbm>>
    %dma_wait3A_326 = arith.constant 0 : i32
    %dma_wait3A_327 = tpu.memref_slice %arg5[%add3A_123, %dma_wait3A_326] : memref<100000x128xf32, #tpu.memory_space<hbm>> -> memref<125x128xf32, #tpu.memory_space<hbm>>
    tpu.wait_dma2 semaphore(%arg13 : memref<!tpu.dma_semaphore, #tpu.memory_space<semaphore_mem>>) src(%arg10 : memref<125x128xf32, #tpu.memory_space<vmem>>) dst(%dma_wait3A_327 : memref<125x128xf32, #tpu.memory_space<hbm>>)
    %dma_start3A_328 = arith.constant 2 : i32
    %dma_start3A_329 = arith.constant 0 : i32
    %dma_start3A_330 = tpu.memref_slice %arg8[%dma_start3A_328, %dma_start3A_329] : memref<25x125xi32, #tpu.memory_space<vmem>> -> memref<1x125xi32, #tpu.memory_space<vmem>>
    %dma_start3A_331 = tpu.memref_squeeze %dma_start3A_330 : memref<1x125xi32, #tpu.memory_space<vmem>> -> memref<125xi32, #tpu.memory_space<vmem>>
    %dma_start3A_332 = arith.constant 0 : i32
    %dma_start3A_333 = arith.constant 0 : i32
    %dma_start3A_334 = tpu.memref_slice %arg9[%dma_start3A_332, %dma_start3A_333] : memref<10x128xf32, #tpu.memory_space<vmem_shared>> -> memref<10x128xf32, #tpu.memory_space<vmem_shared>>
    tpu.enqueue_indirect_dma source(%dma_start3A_334 : memref<10x128xf32, #tpu.memory_space<vmem_shared>>) target(%arg10 : memref<125x128xf32, #tpu.memory_space<vmem>>) offsets(%dma_start3A_331 : memref<125xi32, #tpu.memory_space<vmem>>) semaphore(%arg12 : memref<!tpu.dma_semaphore, #tpu.memory_space<semaphore_mem>>)
    %dma_wait3A_335 = arith.constant 2 : i32
    %dma_wait3A_336 = arith.constant 0 : i32
    %dma_wait3A_337 = tpu.memref_slice %arg8[%dma_wait3A_335, %dma_wait3A_336] : memref<25x125xi32, #tpu.memory_space<vmem>> -> memref<1x125xi32, #tpu.memory_space<vmem>>
    %dma_wait3A_338 = tpu.memref_squeeze %dma_wait3A_337 : memref<1x125xi32, #tpu.memory_space<vmem>> -> memref<125xi32, #tpu.memory_space<vmem>>
    %dma_wait3A_339 = arith.constant 0 : i32
    %dma_wait3A_340 = arith.constant 0 : i32
    %dma_wait3A_341 = tpu.memref_slice %arg9[%dma_wait3A_339, %dma_wait3A_340] : memref<10x128xf32, #tpu.memory_space<vmem_shared>> -> memref<10x128xf32, #tpu.memory_space<vmem_shared>>
    tpu.wait_indirect_dma semaphore(%arg12 : memref<!tpu.dma_semaphore, #tpu.memory_space<semaphore_mem>>) src(%dma_wait3A_341 : memref<10x128xf32, #tpu.memory_space<vmem_shared>>) dst(%arg10 : memref<125x128xf32, #tpu.memory_space<vmem>>)
    %add3A_342 = arith.constant 250 : i32
    %add3A_343 = arith.addi %mul3A_2, %add3A_342 : i32
    %dma_start3A_344 = arith.constant 0 : i32
    %dma_start3A_345 = tpu.memref_slice %arg5[%add3A_343, %dma_start3A_344] : memref<100000x128xf32, #tpu.memory_space<hbm>> -> memref<125x128xf32, #tpu.memory_space<hbm>>
    %dma_start3A_346 = arith.constant 0 : i32
    %dma_start3A_347 = tpu.memref_slice %arg5[%add3A_343, %dma_start3A_346] : memref<100000x128xf32, #tpu.memory_space<hbm>> -> memref<125x128xf32, #tpu.memory_space<hbm>>
    tpu.enqueue_dma source(%arg10 : memref<125x128xf32, #tpu.memory_space<vmem>>) target(%dma_start3A_347 : memref<125x128xf32, #tpu.memory_space<hbm>>) target_semaphore(%arg13 : memref<!tpu.dma_semaphore, #tpu.memory_space<semaphore_mem>>)
    %add3A_348 = arith.constant 375 : i32
    %add3A_349 = arith.addi %sub3A_22, %add3A_348 : i32
    %add3A_350 = arith.constant 0 : i32
    %add3A_351 = arith.addi %add3A_349, %add3A_350 : i32
    %get3A_352 = arith.index_cast %add3A_351 : i32 to index
    %get3A_353 = tpu.vector_load %arg6[%get3A_352] {strides = array<i32>} : memref<3136xi32, #tpu.memory_space<vmem>>, vector<16xi32>,
    %gather3A_354 = tpu.vector_load_idx %arg7[%get3A_353] : memref<119xi32, #tpu.memory_space<vmem>>[vector<16xi32>], vector<16xi32>,
    %swap3A_355 = arith.constant 3 : i32
    %swap3A_356 = arith.index_cast %swap3A_355 : i32 to index
    %swap3A_357 = arith.constant 0 : index
    %swap3A_358 = tpu.vector_load %arg8[%swap3A_356, %swap3A_357] {strides = array<i32>} : memref<25x125xi32, #tpu.memory_space<vmem>>, vector<16xi32>,
    tpu.vector_store %arg8[%swap3A_356, %swap3A_357], %gather3A_354 {strides = array<i32>} : memref<25x125xi32, #tpu.memory_space<vmem>>, vector<16xi32>,
    %add3A_359 = arith.constant 375 : i32
    %add3A_360 = arith.addi %sub3A_22, %add3A_359 : i32
    %add3A_361 = arith.constant 16 : i32
    %add3A_362 = arith.addi %add3A_360, %add3A_361 : i32
    %get3A_363 = arith.index_cast %add3A_362 : i32 to index
    %get3A_364 = tpu.vector_load %arg6[%get3A_363] {strides = array<i32>} : memref<3136xi32, #tpu.memory_space<vmem>>, vector<16xi32>,
    %gather3A_365 = tpu.vector_load_idx %arg7[%get3A_364] : memref<119xi32, #tpu.memory_space<vmem>>[vector<16xi32>], vector<16xi32>,
    %swap3A_366 = arith.constant 3 : i32
    %swap3A_367 = arith.index_cast %swap3A_366 : i32 to index
    %swap3A_368 = arith.constant 16 : index
    %swap3A_369 = tpu.vector_load %arg8[%swap3A_367, %swap3A_368] {strides = array<i32>} : memref<25x125xi32, #tpu.memory_space<vmem>>, vector<16xi32>,
    tpu.vector_store %arg8[%swap3A_367, %swap3A_368], %gather3A_365 {strides = array<i32>} : memref<25x125xi32, #tpu.memory_space<vmem>>, vector<16xi32>,
    %add3A_370 = arith.constant 375 : i32
    %add3A_371 = arith.addi %sub3A_22, %add3A_370 : i32
    %add3A_372 = arith.constant 32 : i32
    %add3A_373 = arith.addi %add3A_371, %add3A_372 : i32
    %get3A_374 = arith.index_cast %add3A_373 : i32 to index
    %get3A_375 = tpu.vector_load %arg6[%get3A_374] {strides = array<i32>} : memref<3136xi32, #tpu.memory_space<vmem>>, vector<16xi32>,
    %gather3A_376 = tpu.vector_load_idx %arg7[%get3A_375] : memref<119xi32, #tpu.memory_space<vmem>>[vector<16xi32>], vector<16xi32>,
    %swap3A_377 = arith.constant 3 : i32
    %swap3A_378 = arith.index_cast %swap3A_377 : i32 to index
    %swap3A_379 = arith.constant 32 : index
    %swap3A_380 = tpu.vector_load %arg8[%swap3A_378, %swap3A_379] {strides = array<i32>} : memref<25x125xi32, #tpu.memory_space<vmem>>, vector<16xi32>,
    tpu.vector_store %arg8[%swap3A_378, %swap3A_379], %gather3A_376 {strides = array<i32>} : memref<25x125xi32, #tpu.memory_space<vmem>>, vector<16xi32>,
    %add3A_381 = arith.constant 375 : i32
    %add3A_382 = arith.addi %sub3A_22, %add3A_381 : i32
    %add3A_383 = arith.constant 48 : i32
    %add3A_384 = arith.addi %add3A_382, %add3A_383 : i32
    %get3A_385 = arith.index_cast %add3A_384 : i32 to index
    %get3A_386 = tpu.vector_load %arg6[%get3A_385] {strides = array<i32>} : memref<3136xi32, #tpu.memory_space<vmem>>, vector<16xi32>,
    %gather3A_387 = tpu.vector_load_idx %arg7[%get3A_386] : memref<119xi32, #tpu.memory_space<vmem>>[vector<16xi32>], vector<16xi32>,
    %swap3A_388 = arith.constant 3 : i32
    %swap3A_389 = arith.index_cast %swap3A_388 : i32 to index
    %swap3A_390 = arith.constant 48 : index
    %swap3A_391 = tpu.vector_load %arg8[%swap3A_389, %swap3A_390] {strides = array<i32>} : memref<25x125xi32, #tpu.memory_space<vmem>>, vector<16xi32>,
    tpu.vector_store %arg8[%swap3A_389, %swap3A_390], %gather3A_387 {strides = array<i32>} : memref<25x125xi32, #tpu.memory_space<vmem>>, vector<16xi32>,
    %add3A_392 = arith.constant 375 : i32
    %add3A_393 = arith.addi %sub3A_22, %add3A_392 : i32
    %add3A_394 = arith.constant 64 : i32
    %add3A_395 = arith.addi %add3A_393, %add3A_394 : i32
    %get3A_396 = arith.index_cast %add3A_395 : i32 to index
    %get3A_397 = tpu.vector_load %arg6[%get3A_396] {strides = array<i32>} : memref<3136xi32, #tpu.memory_space<vmem>>, vector<16xi32>,
    %gather3A_398 = tpu.vector_load_idx %arg7[%get3A_397] : memref<119xi32, #tpu.memory_space<vmem>>[vector<16xi32>], vector<16xi32>,
    %swap3A_399 = arith.constant 3 : i32
    %swap3A_400 = arith.index_cast %swap3A_399 : i32 to index
    %swap3A_401 = arith.constant 64 : index
    %swap3A_402 = tpu.vector_load %arg8[%swap3A_400, %swap3A_401] {strides = array<i32>} : memref<25x125xi32, #tpu.memory_space<vmem>>, vector<16xi32>,
    tpu.vector_store %arg8[%swap3A_400, %swap3A_401], %gather3A_398 {strides = array<i32>} : memref<25x125xi32, #tpu.memory_space<vmem>>, vector<16xi32>,
    %add3A_403 = arith.constant 375 : i32
    %add3A_404 = arith.addi %sub3A_22, %add3A_403 : i32
    %add3A_405 = arith.constant 80 : i32
    %add3A_406 = arith.addi %add3A_404, %add3A_405 : i32
    %get3A_407 = arith.index_cast %add3A_406 : i32 to index
    %get3A_408 = tpu.vector_load %arg6[%get3A_407] {strides = array<i32>} : memref<3136xi32, #tpu.memory_space<vmem>>, vector<16xi32>,
    %gather3A_409 = tpu.vector_load_idx %arg7[%get3A_408] : memref<119xi32, #tpu.memory_space<vmem>>[vector<16xi32>], vector<16xi32>,
    %swap3A_410 = arith.constant 3 : i32
    %swap3A_411 = arith.index_cast %swap3A_410 : i32 to index
    %swap3A_412 = arith.constant 80 : index
    %swap3A_413 = tpu.vector_load %arg8[%swap3A_411, %swap3A_412] {strides = array<i32>} : memref<25x125xi32, #tpu.memory_space<vmem>>, vector<16xi32>,
    tpu.vector_store %arg8[%swap3A_411, %swap3A_412], %gather3A_409 {strides = array<i32>} : memref<25x125xi32, #tpu.memory_space<vmem>>, vector<16xi32>,
    %add3A_414 = arith.constant 375 : i32
    %add3A_415 = arith.addi %sub3A_22, %add3A_414 : i32
    %add3A_416 = arith.constant 96 : i32
    %add3A_417 = arith.addi %add3A_415, %add3A_416 : i32
    %get3A_418 = arith.index_cast %add3A_417 : i32 to index
    %get3A_419 = tpu.vector_load %arg6[%get3A_418] {strides = array<i32>} : memref<3136xi32, #tpu.memory_space<vmem>>, vector<16xi32>,
    %gather3A_420 = tpu.vector_load_idx %arg7[%get3A_419] : memref<119xi32, #tpu.memory_space<vmem>>[vector<16xi32>], vector<16xi32>,
    %swap3A_421 = arith.constant 3 : i32
    %swap3A_422 = arith.index_cast %swap3A_421 : i32 to index
    %swap3A_423 = arith.constant 96 : index
    %swap3A_424 = tpu.vector_load %arg8[%swap3A_422, %swap3A_423] {strides = array<i32>} : memref<25x125xi32, #tpu.memory_space<vmem>>, vector<16xi32>,
    tpu.vector_store %arg8[%swap3A_422, %swap3A_423], %gather3A_420 {strides = array<i32>} : memref<25x125xi32, #tpu.memory_space<vmem>>, vector<16xi32>,
    %add3A_425 = arith.constant 375 : i32
    %add3A_426 = arith.addi %sub3A_22, %add3A_425 : i32
    %add3A_427 = arith.constant 109 : i32
    %add3A_428 = arith.addi %add3A_426, %add3A_427 : i32
    %get3A_429 = arith.index_cast %add3A_428 : i32 to index
    %get3A_430 = tpu.vector_load %arg6[%get3A_429] {strides = array<i32>} : memref<3136xi32, #tpu.memory_space<vmem>>, vector<16xi32>,
    %gather3A_431 = tpu.vector_load_idx %arg7[%get3A_430] : memref<119xi32, #tpu.memory_space<vmem>>[vector<16xi32>], vector<16xi32>,
    %swap3A_432 = arith.constant 3 : i32
    %swap3A_433 = arith.index_cast %swap3A_432 : i32 to index
    %swap3A_434 = arith.constant 109 : index
    %swap3A_435 = tpu.vector_load %arg8[%swap3A_433, %swap3A_434] {strides = array<i32>} : memref<25x125xi32, #tpu.memory_space<vmem>>, vector<16xi32>,
    tpu.vector_store %arg8[%swap3A_433, %swap3A_434], %gather3A_431 {strides = array<i32>} : memref<25x125xi32, #tpu.memory_space<vmem>>, vector<16xi32>,
    %dma_wait3A_436 = arith.constant 0 : i32
    %dma_wait3A_437 = tpu.memref_slice %arg5[%add3A_231, %dma_wait3A_436] : memref<100000x128xf32, #tpu.memory_space<hbm>> -> memref<125x128xf32, #tpu.memory_space<hbm>>
    %dma_wait3A_438 = arith.constant 0 : i32
    %dma_wait3A_439 = tpu.memref_slice %arg5[%add3A_231, %dma_wait3A_438] : memref<100000x128xf32, #tpu.memory_space<hbm>> -> memref<125x128xf32, #tpu.memory_space<hbm>>
    tpu.wait_dma2 semaphore(%arg14 : memref<!tpu.dma_semaphore, #tpu.memory_space<semaphore_mem>>) src(%arg11 : memref<125x128xf32, #tpu.memory_space<vmem>>) dst(%dma_wait3A_439 : memref<125x128xf32, #tpu.memory_space<hbm>>)
    %dma_start3A_440 = arith.constant 3 : i32
    %dma_start3A_441 = arith.constant 0 : i32
    %dma_start3A_442 = tpu.memref_slice %arg8[%dma_start3A_440, %dma_start3A_441] : memref<25x125xi32, #tpu.memory_space<vmem>> -> memref<1x125xi32, #tpu.memory_space<vmem>>
    %dma_start3A_443 = tpu.memref_squeeze %dma_start3A_442 : memref<1x125xi32, #tpu.memory_space<vmem>> -> memref<125xi32, #tpu.memory_space<vmem>>
    %dma_start3A_444 = arith.constant 0 : i32
    %dma_start3A_445 = arith.constant 0 : i32
    %dma_start3A_446 = tpu.memref_slice %arg9[%dma_start3A_444, %dma_start3A_445] : memref<10x128xf32, #tpu.memory_space<vmem_shared>> -> memref<10x128xf32, #tpu.memory_space<vmem_shared>>
    tpu.enqueue_indirect_dma source(%dma_start3A_446 : memref<10x128xf32, #tpu.memory_space<vmem_shared>>) target(%arg11 : memref<125x128xf32, #tpu.memory_space<vmem>>) offsets(%dma_start3A_443 : memref<125xi32, #tpu.memory_space<vmem>>) semaphore(%arg12 : memref<!tpu.dma_semaphore, #tpu.memory_space<semaphore_mem>>)
    %dma_wait3A_447 = arith.constant 3 : i32
    %dma_wait3A_448 = arith.constant 0 : i32
    %dma_wait3A_449 = tpu.memref_slice %arg8[%dma_wait3A_447, %dma_wait3A_448] : memref<25x125xi32, #tpu.memory_space<vmem>> -> memref<1x125xi32, #tpu.memory_space<vmem>>
    %dma_wait3A_450 = tpu.memref_squeeze %dma_wait3A_449 : memref<1x125xi32, #tpu.memory_space<vmem>> -> memref<125xi32, #tpu.memory_space<vmem>>
    %dma_wait3A_451 = arith.constant 0 : i32
    %dma_wait3A_452 = arith.constant 0 : i32
    %dma_wait3A_453 = tpu.memref_slice %arg9[%dma_wait3A_451, %dma_wait3A_452] : memref<10x128xf32, #tpu.memory_space<vmem_shared>> -> memref<10x128xf32, #tpu.memory_space<vmem_shared>>
    tpu.wait_indirect_dma semaphore(%arg12 : memref<!tpu.dma_semaphore, #tpu.memory_space<semaphore_mem>>) src(%dma_wait3A_453 : memref<10x128xf32, #tpu.memory_space<vmem_shared>>) dst(%arg11 : memref<125x128xf32, #tpu.memory_space<vmem>>)
    %add3A_454 = arith.constant 375 : i32
    %add3A_455 = arith.addi %mul3A_2, %add3A_454 : i32
    %dma_start3A_456 = arith.constant 0 : i32
    %dma_start3A_457 = tpu.memref_slice %arg5[%add3A_455, %dma_start3A_456] : memref<100000x128xf32, #tpu.memory_space<hbm>> -> memref<125x128xf32, #tpu.memory_space<hbm>>
    %dma_start3A_458 = arith.constant 0 : i32
    %dma_start3A_459 = tpu.memref_slice %arg5[%add3A_455, %dma_start3A_458] : memref<100000x128xf32, #tpu.memory_space<hbm>> -> memref<125x128xf32, #tpu.memory_space<hbm>>
    tpu.enqueue_dma source(%arg11 : memref<125x128xf32, #tpu.memory_space<vmem>>) target(%dma_start3A_459 : memref<125x128xf32, #tpu.memory_space<hbm>>) target_semaphore(%arg14 : memref<!tpu.dma_semaphore, #tpu.memory_space<semaphore_mem>>)
    %add3A_460 = arith.constant 500 : i32
    %add3A_461 = arith.addi %sub3A_22, %add3A_460 : i32
    %add3A_462 = arith.constant 0 : i32
    %add3A_463 = arith.addi %add3A_461, %add3A_462 : i32
    %get3A_464 = arith.index_cast %add3A_463 : i32 to index
    %get3A_465 = tpu.vector_load %arg6[%get3A_464] {strides = array<i32>} : memref<3136xi32, #tpu.memory_space<vmem>>, vector<16xi32>,
    %gather3A_466 = tpu.vector_load_idx %arg7[%get3A_465] : memref<119xi32, #tpu.memory_space<vmem>>[vector<16xi32>], vector<16xi32>,
    %swap3A_467 = arith.constant 4 : i32
    %swap3A_468 = arith.index_cast %swap3A_467 : i32 to index
    %swap3A_469 = arith.constant 0 : index
    %swap3A_470 = tpu.vector_load %arg8[%swap3A_468, %swap3A_469] {strides = array<i32>} : memref<25x125xi32, #tpu.memory_space<vmem>>, vector<16xi32>,
    tpu.vector_store %arg8[%swap3A_468, %swap3A_469], %gather3A_466 {strides = array<i32>} : memref<25x125xi32, #tpu.memory_space<vmem>>, vector<16xi32>,
    %add3A_471 = arith.constant 500 : i32
    %add3A_472 = arith.addi %sub3A_22, %add3A_471 : i32
    %add3A_473 = arith.constant 16 : i32
    %add3A_474 = arith.addi %add3A_472, %add3A_473 : i32
    %get3A_475 = arith.index_cast %add3A_474 : i32 to index
    %get3A_476 = tpu.vector_load %arg6[%get3A_475] {strides = array<i32>} : memref<3136xi32, #tpu.memory_space<vmem>>, vector<16xi32>,
    %gather3A_477 = tpu.vector_load_idx %arg7[%get3A_476] : memref<119xi32, #tpu.memory_space<vmem>>[vector<16xi32>], vector<16xi32>,
    %swap3A_478 = arith.constant 4 : i32
    %swap3A_479 = arith.index_cast %swap3A_478 : i32 to index
    %swap3A_480 = arith.constant 16 : index
    %swap3A_481 = tpu.vector_load %arg8[%swap3A_479, %swap3A_480] {strides = array<i32>} : memref<25x125xi32, #tpu.memory_space<vmem>>, vector<16xi32>,
    tpu.vector_store %arg8[%swap3A_479, %swap3A_480], %gather3A_477 {strides = array<i32>} : memref<25x125xi32, #tpu.memory_space<vmem>>, vector<16xi32>,
    %add3A_482 = arith.constant 500 : i32
    %add3A_483 = arith.addi %sub3A_22, %add3A_482 : i32
    %add3A_484 = arith.constant 32 : i32
    %add3A_485 = arith.addi %add3A_483, %add3A_484 : i32
    %get3A_486 = arith.index_cast %add3A_485 : i32 to index
    %get3A_487 = tpu.vector_load %arg6[%get3A_486] {strides = array<i32>} : memref<3136xi32, #tpu.memory_space<vmem>>, vector<16xi32>,
    %gather3A_488 = tpu.vector_load_idx %arg7[%get3A_487] : memref<119xi32, #tpu.memory_space<vmem>>[vector<16xi32>], vector<16xi32>,
    %swap3A_489 = arith.constant 4 : i32
    %swap3A_490 = arith.index_cast %swap3A_489 : i32 to index
    %swap3A_491 = arith.constant 32 : index
    %swap3A_492 = tpu.vector_load %arg8[%swap3A_490, %swap3A_491] {strides = array<i32>} : memref<25x125xi32, #tpu.memory_space<vmem>>, vector<16xi32>,
    tpu.vector_store %arg8[%swap3A_490, %swap3A_491], %gather3A_488 {strides = array<i32>} : memref<25x125xi32, #tpu.memory_space<vmem>>, vector<16xi32>,
    %add3A_493 = arith.constant 500 : i32
    %add3A_494 = arith.addi %sub3A_22, %add3A_493 : i32
    %add3A_495 = arith.constant 48 : i32
    %add3A_496 = arith.addi %add3A_494, %add3A_495 : i32
    %get3A_497 = arith.index_cast %add3A_496 : i32 to index
    %get3A_498 = tpu.vector_load %arg6[%get3A_497] {strides = array<i32>} : memref<3136xi32, #tpu.memory_space<vmem>>, vector<16xi32>,
    %gather3A_499 = tpu.vector_load_idx %arg7[%get3A_498] : memref<119xi32, #tpu.memory_space<vmem>>[vector<16xi32>], vector<16xi32>,
    %swap3A_500 = arith.constant 4 : i32
    %swap3A_501 = arith.index_cast %swap3A_500 : i32 to index
    %swap3A_502 = arith.constant 48 : index
    %swap3A_503 = tpu.vector_load %arg8[%swap3A_501, %swap3A_502] {strides = array<i32>} : memref<25x125xi32, #tpu.memory_space<vmem>>, vector<16xi32>,
    tpu.vector_store %arg8[%swap3A_501, %swap3A_502], %gather3A_499 {strides = array<i32>} : memref<25x125xi32, #tpu.memory_space<vmem>>, vector<16xi32>,
    %add3A_504 = arith.constant 500 : i32
    %add3A_505 = arith.addi %sub3A_22, %add3A_504 : i32
    %add3A_506 = arith.constant 64 : i32
    %add3A_507 = arith.addi %add3A_505, %add3A_506 : i32
    %get3A_508 = arith.index_cast %add3A_507 : i32 to index
    %get3A_509 = tpu.vector_load %arg6[%get3A_508] {strides = array<i32>} : memref<3136xi32, #tpu.memory_space<vmem>>, vector<16xi32>,
    %gather3A_510 = tpu.vector_load_idx %arg7[%get3A_509] : memref<119xi32, #tpu.memory_space<vmem>>[vector<16xi32>], vector<16xi32>,
    %swap3A_511 = arith.constant 4 : i32
    %swap3A_512 = arith.index_cast %swap3A_511 : i32 to index
    %swap3A_513 = arith.constant 64 : index
    %swap3A_514 = tpu.vector_load %arg8[%swap3A_512, %swap3A_513] {strides = array<i32>} : memref<25x125xi32, #tpu.memory_space<vmem>>, vector<16xi32>,
    tpu.vector_store %arg8[%swap3A_512, %swap3A_513], %gather3A_510 {strides = array<i32>} : memref<25x125xi32, #tpu.memory_space<vmem>>, vector<16xi32>,
    %add3A_515 = arith.constant 500 : i32
    %add3A_516 = arith.addi %sub3A_22, %add3A_515 : i32
    %add3A_517 = arith.constant 80 : i32
    %add3A_518 = arith.addi %add3A_516, %add3A_517 : i32
    %get3A_519 = arith.index_cast %add3A_518 : i32 to index
    %get3A_520 = tpu.vector_load %arg6[%get3A_519] {strides = array<i32>} : memref<3136xi32, #tpu.memory_space<vmem>>, vector<16xi32>,
    %gather3A_521 = tpu.vector_load_idx %arg7[%get3A_520] : memref<119xi32, #tpu.memory_space<vmem>>[vector<16xi32>], vector<16xi32>,
    %swap3A_522 = arith.constant 4 : i32
    %swap3A_523 = arith.index_cast %swap3A_522 : i32 to index
    %swap3A_524 = arith.constant 80 : index
    %swap3A_525 = tpu.vector_load %arg8[%swap3A_523, %swap3A_524] {strides = array<i32>} : memref<25x125xi32, #tpu.memory_space<vmem>>, vector<16xi32>,
    tpu.vector_store %arg8[%swap3A_523, %swap3A_524], %gather3A_521 {strides = array<i32>} : memref<25x125xi32, #tpu.memory_space<vmem>>, vector<16xi32>,
    %add3A_526 = arith.constant 500 : i32
    %add3A_527 = arith.addi %sub3A_22, %add3A_526 : i32
    %add3A_528 = arith.constant 96 : i32
    %add3A_529 = arith.addi %add3A_527, %add3A_528 : i32
    %get3A_530 = arith.index_cast %add3A_529 : i32 to index
    %get3A_531 = tpu.vector_load %arg6[%get3A_530] {strides = array<i32>} : memref<3136xi32, #tpu.memory_space<vmem>>, vector<16xi32>,
    %gather3A_532 = tpu.vector_load_idx %arg7[%get3A_531] : memref<119xi32, #tpu.memory_space<vmem>>[vector<16xi32>], vector<16xi32>,
    %swap3A_533 = arith.constant 4 : i32
    %swap3A_534 = arith.index_cast %swap3A_533 : i32 to index
    %swap3A_535 = arith.constant 96 : index
    %swap3A_536 = tpu.vector_load %arg8[%swap3A_534, %swap3A_535] {strides = array<i32>} : memref<25x125xi32, #tpu.memory_space<vmem>>, vector<16xi32>,
    tpu.vector_store %arg8[%swap3A_534, %swap3A_535], %gather3A_532 {strides = array<i32>} : memref<25x125xi32, #tpu.memory_space<vmem>>, vector<16xi32>,
    %add3A_537 = arith.constant 500 : i32
    %add3A_538 = arith.addi %sub3A_22, %add3A_537 : i32
    %add3A_539 = arith.constant 109 : i32
    %add3A_540 = arith.addi %add3A_538, %add3A_539 : i32
    %get3A_541 = arith.index_cast %add3A_540 : i32 to index
    %get3A_542 = tpu.vector_load %arg6[%get3A_541] {strides = array<i32>} : memref<3136xi32, #tpu.memory_space<vmem>>, vector<16xi32>,
    %gather3A_543 = tpu.vector_load_idx %arg7[%get3A_542] : memref<119xi32, #tpu.memory_space<vmem>>[vector<16xi32>], vector<16xi32>,
    %swap3A_544 = arith.constant 4 : i32
    %swap3A_545 = arith.index_cast %swap3A_544 : i32 to index
    %swap3A_546 = arith.constant 109 : index
    %swap3A_547 = tpu.vector_load %arg8[%swap3A_545, %swap3A_546] {strides = array<i32>} : memref<25x125xi32, #tpu.memory_space<vmem>>, vector<16xi32>,
    tpu.vector_store %arg8[%swap3A_545, %swap3A_546], %gather3A_543 {strides = array<i32>} : memref<25x125xi32, #tpu.memory_space<vmem>>, vector<16xi32>,
    %dma_wait3A_548 = arith.constant 0 : i32
    %dma_wait3A_549 = tpu.memref_slice %arg5[%add3A_343, %dma_wait3A_548] : memref<100000x128xf32, #tpu.memory_space<hbm>> -> memref<125x128xf32, #tpu.memory_space<hbm>>
    %dma_wait3A_550 = arith.constant 0 : i32
    %dma_wait3A_551 = tpu.memref_slice %arg5[%add3A_343, %dma_wait3A_550] : memref<100000x128xf32, #tpu.memory_space<hbm>> -> memref<125x128xf32, #tpu.memory_space<hbm>>
    tpu.wait_dma2 semaphore(%arg13 : memref<!tpu.dma_semaphore, #tpu.memory_space<semaphore_mem>>) src(%arg10 : memref<125x128xf32, #tpu.memory_space<vmem>>) dst(%dma_wait3A_551 : memref<125x128xf32, #tpu.memory_space<hbm>>)
    %dma_start3A_552 = arith.constant 4 : i32
    %dma_start3A_553 = arith.constant 0 : i32
    %dma_start3A_554 = tpu.memref_slice %arg8[%dma_start3A_552, %dma_start3A_553] : memref<25x125xi32, #tpu.memory_space<vmem>> -> memref<1x125xi32, #tpu.memory_space<vmem>>
    %dma_start3A_555 = tpu.memref_squeeze %dma_start3A_554 : memref<1x125xi32, #tpu.memory_space<vmem>> -> memref<125xi32, #tpu.memory_space<vmem>>
    %dma_start3A_556 = arith.constant 0 : i32
    %dma_start3A_557 = arith.constant 0 : i32
    %dma_start3A_558 = tpu.memref_slice %arg9[%dma_start3A_556, %dma_start3A_557] : memref<10x128xf32, #tpu.memory_space<vmem_shared>> -> memref<10x128xf32, #tpu.memory_space<vmem_shared>>
    tpu.enqueue_indirect_dma source(%dma_start3A_558 : memref<10x128xf32, #tpu.memory_space<vmem_shared>>) target(%arg10 : memref<125x128xf32, #tpu.memory_space<vmem>>) offsets(%dma_start3A_555 : memref<125xi32, #tpu.memory_space<vmem>>) semaphore(%arg12 : memref<!tpu.dma_semaphore, #tpu.memory_space<semaphore_mem>>)
    %dma_wait3A_559 = arith.constant 4 : i32
    %dma_wait3A_560 = arith.constant 0 : i32
    %dma_wait3A_561 = tpu.memref_slice %arg8[%dma_wait3A_559, %dma_wait3A_560] : memref<25x125xi32, #tpu.memory_space<vmem>> -> memref<1x125xi32, #tpu.memory_space<vmem>>
    %dma_wait3A_562 = tpu.memref_squeeze %dma_wait3A_561 : memref<1x125xi32, #tpu.memory_space<vmem>> -> memref<125xi32, #tpu.memory_space<vmem>>
    %dma_wait3A_563 = arith.constant 0 : i32
    %dma_wait3A_564 = arith.constant 0 : i32
    %dma_wait3A_565 = tpu.memref_slice %arg9[%dma_wait3A_563, %dma_wait3A_564] : memref<10x128xf32, #tpu.memory_space<vmem_shared>> -> memref<10x128xf32, #tpu.memory_space<vmem_shared>>
    tpu.wait_indirect_dma semaphore(%arg12 : memref<!tpu.dma_semaphore, #tpu.memory_space<semaphore_mem>>) src(%dma_wait3A_565 : memref<10x128xf32, #tpu.memory_space<vmem_shared>>) dst(%arg10 : memref<125x128xf32, #tpu.memory_space<vmem>>)
    %add3A_566 = arith.constant 500 : i32
    %add3A_567 = arith.addi %mul3A_2, %add3A_566 : i32
    %dma_start3A_568 = arith.constant 0 : i32
    %dma_start3A_569 = tpu.memref_slice %arg5[%add3A_567, %dma_start3A_568] : memref<100000x128xf32, #tpu.memory_space<hbm>> -> memref<125x128xf32, #tpu.memory_space<hbm>>
    %dma_start3A_570 = arith.constant 0 : i32
    %dma_start3A_571 = tpu.memref_slice %arg5[%add3A_567, %dma_start3A_570] : memref<100000x128xf32, #tpu.memory_space<hbm>> -> memref<125x128xf32, #tpu.memory_space<hbm>>
    tpu.enqueue_dma source(%arg10 : memref<125x128xf32, #tpu.memory_space<vmem>>) target(%dma_start3A_571 : memref<125x128xf32, #tpu.memory_space<hbm>>) target_semaphore(%arg13 : memref<!tpu.dma_semaphore, #tpu.memory_space<semaphore_mem>>)
    %add3A_572 = arith.constant 625 : i32
    %add3A_573 = arith.addi %sub3A_22, %add3A_572 : i32
    %add3A_574 = arith.constant 0 : i32
    %add3A_575 = arith.addi %add3A_573, %add3A_574 : i32
    %get3A_576 = arith.index_cast %add3A_575 : i32 to index
    %get3A_577 = tpu.vector_load %arg6[%get3A_576] {strides = array<i32>} : memref<3136xi32, #tpu.memory_space<vmem>>, vector<16xi32>,
    %gather3A_578 = tpu.vector_load_idx %arg7[%get3A_577] : memref<119xi32, #tpu.memory_space<vmem>>[vector<16xi32>], vector<16xi32>,
    %swap3A_579 = arith.constant 5 : i32
    %swap3A_580 = arith.index_cast %swap3A_579 : i32 to index
    %swap3A_581 = arith.constant 0 : index
    %swap3A_582 = tpu.vector_load %arg8[%swap3A_580, %swap3A_581] {strides = array<i32>} : memref<25x125xi32, #tpu.memory_space<vmem>>, vector<16xi32>,
    tpu.vector_store %arg8[%swap3A_580, %swap3A_581], %gather3A_578 {strides = array<i32>} : memref<25x125xi32, #tpu.memory_space<vmem>>, vector<16xi32>,
    %add3A_583 = arith.constant 625 : i32
    %add3A_584 = arith.addi %sub3A_22, %add3A_583 : i32
    %add3A_585 = arith.constant 16 : i32
    %add3A_586 = arith.addi %add3A_584, %add3A_585 : i32
    %get3A_587 = arith.index_cast %add3A_586 : i32 to index
    %get3A_588 = tpu.vector_load %arg6[%get3A_587] {strides = array<i32>} : memref<3136xi32, #tpu.memory_space<vmem>>, vector<16xi32>,
    %gather3A_589 = tpu.vector_load_idx %arg7[%get3A_588] : memref<119xi32, #tpu.memory_space<vmem>>[vector<16xi32>], vector<16xi32>,
    %swap3A_590 = arith.constant 5 : i32
    %swap3A_591 = arith.index_cast %swap3A_590 : i32 to index
    %swap3A_592 = arith.constant 16 : index
    %swap3A_593 = tpu.vector_load %arg8[%swap3A_591, %swap3A_592] {strides = array<i32>} : memref<25x125xi32, #tpu.memory_space<vmem>>, vector<16xi32>,
    tpu.vector_store %arg8[%swap3A_591, %swap3A_592], %gather3A_589 {strides = array<i32>} : memref<25x125xi32, #tpu.memory_space<vmem>>, vector<16xi32>,
    %add3A_594 = arith.constant 625 : i32
    %add3A_595 = arith.addi %sub3A_22, %add3A_594 : i32
    %add3A_596 = arith.constant 32 : i32
    %add3A_597 = arith.addi %add3A_595, %add3A_596 : i32
    %get3A_598 = arith.index_cast %add3A_597 : i32 to index
    %get3A_599 = tpu.vector_load %arg6[%get3A_598] {strides = array<i32>} : memref<3136xi32, #tpu.memory_space<vmem>>, vector<16xi32>,
    %gather3A_600 = tpu.vector_load_idx %arg7[%get3A_599] : memref<119xi32, #tpu.memory_space<vmem>>[vector<16xi32>], vector<16xi32>,
    %swap3A_601 = arith.constant 5 : i32
    %swap3A_602 = arith.index_cast %swap3A_601 : i32 to index
    %swap3A_603 = arith.constant 32 : index
    %swap3A_604 = tpu.vector_load %arg8[%swap3A_602, %swap3A_603] {strides = array<i32>} : memref<25x125xi32, #tpu.memory_space<vmem>>, vector<16xi32>,
    tpu.vector_store %arg8[%swap3A_602, %swap3A_603], %gather3A_600 {strides = array<i32>} : memref<25x125xi32, #tpu.memory_space<vmem>>, vector<16xi32>,
    %add3A_605 = arith.constant 625 : i32
    %add3A_606 = arith.addi %sub3A_22, %add3A_605 : i32
    %add3A_607 = arith.constant 48 : i32
    %add3A_608 = arith.addi %add3A_606, %add3A_607 : i32
    %get3A_609 = arith.index_cast %add3A_608 : i32 to index
    %get3A_610 = tpu.vector_load %arg6[%get3A_609] {strides = array<i32>} : memref<3136xi32, #tpu.memory_space<vmem>>, vector<16xi32>,
    %gather3A_611 = tpu.vector_load_idx %arg7[%get3A_610] : memref<119xi32, #tpu.memory_space<vmem>>[vector<16xi32>], vector<16xi32>,
    %swap3A_612 = arith.constant 5 : i32
    %swap3A_613 = arith.index_cast %swap3A_612 : i32 to index
    %swap3A_614 = arith.constant 48 : index
    %swap3A_615 = tpu.vector_load %arg8[%swap3A_613, %swap3A_614] {strides = array<i32>} : memref<25x125xi32, #tpu.memory_space<vmem>>, vector<16xi32>,
    tpu.vector_store %arg8[%swap3A_613, %swap3A_614], %gather3A_611 {strides = array<i32>} : memref<25x125xi32, #tpu.memory_space<vmem>>, vector<16xi32>,
    %add3A_616 = arith.constant 625 : i32
    %add3A_617 = arith.addi %sub3A_22, %add3A_616 : i32
    %add3A_618 = arith.constant 64 : i32
    %add3A_619 = arith.addi %add3A_617, %add3A_618 : i32
    %get3A_620 = arith.index_cast %add3A_619 : i32 to index
    %get3A_621 = tpu.vector_load %arg6[%get3A_620] {strides = array<i32>} : memref<3136xi32, #tpu.memory_space<vmem>>, vector<16xi32>,
    %gather3A_622 = tpu.vector_load_idx %arg7[%get3A_621] : memref<119xi32, #tpu.memory_space<vmem>>[vector<16xi32>], vector<16xi32>,
    %swap3A_623 = arith.constant 5 : i32
    %swap3A_624 = arith.index_cast %swap3A_623 : i32 to index
    %swap3A_625 = arith.constant 64 : index
    %swap3A_626 = tpu.vector_load %arg8[%swap3A_624, %swap3A_625] {strides = array<i32>} : memref<25x125xi32, #tpu.memory_space<vmem>>, vector<16xi32>,
    tpu.vector_store %arg8[%swap3A_624, %swap3A_625], %gather3A_622 {strides = array<i32>} : memref<25x125xi32, #tpu.memory_space<vmem>>, vector<16xi32>,
    %add3A_627 = arith.constant 625 : i32
    %add3A_628 = arith.addi %sub3A_22, %add3A_627 : i32
    %add3A_629 = arith.constant 80 : i32
    %add3A_630 = arith.addi %add3A_628, %add3A_629 : i32
    %get3A_631 = arith.index_cast %add3A_630 : i32 to index
    %get3A_632 = tpu.vector_load %arg6[%get3A_631] {strides = array<i32>} : memref<3136xi32, #tpu.memory_space<vmem>>, vector<16xi32>,
    %gather3A_633 = tpu.vector_load_idx %arg7[%get3A_632] : memref<119xi32, #tpu.memory_space<vmem>>[vector<16xi32>], vector<16xi32>,
    %swap3A_634 = arith.constant 5 : i32
    %swap3A_635 = arith.index_cast %swap3A_634 : i32 to index
    %swap3A_636 = arith.constant 80 : index
    %swap3A_637 = tpu.vector_load %arg8[%swap3A_635, %swap3A_636] {strides = array<i32>} : memref<25x125xi32, #tpu.memory_space<vmem>>, vector<16xi32>,
    tpu.vector_store %arg8[%swap3A_635, %swap3A_636], %gather3A_633 {strides = array<i32>} : memref<25x125xi32, #tpu.memory_space<vmem>>, vector<16xi32>,
    %add3A_638 = arith.constant 625 : i32
    %add3A_639 = arith.addi %sub3A_22, %add3A_638 : i32
    %add3A_640 = arith.constant 96 : i32
    %add3A_641 = arith.addi %add3A_639, %add3A_640 : i32
    %get3A_642 = arith.index_cast %add3A_641 : i32 to index
    %get3A_643 = tpu.vector_load %arg6[%get3A_642] {strides = array<i32>} : memref<3136xi32, #tpu.memory_space<vmem>>, vector<16xi32>,
    %gather3A_644 = tpu.vector_load_idx %arg7[%get3A_643] : memref<119xi32, #tpu.memory_space<vmem>>[vector<16xi32>], vector<16xi32>,
    %swap3A_645 = arith.constant 5 : i32
    %swap3A_646 = arith.index_cast %swap3A_645 : i32 to index
    %swap3A_647 = arith.constant 96 : index
    %swap3A_648 = tpu.vector_load %arg8[%swap3A_646, %swap3A_647] {strides = array<i32>} : memref<25x125xi32, #tpu.memory_space<vmem>>, vector<16xi32>,
    tpu.vector_store %arg8[%swap3A_646, %swap3A_647], %gather3A_644 {strides = array<i32>} : memref<25x125xi32, #tpu.memory_space<vmem>>, vector<16xi32>,
    %add3A_649 = arith.constant 625 : i32
    %add3A_650 = arith.addi %sub3A_22, %add3A_649 : i32
    %add3A_651 = arith.constant 109 : i32
    %add3A_652 = arith.addi %add3A_650, %add3A_651 : i32
    %get3A_653 = arith.index_cast %add3A_652 : i32 to index
    %get3A_654 = tpu.vector_load %arg6[%get3A_653] {strides = array<i32>} : memref<3136xi32, #tpu.memory_space<vmem>>, vector<16xi32>,
    %gather3A_655 = tpu.vector_load_idx %arg7[%get3A_654] : memref<119xi32, #tpu.memory_space<vmem>>[vector<16xi32>], vector<16xi32>,
    %swap3A_656 = arith.constant 5 : i32
    %swap3A_657 = arith.index_cast %swap3A_656 : i32 to index
    %swap3A_658 = arith.constant 109 : index
    %swap3A_659 = tpu.vector_load %arg8[%swap3A_657, %swap3A_658] {strides = array<i32>} : memref<25x125xi32, #tpu.memory_space<vmem>>, vector<16xi32>,
    tpu.vector_store %arg8[%swap3A_657, %swap3A_658], %gather3A_655 {strides = array<i32>} : memref<25x125xi32, #tpu.memory_space<vmem>>, vector<16xi32>,
    %dma_wait3A_660 = arith.constant 0 : i32
    %dma_wait3A_661 = tpu.memref_slice %arg5[%add3A_455, %dma_wait3A_660] : memref<100000x128xf32, #tpu.memory_space<hbm>> -> memref<125x128xf32, #tpu.memory_space<hbm>>
    %dma_wait3A_662 = arith.constant 0 : i32
    %dma_wait3A_663 = tpu.memref_slice %arg5[%add3A_455, %dma_wait3A_662] : memref<100000x128xf32, #tpu.memory_space<hbm>> -> memref<125x128xf32, #tpu.memory_space<hbm>>
    tpu.wait_dma2 semaphore(%arg14 : memref<!tpu.dma_semaphore, #tpu.memory_space<semaphore_mem>>) src(%arg11 : memref<125x128xf32, #tpu.memory_space<vmem>>) dst(%dma_wait3A_663 : memref<125x128xf32, #tpu.memory_space<hbm>>)
    %dma_start3A_664 = arith.constant 5 : i32
    %dma_start3A_665 = arith.constant 0 : i32
    %dma_start3A_666 = tpu.memref_slice %arg8[%dma_start3A_664, %dma_start3A_665] : memref<25x125xi32, #tpu.memory_space<vmem>> -> memref<1x125xi32, #tpu.memory_space<vmem>>
    %dma_start3A_667 = tpu.memref_squeeze %dma_start3A_666 : memref<1x125xi32, #tpu.memory_space<vmem>> -> memref<125xi32, #tpu.memory_space<vmem>>
    %dma_start3A_668 = arith.constant 0 : i32
    %dma_start3A_669 = arith.constant 0 : i32
    %dma_start3A_670 = tpu.memref_slice %arg9[%dma_start3A_668, %dma_start3A_669] : memref<10x128xf32, #tpu.memory_space<vmem_shared>> -> memref<10x128xf32, #tpu.memory_space<vmem_shared>>
    tpu.enqueue_indirect_dma source(%dma_start3A_670 : memref<10x128xf32, #tpu.memory_space<vmem_shared>>) target(%arg11 : memref<125x128xf32, #tpu.memory_space<vmem>>) offsets(%dma_start3A_667 : memref<125xi32, #tpu.memory_space<vmem>>) semaphore(%arg12 : memref<!tpu.dma_semaphore, #tpu.memory_space<semaphore_mem>>)
    %dma_wait3A_671 = arith.constant 5 : i32
    %dma_wait3A_672 = arith.constant 0 : i32
    %dma_wait3A_673 = tpu.memref_slice %arg8[%dma_wait3A_671, %dma_wait3A_672] : memref<25x125xi32, #tpu.memory_space<vmem>> -> memref<1x125xi32, #tpu.memory_space<vmem>>
    %dma_wait3A_674 = tpu.memref_squeeze %dma_wait3A_673 : memref<1x125xi32, #tpu.memory_space<vmem>> -> memref<125xi32, #tpu.memory_space<vmem>>
    %dma_wait3A_675 = arith.constant 0 : i32
    %dma_wait3A_676 = arith.constant 0 : i32
    %dma_wait3A_677 = tpu.memref_slice %arg9[%dma_wait3A_675, %dma_wait3A_676] : memref<10x128xf32, #tpu.memory_space<vmem_shared>> -> memref<10x128xf32, #tpu.memory_space<vmem_shared>>
    tpu.wait_indirect_dma semaphore(%arg12 : memref<!tpu.dma_semaphore, #tpu.memory_space<semaphore_mem>>) src(%dma_wait3A_677 : memref<10x128xf32, #tpu.memory_space<vmem_shared>>) dst(%arg11 : memref<125x128xf32, #tpu.memory_space<vmem>>)
    %add3A_678 = arith.constant 625 : i32
    %add3A_679 = arith.addi %mul3A_2, %add3A_678 : i32
    %dma_start3A_680 = arith.constant 0 : i32
    %dma_start3A_681 = tpu.memref_slice %arg5[%add3A_679, %dma_start3A_680] : memref<100000x128xf32, #tpu.memory_space<hbm>> -> memref<125x128xf32, #tpu.memory_space<hbm>>
    %dma_start3A_682 = arith.constant 0 : i32
    %dma_start3A_683 = tpu.memref_slice %arg5[%add3A_679, %dma_start3A_682] : memref<100000x128xf32, #tpu.memory_space<hbm>> -> memref<125x128xf32, #tpu.memory_space<hbm>>
    tpu.enqueue_dma source(%arg11 : memref<125x128xf32, #tpu.memory_space<vmem>>) target(%dma_start3A_683 : memref<125x128xf32, #tpu.memory_space<hbm>>) target_semaphore(%arg14 : memref<!tpu.dma_semaphore, #tpu.memory_space<semaphore_mem>>)
    %add3A_684 = arith.constant 750 : i32
    %add3A_685 = arith.addi %sub3A_22, %add3A_684 : i32
    %add3A_686 = arith.constant 0 : i32
    %add3A_687 = arith.addi %add3A_685, %add3A_686 : i32
    %get3A_688 = arith.index_cast %add3A_687 : i32 to index
    %get3A_689 = tpu.vector_load %arg6[%get3A_688] {strides = array<i32>} : memref<3136xi32, #tpu.memory_space<vmem>>, vector<16xi32>,
    %gather3A_690 = tpu.vector_load_idx %arg7[%get3A_689] : memref<119xi32, #tpu.memory_space<vmem>>[vector<16xi32>], vector<16xi32>,
    %swap3A_691 = arith.constant 6 : i32
    %swap3A_692 = arith.index_cast %swap3A_691 : i32 to index
    %swap3A_693 = arith.constant 0 : index
    %swap3A_694 = tpu.vector_load %arg8[%swap3A_692, %swap3A_693] {strides = array<i32>} : memref<25x125xi32, #tpu.memory_space<vmem>>, vector<16xi32>,
    tpu.vector_store %arg8[%swap3A_692, %swap3A_693], %gather3A_690 {strides = array<i32>} : memref<25x125xi32, #tpu.memory_space<vmem>>, vector<16xi32>,
    %add3A_695 = arith.constant 750 : i32
    %add3A_696 = arith.addi %sub3A_22, %add3A_695 : i32
    %add3A_697 = arith.constant 16 : i32
    %add3A_698 = arith.addi %add3A_696, %add3A_697 : i32
    %get3A_699 = arith.index_cast %add3A_698 : i32 to index
    %get3A_700 = tpu.vector_load %arg6[%get3A_699] {strides = array<i32>} : memref<3136xi32, #tpu.memory_space<vmem>>, vector<16xi32>,
    %gather3A_701 = tpu.vector_load_idx %arg7[%get3A_700] : memref<119xi32, #tpu.memory_space<vmem>>[vector<16xi32>], vector<16xi32>,
    %swap3A_702 = arith.constant 6 : i32
    %swap3A_703 = arith.index_cast %swap3A_702 : i32 to index
    %swap3A_704 = arith.constant 16 : index
    %swap3A_705 = tpu.vector_load %arg8[%swap3A_703, %swap3A_704] {strides = array<i32>} : memref<25x125xi32, #tpu.memory_space<vmem>>, vector<16xi32>,
    tpu.vector_store %arg8[%swap3A_703, %swap3A_704], %gather3A_701 {strides = array<i32>} : memref<25x125xi32, #tpu.memory_space<vmem>>, vector<16xi32>,
    %add3A_706 = arith.constant 750 : i32
    %add3A_707 = arith.addi %sub3A_22, %add3A_706 : i32
    %add3A_708 = arith.constant 32 : i32
    %add3A_709 = arith.addi %add3A_707, %add3A_708 : i32
    %get3A_710 = arith.index_cast %add3A_709 : i32 to index
    %get3A_711 = tpu.vector_load %arg6[%get3A_710] {strides = array<i32>} : memref<3136xi32, #tpu.memory_space<vmem>>, vector<16xi32>,
    %gather3A_712 = tpu.vector_load_idx %arg7[%get3A_711] : memref<119xi32, #tpu.memory_space<vmem>>[vector<16xi32>], vector<16xi32>,
    %swap3A_713 = arith.constant 6 : i32
    %swap3A_714 = arith.index_cast %swap3A_713 : i32 to index
    %swap3A_715 = arith.constant 32 : index
    %swap3A_716 = tpu.vector_load %arg8[%swap3A_714, %swap3A_715] {strides = array<i32>} : memref<25x125xi32, #tpu.memory_space<vmem>>, vector<16xi32>,
    tpu.vector_store %arg8[%swap3A_714, %swap3A_715], %gather3A_712 {strides = array<i32>} : memref<25x125xi32, #tpu.memory_space<vmem>>, vector<16xi32>,
    %add3A_717 = arith.constant 750 : i32
    %add3A_718 = arith.addi %sub3A_22, %add3A_717 : i32
    %add3A_719 = arith.constant 48 : i32
    %add3A_720 = arith.addi %add3A_718, %add3A_719 : i32
    %get3A_721 = arith.index_cast %add3A_720 : i32 to index
    %get3A_722 = tpu.vector_load %arg6[%get3A_721] {strides = array<i32>} : memref<3136xi32, #tpu.memory_space<vmem>>, vector<16xi32>,
    %gather3A_723 = tpu.vector_load_idx %arg7[%get3A_722] : memref<119xi32, #tpu.memory_space<vmem>>[vector<16xi32>], vector<16xi32>,
    %swap3A_724 = arith.constant 6 : i32
    %swap3A_725 = arith.index_cast %swap3A_724 : i32 to index
    %swap3A_726 = arith.constant 48 : index
    %swap3A_727 = tpu.vector_load %arg8[%swap3A_725, %swap3A_726] {strides = array<i32>} : memref<25x125xi32, #tpu.memory_space<vmem>>, vector<16xi32>,
    tpu.vector_store %arg8[%swap3A_725, %swap3A_726], %gather3A_723 {strides = array<i32>} : memref<25x125xi32, #tpu.memory_space<vmem>>, vector<16xi32>,
    %add3A_728 = arith.constant 750 : i32
    %add3A_729 = arith.addi %sub3A_22, %add3A_728 : i32
    %add3A_730 = arith.constant 64 : i32
    %add3A_731 = arith.addi %add3A_729, %add3A_730 : i32
    %get3A_732 = arith.index_cast %add3A_731 : i32 to index
    %get3A_733 = tpu.vector_load %arg6[%get3A_732] {strides = array<i32>} : memref<3136xi32, #tpu.memory_space<vmem>>, vector<16xi32>,
    %gather3A_734 = tpu.vector_load_idx %arg7[%get3A_733] : memref<119xi32, #tpu.memory_space<vmem>>[vector<16xi32>], vector<16xi32>,
    %swap3A_735 = arith.constant 6 : i32
    %swap3A_736 = arith.index_cast %swap3A_735 : i32 to index
    %swap3A_737 = arith.constant 64 : index
    %swap3A_738 = tpu.vector_load %arg8[%swap3A_736, %swap3A_737] {strides = array<i32>} : memref<25x125xi32, #tpu.memory_space<vmem>>, vector<16xi32>,
    tpu.vector_store %arg8[%swap3A_736, %swap3A_737], %gather3A_734 {strides = array<i32>} : memref<25x125xi32, #tpu.memory_space<vmem>>, vector<16xi32>,
    %add3A_739 = arith.constant 750 : i32
    %add3A_740 = arith.addi %sub3A_22, %add3A_739 : i32
    %add3A_741 = arith.constant 80 : i32
    %add3A_742 = arith.addi %add3A_740, %add3A_741 : i32
    %get3A_743 = arith.index_cast %add3A_742 : i32 to index
    %get3A_744 = tpu.vector_load %arg6[%get3A_743] {strides = array<i32>} : memref<3136xi32, #tpu.memory_space<vmem>>, vector<16xi32>,
    %gather3A_745 = tpu.vector_load_idx %arg7[%get3A_744] : memref<119xi32, #tpu.memory_space<vmem>>[vector<16xi32>], vector<16xi32>,
    %swap3A_746 = arith.constant 6 : i32
    %swap3A_747 = arith.index_cast %swap3A_746 : i32 to index
    %swap3A_748 = arith.constant 80 : index
    %swap3A_749 = tpu.vector_load %arg8[%swap3A_747, %swap3A_748] {strides = array<i32>} : memref<25x125xi32, #tpu.memory_space<vmem>>, vector<16xi32>,
    tpu.vector_store %arg8[%swap3A_747, %swap3A_748], %gather3A_745 {strides = array<i32>} : memref<25x125xi32, #tpu.memory_space<vmem>>, vector<16xi32>,
    %add3A_750 = arith.constant 750 : i32
    %add3A_751 = arith.addi %sub3A_22, %add3A_750 : i32
    %add3A_752 = arith.constant 96 : i32
    %add3A_753 = arith.addi %add3A_751, %add3A_752 : i32
    %get3A_754 = arith.index_cast %add3A_753 : i32 to index
    %get3A_755 = tpu.vector_load %arg6[%get3A_754] {strides = array<i32>} : memref<3136xi32, #tpu.memory_space<vmem>>, vector<16xi32>,
    %gather3A_756 = tpu.vector_load_idx %arg7[%get3A_755] : memref<119xi32, #tpu.memory_space<vmem>>[vector<16xi32>], vector<16xi32>,
    %swap3A_757 = arith.constant 6 : i32
    %swap3A_758 = arith.index_cast %swap3A_757 : i32 to index
    %swap3A_759 = arith.constant 96 : index
    %swap3A_760 = tpu.vector_load %arg8[%swap3A_758, %swap3A_759] {strides = array<i32>} : memref<25x125xi32, #tpu.memory_space<vmem>>, vector<16xi32>,
    tpu.vector_store %arg8[%swap3A_758, %swap3A_759], %gather3A_756 {strides = array<i32>} : memref<25x125xi32, #tpu.memory_space<vmem>>, vector<16xi32>,
    %add3A_761 = arith.constant 750 : i32
    %add3A_762 = arith.addi %sub3A_22, %add3A_761 : i32
    %add3A_763 = arith.constant 109 : i32
    %add3A_764 = arith.addi %add3A_762, %add3A_763 : i32
    %get3A_765 = arith.index_cast %add3A_764 : i32 to index
    %get3A_766 = tpu.vector_load %arg6[%get3A_765] {strides = array<i32>} : memref<3136xi32, #tpu.memory_space<vmem>>, vector<16xi32>,
    %gather3A_767 = tpu.vector_load_idx %arg7[%get3A_766] : memref<119xi32, #tpu.memory_space<vmem>>[vector<16xi32>], vector<16xi32>,
    %swap3A_768 = arith.constant 6 : i32
    %swap3A_769 = arith.index_cast %swap3A_768 : i32 to index
    %swap3A_770 = arith.constant 109 : index
    %swap3A_771 = tpu.vector_load %arg8[%swap3A_769, %swap3A_770] {strides = array<i32>} : memref<25x125xi32, #tpu.memory_space<vmem>>, vector<16xi32>,
    tpu.vector_store %arg8[%swap3A_769, %swap3A_770], %gather3A_767 {strides = array<i32>} : memref<25x125xi32, #tpu.memory_space<vmem>>, vector<16xi32>,
    %dma_wait3A_772 = arith.constant 0 : i32
    %dma_wait3A_773 = tpu.memref_slice %arg5[%add3A_567, %dma_wait3A_772] : memref<100000x128xf32, #tpu.memory_space<hbm>> -> memref<125x128xf32, #tpu.memory_space<hbm>>
    %dma_wait3A_774 = arith.constant 0 : i32
    %dma_wait3A_775 = tpu.memref_slice %arg5[%add3A_567, %dma_wait3A_774] : memref<100000x128xf32, #tpu.memory_space<hbm>> -> memref<125x128xf32, #tpu.memory_space<hbm>>
    tpu.wait_dma2 semaphore(%arg13 : memref<!tpu.dma_semaphore, #tpu.memory_space<semaphore_mem>>) src(%arg10 : memref<125x128xf32, #tpu.memory_space<vmem>>) dst(%dma_wait3A_775 : memref<125x128xf32, #tpu.memory_space<hbm>>)
    %dma_start3A_776 = arith.constant 6 : i32
    %dma_start3A_777 = arith.constant 0 : i32
    %dma_start3A_778 = tpu.memref_slice %arg8[%dma_start3A_776, %dma_start3A_777] : memref<25x125xi32, #tpu.memory_space<vmem>> -> memref<1x125xi32, #tpu.memory_space<vmem>>
    %dma_start3A_779 = tpu.memref_squeeze %dma_start3A_778 : memref<1x125xi32, #tpu.memory_space<vmem>> -> memref<125xi32, #tpu.memory_space<vmem>>
    %dma_start3A_780 = arith.constant 0 : i32
    %dma_start3A_781 = arith.constant 0 : i32
    %dma_start3A_782 = tpu.memref_slice %arg9[%dma_start3A_780, %dma_start3A_781] : memref<10x128xf32, #tpu.memory_space<vmem_shared>> -> memref<10x128xf32, #tpu.memory_space<vmem_shared>>
    tpu.enqueue_indirect_dma source(%dma_start3A_782 : memref<10x128xf32, #tpu.memory_space<vmem_shared>>) target(%arg10 : memref<125x128xf32, #tpu.memory_space<vmem>>) offsets(%dma_start3A_779 : memref<125xi32, #tpu.memory_space<vmem>>) semaphore(%arg12 : memref<!tpu.dma_semaphore, #tpu.memory_space<semaphore_mem>>)
    %dma_wait3A_783 = arith.constant 6 : i32
    %dma_wait3A_784 = arith.constant 0 : i32
    %dma_wait3A_785 = tpu.memref_slice %arg8[%dma_wait3A_783, %dma_wait3A_784] : memref<25x125xi32, #tpu.memory_space<vmem>> -> memref<1x125xi32, #tpu.memory_space<vmem>>
    %dma_wait3A_786 = tpu.memref_squeeze %dma_wait3A_785 : memref<1x125xi32, #tpu.memory_space<vmem>> -> memref<125xi32, #tpu.memory_space<vmem>>
    %dma_wait3A_787 = arith.constant 0 : i32
    %dma_wait3A_788 = arith.constant 0 : i32
    %dma_wait3A_789 = tpu.memref_slice %arg9[%dma_wait3A_787, %dma_wait3A_788] : memref<10x128xf32, #tpu.memory_space<vmem_shared>> -> memref<10x128xf32, #tpu.memory_space<vmem_shared>>
    tpu.wait_indirect_dma semaphore(%arg12 : memref<!tpu.dma_semaphore, #tpu.memory_space<semaphore_mem>>) src(%dma_wait3A_789 : memref<10x128xf32, #tpu.memory_space<vmem_shared>>) dst(%arg10 : memref<125x128xf32, #tpu.memory_space<vmem>>)
    %add3A_790 = arith.constant 750 : i32
    %add3A_791 = arith.addi %mul3A_2, %add3A_790 : i32
    %dma_start3A_792 = arith.constant 0 : i32
    %dma_start3A_793 = tpu.memref_slice %arg5[%add3A_791, %dma_start3A_792] : memref<100000x128xf32, #tpu.memory_space<hbm>> -> memref<125x128xf32, #tpu.memory_space<hbm>>
    %dma_start3A_794 = arith.constant 0 : i32
    %dma_start3A_795 = tpu.memref_slice %arg5[%add3A_791, %dma_start3A_794] : memref<100000x128xf32, #tpu.memory_space<hbm>> -> memref<125x128xf32, #tpu.memory_space<hbm>>
    tpu.enqueue_dma source(%arg10 : memref<125x128xf32, #tpu.memory_space<vmem>>) target(%dma_start3A_795 : memref<125x128xf32, #tpu.memory_space<hbm>>) target_semaphore(%arg13 : memref<!tpu.dma_semaphore, #tpu.memory_space<semaphore_mem>>)
    %add3A_796 = arith.constant 875 : i32
    %add3A_797 = arith.addi %sub3A_22, %add3A_796 : i32
    %add3A_798 = arith.constant 0 : i32
    %add3A_799 = arith.addi %add3A_797, %add3A_798 : i32
    %get3A_800 = arith.index_cast %add3A_799 : i32 to index
    %get3A_801 = tpu.vector_load %arg6[%get3A_800] {strides = array<i32>} : memref<3136xi32, #tpu.memory_space<vmem>>, vector<16xi32>,
    %gather3A_802 = tpu.vector_load_idx %arg7[%get3A_801] : memref<119xi32, #tpu.memory_space<vmem>>[vector<16xi32>], vector<16xi32>,
    %swap3A_803 = arith.constant 7 : i32
    %swap3A_804 = arith.index_cast %swap3A_803 : i32 to index
    %swap3A_805 = arith.constant 0 : index
    %swap3A_806 = tpu.vector_load %arg8[%swap3A_804, %swap3A_805] {strides = array<i32>} : memref<25x125xi32, #tpu.memory_space<vmem>>, vector<16xi32>,
    tpu.vector_store %arg8[%swap3A_804, %swap3A_805], %gather3A_802 {strides = array<i32>} : memref<25x125xi32, #tpu.memory_space<vmem>>, vector<16xi32>,
    %add3A_807 = arith.constant 875 : i32
    %add3A_808 = arith.addi %sub3A_22, %add3A_807 : i32
    %add3A_809 = arith.constant 16 : i32
    %add3A_810 = arith.addi %add3A_808, %add3A_809 : i32
    %get3A_811 = arith.index_cast %add3A_810 : i32 to index
    %get3A_812 = tpu.vector_load %arg6[%get3A_811] {strides = array<i32>} : memref<3136xi32, #tpu.memory_space<vmem>>, vector<16xi32>,
    %gather3A_813 = tpu.vector_load_idx %arg7[%get3A_812] : memref<119xi32, #tpu.memory_space<vmem>>[vector<16xi32>], vector<16xi32>,
    %swap3A_814 = arith.constant 7 : i32
    %swap3A_815 = arith.index_cast %swap3A_814 : i32 to index
    %swap3A_816 = arith.constant 16 : index
    %swap3A_817 = tpu.vector_load %arg8[%swap3A_815, %swap3A_816] {strides = array<i32>} : memref<25x125xi32, #tpu.memory_space<vmem>>, vector<16xi32>,
    tpu.vector_store %arg8[%swap3A_815, %swap3A_816], %gather3A_813 {strides = array<i32>} : memref<25x125xi32, #tpu.memory_space<vmem>>, vector<16xi32>,
    %add3A_818 = arith.constant 875 : i32
    %add3A_819 = arith.addi %sub3A_22, %add3A_818 : i32
    %add3A_820 = arith.constant 32 : i32
    %add3A_821 = arith.addi %add3A_819, %add3A_820 : i32
    %get3A_822 = arith.index_cast %add3A_821 : i32 to index
    %get3A_823 = tpu.vector_load %arg6[%get3A_822] {strides = array<i32>} : memref<3136xi32, #tpu.memory_space<vmem>>, vector<16xi32>,
    %gather3A_824 = tpu.vector_load_idx %arg7[%get3A_823] : memref<119xi32, #tpu.memory_space<vmem>>[vector<16xi32>], vector<16xi32>,
    %swap3A_825 = arith.constant 7 : i32
    %swap3A_826 = arith.index_cast %swap3A_825 : i32 to index
    %swap3A_827 = arith.constant 32 : index
    %swap3A_828 = tpu.vector_load %arg8[%swap3A_826, %swap3A_827] {strides = array<i32>} : memref<25x125xi32, #tpu.memory_space<vmem>>, vector<16xi32>,
    tpu.vector_store %arg8[%swap3A_826, %swap3A_827], %gather3A_824 {strides = array<i32>} : memref<25x125xi32, #tpu.memory_space<vmem>>, vector<16xi32>,
    %add3A_829 = arith.constant 875 : i32
    %add3A_830 = arith.addi %sub3A_22, %add3A_829 : i32
    %add3A_831 = arith.constant 48 : i32
    %add3A_832 = arith.addi %add3A_830, %add3A_831 : i32
    %get3A_833 = arith.index_cast %add3A_832 : i32 to index
    %get3A_834 = tpu.vector_load %arg6[%get3A_833] {strides = array<i32>} : memref<3136xi32, #tpu.memory_space<vmem>>, vector<16xi32>,
    %gather3A_835 = tpu.vector_load_idx %arg7[%get3A_834] : memref<119xi32, #tpu.memory_space<vmem>>[vector<16xi32>], vector<16xi32>,
    %swap3A_836 = arith.constant 7 : i32
    %swap3A_837 = arith.index_cast %swap3A_836 : i32 to index
    %swap3A_838 = arith.constant 48 : index
    %swap3A_839 = tpu.vector_load %arg8[%swap3A_837, %swap3A_838] {strides = array<i32>} : memref<25x125xi32, #tpu.memory_space<vmem>>, vector<16xi32>,
    tpu.vector_store %arg8[%swap3A_837, %swap3A_838], %gather3A_835 {strides = array<i32>} : memref<25x125xi32, #tpu.memory_space<vmem>>, vector<16xi32>,
    %add3A_840 = arith.constant 875 : i32
    %add3A_841 = arith.addi %sub3A_22, %add3A_840 : i32
    %add3A_842 = arith.constant 64 : i32
    %add3A_843 = arith.addi %add3A_841, %add3A_842 : i32
    %get3A_844 = arith.index_cast %add3A_843 : i32 to index
    %get3A_845 = tpu.vector_load %arg6[%get3A_844] {strides = array<i32>} : memref<3136xi32, #tpu.memory_space<vmem>>, vector<16xi32>,
    %gather3A_846 = tpu.vector_load_idx %arg7[%get3A_845] : memref<119xi32, #tpu.memory_space<vmem>>[vector<16xi32>], vector<16xi32>,
    %swap3A_847 = arith.constant 7 : i32
    %swap3A_848 = arith.index_cast %swap3A_847 : i32 to index
    %swap3A_849 = arith.constant 64 : index
    %swap3A_850 = tpu.vector_load %arg8[%swap3A_848, %swap3A_849] {strides = array<i32>} : memref<25x125xi32, #tpu.memory_space<vmem>>, vector<16xi32>,
    tpu.vector_store %arg8[%swap3A_848, %swap3A_849], %gather3A_846 {strides = array<i32>} : memref<25x125xi32, #tpu.memory_space<vmem>>, vector<16xi32>,
    %add3A_851 = arith.constant 875 : i32
    %add3A_852 = arith.addi %sub3A_22, %add3A_851 : i32
    %add3A_853 = arith.constant 80 : i32
    %add3A_854 = arith.addi %add3A_852, %add3A_853 : i32
    %get3A_855 = arith.index_cast %add3A_854 : i32 to index
    %get3A_856 = tpu.vector_load %arg6[%get3A_855] {strides = array<i32>} : memref<3136xi32, #tpu.memory_space<vmem>>, vector<16xi32>,
    %gather3A_857 = tpu.vector_load_idx %arg7[%get3A_856] : memref<119xi32, #tpu.memory_space<vmem>>[vector<16xi32>], vector<16xi32>,
    %swap3A_858 = arith.constant 7 : i32
    %swap3A_859 = arith.index_cast %swap3A_858 : i32 to index
    %swap3A_860 = arith.constant 80 : index
    %swap3A_861 = tpu.vector_load %arg8[%swap3A_859, %swap3A_860] {strides = array<i32>} : memref<25x125xi32, #tpu.memory_space<vmem>>, vector<16xi32>,
    tpu.vector_store %arg8[%swap3A_859, %swap3A_860], %gather3A_857 {strides = array<i32>} : memref<25x125xi32, #tpu.memory_space<vmem>>, vector<16xi32>,
    %add3A_862 = arith.constant 875 : i32
    %add3A_863 = arith.addi %sub3A_22, %add3A_862 : i32
    %add3A_864 = arith.constant 96 : i32
    %add3A_865 = arith.addi %add3A_863, %add3A_864 : i32
    %get3A_866 = arith.index_cast %add3A_865 : i32 to index
    %get3A_867 = tpu.vector_load %arg6[%get3A_866] {strides = array<i32>} : memref<3136xi32, #tpu.memory_space<vmem>>, vector<16xi32>,
    %gather3A_868 = tpu.vector_load_idx %arg7[%get3A_867] : memref<119xi32, #tpu.memory_space<vmem>>[vector<16xi32>], vector<16xi32>,
    %swap3A_869 = arith.constant 7 : i32
    %swap3A_870 = arith.index_cast %swap3A_869 : i32 to index
    %swap3A_871 = arith.constant 96 : index
    %swap3A_872 = tpu.vector_load %arg8[%swap3A_870, %swap3A_871] {strides = array<i32>} : memref<25x125xi32, #tpu.memory_space<vmem>>, vector<16xi32>,
    tpu.vector_store %arg8[%swap3A_870, %swap3A_871], %gather3A_868 {strides = array<i32>} : memref<25x125xi32, #tpu.memory_space<vmem>>, vector<16xi32>,
    %add3A_873 = arith.constant 875 : i32
    %add3A_874 = arith.addi %sub3A_22, %add3A_873 : i32
    %add3A_875 = arith.constant 109 : i32
    %add3A_876 = arith.addi %add3A_874, %add3A_875 : i32
    %get3A_877 = arith.index_cast %add3A_876 : i32 to index
    %get3A_878 = tpu.vector_load %arg6[%get3A_877] {strides = array<i32>} : memref<3136xi32, #tpu.memory_space<vmem>>, vector<16xi32>,
    %gather3A_879 = tpu.vector_load_idx %arg7[%get3A_878] : memref<119xi32, #tpu.memory_space<vmem>>[vector<16xi32>], vector<16xi32>,
    %swap3A_880 = arith.constant 7 : i32
    %swap3A_881 = arith.index_cast %swap3A_880 : i32 to index
    %swap3A_882 = arith.constant 109 : index
    %swap3A_883 = tpu.vector_load %arg8[%swap3A_881, %swap3A_882] {strides = array<i32>} : memref<25x125xi32, #tpu.memory_space<vmem>>, vector<16xi32>,
    tpu.vector_store %arg8[%swap3A_881, %swap3A_882], %gather3A_879 {strides = array<i32>} : memref<25x125xi32, #tpu.memory_space<vmem>>, vector<16xi32>,
    %dma_wait3A_884 = arith.constant 0 : i32
    %dma_wait3A_885 = tpu.memref_slice %arg5[%add3A_679, %dma_wait3A_884] : memref<100000x128xf32, #tpu.memory_space<hbm>> -> memref<125x128xf32, #tpu.memory_space<hbm>>
    %dma_wait3A_886 = arith.constant 0 : i32
    %dma_wait3A_887 = tpu.memref_slice %arg5[%add3A_679, %dma_wait3A_886] : memref<100000x128xf32, #tpu.memory_space<hbm>> -> memref<125x128xf32, #tpu.memory_space<hbm>>
    tpu.wait_dma2 semaphore(%arg14 : memref<!tpu.dma_semaphore, #tpu.memory_space<semaphore_mem>>) src(%arg11 : memref<125x128xf32, #tpu.memory_space<vmem>>) dst(%dma_wait3A_887 : memref<125x128xf32, #tpu.memory_space<hbm>>)
    %dma_start3A_888 = arith.constant 7 : i32
    %dma_start3A_889 = arith.constant 0 : i32
    %dma_start3A_890 = tpu.memref_slice %arg8[%dma_start3A_888, %dma_start3A_889] : memref<25x125xi32, #tpu.memory_space<vmem>> -> memref<1x125xi32, #tpu.memory_space<vmem>>
    %dma_start3A_891 = tpu.memref_squeeze %dma_start3A_890 : memref<1x125xi32, #tpu.memory_space<vmem>> -> memref<125xi32, #tpu.memory_space<vmem>>
    %dma_start3A_892 = arith.constant 0 : i32
    %dma_start3A_893 = arith.constant 0 : i32
    %dma_start3A_894 = tpu.memref_slice %arg9[%dma_start3A_892, %dma_start3A_893] : memref<10x128xf32, #tpu.memory_space<vmem_shared>> -> memref<10x128xf32, #tpu.memory_space<vmem_shared>>
    tpu.enqueue_indirect_dma source(%dma_start3A_894 : memref<10x128xf32, #tpu.memory_space<vmem_shared>>) target(%arg11 : memref<125x128xf32, #tpu.memory_space<vmem>>) offsets(%dma_start3A_891 : memref<125xi32, #tpu.memory_space<vmem>>) semaphore(%arg12 : memref<!tpu.dma_semaphore, #tpu.memory_space<semaphore_mem>>)
    %dma_wait3A_895 = arith.constant 7 : i32
    %dma_wait3A_896 = arith.constant 0 : i32
    %dma_wait3A_897 = tpu.memref_slice %arg8[%dma_wait3A_895, %dma_wait3A_896] : memref<25x125xi32, #tpu.memory_space<vmem>> -> memref<1x125xi32, #tpu.memory_space<vmem>>
    %dma_wait3A_898 = tpu.memref_squeeze %dma_wait3A_897 : memref<1x125xi32, #tpu.memory_space<vmem>> -> memref<125xi32, #tpu.memory_space<vmem>>
    %dma_wait3A_899 = arith.constant 0 : i32
    %dma_wait3A_900 = arith.constant 0 : i32
    %dma_wait3A_901 = tpu.memref_slice %arg9[%dma_wait3A_899, %dma_wait3A_900] : memref<10x128xf32, #tpu.memory_space<vmem_shared>> -> memref<10x128xf32, #tpu.memory_space<vmem_shared>>
    tpu.wait_indirect_dma semaphore(%arg12 : memref<!tpu.dma_semaphore, #tpu.memory_space<semaphore_mem>>) src(%dma_wait3A_901 : memref<10x128xf32, #tpu.memory_space<vmem_shared>>) dst(%arg11 : memref<125x128xf32, #tpu.memory_space<vmem>>)
    %add3A_902 = arith.constant 875 : i32
    %add3A_903 = arith.addi %mul3A_2, %add3A_902 : i32
    %dma_start3A_904 = arith.constant 0 : i32
    %dma_start3A_905 = tpu.memref_slice %arg5[%add3A_903, %dma_start3A_904] : memref<100000x128xf32, #tpu.memory_space<hbm>> -> memref<125x128xf32, #tpu.memory_space<hbm>>
    %dma_start3A_906 = arith.constant 0 : i32
    %dma_start3A_907 = tpu.memref_slice %arg5[%add3A_903, %dma_start3A_906] : memref<100000x128xf32, #tpu.memory_space<hbm>> -> memref<125x128xf32, #tpu.memory_space<hbm>>
    tpu.enqueue_dma source(%arg11 : memref<125x128xf32, #tpu.memory_space<vmem>>) target(%dma_start3A_907 : memref<125x128xf32, #tpu.memory_space<hbm>>) target_semaphore(%arg14 : memref<!tpu.dma_semaphore, #tpu.memory_space<semaphore_mem>>)
    %add3A_908 = arith.constant 1000 : i32
    %add3A_909 = arith.addi %sub3A_22, %add3A_908 : i32
    %add3A_910 = arith.constant 0 : i32
    %add3A_911 = arith.addi %add3A_909, %add3A_910 : i32
    %get3A_912 = arith.index_cast %add3A_911 : i32 to index
    %get3A_913 = tpu.vector_load %arg6[%get3A_912] {strides = array<i32>} : memref<3136xi32, #tpu.memory_space<vmem>>, vector<16xi32>,
    %gather3A_914 = tpu.vector_load_idx %arg7[%get3A_913] : memref<119xi32, #tpu.memory_space<vmem>>[vector<16xi32>], vector<16xi32>,
    %swap3A_915 = arith.constant 8 : i32
    %swap3A_916 = arith.index_cast %swap3A_915 : i32 to index
    %swap3A_917 = arith.constant 0 : index
    %swap3A_918 = tpu.vector_load %arg8[%swap3A_916, %swap3A_917] {strides = array<i32>} : memref<25x125xi32, #tpu.memory_space<vmem>>, vector<16xi32>,
    tpu.vector_store %arg8[%swap3A_916, %swap3A_917], %gather3A_914 {strides = array<i32>} : memref<25x125xi32, #tpu.memory_space<vmem>>, vector<16xi32>,
    %add3A_919 = arith.constant 1000 : i32
    %add3A_920 = arith.addi %sub3A_22, %add3A_919 : i32
    %add3A_921 = arith.constant 16 : i32
    %add3A_922 = arith.addi %add3A_920, %add3A_921 : i32
    %get3A_923 = arith.index_cast %add3A_922 : i32 to index
    %get3A_924 = tpu.vector_load %arg6[%get3A_923] {strides = array<i32>} : memref<3136xi32, #tpu.memory_space<vmem>>, vector<16xi32>,
    %gather3A_925 = tpu.vector_load_idx %arg7[%get3A_924] : memref<119xi32, #tpu.memory_space<vmem>>[vector<16xi32>], vector<16xi32>,
    %swap3A_926 = arith.constant 8 : i32
    %swap3A_927 = arith.index_cast %swap3A_926 : i32 to index
    %swap3A_928 = arith.constant 16 : index
    %swap3A_929 = tpu.vector_load %arg8[%swap3A_927, %swap3A_928] {strides = array<i32>} : memref<25x125xi32, #tpu.memory_space<vmem>>, vector<16xi32>,
    tpu.vector_store %arg8[%swap3A_927, %swap3A_928], %gather3A_925 {strides = array<i32>} : memref<25x125xi32, #tpu.memory_space<vmem>>, vector<16xi32>,
    %add3A_930 = arith.constant 1000 : i32
    %add3A_931 = arith.addi %sub3A_22, %add3A_930 : i32
    %add3A_932 = arith.constant 32 : i32
    %add3A_933 = arith.addi %add3A_931, %add3A_932 : i32
    %get3A_934 = arith.index_cast %add3A_933 : i32 to index
    %get3A_935 = tpu.vector_load %arg6[%get3A_934] {strides = array<i32>} : memref<3136xi32, #tpu.memory_space<vmem>>, vector<16xi32>,
    %gather3A_936 = tpu.vector_load_idx %arg7[%get3A_935] : memref<119xi32, #tpu.memory_space<vmem>>[vector<16xi32>], vector<16xi32>,
    %swap3A_937 = arith.constant 8 : i32
    %swap3A_938 = arith.index_cast %swap3A_937 : i32 to index
    %swap3A_939 = arith.constant 32 : index
    %swap3A_940 = tpu.vector_load %arg8[%swap3A_938, %swap3A_939] {strides = array<i32>} : memref<25x125xi32, #tpu.memory_space<vmem>>, vector<16xi32>,
    tpu.vector_store %arg8[%swap3A_938, %swap3A_939], %gather3A_936 {strides = array<i32>} : memref<25x125xi32, #tpu.memory_space<vmem>>, vector<16xi32>,
    %add3A_941 = arith.constant 1000 : i32
    %add3A_942 = arith.addi %sub3A_22, %add3A_941 : i32
    %add3A_943 = arith.constant 48 : i32
    %add3A_944 = arith.addi %add3A_942, %add3A_943 : i32
    %get3A_945 = arith.index_cast %add3A_944 : i32 to index
    %get3A_946 = tpu.vector_load %arg6[%get3A_945] {strides = array<i32>} : memref<3136xi32, #tpu.memory_space<vmem>>, vector<16xi32>,
    %gather3A_947 = tpu.vector_load_idx %arg7[%get3A_946] : memref<119xi32, #tpu.memory_space<vmem>>[vector<16xi32>], vector<16xi32>,
    %swap3A_948 = arith.constant 8 : i32
    %swap3A_949 = arith.index_cast %swap3A_948 : i32 to index
    %swap3A_950 = arith.constant 48 : index
    %swap3A_951 = tpu.vector_load %arg8[%swap3A_949, %swap3A_950] {strides = array<i32>} : memref<25x125xi32, #tpu.memory_space<vmem>>, vector<16xi32>,
    tpu.vector_store %arg8[%swap3A_949, %swap3A_950], %gather3A_947 {strides = array<i32>} : memref<25x125xi32, #tpu.memory_space<vmem>>, vector<16xi32>,
    %add3A_952 = arith.constant 1000 : i32
    %add3A_953 = arith.addi %sub3A_22, %add3A_952 : i32
    %add3A_954 = arith.constant 64 : i32
    %add3A_955 = arith.addi %add3A_953, %add3A_954 : i32
    %get3A_956 = arith.index_cast %add3A_955 : i32 to index
    %get3A_957 = tpu.vector_load %arg6[%get3A_956] {strides = array<i32>} : memref<3136xi32, #tpu.memory_space<vmem>>, vector<16xi32>,
    %gather3A_958 = tpu.vector_load_idx %arg7[%get3A_957] : memref<119xi32, #tpu.memory_space<vmem>>[vector<16xi32>], vector<16xi32>,
    %swap3A_959 = arith.constant 8 : i32
    %swap3A_960 = arith.index_cast %swap3A_959 : i32 to index
    %swap3A_961 = arith.constant 64 : index
    %swap3A_962 = tpu.vector_load %arg8[%swap3A_960, %swap3A_961] {strides = array<i32>} : memref<25x125xi32, #tpu.memory_space<vmem>>, vector<16xi32>,
    tpu.vector_store %arg8[%swap3A_960, %swap3A_961], %gather3A_958 {strides = array<i32>} : memref<25x125xi32, #tpu.memory_space<vmem>>, vector<16xi32>,
    %add3A_963 = arith.constant 1000 : i32
    %add3A_964 = arith.addi %sub3A_22, %add3A_963 : i32
    %add3A_965 = arith.constant 80 : i32
    %add3A_966 = arith.addi %add3A_964, %add3A_965 : i32
    %get3A_967 = arith.index_cast %add3A_966 : i32 to index
    %get3A_968 = tpu.vector_load %arg6[%get3A_967] {strides = array<i32>} : memref<3136xi32, #tpu.memory_space<vmem>>, vector<16xi32>,
    %gather3A_969 = tpu.vector_load_idx %arg7[%get3A_968] : memref<119xi32, #tpu.memory_space<vmem>>[vector<16xi32>], vector<16xi32>,
    %swap3A_970 = arith.constant 8 : i32
    %swap3A_971 = arith.index_cast %swap3A_970 : i32 to index
    %swap3A_972 = arith.constant 80 : index
    %swap3A_973 = tpu.vector_load %arg8[%swap3A_971, %swap3A_972] {strides = array<i32>} : memref<25x125xi32, #tpu.memory_space<vmem>>, vector<16xi32>,
    tpu.vector_store %arg8[%swap3A_971, %swap3A_972], %gather3A_969 {strides = array<i32>} : memref<25x125xi32, #tpu.memory_space<vmem>>, vector<16xi32>,
    %add3A_974 = arith.constant 1000 : i32
    %add3A_975 = arith.addi %sub3A_22, %add3A_974 : i32
    %add3A_976 = arith.constant 96 : i32
    %add3A_977 = arith.addi %add3A_975, %add3A_976 : i32
    %get3A_978 = arith.index_cast %add3A_977 : i32 to index
    %get3A_979 = tpu.vector_load %arg6[%get3A_978] {strides = array<i32>} : memref<3136xi32, #tpu.memory_space<vmem>>, vector<16xi32>,
    %gather3A_980 = tpu.vector_load_idx %arg7[%get3A_979] : memref<119xi32, #tpu.memory_space<vmem>>[vector<16xi32>], vector<16xi32>,
    %swap3A_981 = arith.constant 8 : i32
    %swap3A_982 = arith.index_cast %swap3A_981 : i32 to index
    %swap3A_983 = arith.constant 96 : index
    %swap3A_984 = tpu.vector_load %arg8[%swap3A_982, %swap3A_983] {strides = array<i32>} : memref<25x125xi32, #tpu.memory_space<vmem>>, vector<16xi32>,
    tpu.vector_store %arg8[%swap3A_982, %swap3A_983], %gather3A_980 {strides = array<i32>} : memref<25x125xi32, #tpu.memory_space<vmem>>, vector<16xi32>,
    %add3A_985 = arith.constant 1000 : i32
    %add3A_986 = arith.addi %sub3A_22, %add3A_985 : i32
    %add3A_987 = arith.constant 109 : i32
    %add3A_988 = arith.addi %add3A_986, %add3A_987 : i32
    %get3A_989 = arith.index_cast %add3A_988 : i32 to index
    %get3A_990 = tpu.vector_load %arg6[%get3A_989] {strides = array<i32>} : memref<3136xi32, #tpu.memory_space<vmem>>, vector<16xi32>,
    %gather3A_991 = tpu.vector_load_idx %arg7[%get3A_990] : memref<119xi32, #tpu.memory_space<vmem>>[vector<16xi32>], vector<16xi32>,
    %swap3A_992 = arith.constant 8 : i32
    %swap3A_993 = arith.index_cast %swap3A_992 : i32 to index
    %swap3A_994 = arith.constant 109 : index
    %swap3A_995 = tpu.vector_load %arg8[%swap3A_993, %swap3A_994] {strides = array<i32>} : memref<25x125xi32, #tpu.memory_space<vmem>>, vector<16xi32>,
    tpu.vector_store %arg8[%swap3A_993, %swap3A_994], %gather3A_991 {strides = array<i32>} : memref<25x125xi32, #tpu.memory_space<vmem>>, vector<16xi32>,
    %dma_wait3A_996 = arith.constant 0 : i32
    %dma_wait3A_997 = tpu.memref_slice %arg5[%add3A_791, %dma_wait3A_996] : memref<100000x128xf32, #tpu.memory_space<hbm>> -> memref<125x128xf32, #tpu.memory_space<hbm>>
    %dma_wait3A_998 = arith.constant 0 : i32
    %dma_wait3A_999 = tpu.memref_slice %arg5[%add3A_791, %dma_wait3A_998] : memref<100000x128xf32, #tpu.memory_space<hbm>> -> memref<125x128xf32, #tpu.memory_space<hbm>>
    tpu.wait_dma2 semaphore(%arg13 : memref<!tpu.dma_semaphore, #tpu.memory_space<semaphore_mem>>) src(%arg10 : memref<125x128xf32, #tpu.memory_space<vmem>>) dst(%dma_wait3A_999 : memref<125x128xf32, #tpu.memory_space<hbm>>)
    %dma_start3A_1000 = arith.constant 8 : i32
    %dma_start3A_1001 = arith.constant 0 : i32
    %dma_start3A_1002 = tpu.memref_slice %arg8[%dma_start3A_1000, %dma_start3A_1001] : memref<25x125xi32, #tpu.memory_space<vmem>> -> memref<1x125xi32, #tpu.memory_space<vmem>>
    %dma_start3A_1003 = tpu.memref_squeeze %dma_start3A_1002 : memref<1x125xi32, #tpu.memory_space<vmem>> -> memref<125xi32, #tpu.memory_space<vmem>>
    %dma_start3A_1004 = arith.constant 0 : i32
    %dma_start3A_1005 = arith.constant 0 : i32
    %dma_start3A_1006 = tpu.memref_slice %arg9[%dma_start3A_1004, %dma_start3A_1005] : memref<10x128xf32, #tpu.memory_space<vmem_shared>> -> memref<10x128xf32, #tpu.memory_space<vmem_shared>>
    tpu.enqueue_indirect_dma source(%dma_start3A_1006 : memref<10x128xf32, #tpu.memory_space<vmem_shared>>) target(%arg10 : memref<125x128xf32, #tpu.memory_space<vmem>>) offsets(%dma_start3A_1003 : memref<125xi32, #tpu.memory_space<vmem>>) semaphore(%arg12 : memref<!tpu.dma_semaphore, #tpu.memory_space<semaphore_mem>>)
    %dma_wait3A_1007 = arith.constant 8 : i32
    %dma_wait3A_1008 = arith.constant 0 : i32
    %dma_wait3A_1009 = tpu.memref_slice %arg8[%dma_wait3A_1007, %dma_wait3A_1008] : memref<25x125xi32, #tpu.memory_space<vmem>> -> memref<1x125xi32, #tpu.memory_space<vmem>>
    %dma_wait3A_1010 = tpu.memref_squeeze %dma_wait3A_1009 : memref<1x125xi32, #tpu.memory_space<vmem>> -> memref<125xi32, #tpu.memory_space<vmem>>
    %dma_wait3A_1011 = arith.constant 0 : i32
    %dma_wait3A_1012 = arith.constant 0 : i32
    %dma_wait3A_1013 = tpu.memref_slice %arg9[%dma_wait3A_1011, %dma_wait3A_1012] : memref<10x128xf32, #tpu.memory_space<vmem_shared>> -> memref<10x128xf32, #tpu.memory_space<vmem_shared>>
    tpu.wait_indirect_dma semaphore(%arg12 : memref<!tpu.dma_semaphore, #tpu.memory_space<semaphore_mem>>) src(%dma_wait3A_1013 : memref<10x128xf32, #tpu.memory_space<vmem_shared>>) dst(%arg10 : memref<125x128xf32, #tpu.memory_space<vmem>>)
    %add3A_1014 = arith.constant 1000 : i32
    %add3A_1015 = arith.addi %mul3A_2, %add3A_1014 : i32
    %dma_start3A_1016 = arith.constant 0 : i32
    %dma_start3A_1017 = tpu.memref_slice %arg5[%add3A_1015, %dma_start3A_1016] : memref<100000x128xf32, #tpu.memory_space<hbm>> -> memref<125x128xf32, #tpu.memory_space<hbm>>
    %dma_start3A_1018 = arith.constant 0 : i32
    %dma_start3A_1019 = tpu.memref_slice %arg5[%add3A_1015, %dma_start3A_1018] : memref<100000x128xf32, #tpu.memory_space<hbm>> -> memref<125x128xf32, #tpu.memory_space<hbm>>
    tpu.enqueue_dma source(%arg10 : memref<125x128xf32, #tpu.memory_space<vmem>>) target(%dma_start3A_1019 : memref<125x128xf32, #tpu.memory_space<hbm>>) target_semaphore(%arg13 : memref<!tpu.dma_semaphore, #tpu.memory_space<semaphore_mem>>)
    %add3A_1020 = arith.constant 1125 : i32
    %add3A_1021 = arith.addi %sub3A_22, %add3A_1020 : i32
    %add3A_1022 = arith.constant 0 : i32
    %add3A_1023 = arith.addi %add3A_1021, %add3A_1022 : i32
    %get3A_1024 = arith.index_cast %add3A_1023 : i32 to index
    %get3A_1025 = tpu.vector_load %arg6[%get3A_1024] {strides = array<i32>} : memref<3136xi32, #tpu.memory_space<vmem>>, vector<16xi32>,
    %gather3A_1026 = tpu.vector_load_idx %arg7[%get3A_1025] : memref<119xi32, #tpu.memory_space<vmem>>[vector<16xi32>], vector<16xi32>,
    %swap3A_1027 = arith.constant 9 : i32
    %swap3A_1028 = arith.index_cast %swap3A_1027 : i32 to index
    %swap3A_1029 = arith.constant 0 : index
    %swap3A_1030 = tpu.vector_load %arg8[%swap3A_1028, %swap3A_1029] {strides = array<i32>} : memref<25x125xi32, #tpu.memory_space<vmem>>, vector<16xi32>,
    tpu.vector_store %arg8[%swap3A_1028, %swap3A_1029], %gather3A_1026 {strides = array<i32>} : memref<25x125xi32, #tpu.memory_space<vmem>>, vector<16xi32>,
    %add3A_1031 = arith.constant 1125 : i32
    %add3A_1032 = arith.addi %sub3A_22, %add3A_1031 : i32
    %add3A_1033 = arith.constant 16 : i32
    %add3A_1034 = arith.addi %add3A_1032, %add3A_1033 : i32
    %get3A_1035 = arith.index_cast %add3A_1034 : i32 to index
    %get3A_1036 = tpu.vector_load %arg6[%get3A_1035] {strides = array<i32>} : memref<3136xi32, #tpu.memory_space<vmem>>, vector<16xi32>,
    %gather3A_1037 = tpu.vector_load_idx %arg7[%get3A_1036] : memref<119xi32, #tpu.memory_space<vmem>>[vector<16xi32>], vector<16xi32>,
    %swap3A_1038 = arith.constant 9 : i32
    %swap3A_1039 = arith.index_cast %swap3A_1038 : i32 to index
    %swap3A_1040 = arith.constant 16 : index
    %swap3A_1041 = tpu.vector_load %arg8[%swap3A_1039, %swap3A_1040] {strides = array<i32>} : memref<25x125xi32, #tpu.memory_space<vmem>>, vector<16xi32>,
    tpu.vector_store %arg8[%swap3A_1039, %swap3A_1040], %gather3A_1037 {strides = array<i32>} : memref<25x125xi32, #tpu.memory_space<vmem>>, vector<16xi32>,
    %add3A_1042 = arith.constant 1125 : i32
    %add3A_1043 = arith.addi %sub3A_22, %add3A_1042 : i32
    %add3A_1044 = arith.constant 32 : i32
    %add3A_1045 = arith.addi %add3A_1043, %add3A_1044 : i32
    %get3A_1046 = arith.index_cast %add3A_1045 : i32 to index
    %get3A_1047 = tpu.vector_load %arg6[%get3A_1046] {strides = array<i32>} : memref<3136xi32, #tpu.memory_space<vmem>>, vector<16xi32>,
    %gather3A_1048 = tpu.vector_load_idx %arg7[%get3A_1047] : memref<119xi32, #tpu.memory_space<vmem>>[vector<16xi32>], vector<16xi32>,
    %swap3A_1049 = arith.constant 9 : i32
    %swap3A_1050 = arith.index_cast %swap3A_1049 : i32 to index
    %swap3A_1051 = arith.constant 32 : index
    %swap3A_1052 = tpu.vector_load %arg8[%swap3A_1050, %swap3A_1051] {strides = array<i32>} : memref<25x125xi32, #tpu.memory_space<vmem>>, vector<16xi32>,
    tpu.vector_store %arg8[%swap3A_1050, %swap3A_1051], %gather3A_1048 {strides = array<i32>} : memref<25x125xi32, #tpu.memory_space<vmem>>, vector<16xi32>,
    %add3A_1053 = arith.constant 1125 : i32
    %add3A_1054 = arith.addi %sub3A_22, %add3A_1053 : i32
    %add3A_1055 = arith.constant 48 : i32
    %add3A_1056 = arith.addi %add3A_1054, %add3A_1055 : i32
    %get3A_1057 = arith.index_cast %add3A_1056 : i32 to index
    %get3A_1058 = tpu.vector_load %arg6[%get3A_1057] {strides = array<i32>} : memref<3136xi32, #tpu.memory_space<vmem>>, vector<16xi32>,
    %gather3A_1059 = tpu.vector_load_idx %arg7[%get3A_1058] : memref<119xi32, #tpu.memory_space<vmem>>[vector<16xi32>], vector<16xi32>,
    %swap3A_1060 = arith.constant 9 : i32
    %swap3A_1061 = arith.index_cast %swap3A_1060 : i32 to index
    %swap3A_1062 = arith.constant 48 : index
    %swap3A_1063 = tpu.vector_load %arg8[%swap3A_1061, %swap3A_1062] {strides = array<i32>} : memref<25x125xi32, #tpu.memory_space<vmem>>, vector<16xi32>,
    tpu.vector_store %arg8[%swap3A_1061, %swap3A_1062], %gather3A_1059 {strides = array<i32>} : memref<25x125xi32, #tpu.memory_space<vmem>>, vector<16xi32>,
    %add3A_1064 = arith.constant 1125 : i32
    %add3A_1065 = arith.addi %sub3A_22, %add3A_1064 : i32
    %add3A_1066 = arith.constant 64 : i32
    %add3A_1067 = arith.addi %add3A_1065, %add3A_1066 : i32
    %get3A_1068 = arith.index_cast %add3A_1067 : i32 to index
    %get3A_1069 = tpu.vector_load %arg6[%get3A_1068] {strides = array<i32>} : memref<3136xi32, #tpu.memory_space<vmem>>, vector<16xi32>,
    %gather3A_1070 = tpu.vector_load_idx %arg7[%get3A_1069] : memref<119xi32, #tpu.memory_space<vmem>>[vector<16xi32>], vector<16xi32>,
    %swap3A_1071 = arith.constant 9 : i32
    %swap3A_1072 = arith.index_cast %swap3A_1071 : i32 to index
    %swap3A_1073 = arith.constant 64 : index
    %swap3A_1074 = tpu.vector_load %arg8[%swap3A_1072, %swap3A_1073] {strides = array<i32>} : memref<25x125xi32, #tpu.memory_space<vmem>>, vector<16xi32>,
    tpu.vector_store %arg8[%swap3A_1072, %swap3A_1073], %gather3A_1070 {strides = array<i32>} : memref<25x125xi32, #tpu.memory_space<vmem>>, vector<16xi32>,
    %add3A_1075 = arith.constant 1125 : i32
    %add3A_1076 = arith.addi %sub3A_22, %add3A_1075 : i32
    %add3A_1077 = arith.constant 80 : i32
    %add3A_1078 = arith.addi %add3A_1076, %add3A_1077 : i32
    %get3A_1079 = arith.index_cast %add3A_1078 : i32 to index
    %get3A_1080 = tpu.vector_load %arg6[%get3A_1079] {strides = array<i32>} : memref<3136xi32, #tpu.memory_space<vmem>>, vector<16xi32>,
    %gather3A_1081 = tpu.vector_load_idx %arg7[%get3A_1080] : memref<119xi32, #tpu.memory_space<vmem>>[vector<16xi32>], vector<16xi32>,
    %swap3A_1082 = arith.constant 9 : i32
    %swap3A_1083 = arith.index_cast %swap3A_1082 : i32 to index
    %swap3A_1084 = arith.constant 80 : index
    %swap3A_1085 = tpu.vector_load %arg8[%swap3A_1083, %swap3A_1084] {strides = array<i32>} : memref<25x125xi32, #tpu.memory_space<vmem>>, vector<16xi32>,
    tpu.vector_store %arg8[%swap3A_1083, %swap3A_1084], %gather3A_1081 {strides = array<i32>} : memref<25x125xi32, #tpu.memory_space<vmem>>, vector<16xi32>,
    %add3A_1086 = arith.constant 1125 : i32
    %add3A_1087 = arith.addi %sub3A_22, %add3A_1086 : i32
    %add3A_1088 = arith.constant 96 : i32
    %add3A_1089 = arith.addi %add3A_1087, %add3A_1088 : i32
    %get3A_1090 = arith.index_cast %add3A_1089 : i32 to index
    %get3A_1091 = tpu.vector_load %arg6[%get3A_1090] {strides = array<i32>} : memref<3136xi32, #tpu.memory_space<vmem>>, vector<16xi32>,
    %gather3A_1092 = tpu.vector_load_idx %arg7[%get3A_1091] : memref<119xi32, #tpu.memory_space<vmem>>[vector<16xi32>], vector<16xi32>,
    %swap3A_1093 = arith.constant 9 : i32
    %swap3A_1094 = arith.index_cast %swap3A_1093 : i32 to index
    %swap3A_1095 = arith.constant 96 : index
    %swap3A_1096 = tpu.vector_load %arg8[%swap3A_1094, %swap3A_1095] {strides = array<i32>} : memref<25x125xi32, #tpu.memory_space<vmem>>, vector<16xi32>,
    tpu.vector_store %arg8[%swap3A_1094, %swap3A_1095], %gather3A_1092 {strides = array<i32>} : memref<25x125xi32, #tpu.memory_space<vmem>>, vector<16xi32>,
    %add3A_1097 = arith.constant 1125 : i32
    %add3A_1098 = arith.addi %sub3A_22, %add3A_1097 : i32
    %add3A_1099 = arith.constant 109 : i32
    %add3A_1100 = arith.addi %add3A_1098, %add3A_1099 : i32
    %get3A_1101 = arith.index_cast %add3A_1100 : i32 to index
    %get3A_1102 = tpu.vector_load %arg6[%get3A_1101] {strides = array<i32>} : memref<3136xi32, #tpu.memory_space<vmem>>, vector<16xi32>,
    %gather3A_1103 = tpu.vector_load_idx %arg7[%get3A_1102] : memref<119xi32, #tpu.memory_space<vmem>>[vector<16xi32>], vector<16xi32>,
    %swap3A_1104 = arith.constant 9 : i32
    %swap3A_1105 = arith.index_cast %swap3A_1104 : i32 to index
    %swap3A_1106 = arith.constant 109 : index
    %swap3A_1107 = tpu.vector_load %arg8[%swap3A_1105, %swap3A_1106] {strides = array<i32>} : memref<25x125xi32, #tpu.memory_space<vmem>>, vector<16xi32>,
    tpu.vector_store %arg8[%swap3A_1105, %swap3A_1106], %gather3A_1103 {strides = array<i32>} : memref<25x125xi32, #tpu.memory_space<vmem>>, vector<16xi32>,
    %dma_wait3A_1108 = arith.constant 0 : i32
    %dma_wait3A_1109 = tpu.memref_slice %arg5[%add3A_903, %dma_wait3A_1108] : memref<100000x128xf32, #tpu.memory_space<hbm>> -> memref<125x128xf32, #tpu.memory_space<hbm>>
    %dma_wait3A_1110 = arith.constant 0 : i32
    %dma_wait3A_1111 = tpu.memref_slice %arg5[%add3A_903, %dma_wait3A_1110] : memref<100000x128xf32, #tpu.memory_space<hbm>> -> memref<125x128xf32, #tpu.memory_space<hbm>>
    tpu.wait_dma2 semaphore(%arg14 : memref<!tpu.dma_semaphore, #tpu.memory_space<semaphore_mem>>) src(%arg11 : memref<125x128xf32, #tpu.memory_space<vmem>>) dst(%dma_wait3A_1111 : memref<125x128xf32, #tpu.memory_space<hbm>>)
    %dma_start3A_1112 = arith.constant 9 : i32
    %dma_start3A_1113 = arith.constant 0 : i32
    %dma_start3A_1114 = tpu.memref_slice %arg8[%dma_start3A_1112, %dma_start3A_1113] : memref<25x125xi32, #tpu.memory_space<vmem>> -> memref<1x125xi32, #tpu.memory_space<vmem>>
    %dma_start3A_1115 = tpu.memref_squeeze %dma_start3A_1114 : memref<1x125xi32, #tpu.memory_space<vmem>> -> memref<125xi32, #tpu.memory_space<vmem>>
    %dma_start3A_1116 = arith.constant 0 : i32
    %dma_start3A_1117 = arith.constant 0 : i32
    %dma_start3A_1118 = tpu.memref_slice %arg9[%dma_start3A_1116, %dma_start3A_1117] : memref<10x128xf32, #tpu.memory_space<vmem_shared>> -> memref<10x128xf32, #tpu.memory_space<vmem_shared>>
    tpu.enqueue_indirect_dma source(%dma_start3A_1118 : memref<10x128xf32, #tpu.memory_space<vmem_shared>>) target(%arg11 : memref<125x128xf32, #tpu.memory_space<vmem>>) offsets(%dma_start3A_1115 : memref<125xi32, #tpu.memory_space<vmem>>) semaphore(%arg12 : memref<!tpu.dma_semaphore, #tpu.memory_space<semaphore_mem>>)
    %dma_wait3A_1119 = arith.constant 9 : i32
    %dma_wait3A_1120 = arith.constant 0 : i32
    %dma_wait3A_1121 = tpu.memref_slice %arg8[%dma_wait3A_1119, %dma_wait3A_1120] : memref<25x125xi32, #tpu.memory_space<vmem>> -> memref<1x125xi32, #tpu.memory_space<vmem>>
    %dma_wait3A_1122 = tpu.memref_squeeze %dma_wait3A_1121 : memref<1x125xi32, #tpu.memory_space<vmem>> -> memref<125xi32, #tpu.memory_space<vmem>>
    %dma_wait3A_1123 = arith.constant 0 : i32
    %dma_wait3A_1124 = arith.constant 0 : i32
    %dma_wait3A_1125 = tpu.memref_slice %arg9[%dma_wait3A_1123, %dma_wait3A_1124] : memref<10x128xf32, #tpu.memory_space<vmem_shared>> -> memref<10x128xf32, #tpu.memory_space<vmem_shared>>
    tpu.wait_indirect_dma semaphore(%arg12 : memref<!tpu.dma_semaphore, #tpu.memory_space<semaphore_mem>>) src(%dma_wait3A_1125 : memref<10x128xf32, #tpu.memory_space<vmem_shared>>) dst(%arg11 : memref<125x128xf32, #tpu.memory_space<vmem>>)
    %add3A_1126 = arith.constant 1125 : i32
    %add3A_1127 = arith.addi %mul3A_2, %add3A_1126 : i32
    %dma_start3A_1128 = arith.constant 0 : i32
    %dma_start3A_1129 = tpu.memref_slice %arg5[%add3A_1127, %dma_start3A_1128] : memref<100000x128xf32, #tpu.memory_space<hbm>> -> memref<125x128xf32, #tpu.memory_space<hbm>>
    %dma_start3A_1130 = arith.constant 0 : i32
    %dma_start3A_1131 = tpu.memref_slice %arg5[%add3A_1127, %dma_start3A_1130] : memref<100000x128xf32, #tpu.memory_space<hbm>> -> memref<125x128xf32, #tpu.memory_space<hbm>>
    tpu.enqueue_dma source(%arg11 : memref<125x128xf32, #tpu.memory_space<vmem>>) target(%dma_start3A_1131 : memref<125x128xf32, #tpu.memory_space<hbm>>) target_semaphore(%arg14 : memref<!tpu.dma_semaphore, #tpu.memory_space<semaphore_mem>>)
    %add3A_1132 = arith.constant 1250 : i32
    %add3A_1133 = arith.addi %sub3A_22, %add3A_1132 : i32
    %add3A_1134 = arith.constant 0 : i32
    %add3A_1135 = arith.addi %add3A_1133, %add3A_1134 : i32
    %get3A_1136 = arith.index_cast %add3A_1135 : i32 to index
    %get3A_1137 = tpu.vector_load %arg6[%get3A_1136] {strides = array<i32>} : memref<3136xi32, #tpu.memory_space<vmem>>, vector<16xi32>,
    %gather3A_1138 = tpu.vector_load_idx %arg7[%get3A_1137] : memref<119xi32, #tpu.memory_space<vmem>>[vector<16xi32>], vector<16xi32>,
    %swap3A_1139 = arith.constant 10 : i32
    %swap3A_1140 = arith.index_cast %swap3A_1139 : i32 to index
    %swap3A_1141 = arith.constant 0 : index
    %swap3A_1142 = tpu.vector_load %arg8[%swap3A_1140, %swap3A_1141] {strides = array<i32>} : memref<25x125xi32, #tpu.memory_space<vmem>>, vector<16xi32>,
    tpu.vector_store %arg8[%swap3A_1140, %swap3A_1141], %gather3A_1138 {strides = array<i32>} : memref<25x125xi32, #tpu.memory_space<vmem>>, vector<16xi32>,
    %add3A_1143 = arith.constant 1250 : i32
    %add3A_1144 = arith.addi %sub3A_22, %add3A_1143 : i32
    %add3A_1145 = arith.constant 16 : i32
    %add3A_1146 = arith.addi %add3A_1144, %add3A_1145 : i32
    %get3A_1147 = arith.index_cast %add3A_1146 : i32 to index
    %get3A_1148 = tpu.vector_load %arg6[%get3A_1147] {strides = array<i32>} : memref<3136xi32, #tpu.memory_space<vmem>>, vector<16xi32>,
    %gather3A_1149 = tpu.vector_load_idx %arg7[%get3A_1148] : memref<119xi32, #tpu.memory_space<vmem>>[vector<16xi32>], vector<16xi32>,
    %swap3A_1150 = arith.constant 10 : i32
    %swap3A_1151 = arith.index_cast %swap3A_1150 : i32 to index
    %swap3A_1152 = arith.constant 16 : index
    %swap3A_1153 = tpu.vector_load %arg8[%swap3A_1151, %swap3A_1152] {strides = array<i32>} : memref<25x125xi32, #tpu.memory_space<vmem>>, vector<16xi32>,
    tpu.vector_store %arg8[%swap3A_1151, %swap3A_1152], %gather3A_1149 {strides = array<i32>} : memref<25x125xi32, #tpu.memory_space<vmem>>, vector<16xi32>,
    %add3A_1154 = arith.constant 1250 : i32
    %add3A_1155 = arith.addi %sub3A_22, %add3A_1154 : i32
    %add3A_1156 = arith.constant 32 : i32
    %add3A_1157 = arith.addi %add3A_1155, %add3A_1156 : i32
    %get3A_1158 = arith.index_cast %add3A_1157 : i32 to index
    %get3A_1159 = tpu.vector_load %arg6[%get3A_1158] {strides = array<i32>} : memref<3136xi32, #tpu.memory_space<vmem>>, vector<16xi32>,
    %gather3A_1160 = tpu.vector_load_idx %arg7[%get3A_1159] : memref<119xi32, #tpu.memory_space<vmem>>[vector<16xi32>], vector<16xi32>,
    %swap3A_1161 = arith.constant 10 : i32
    %swap3A_1162 = arith.index_cast %swap3A_1161 : i32 to index
    %swap3A_1163 = arith.constant 32 : index
    %swap3A_1164 = tpu.vector_load %arg8[%swap3A_1162, %swap3A_1163] {strides = array<i32>} : memref<25x125xi32, #tpu.memory_space<vmem>>, vector<16xi32>,
    tpu.vector_store %arg8[%swap3A_1162, %swap3A_1163], %gather3A_1160 {strides = array<i32>} : memref<25x125xi32, #tpu.memory_space<vmem>>, vector<16xi32>,
    %add3A_1165 = arith.constant 1250 : i32
    %add3A_1166 = arith.addi %sub3A_22, %add3A_1165 : i32
    %add3A_1167 = arith.constant 48 : i32
    %add3A_1168 = arith.addi %add3A_1166, %add3A_1167 : i32
    %get3A_1169 = arith.index_cast %add3A_1168 : i32 to index
    %get3A_1170 = tpu.vector_load %arg6[%get3A_1169] {strides = array<i32>} : memref<3136xi32, #tpu.memory_space<vmem>>, vector<16xi32>,
    %gather3A_1171 = tpu.vector_load_idx %arg7[%get3A_1170] : memref<119xi32, #tpu.memory_space<vmem>>[vector<16xi32>], vector<16xi32>,
    %swap3A_1172 = arith.constant 10 : i32
    %swap3A_1173 = arith.index_cast %swap3A_1172 : i32 to index
    %swap3A_1174 = arith.constant 48 : index
    %swap3A_1175 = tpu.vector_load %arg8[%swap3A_1173, %swap3A_1174] {strides = array<i32>} : memref<25x125xi32, #tpu.memory_space<vmem>>, vector<16xi32>,
    tpu.vector_store %arg8[%swap3A_1173, %swap3A_1174], %gather3A_1171 {strides = array<i32>} : memref<25x125xi32, #tpu.memory_space<vmem>>, vector<16xi32>,
    %add3A_1176 = arith.constant 1250 : i32
    %add3A_1177 = arith.addi %sub3A_22, %add3A_1176 : i32
    %add3A_1178 = arith.constant 64 : i32
    %add3A_1179 = arith.addi %add3A_1177, %add3A_1178 : i32
    %get3A_1180 = arith.index_cast %add3A_1179 : i32 to index
    %get3A_1181 = tpu.vector_load %arg6[%get3A_1180] {strides = array<i32>} : memref<3136xi32, #tpu.memory_space<vmem>>, vector<16xi32>,
    %gather3A_1182 = tpu.vector_load_idx %arg7[%get3A_1181] : memref<119xi32, #tpu.memory_space<vmem>>[vector<16xi32>], vector<16xi32>,
    %swap3A_1183 = arith.constant 10 : i32
    %swap3A_1184 = arith.index_cast %swap3A_1183 : i32 to index
    %swap3A_1185 = arith.constant 64 : index
    %swap3A_1186 = tpu.vector_load %arg8[%swap3A_1184, %swap3A_1185] {strides = array<i32>} : memref<25x125xi32, #tpu.memory_space<vmem>>, vector<16xi32>,
    tpu.vector_store %arg8[%swap3A_1184, %swap3A_1185], %gather3A_1182 {strides = array<i32>} : memref<25x125xi32, #tpu.memory_space<vmem>>, vector<16xi32>,
    %add3A_1187 = arith.constant 1250 : i32
    %add3A_1188 = arith.addi %sub3A_22, %add3A_1187 : i32
    %add3A_1189 = arith.constant 80 : i32
    %add3A_1190 = arith.addi %add3A_1188, %add3A_1189 : i32
    %get3A_1191 = arith.index_cast %add3A_1190 : i32 to index
    %get3A_1192 = tpu.vector_load %arg6[%get3A_1191] {strides = array<i32>} : memref<3136xi32, #tpu.memory_space<vmem>>, vector<16xi32>,
    %gather3A_1193 = tpu.vector_load_idx %arg7[%get3A_1192] : memref<119xi32, #tpu.memory_space<vmem>>[vector<16xi32>], vector<16xi32>,
    %swap3A_1194 = arith.constant 10 : i32
    %swap3A_1195 = arith.index_cast %swap3A_1194 : i32 to index
    %swap3A_1196 = arith.constant 80 : index
    %swap3A_1197 = tpu.vector_load %arg8[%swap3A_1195, %swap3A_1196] {strides = array<i32>} : memref<25x125xi32, #tpu.memory_space<vmem>>, vector<16xi32>,
    tpu.vector_store %arg8[%swap3A_1195, %swap3A_1196], %gather3A_1193 {strides = array<i32>} : memref<25x125xi32, #tpu.memory_space<vmem>>, vector<16xi32>,
    %add3A_1198 = arith.constant 1250 : i32
    %add3A_1199 = arith.addi %sub3A_22, %add3A_1198 : i32
    %add3A_1200 = arith.constant 96 : i32
    %add3A_1201 = arith.addi %add3A_1199, %add3A_1200 : i32
    %get3A_1202 = arith.index_cast %add3A_1201 : i32 to index
    %get3A_1203 = tpu.vector_load %arg6[%get3A_1202] {strides = array<i32>} : memref<3136xi32, #tpu.memory_space<vmem>>, vector<16xi32>,
    %gather3A_1204 = tpu.vector_load_idx %arg7[%get3A_1203] : memref<119xi32, #tpu.memory_space<vmem>>[vector<16xi32>], vector<16xi32>,
    %swap3A_1205 = arith.constant 10 : i32
    %swap3A_1206 = arith.index_cast %swap3A_1205 : i32 to index
    %swap3A_1207 = arith.constant 96 : index
    %swap3A_1208 = tpu.vector_load %arg8[%swap3A_1206, %swap3A_1207] {strides = array<i32>} : memref<25x125xi32, #tpu.memory_space<vmem>>, vector<16xi32>,
    tpu.vector_store %arg8[%swap3A_1206, %swap3A_1207], %gather3A_1204 {strides = array<i32>} : memref<25x125xi32, #tpu.memory_space<vmem>>, vector<16xi32>,
    %add3A_1209 = arith.constant 1250 : i32
    %add3A_1210 = arith.addi %sub3A_22, %add3A_1209 : i32
    %add3A_1211 = arith.constant 109 : i32
    %add3A_1212 = arith.addi %add3A_1210, %add3A_1211 : i32
    %get3A_1213 = arith.index_cast %add3A_1212 : i32 to index
    %get3A_1214 = tpu.vector_load %arg6[%get3A_1213] {strides = array<i32>} : memref<3136xi32, #tpu.memory_space<vmem>>, vector<16xi32>,
    %gather3A_1215 = tpu.vector_load_idx %arg7[%get3A_1214] : memref<119xi32, #tpu.memory_space<vmem>>[vector<16xi32>], vector<16xi32>,
    %swap3A_1216 = arith.constant 10 : i32
    %swap3A_1217 = arith.index_cast %swap3A_1216 : i32 to index
    %swap3A_1218 = arith.constant 109 : index
    %swap3A_1219 = tpu.vector_load %arg8[%swap3A_1217, %swap3A_1218] {strides = array<i32>} : memref<25x125xi32, #tpu.memory_space<vmem>>, vector<16xi32>,
    tpu.vector_store %arg8[%swap3A_1217, %swap3A_1218], %gather3A_1215 {strides = array<i32>} : memref<25x125xi32, #tpu.memory_space<vmem>>, vector<16xi32>,
    %dma_wait3A_1220 = arith.constant 0 : i32
    %dma_wait3A_1221 = tpu.memref_slice %arg5[%add3A_1015, %dma_wait3A_1220] : memref<100000x128xf32, #tpu.memory_space<hbm>> -> memref<125x128xf32, #tpu.memory_space<hbm>>
    %dma_wait3A_1222 = arith.constant 0 : i32
    %dma_wait3A_1223 = tpu.memref_slice %arg5[%add3A_1015, %dma_wait3A_1222] : memref<100000x128xf32, #tpu.memory_space<hbm>> -> memref<125x128xf32, #tpu.memory_space<hbm>>
    tpu.wait_dma2 semaphore(%arg13 : memref<!tpu.dma_semaphore, #tpu.memory_space<semaphore_mem>>) src(%arg10 : memref<125x128xf32, #tpu.memory_space<vmem>>) dst(%dma_wait3A_1223 : memref<125x128xf32, #tpu.memory_space<hbm>>)
    %dma_start3A_1224 = arith.constant 10 : i32
    %dma_start3A_1225 = arith.constant 0 : i32
    %dma_start3A_1226 = tpu.memref_slice %arg8[%dma_start3A_1224, %dma_start3A_1225] : memref<25x125xi32, #tpu.memory_space<vmem>> -> memref<1x125xi32, #tpu.memory_space<vmem>>
    %dma_start3A_1227 = tpu.memref_squeeze %dma_start3A_1226 : memref<1x125xi32, #tpu.memory_space<vmem>> -> memref<125xi32, #tpu.memory_space<vmem>>
    %dma_start3A_1228 = arith.constant 0 : i32
    %dma_start3A_1229 = arith.constant 0 : i32
    %dma_start3A_1230 = tpu.memref_slice %arg9[%dma_start3A_1228, %dma_start3A_1229] : memref<10x128xf32, #tpu.memory_space<vmem_shared>> -> memref<10x128xf32, #tpu.memory_space<vmem_shared>>
    tpu.enqueue_indirect_dma source(%dma_start3A_1230 : memref<10x128xf32, #tpu.memory_space<vmem_shared>>) target(%arg10 : memref<125x128xf32, #tpu.memory_space<vmem>>) offsets(%dma_start3A_1227 : memref<125xi32, #tpu.memory_space<vmem>>) semaphore(%arg12 : memref<!tpu.dma_semaphore, #tpu.memory_space<semaphore_mem>>)
    %dma_wait3A_1231 = arith.constant 10 : i32
    %dma_wait3A_1232 = arith.constant 0 : i32
    %dma_wait3A_1233 = tpu.memref_slice %arg8[%dma_wait3A_1231, %dma_wait3A_1232] : memref<25x125xi32, #tpu.memory_space<vmem>> -> memref<1x125xi32, #tpu.memory_space<vmem>>
    %dma_wait3A_1234 = tpu.memref_squeeze %dma_wait3A_1233 : memref<1x125xi32, #tpu.memory_space<vmem>> -> memref<125xi32, #tpu.memory_space<vmem>>
    %dma_wait3A_1235 = arith.constant 0 : i32
    %dma_wait3A_1236 = arith.constant 0 : i32
    %dma_wait3A_1237 = tpu.memref_slice %arg9[%dma_wait3A_1235, %dma_wait3A_1236] : memref<10x128xf32, #tpu.memory_space<vmem_shared>> -> memref<10x128xf32, #tpu.memory_space<vmem_shared>>
    tpu.wait_indirect_dma semaphore(%arg12 : memref<!tpu.dma_semaphore, #tpu.memory_space<semaphore_mem>>) src(%dma_wait3A_1237 : memref<10x128xf32, #tpu.memory_space<vmem_shared>>) dst(%arg10 : memref<125x128xf32, #tpu.memory_space<vmem>>)
    %add3A_1238 = arith.constant 1250 : i32
    %add3A_1239 = arith.addi %mul3A_2, %add3A_1238 : i32
    %dma_start3A_1240 = arith.constant 0 : i32
    %dma_start3A_1241 = tpu.memref_slice %arg5[%add3A_1239, %dma_start3A_1240] : memref<100000x128xf32, #tpu.memory_space<hbm>> -> memref<125x128xf32, #tpu.memory_space<hbm>>
    %dma_start3A_1242 = arith.constant 0 : i32
    %dma_start3A_1243 = tpu.memref_slice %arg5[%add3A_1239, %dma_start3A_1242] : memref<100000x128xf32, #tpu.memory_space<hbm>> -> memref<125x128xf32, #tpu.memory_space<hbm>>
    tpu.enqueue_dma source(%arg10 : memref<125x128xf32, #tpu.memory_space<vmem>>) target(%dma_start3A_1243 : memref<125x128xf32, #tpu.memory_space<hbm>>) target_semaphore(%arg13 : memref<!tpu.dma_semaphore, #tpu.memory_space<semaphore_mem>>)
    %add3A_1244 = arith.constant 1375 : i32
    %add3A_1245 = arith.addi %sub3A_22, %add3A_1244 : i32
    %add3A_1246 = arith.constant 0 : i32
    %add3A_1247 = arith.addi %add3A_1245, %add3A_1246 : i32
    %get3A_1248 = arith.index_cast %add3A_1247 : i32 to index
    %get3A_1249 = tpu.vector_load %arg6[%get3A_1248] {strides = array<i32>} : memref<3136xi32, #tpu.memory_space<vmem>>, vector<16xi32>,
    %gather3A_1250 = tpu.vector_load_idx %arg7[%get3A_1249] : memref<119xi32, #tpu.memory_space<vmem>>[vector<16xi32>], vector<16xi32>,
    %swap3A_1251 = arith.constant 11 : i32
    %swap3A_1252 = arith.index_cast %swap3A_1251 : i32 to index
    %swap3A_1253 = arith.constant 0 : index
    %swap3A_1254 = tpu.vector_load %arg8[%swap3A_1252, %swap3A_1253] {strides = array<i32>} : memref<25x125xi32, #tpu.memory_space<vmem>>, vector<16xi32>,
    tpu.vector_store %arg8[%swap3A_1252, %swap3A_1253], %gather3A_1250 {strides = array<i32>} : memref<25x125xi32, #tpu.memory_space<vmem>>, vector<16xi32>,
    %add3A_1255 = arith.constant 1375 : i32
    %add3A_1256 = arith.addi %sub3A_22, %add3A_1255 : i32
    %add3A_1257 = arith.constant 16 : i32
    %add3A_1258 = arith.addi %add3A_1256, %add3A_1257 : i32
    %get3A_1259 = arith.index_cast %add3A_1258 : i32 to index
    %get3A_1260 = tpu.vector_load %arg6[%get3A_1259] {strides = array<i32>} : memref<3136xi32, #tpu.memory_space<vmem>>, vector<16xi32>,
    %gather3A_1261 = tpu.vector_load_idx %arg7[%get3A_1260] : memref<119xi32, #tpu.memory_space<vmem>>[vector<16xi32>], vector<16xi32>,
    %swap3A_1262 = arith.constant 11 : i32
    %swap3A_1263 = arith.index_cast %swap3A_1262 : i32 to index
    %swap3A_1264 = arith.constant 16 : index
    %swap3A_1265 = tpu.vector_load %arg8[%swap3A_1263, %swap3A_1264] {strides = array<i32>} : memref<25x125xi32, #tpu.memory_space<vmem>>, vector<16xi32>,
    tpu.vector_store %arg8[%swap3A_1263, %swap3A_1264], %gather3A_1261 {strides = array<i32>} : memref<25x125xi32, #tpu.memory_space<vmem>>, vector<16xi32>,
    %add3A_1266 = arith.constant 1375 : i32
    %add3A_1267 = arith.addi %sub3A_22, %add3A_1266 : i32
    %add3A_1268 = arith.constant 32 : i32
    %add3A_1269 = arith.addi %add3A_1267, %add3A_1268 : i32
    %get3A_1270 = arith.index_cast %add3A_1269 : i32 to index
    %get3A_1271 = tpu.vector_load %arg6[%get3A_1270] {strides = array<i32>} : memref<3136xi32, #tpu.memory_space<vmem>>, vector<16xi32>,
    %gather3A_1272 = tpu.vector_load_idx %arg7[%get3A_1271] : memref<119xi32, #tpu.memory_space<vmem>>[vector<16xi32>], vector<16xi32>,
    %swap3A_1273 = arith.constant 11 : i32
    %swap3A_1274 = arith.index_cast %swap3A_1273 : i32 to index
    %swap3A_1275 = arith.constant 32 : index
    %swap3A_1276 = tpu.vector_load %arg8[%swap3A_1274, %swap3A_1275] {strides = array<i32>} : memref<25x125xi32, #tpu.memory_space<vmem>>, vector<16xi32>,
    tpu.vector_store %arg8[%swap3A_1274, %swap3A_1275], %gather3A_1272 {strides = array<i32>} : memref<25x125xi32, #tpu.memory_space<vmem>>, vector<16xi32>,
    %add3A_1277 = arith.constant 1375 : i32
    %add3A_1278 = arith.addi %sub3A_22, %add3A_1277 : i32
    %add3A_1279 = arith.constant 48 : i32
    %add3A_1280 = arith.addi %add3A_1278, %add3A_1279 : i32
    %get3A_1281 = arith.index_cast %add3A_1280 : i32 to index
    %get3A_1282 = tpu.vector_load %arg6[%get3A_1281] {strides = array<i32>} : memref<3136xi32, #tpu.memory_space<vmem>>, vector<16xi32>,
    %gather3A_1283 = tpu.vector_load_idx %arg7[%get3A_1282] : memref<119xi32, #tpu.memory_space<vmem>>[vector<16xi32>], vector<16xi32>,
    %swap3A_1284 = arith.constant 11 : i32
    %swap3A_1285 = arith.index_cast %swap3A_1284 : i32 to index
    %swap3A_1286 = arith.constant 48 : index
    %swap3A_1287 = tpu.vector_load %arg8[%swap3A_1285, %swap3A_1286] {strides = array<i32>} : memref<25x125xi32, #tpu.memory_space<vmem>>, vector<16xi32>,
    tpu.vector_store %arg8[%swap3A_1285, %swap3A_1286], %gather3A_1283 {strides = array<i32>} : memref<25x125xi32, #tpu.memory_space<vmem>>, vector<16xi32>,
    %add3A_1288 = arith.constant 1375 : i32
    %add3A_1289 = arith.addi %sub3A_22, %add3A_1288 : i32
    %add3A_1290 = arith.constant 64 : i32
    %add3A_1291 = arith.addi %add3A_1289, %add3A_1290 : i32
    %get3A_1292 = arith.index_cast %add3A_1291 : i32 to index
    %get3A_1293 = tpu.vector_load %arg6[%get3A_1292] {strides = array<i32>} : memref<3136xi32, #tpu.memory_space<vmem>>, vector<16xi32>,
    %gather3A_1294 = tpu.vector_load_idx %arg7[%get3A_1293] : memref<119xi32, #tpu.memory_space<vmem>>[vector<16xi32>], vector<16xi32>,
    %swap3A_1295 = arith.constant 11 : i32
    %swap3A_1296 = arith.index_cast %swap3A_1295 : i32 to index
    %swap3A_1297 = arith.constant 64 : index
    %swap3A_1298 = tpu.vector_load %arg8[%swap3A_1296, %swap3A_1297] {strides = array<i32>} : memref<25x125xi32, #tpu.memory_space<vmem>>, vector<16xi32>,
    tpu.vector_store %arg8[%swap3A_1296, %swap3A_1297], %gather3A_1294 {strides = array<i32>} : memref<25x125xi32, #tpu.memory_space<vmem>>, vector<16xi32>,
    %add3A_1299 = arith.constant 1375 : i32
    %add3A_1300 = arith.addi %sub3A_22, %add3A_1299 : i32
    %add3A_1301 = arith.constant 80 : i32
    %add3A_1302 = arith.addi %add3A_1300, %add3A_1301 : i32
    %get3A_1303 = arith.index_cast %add3A_1302 : i32 to index
    %get3A_1304 = tpu.vector_load %arg6[%get3A_1303] {strides = array<i32>} : memref<3136xi32, #tpu.memory_space<vmem>>, vector<16xi32>,
    %gather3A_1305 = tpu.vector_load_idx %arg7[%get3A_1304] : memref<119xi32, #tpu.memory_space<vmem>>[vector<16xi32>], vector<16xi32>,
    %swap3A_1306 = arith.constant 11 : i32
    %swap3A_1307 = arith.index_cast %swap3A_1306 : i32 to index
    %swap3A_1308 = arith.constant 80 : index
    %swap3A_1309 = tpu.vector_load %arg8[%swap3A_1307, %swap3A_1308] {strides = array<i32>} : memref<25x125xi32, #tpu.memory_space<vmem>>, vector<16xi32>,
    tpu.vector_store %arg8[%swap3A_1307, %swap3A_1308], %gather3A_1305 {strides = array<i32>} : memref<25x125xi32, #tpu.memory_space<vmem>>, vector<16xi32>,
    %add3A_1310 = arith.constant 1375 : i32
    %add3A_1311 = arith.addi %sub3A_22, %add3A_1310 : i32
    %add3A_1312 = arith.constant 96 : i32
    %add3A_1313 = arith.addi %add3A_1311, %add3A_1312 : i32
    %get3A_1314 = arith.index_cast %add3A_1313 : i32 to index
    %get3A_1315 = tpu.vector_load %arg6[%get3A_1314] {strides = array<i32>} : memref<3136xi32, #tpu.memory_space<vmem>>, vector<16xi32>,
    %gather3A_1316 = tpu.vector_load_idx %arg7[%get3A_1315] : memref<119xi32, #tpu.memory_space<vmem>>[vector<16xi32>], vector<16xi32>,
    %swap3A_1317 = arith.constant 11 : i32
    %swap3A_1318 = arith.index_cast %swap3A_1317 : i32 to index
    %swap3A_1319 = arith.constant 96 : index
    %swap3A_1320 = tpu.vector_load %arg8[%swap3A_1318, %swap3A_1319] {strides = array<i32>} : memref<25x125xi32, #tpu.memory_space<vmem>>, vector<16xi32>,
    tpu.vector_store %arg8[%swap3A_1318, %swap3A_1319], %gather3A_1316 {strides = array<i32>} : memref<25x125xi32, #tpu.memory_space<vmem>>, vector<16xi32>,
    %add3A_1321 = arith.constant 1375 : i32
    %add3A_1322 = arith.addi %sub3A_22, %add3A_1321 : i32
    %add3A_1323 = arith.constant 109 : i32
    %add3A_1324 = arith.addi %add3A_1322, %add3A_1323 : i32
    %get3A_1325 = arith.index_cast %add3A_1324 : i32 to index
    %get3A_1326 = tpu.vector_load %arg6[%get3A_1325] {strides = array<i32>} : memref<3136xi32, #tpu.memory_space<vmem>>, vector<16xi32>,
    %gather3A_1327 = tpu.vector_load_idx %arg7[%get3A_1326] : memref<119xi32, #tpu.memory_space<vmem>>[vector<16xi32>], vector<16xi32>,
    %swap3A_1328 = arith.constant 11 : i32
    %swap3A_1329 = arith.index_cast %swap3A_1328 : i32 to index
    %swap3A_1330 = arith.constant 109 : index
    %swap3A_1331 = tpu.vector_load %arg8[%swap3A_1329, %swap3A_1330] {strides = array<i32>} : memref<25x125xi32, #tpu.memory_space<vmem>>, vector<16xi32>,
    tpu.vector_store %arg8[%swap3A_1329, %swap3A_1330], %gather3A_1327 {strides = array<i32>} : memref<25x125xi32, #tpu.memory_space<vmem>>, vector<16xi32>,
    %dma_wait3A_1332 = arith.constant 0 : i32
    %dma_wait3A_1333 = tpu.memref_slice %arg5[%add3A_1127, %dma_wait3A_1332] : memref<100000x128xf32, #tpu.memory_space<hbm>> -> memref<125x128xf32, #tpu.memory_space<hbm>>
    %dma_wait3A_1334 = arith.constant 0 : i32
    %dma_wait3A_1335 = tpu.memref_slice %arg5[%add3A_1127, %dma_wait3A_1334] : memref<100000x128xf32, #tpu.memory_space<hbm>> -> memref<125x128xf32, #tpu.memory_space<hbm>>
    tpu.wait_dma2 semaphore(%arg14 : memref<!tpu.dma_semaphore, #tpu.memory_space<semaphore_mem>>) src(%arg11 : memref<125x128xf32, #tpu.memory_space<vmem>>) dst(%dma_wait3A_1335 : memref<125x128xf32, #tpu.memory_space<hbm>>)
    %dma_start3A_1336 = arith.constant 11 : i32
    %dma_start3A_1337 = arith.constant 0 : i32
    %dma_start3A_1338 = tpu.memref_slice %arg8[%dma_start3A_1336, %dma_start3A_1337] : memref<25x125xi32, #tpu.memory_space<vmem>> -> memref<1x125xi32, #tpu.memory_space<vmem>>
    %dma_start3A_1339 = tpu.memref_squeeze %dma_start3A_1338 : memref<1x125xi32, #tpu.memory_space<vmem>> -> memref<125xi32, #tpu.memory_space<vmem>>
    %dma_start3A_1340 = arith.constant 0 : i32
    %dma_start3A_1341 = arith.constant 0 : i32
    %dma_start3A_1342 = tpu.memref_slice %arg9[%dma_start3A_1340, %dma_start3A_1341] : memref<10x128xf32, #tpu.memory_space<vmem_shared>> -> memref<10x128xf32, #tpu.memory_space<vmem_shared>>
    tpu.enqueue_indirect_dma source(%dma_start3A_1342 : memref<10x128xf32, #tpu.memory_space<vmem_shared>>) target(%arg11 : memref<125x128xf32, #tpu.memory_space<vmem>>) offsets(%dma_start3A_1339 : memref<125xi32, #tpu.memory_space<vmem>>) semaphore(%arg12 : memref<!tpu.dma_semaphore, #tpu.memory_space<semaphore_mem>>)
    %dma_wait3A_1343 = arith.constant 11 : i32
    %dma_wait3A_1344 = arith.constant 0 : i32
    %dma_wait3A_1345 = tpu.memref_slice %arg8[%dma_wait3A_1343, %dma_wait3A_1344] : memref<25x125xi32, #tpu.memory_space<vmem>> -> memref<1x125xi32, #tpu.memory_space<vmem>>
    %dma_wait3A_1346 = tpu.memref_squeeze %dma_wait3A_1345 : memref<1x125xi32, #tpu.memory_space<vmem>> -> memref<125xi32, #tpu.memory_space<vmem>>
    %dma_wait3A_1347 = arith.constant 0 : i32
    %dma_wait3A_1348 = arith.constant 0 : i32
    %dma_wait3A_1349 = tpu.memref_slice %arg9[%dma_wait3A_1347, %dma_wait3A_1348] : memref<10x128xf32, #tpu.memory_space<vmem_shared>> -> memref<10x128xf32, #tpu.memory_space<vmem_shared>>
    tpu.wait_indirect_dma semaphore(%arg12 : memref<!tpu.dma_semaphore, #tpu.memory_space<semaphore_mem>>) src(%dma_wait3A_1349 : memref<10x128xf32, #tpu.memory_space<vmem_shared>>) dst(%arg11 : memref<125x128xf32, #tpu.memory_space<vmem>>)
    %add3A_1350 = arith.constant 1375 : i32
    %add3A_1351 = arith.addi %mul3A_2, %add3A_1350 : i32
    %dma_start3A_1352 = arith.constant 0 : i32
    %dma_start3A_1353 = tpu.memref_slice %arg5[%add3A_1351, %dma_start3A_1352] : memref<100000x128xf32, #tpu.memory_space<hbm>> -> memref<125x128xf32, #tpu.memory_space<hbm>>
    %dma_start3A_1354 = arith.constant 0 : i32
    %dma_start3A_1355 = tpu.memref_slice %arg5[%add3A_1351, %dma_start3A_1354] : memref<100000x128xf32, #tpu.memory_space<hbm>> -> memref<125x128xf32, #tpu.memory_space<hbm>>
    tpu.enqueue_dma source(%arg11 : memref<125x128xf32, #tpu.memory_space<vmem>>) target(%dma_start3A_1355 : memref<125x128xf32, #tpu.memory_space<hbm>>) target_semaphore(%arg14 : memref<!tpu.dma_semaphore, #tpu.memory_space<semaphore_mem>>)
    %add3A_1356 = arith.constant 1500 : i32
    %add3A_1357 = arith.addi %sub3A_22, %add3A_1356 : i32
    %add3A_1358 = arith.constant 0 : i32
    %add3A_1359 = arith.addi %add3A_1357, %add3A_1358 : i32
    %get3A_1360 = arith.index_cast %add3A_1359 : i32 to index
    %get3A_1361 = tpu.vector_load %arg6[%get3A_1360] {strides = array<i32>} : memref<3136xi32, #tpu.memory_space<vmem>>, vector<16xi32>,
    %gather3A_1362 = tpu.vector_load_idx %arg7[%get3A_1361] : memref<119xi32, #tpu.memory_space<vmem>>[vector<16xi32>], vector<16xi32>,
    %swap3A_1363 = arith.constant 12 : i32
    %swap3A_1364 = arith.index_cast %swap3A_1363 : i32 to index
    %swap3A_1365 = arith.constant 0 : index
    %swap3A_1366 = tpu.vector_load %arg8[%swap3A_1364, %swap3A_1365] {strides = array<i32>} : memref<25x125xi32, #tpu.memory_space<vmem>>, vector<16xi32>,
    tpu.vector_store %arg8[%swap3A_1364, %swap3A_1365], %gather3A_1362 {strides = array<i32>} : memref<25x125xi32, #tpu.memory_space<vmem>>, vector<16xi32>,
    %add3A_1367 = arith.constant 1500 : i32
    %add3A_1368 = arith.addi %sub3A_22, %add3A_1367 : i32
    %add3A_1369 = arith.constant 16 : i32
    %add3A_1370 = arith.addi %add3A_1368, %add3A_1369 : i32
    %get3A_1371 = arith.index_cast %add3A_1370 : i32 to index
    %get3A_1372 = tpu.vector_load %arg6[%get3A_1371] {strides = array<i32>} : memref<3136xi32, #tpu.memory_space<vmem>>, vector<16xi32>,
    %gather3A_1373 = tpu.vector_load_idx %arg7[%get3A_1372] : memref<119xi32, #tpu.memory_space<vmem>>[vector<16xi32>], vector<16xi32>,
    %swap3A_1374 = arith.constant 12 : i32
    %swap3A_1375 = arith.index_cast %swap3A_1374 : i32 to index
    %swap3A_1376 = arith.constant 16 : index
    %swap3A_1377 = tpu.vector_load %arg8[%swap3A_1375, %swap3A_1376] {strides = array<i32>} : memref<25x125xi32, #tpu.memory_space<vmem>>, vector<16xi32>,
    tpu.vector_store %arg8[%swap3A_1375, %swap3A_1376], %gather3A_1373 {strides = array<i32>} : memref<25x125xi32, #tpu.memory_space<vmem>>, vector<16xi32>,
    %add3A_1378 = arith.constant 1500 : i32
    %add3A_1379 = arith.addi %sub3A_22, %add3A_1378 : i32
    %add3A_1380 = arith.constant 32 : i32
    %add3A_1381 = arith.addi %add3A_1379, %add3A_1380 : i32
    %get3A_1382 = arith.index_cast %add3A_1381 : i32 to index
    %get3A_1383 = tpu.vector_load %arg6[%get3A_1382] {strides = array<i32>} : memref<3136xi32, #tpu.memory_space<vmem>>, vector<16xi32>,
    %gather3A_1384 = tpu.vector_load_idx %arg7[%get3A_1383] : memref<119xi32, #tpu.memory_space<vmem>>[vector<16xi32>], vector<16xi32>,
    %swap3A_1385 = arith.constant 12 : i32
    %swap3A_1386 = arith.index_cast %swap3A_1385 : i32 to index
    %swap3A_1387 = arith.constant 32 : index
    %swap3A_1388 = tpu.vector_load %arg8[%swap3A_1386, %swap3A_1387] {strides = array<i32>} : memref<25x125xi32, #tpu.memory_space<vmem>>, vector<16xi32>,
    tpu.vector_store %arg8[%swap3A_1386, %swap3A_1387], %gather3A_1384 {strides = array<i32>} : memref<25x125xi32, #tpu.memory_space<vmem>>, vector<16xi32>,
    %add3A_1389 = arith.constant 1500 : i32
    %add3A_1390 = arith.addi %sub3A_22, %add3A_1389 : i32
    %add3A_1391 = arith.constant 48 : i32
    %add3A_1392 = arith.addi %add3A_1390, %add3A_1391 : i32
    %get3A_1393 = arith.index_cast %add3A_1392 : i32 to index
    %get3A_1394 = tpu.vector_load %arg6[%get3A_1393] {strides = array<i32>} : memref<3136xi32, #tpu.memory_space<vmem>>, vector<16xi32>,
    %gather3A_1395 = tpu.vector_load_idx %arg7[%get3A_1394] : memref<119xi32, #tpu.memory_space<vmem>>[vector<16xi32>], vector<16xi32>,
    %swap3A_1396 = arith.constant 12 : i32
    %swap3A_1397 = arith.index_cast %swap3A_1396 : i32 to index
    %swap3A_1398 = arith.constant 48 : index
    %swap3A_1399 = tpu.vector_load %arg8[%swap3A_1397, %swap3A_1398] {strides = array<i32>} : memref<25x125xi32, #tpu.memory_space<vmem>>, vector<16xi32>,
    tpu.vector_store %arg8[%swap3A_1397, %swap3A_1398], %gather3A_1395 {strides = array<i32>} : memref<25x125xi32, #tpu.memory_space<vmem>>, vector<16xi32>,
    %add3A_1400 = arith.constant 1500 : i32
    %add3A_1401 = arith.addi %sub3A_22, %add3A_1400 : i32
    %add3A_1402 = arith.constant 64 : i32
    %add3A_1403 = arith.addi %add3A_1401, %add3A_1402 : i32
    %get3A_1404 = arith.index_cast %add3A_1403 : i32 to index
    %get3A_1405 = tpu.vector_load %arg6[%get3A_1404] {strides = array<i32>} : memref<3136xi32, #tpu.memory_space<vmem>>, vector<16xi32>,
    %gather3A_1406 = tpu.vector_load_idx %arg7[%get3A_1405] : memref<119xi32, #tpu.memory_space<vmem>>[vector<16xi32>], vector<16xi32>,
    %swap3A_1407 = arith.constant 12 : i32
    %swap3A_1408 = arith.index_cast %swap3A_1407 : i32 to index
    %swap3A_1409 = arith.constant 64 : index
    %swap3A_1410 = tpu.vector_load %arg8[%swap3A_1408, %swap3A_1409] {strides = array<i32>} : memref<25x125xi32, #tpu.memory_space<vmem>>, vector<16xi32>,
    tpu.vector_store %arg8[%swap3A_1408, %swap3A_1409], %gather3A_1406 {strides = array<i32>} : memref<25x125xi32, #tpu.memory_space<vmem>>, vector<16xi32>,
    %add3A_1411 = arith.constant 1500 : i32
    %add3A_1412 = arith.addi %sub3A_22, %add3A_1411 : i32
    %add3A_1413 = arith.constant 80 : i32
    %add3A_1414 = arith.addi %add3A_1412, %add3A_1413 : i32
    %get3A_1415 = arith.index_cast %add3A_1414 : i32 to index
    %get3A_1416 = tpu.vector_load %arg6[%get3A_1415] {strides = array<i32>} : memref<3136xi32, #tpu.memory_space<vmem>>, vector<16xi32>,
    %gather3A_1417 = tpu.vector_load_idx %arg7[%get3A_1416] : memref<119xi32, #tpu.memory_space<vmem>>[vector<16xi32>], vector<16xi32>,
    %swap3A_1418 = arith.constant 12 : i32
    %swap3A_1419 = arith.index_cast %swap3A_1418 : i32 to index
    %swap3A_1420 = arith.constant 80 : index
    %swap3A_1421 = tpu.vector_load %arg8[%swap3A_1419, %swap3A_1420] {strides = array<i32>} : memref<25x125xi32, #tpu.memory_space<vmem>>, vector<16xi32>,
    tpu.vector_store %arg8[%swap3A_1419, %swap3A_1420], %gather3A_1417 {strides = array<i32>} : memref<25x125xi32, #tpu.memory_space<vmem>>, vector<16xi32>,
    %add3A_1422 = arith.constant 1500 : i32
    %add3A_1423 = arith.addi %sub3A_22, %add3A_1422 : i32
    %add3A_1424 = arith.constant 96 : i32
    %add3A_1425 = arith.addi %add3A_1423, %add3A_1424 : i32
    %get3A_1426 = arith.index_cast %add3A_1425 : i32 to index
    %get3A_1427 = tpu.vector_load %arg6[%get3A_1426] {strides = array<i32>} : memref<3136xi32, #tpu.memory_space<vmem>>, vector<16xi32>,
    %gather3A_1428 = tpu.vector_load_idx %arg7[%get3A_1427] : memref<119xi32, #tpu.memory_space<vmem>>[vector<16xi32>], vector<16xi32>,
    %swap3A_1429 = arith.constant 12 : i32
    %swap3A_1430 = arith.index_cast %swap3A_1429 : i32 to index
    %swap3A_1431 = arith.constant 96 : index
    %swap3A_1432 = tpu.vector_load %arg8[%swap3A_1430, %swap3A_1431] {strides = array<i32>} : memref<25x125xi32, #tpu.memory_space<vmem>>, vector<16xi32>,
    tpu.vector_store %arg8[%swap3A_1430, %swap3A_1431], %gather3A_1428 {strides = array<i32>} : memref<25x125xi32, #tpu.memory_space<vmem>>, vector<16xi32>,
    %add3A_1433 = arith.constant 1500 : i32
    %add3A_1434 = arith.addi %sub3A_22, %add3A_1433 : i32
    %add3A_1435 = arith.constant 109 : i32
    %add3A_1436 = arith.addi %add3A_1434, %add3A_1435 : i32
    %get3A_1437 = arith.index_cast %add3A_1436 : i32 to index
    %get3A_1438 = tpu.vector_load %arg6[%get3A_1437] {strides = array<i32>} : memref<3136xi32, #tpu.memory_space<vmem>>, vector<16xi32>,
    %gather3A_1439 = tpu.vector_load_idx %arg7[%get3A_1438] : memref<119xi32, #tpu.memory_space<vmem>>[vector<16xi32>], vector<16xi32>,
    %swap3A_1440 = arith.constant 12 : i32
    %swap3A_1441 = arith.index_cast %swap3A_1440 : i32 to index
    %swap3A_1442 = arith.constant 109 : index
    %swap3A_1443 = tpu.vector_load %arg8[%swap3A_1441, %swap3A_1442] {strides = array<i32>} : memref<25x125xi32, #tpu.memory_space<vmem>>, vector<16xi32>,
    tpu.vector_store %arg8[%swap3A_1441, %swap3A_1442], %gather3A_1439 {strides = array<i32>} : memref<25x125xi32, #tpu.memory_space<vmem>>, vector<16xi32>,
    %dma_wait3A_1444 = arith.constant 0 : i32
    %dma_wait3A_1445 = tpu.memref_slice %arg5[%add3A_1239, %dma_wait3A_1444] : memref<100000x128xf32, #tpu.memory_space<hbm>> -> memref<125x128xf32, #tpu.memory_space<hbm>>
    %dma_wait3A_1446 = arith.constant 0 : i32
    %dma_wait3A_1447 = tpu.memref_slice %arg5[%add3A_1239, %dma_wait3A_1446] : memref<100000x128xf32, #tpu.memory_space<hbm>> -> memref<125x128xf32, #tpu.memory_space<hbm>>
    tpu.wait_dma2 semaphore(%arg13 : memref<!tpu.dma_semaphore, #tpu.memory_space<semaphore_mem>>) src(%arg10 : memref<125x128xf32, #tpu.memory_space<vmem>>) dst(%dma_wait3A_1447 : memref<125x128xf32, #tpu.memory_space<hbm>>)
    %dma_start3A_1448 = arith.constant 12 : i32
    %dma_start3A_1449 = arith.constant 0 : i32
    %dma_start3A_1450 = tpu.memref_slice %arg8[%dma_start3A_1448, %dma_start3A_1449] : memref<25x125xi32, #tpu.memory_space<vmem>> -> memref<1x125xi32, #tpu.memory_space<vmem>>
    %dma_start3A_1451 = tpu.memref_squeeze %dma_start3A_1450 : memref<1x125xi32, #tpu.memory_space<vmem>> -> memref<125xi32, #tpu.memory_space<vmem>>
    %dma_start3A_1452 = arith.constant 0 : i32
    %dma_start3A_1453 = arith.constant 0 : i32
    %dma_start3A_1454 = tpu.memref_slice %arg9[%dma_start3A_1452, %dma_start3A_1453] : memref<10x128xf32, #tpu.memory_space<vmem_shared>> -> memref<10x128xf32, #tpu.memory_space<vmem_shared>>
    tpu.enqueue_indirect_dma source(%dma_start3A_1454 : memref<10x128xf32, #tpu.memory_space<vmem_shared>>) target(%arg10 : memref<125x128xf32, #tpu.memory_space<vmem>>) offsets(%dma_start3A_1451 : memref<125xi32, #tpu.memory_space<vmem>>) semaphore(%arg12 : memref<!tpu.dma_semaphore, #tpu.memory_space<semaphore_mem>>)
    %dma_wait3A_1455 = arith.constant 12 : i32
    %dma_wait3A_1456 = arith.constant 0 : i32
    %dma_wait3A_1457 = tpu.memref_slice %arg8[%dma_wait3A_1455, %dma_wait3A_1456] : memref<25x125xi32, #tpu.memory_space<vmem>> -> memref<1x125xi32, #tpu.memory_space<vmem>>
    %dma_wait3A_1458 = tpu.memref_squeeze %dma_wait3A_1457 : memref<1x125xi32, #tpu.memory_space<vmem>> -> memref<125xi32, #tpu.memory_space<vmem>>
    %dma_wait3A_1459 = arith.constant 0 : i32
    %dma_wait3A_1460 = arith.constant 0 : i32
    %dma_wait3A_1461 = tpu.memref_slice %arg9[%dma_wait3A_1459, %dma_wait3A_1460] : memref<10x128xf32, #tpu.memory_space<vmem_shared>> -> memref<10x128xf32, #tpu.memory_space<vmem_shared>>
    tpu.wait_indirect_dma semaphore(%arg12 : memref<!tpu.dma_semaphore, #tpu.memory_space<semaphore_mem>>) src(%dma_wait3A_1461 : memref<10x128xf32, #tpu.memory_space<vmem_shared>>) dst(%arg10 : memref<125x128xf32, #tpu.memory_space<vmem>>)
    %add3A_1462 = arith.constant 1500 : i32
    %add3A_1463 = arith.addi %mul3A_2, %add3A_1462 : i32
    %dma_start3A_1464 = arith.constant 0 : i32
    %dma_start3A_1465 = tpu.memref_slice %arg5[%add3A_1463, %dma_start3A_1464] : memref<100000x128xf32, #tpu.memory_space<hbm>> -> memref<125x128xf32, #tpu.memory_space<hbm>>
    %dma_start3A_1466 = arith.constant 0 : i32
    %dma_start3A_1467 = tpu.memref_slice %arg5[%add3A_1463, %dma_start3A_1466] : memref<100000x128xf32, #tpu.memory_space<hbm>> -> memref<125x128xf32, #tpu.memory_space<hbm>>
    tpu.enqueue_dma source(%arg10 : memref<125x128xf32, #tpu.memory_space<vmem>>) target(%dma_start3A_1467 : memref<125x128xf32, #tpu.memory_space<hbm>>) target_semaphore(%arg13 : memref<!tpu.dma_semaphore, #tpu.memory_space<semaphore_mem>>)
    %add3A_1468 = arith.constant 1625 : i32
    %add3A_1469 = arith.addi %sub3A_22, %add3A_1468 : i32
    %add3A_1470 = arith.constant 0 : i32
    %add3A_1471 = arith.addi %add3A_1469, %add3A_1470 : i32
    %get3A_1472 = arith.index_cast %add3A_1471 : i32 to index
    %get3A_1473 = tpu.vector_load %arg6[%get3A_1472] {strides = array<i32>} : memref<3136xi32, #tpu.memory_space<vmem>>, vector<16xi32>,
    %gather3A_1474 = tpu.vector_load_idx %arg7[%get3A_1473] : memref<119xi32, #tpu.memory_space<vmem>>[vector<16xi32>], vector<16xi32>,
    %swap3A_1475 = arith.constant 13 : i32
    %swap3A_1476 = arith.index_cast %swap3A_1475 : i32 to index
    %swap3A_1477 = arith.constant 0 : index
    %swap3A_1478 = tpu.vector_load %arg8[%swap3A_1476, %swap3A_1477] {strides = array<i32>} : memref<25x125xi32, #tpu.memory_space<vmem>>, vector<16xi32>,
    tpu.vector_store %arg8[%swap3A_1476, %swap3A_1477], %gather3A_1474 {strides = array<i32>} : memref<25x125xi32, #tpu.memory_space<vmem>>, vector<16xi32>,
    %add3A_1479 = arith.constant 1625 : i32
    %add3A_1480 = arith.addi %sub3A_22, %add3A_1479 : i32
    %add3A_1481 = arith.constant 16 : i32
    %add3A_1482 = arith.addi %add3A_1480, %add3A_1481 : i32
    %get3A_1483 = arith.index_cast %add3A_1482 : i32 to index
    %get3A_1484 = tpu.vector_load %arg6[%get3A_1483] {strides = array<i32>} : memref<3136xi32, #tpu.memory_space<vmem>>, vector<16xi32>,
    %gather3A_1485 = tpu.vector_load_idx %arg7[%get3A_1484] : memref<119xi32, #tpu.memory_space<vmem>>[vector<16xi32>], vector<16xi32>,
    %swap3A_1486 = arith.constant 13 : i32
    %swap3A_1487 = arith.index_cast %swap3A_1486 : i32 to index
    %swap3A_1488 = arith.constant 16 : index
    %swap3A_1489 = tpu.vector_load %arg8[%swap3A_1487, %swap3A_1488] {strides = array<i32>} : memref<25x125xi32, #tpu.memory_space<vmem>>, vector<16xi32>,
    tpu.vector_store %arg8[%swap3A_1487, %swap3A_1488], %gather3A_1485 {strides = array<i32>} : memref<25x125xi32, #tpu.memory_space<vmem>>, vector<16xi32>,
    %add3A_1490 = arith.constant 1625 : i32
    %add3A_1491 = arith.addi %sub3A_22, %add3A_1490 : i32
    %add3A_1492 = arith.constant 32 : i32
    %add3A_1493 = arith.addi %add3A_1491, %add3A_1492 : i32
    %get3A_1494 = arith.index_cast %add3A_1493 : i32 to index
    %get3A_1495 = tpu.vector_load %arg6[%get3A_1494] {strides = array<i32>} : memref<3136xi32, #tpu.memory_space<vmem>>, vector<16xi32>,
    %gather3A_1496 = tpu.vector_load_idx %arg7[%get3A_1495] : memref<119xi32, #tpu.memory_space<vmem>>[vector<16xi32>], vector<16xi32>,
    %swap3A_1497 = arith.constant 13 : i32
    %swap3A_1498 = arith.index_cast %swap3A_1497 : i32 to index
    %swap3A_1499 = arith.constant 32 : index
    %swap3A_1500 = tpu.vector_load %arg8[%swap3A_1498, %swap3A_1499] {strides = array<i32>} : memref<25x125xi32, #tpu.memory_space<vmem>>, vector<16xi32>,
    tpu.vector_store %arg8[%swap3A_1498, %swap3A_1499], %gather3A_1496 {strides = array<i32>} : memref<25x125xi32, #tpu.memory_space<vmem>>, vector<16xi32>,
    %add3A_1501 = arith.constant 1625 : i32
    %add3A_1502 = arith.addi %sub3A_22, %add3A_1501 : i32
    %add3A_1503 = arith.constant 48 : i32
    %add3A_1504 = arith.addi %add3A_1502, %add3A_1503 : i32
    %get3A_1505 = arith.index_cast %add3A_1504 : i32 to index
    %get3A_1506 = tpu.vector_load %arg6[%get3A_1505] {strides = array<i32>} : memref<3136xi32, #tpu.memory_space<vmem>>, vector<16xi32>,
    %gather3A_1507 = tpu.vector_load_idx %arg7[%get3A_1506] : memref<119xi32, #tpu.memory_space<vmem>>[vector<16xi32>], vector<16xi32>,
    %swap3A_1508 = arith.constant 13 : i32
    %swap3A_1509 = arith.index_cast %swap3A_1508 : i32 to index
    %swap3A_1510 = arith.constant 48 : index
    %swap3A_1511 = tpu.vector_load %arg8[%swap3A_1509, %swap3A_1510] {strides = array<i32>} : memref<25x125xi32, #tpu.memory_space<vmem>>, vector<16xi32>,
    tpu.vector_store %arg8[%swap3A_1509, %swap3A_1510], %gather3A_1507 {strides = array<i32>} : memref<25x125xi32, #tpu.memory_space<vmem>>, vector<16xi32>,
    %add3A_1512 = arith.constant 1625 : i32
    %add3A_1513 = arith.addi %sub3A_22, %add3A_1512 : i32
    %add3A_1514 = arith.constant 64 : i32
    %add3A_1515 = arith.addi %add3A_1513, %add3A_1514 : i32
    %get3A_1516 = arith.index_cast %add3A_1515 : i32 to index
    %get3A_1517 = tpu.vector_load %arg6[%get3A_1516] {strides = array<i32>} : memref<3136xi32, #tpu.memory_space<vmem>>, vector<16xi32>,
    %gather3A_1518 = tpu.vector_load_idx %arg7[%get3A_1517] : memref<119xi32, #tpu.memory_space<vmem>>[vector<16xi32>], vector<16xi32>,
    %swap3A_1519 = arith.constant 13 : i32
    %swap3A_1520 = arith.index_cast %swap3A_1519 : i32 to index
    %swap3A_1521 = arith.constant 64 : index
    %swap3A_1522 = tpu.vector_load %arg8[%swap3A_1520, %swap3A_1521] {strides = array<i32>} : memref<25x125xi32, #tpu.memory_space<vmem>>, vector<16xi32>,
    tpu.vector_store %arg8[%swap3A_1520, %swap3A_1521], %gather3A_1518 {strides = array<i32>} : memref<25x125xi32, #tpu.memory_space<vmem>>, vector<16xi32>,
    %add3A_1523 = arith.constant 1625 : i32
    %add3A_1524 = arith.addi %sub3A_22, %add3A_1523 : i32
    %add3A_1525 = arith.constant 80 : i32
    %add3A_1526 = arith.addi %add3A_1524, %add3A_1525 : i32
    %get3A_1527 = arith.index_cast %add3A_1526 : i32 to index
    %get3A_1528 = tpu.vector_load %arg6[%get3A_1527] {strides = array<i32>} : memref<3136xi32, #tpu.memory_space<vmem>>, vector<16xi32>,
    %gather3A_1529 = tpu.vector_load_idx %arg7[%get3A_1528] : memref<119xi32, #tpu.memory_space<vmem>>[vector<16xi32>], vector<16xi32>,
    %swap3A_1530 = arith.constant 13 : i32
    %swap3A_1531 = arith.index_cast %swap3A_1530 : i32 to index
    %swap3A_1532 = arith.constant 80 : index
    %swap3A_1533 = tpu.vector_load %arg8[%swap3A_1531, %swap3A_1532] {strides = array<i32>} : memref<25x125xi32, #tpu.memory_space<vmem>>, vector<16xi32>,
    tpu.vector_store %arg8[%swap3A_1531, %swap3A_1532], %gather3A_1529 {strides = array<i32>} : memref<25x125xi32, #tpu.memory_space<vmem>>, vector<16xi32>,
    %add3A_1534 = arith.constant 1625 : i32
    %add3A_1535 = arith.addi %sub3A_22, %add3A_1534 : i32
    %add3A_1536 = arith.constant 96 : i32
    %add3A_1537 = arith.addi %add3A_1535, %add3A_1536 : i32
    %get3A_1538 = arith.index_cast %add3A_1537 : i32 to index
    %get3A_1539 = tpu.vector_load %arg6[%get3A_1538] {strides = array<i32>} : memref<3136xi32, #tpu.memory_space<vmem>>, vector<16xi32>,
    %gather3A_1540 = tpu.vector_load_idx %arg7[%get3A_1539] : memref<119xi32, #tpu.memory_space<vmem>>[vector<16xi32>], vector<16xi32>,
    %swap3A_1541 = arith.constant 13 : i32
    %swap3A_1542 = arith.index_cast %swap3A_1541 : i32 to index
    %swap3A_1543 = arith.constant 96 : index
    %swap3A_1544 = tpu.vector_load %arg8[%swap3A_1542, %swap3A_1543] {strides = array<i32>} : memref<25x125xi32, #tpu.memory_space<vmem>>, vector<16xi32>,
    tpu.vector_store %arg8[%swap3A_1542, %swap3A_1543], %gather3A_1540 {strides = array<i32>} : memref<25x125xi32, #tpu.memory_space<vmem>>, vector<16xi32>,
    %add3A_1545 = arith.constant 1625 : i32
    %add3A_1546 = arith.addi %sub3A_22, %add3A_1545 : i32
    %add3A_1547 = arith.constant 109 : i32
    %add3A_1548 = arith.addi %add3A_1546, %add3A_1547 : i32
    %get3A_1549 = arith.index_cast %add3A_1548 : i32 to index
    %get3A_1550 = tpu.vector_load %arg6[%get3A_1549] {strides = array<i32>} : memref<3136xi32, #tpu.memory_space<vmem>>, vector<16xi32>,
    %gather3A_1551 = tpu.vector_load_idx %arg7[%get3A_1550] : memref<119xi32, #tpu.memory_space<vmem>>[vector<16xi32>], vector<16xi32>,
    %swap3A_1552 = arith.constant 13 : i32
    %swap3A_1553 = arith.index_cast %swap3A_1552 : i32 to index
    %swap3A_1554 = arith.constant 109 : index
    %swap3A_1555 = tpu.vector_load %arg8[%swap3A_1553, %swap3A_1554] {strides = array<i32>} : memref<25x125xi32, #tpu.memory_space<vmem>>, vector<16xi32>,
    tpu.vector_store %arg8[%swap3A_1553, %swap3A_1554], %gather3A_1551 {strides = array<i32>} : memref<25x125xi32, #tpu.memory_space<vmem>>, vector<16xi32>,
    %dma_wait3A_1556 = arith.constant 0 : i32
    %dma_wait3A_1557 = tpu.memref_slice %arg5[%add3A_1351, %dma_wait3A_1556] : memref<100000x128xf32, #tpu.memory_space<hbm>> -> memref<125x128xf32, #tpu.memory_space<hbm>>
    %dma_wait3A_1558 = arith.constant 0 : i32
    %dma_wait3A_1559 = tpu.memref_slice %arg5[%add3A_1351, %dma_wait3A_1558] : memref<100000x128xf32, #tpu.memory_space<hbm>> -> memref<125x128xf32, #tpu.memory_space<hbm>>
    tpu.wait_dma2 semaphore(%arg14 : memref<!tpu.dma_semaphore, #tpu.memory_space<semaphore_mem>>) src(%arg11 : memref<125x128xf32, #tpu.memory_space<vmem>>) dst(%dma_wait3A_1559 : memref<125x128xf32, #tpu.memory_space<hbm>>)
    %dma_start3A_1560 = arith.constant 13 : i32
    %dma_start3A_1561 = arith.constant 0 : i32
    %dma_start3A_1562 = tpu.memref_slice %arg8[%dma_start3A_1560, %dma_start3A_1561] : memref<25x125xi32, #tpu.memory_space<vmem>> -> memref<1x125xi32, #tpu.memory_space<vmem>>
    %dma_start3A_1563 = tpu.memref_squeeze %dma_start3A_1562 : memref<1x125xi32, #tpu.memory_space<vmem>> -> memref<125xi32, #tpu.memory_space<vmem>>
    %dma_start3A_1564 = arith.constant 0 : i32
    %dma_start3A_1565 = arith.constant 0 : i32
    %dma_start3A_1566 = tpu.memref_slice %arg9[%dma_start3A_1564, %dma_start3A_1565] : memref<10x128xf32, #tpu.memory_space<vmem_shared>> -> memref<10x128xf32, #tpu.memory_space<vmem_shared>>
    tpu.enqueue_indirect_dma source(%dma_start3A_1566 : memref<10x128xf32, #tpu.memory_space<vmem_shared>>) target(%arg11 : memref<125x128xf32, #tpu.memory_space<vmem>>) offsets(%dma_start3A_1563 : memref<125xi32, #tpu.memory_space<vmem>>) semaphore(%arg12 : memref<!tpu.dma_semaphore, #tpu.memory_space<semaphore_mem>>)
    %dma_wait3A_1567 = arith.constant 13 : i32
    %dma_wait3A_1568 = arith.constant 0 : i32
    %dma_wait3A_1569 = tpu.memref_slice %arg8[%dma_wait3A_1567, %dma_wait3A_1568] : memref<25x125xi32, #tpu.memory_space<vmem>> -> memref<1x125xi32, #tpu.memory_space<vmem>>
    %dma_wait3A_1570 = tpu.memref_squeeze %dma_wait3A_1569 : memref<1x125xi32, #tpu.memory_space<vmem>> -> memref<125xi32, #tpu.memory_space<vmem>>
    %dma_wait3A_1571 = arith.constant 0 : i32
    %dma_wait3A_1572 = arith.constant 0 : i32
    %dma_wait3A_1573 = tpu.memref_slice %arg9[%dma_wait3A_1571, %dma_wait3A_1572] : memref<10x128xf32, #tpu.memory_space<vmem_shared>> -> memref<10x128xf32, #tpu.memory_space<vmem_shared>>
    tpu.wait_indirect_dma semaphore(%arg12 : memref<!tpu.dma_semaphore, #tpu.memory_space<semaphore_mem>>) src(%dma_wait3A_1573 : memref<10x128xf32, #tpu.memory_space<vmem_shared>>) dst(%arg11 : memref<125x128xf32, #tpu.memory_space<vmem>>)
    %add3A_1574 = arith.constant 1625 : i32
    %add3A_1575 = arith.addi %mul3A_2, %add3A_1574 : i32
    %dma_start3A_1576 = arith.constant 0 : i32
    %dma_start3A_1577 = tpu.memref_slice %arg5[%add3A_1575, %dma_start3A_1576] : memref<100000x128xf32, #tpu.memory_space<hbm>> -> memref<125x128xf32, #tpu.memory_space<hbm>>
    %dma_start3A_1578 = arith.constant 0 : i32
    %dma_start3A_1579 = tpu.memref_slice %arg5[%add3A_1575, %dma_start3A_1578] : memref<100000x128xf32, #tpu.memory_space<hbm>> -> memref<125x128xf32, #tpu.memory_space<hbm>>
    tpu.enqueue_dma source(%arg11 : memref<125x128xf32, #tpu.memory_space<vmem>>) target(%dma_start3A_1579 : memref<125x128xf32, #tpu.memory_space<hbm>>) target_semaphore(%arg14 : memref<!tpu.dma_semaphore, #tpu.memory_space<semaphore_mem>>)
    %add3A_1580 = arith.constant 1750 : i32
    %add3A_1581 = arith.addi %sub3A_22, %add3A_1580 : i32
    %add3A_1582 = arith.constant 0 : i32
    %add3A_1583 = arith.addi %add3A_1581, %add3A_1582 : i32
    %get3A_1584 = arith.index_cast %add3A_1583 : i32 to index
    %get3A_1585 = tpu.vector_load %arg6[%get3A_1584] {strides = array<i32>} : memref<3136xi32, #tpu.memory_space<vmem>>, vector<16xi32>,
    %gather3A_1586 = tpu.vector_load_idx %arg7[%get3A_1585] : memref<119xi32, #tpu.memory_space<vmem>>[vector<16xi32>], vector<16xi32>,
    %swap3A_1587 = arith.constant 14 : i32
    %swap3A_1588 = arith.index_cast %swap3A_1587 : i32 to index
    %swap3A_1589 = arith.constant 0 : index
    %swap3A_1590 = tpu.vector_load %arg8[%swap3A_1588, %swap3A_1589] {strides = array<i32>} : memref<25x125xi32, #tpu.memory_space<vmem>>, vector<16xi32>,
    tpu.vector_store %arg8[%swap3A_1588, %swap3A_1589], %gather3A_1586 {strides = array<i32>} : memref<25x125xi32, #tpu.memory_space<vmem>>, vector<16xi32>,
    %add3A_1591 = arith.constant 1750 : i32
    %add3A_1592 = arith.addi %sub3A_22, %add3A_1591 : i32
    %add3A_1593 = arith.constant 16 : i32
    %add3A_1594 = arith.addi %add3A_1592, %add3A_1593 : i32
    %get3A_1595 = arith.index_cast %add3A_1594 : i32 to index
    %get3A_1596 = tpu.vector_load %arg6[%get3A_1595] {strides = array<i32>} : memref<3136xi32, #tpu.memory_space<vmem>>, vector<16xi32>,
    %gather3A_1597 = tpu.vector_load_idx %arg7[%get3A_1596] : memref<119xi32, #tpu.memory_space<vmem>>[vector<16xi32>], vector<16xi32>,
    %swap3A_1598 = arith.constant 14 : i32
    %swap3A_1599 = arith.index_cast %swap3A_1598 : i32 to index
    %swap3A_1600 = arith.constant 16 : index
    %swap3A_1601 = tpu.vector_load %arg8[%swap3A_1599, %swap3A_1600] {strides = array<i32>} : memref<25x125xi32, #tpu.memory_space<vmem>>, vector<16xi32>,
    tpu.vector_store %arg8[%swap3A_1599, %swap3A_1600], %gather3A_1597 {strides = array<i32>} : memref<25x125xi32, #tpu.memory_space<vmem>>, vector<16xi32>,
    %add3A_1602 = arith.constant 1750 : i32
    %add3A_1603 = arith.addi %sub3A_22, %add3A_1602 : i32
    %add3A_1604 = arith.constant 32 : i32
    %add3A_1605 = arith.addi %add3A_1603, %add3A_1604 : i32
    %get3A_1606 = arith.index_cast %add3A_1605 : i32 to index
    %get3A_1607 = tpu.vector_load %arg6[%get3A_1606] {strides = array<i32>} : memref<3136xi32, #tpu.memory_space<vmem>>, vector<16xi32>,
    %gather3A_1608 = tpu.vector_load_idx %arg7[%get3A_1607] : memref<119xi32, #tpu.memory_space<vmem>>[vector<16xi32>], vector<16xi32>,
    %swap3A_1609 = arith.constant 14 : i32
    %swap3A_1610 = arith.index_cast %swap3A_1609 : i32 to index
    %swap3A_1611 = arith.constant 32 : index
    %swap3A_1612 = tpu.vector_load %arg8[%swap3A_1610, %swap3A_1611] {strides = array<i32>} : memref<25x125xi32, #tpu.memory_space<vmem>>, vector<16xi32>,
    tpu.vector_store %arg8[%swap3A_1610, %swap3A_1611], %gather3A_1608 {strides = array<i32>} : memref<25x125xi32, #tpu.memory_space<vmem>>, vector<16xi32>,
    %add3A_1613 = arith.constant 1750 : i32
    %add3A_1614 = arith.addi %sub3A_22, %add3A_1613 : i32
    %add3A_1615 = arith.constant 48 : i32
    %add3A_1616 = arith.addi %add3A_1614, %add3A_1615 : i32
    %get3A_1617 = arith.index_cast %add3A_1616 : i32 to index
    %get3A_1618 = tpu.vector_load %arg6[%get3A_1617] {strides = array<i32>} : memref<3136xi32, #tpu.memory_space<vmem>>, vector<16xi32>,
    %gather3A_1619 = tpu.vector_load_idx %arg7[%get3A_1618] : memref<119xi32, #tpu.memory_space<vmem>>[vector<16xi32>], vector<16xi32>,
    %swap3A_1620 = arith.constant 14 : i32
    %swap3A_1621 = arith.index_cast %swap3A_1620 : i32 to index
    %swap3A_1622 = arith.constant 48 : index
    %swap3A_1623 = tpu.vector_load %arg8[%swap3A_1621, %swap3A_1622] {strides = array<i32>} : memref<25x125xi32, #tpu.memory_space<vmem>>, vector<16xi32>,
    tpu.vector_store %arg8[%swap3A_1621, %swap3A_1622], %gather3A_1619 {strides = array<i32>} : memref<25x125xi32, #tpu.memory_space<vmem>>, vector<16xi32>,
    %add3A_1624 = arith.constant 1750 : i32
    %add3A_1625 = arith.addi %sub3A_22, %add3A_1624 : i32
    %add3A_1626 = arith.constant 64 : i32
    %add3A_1627 = arith.addi %add3A_1625, %add3A_1626 : i32
    %get3A_1628 = arith.index_cast %add3A_1627 : i32 to index
    %get3A_1629 = tpu.vector_load %arg6[%get3A_1628] {strides = array<i32>} : memref<3136xi32, #tpu.memory_space<vmem>>, vector<16xi32>,
    %gather3A_1630 = tpu.vector_load_idx %arg7[%get3A_1629] : memref<119xi32, #tpu.memory_space<vmem>>[vector<16xi32>], vector<16xi32>,
    %swap3A_1631 = arith.constant 14 : i32
    %swap3A_1632 = arith.index_cast %swap3A_1631 : i32 to index
    %swap3A_1633 = arith.constant 64 : index
    %swap3A_1634 = tpu.vector_load %arg8[%swap3A_1632, %swap3A_1633] {strides = array<i32>} : memref<25x125xi32, #tpu.memory_space<vmem>>, vector<16xi32>,
    tpu.vector_store %arg8[%swap3A_1632, %swap3A_1633], %gather3A_1630 {strides = array<i32>} : memref<25x125xi32, #tpu.memory_space<vmem>>, vector<16xi32>,
    %add3A_1635 = arith.constant 1750 : i32
    %add3A_1636 = arith.addi %sub3A_22, %add3A_1635 : i32
    %add3A_1637 = arith.constant 80 : i32
    %add3A_1638 = arith.addi %add3A_1636, %add3A_1637 : i32
    %get3A_1639 = arith.index_cast %add3A_1638 : i32 to index
    %get3A_1640 = tpu.vector_load %arg6[%get3A_1639] {strides = array<i32>} : memref<3136xi32, #tpu.memory_space<vmem>>, vector<16xi32>,
    %gather3A_1641 = tpu.vector_load_idx %arg7[%get3A_1640] : memref<119xi32, #tpu.memory_space<vmem>>[vector<16xi32>], vector<16xi32>,
    %swap3A_1642 = arith.constant 14 : i32
    %swap3A_1643 = arith.index_cast %swap3A_1642 : i32 to index
    %swap3A_1644 = arith.constant 80 : index
    %swap3A_1645 = tpu.vector_load %arg8[%swap3A_1643, %swap3A_1644] {strides = array<i32>} : memref<25x125xi32, #tpu.memory_space<vmem>>, vector<16xi32>,
    tpu.vector_store %arg8[%swap3A_1643, %swap3A_1644], %gather3A_1641 {strides = array<i32>} : memref<25x125xi32, #tpu.memory_space<vmem>>, vector<16xi32>,
    %add3A_1646 = arith.constant 1750 : i32
    %add3A_1647 = arith.addi %sub3A_22, %add3A_1646 : i32
    %add3A_1648 = arith.constant 96 : i32
    %add3A_1649 = arith.addi %add3A_1647, %add3A_1648 : i32
    %get3A_1650 = arith.index_cast %add3A_1649 : i32 to index
    %get3A_1651 = tpu.vector_load %arg6[%get3A_1650] {strides = array<i32>} : memref<3136xi32, #tpu.memory_space<vmem>>, vector<16xi32>,
    %gather3A_1652 = tpu.vector_load_idx %arg7[%get3A_1651] : memref<119xi32, #tpu.memory_space<vmem>>[vector<16xi32>], vector<16xi32>,
    %swap3A_1653 = arith.constant 14 : i32
    %swap3A_1654 = arith.index_cast %swap3A_1653 : i32 to index
    %swap3A_1655 = arith.constant 96 : index
    %swap3A_1656 = tpu.vector_load %arg8[%swap3A_1654, %swap3A_1655] {strides = array<i32>} : memref<25x125xi32, #tpu.memory_space<vmem>>, vector<16xi32>,
    tpu.vector_store %arg8[%swap3A_1654, %swap3A_1655], %gather3A_1652 {strides = array<i32>} : memref<25x125xi32, #tpu.memory_space<vmem>>, vector<16xi32>,
    %add3A_1657 = arith.constant 1750 : i32
    %add3A_1658 = arith.addi %sub3A_22, %add3A_1657 : i32
    %add3A_1659 = arith.constant 109 : i32
    %add3A_1660 = arith.addi %add3A_1658, %add3A_1659 : i32
    %get3A_1661 = arith.index_cast %add3A_1660 : i32 to index
    %get3A_1662 = tpu.vector_load %arg6[%get3A_1661] {strides = array<i32>} : memref<3136xi32, #tpu.memory_space<vmem>>, vector<16xi32>,
    %gather3A_1663 = tpu.vector_load_idx %arg7[%get3A_1662] : memref<119xi32, #tpu.memory_space<vmem>>[vector<16xi32>], vector<16xi32>,
    %swap3A_1664 = arith.constant 14 : i32
    %swap3A_1665 = arith.index_cast %swap3A_1664 : i32 to index
    %swap3A_1666 = arith.constant 109 : index
    %swap3A_1667 = tpu.vector_load %arg8[%swap3A_1665, %swap3A_1666] {strides = array<i32>} : memref<25x125xi32, #tpu.memory_space<vmem>>, vector<16xi32>,
    tpu.vector_store %arg8[%swap3A_1665, %swap3A_1666], %gather3A_1663 {strides = array<i32>} : memref<25x125xi32, #tpu.memory_space<vmem>>, vector<16xi32>,
    %dma_wait3A_1668 = arith.constant 0 : i32
    %dma_wait3A_1669 = tpu.memref_slice %arg5[%add3A_1463, %dma_wait3A_1668] : memref<100000x128xf32, #tpu.memory_space<hbm>> -> memref<125x128xf32, #tpu.memory_space<hbm>>
    %dma_wait3A_1670 = arith.constant 0 : i32
    %dma_wait3A_1671 = tpu.memref_slice %arg5[%add3A_1463, %dma_wait3A_1670] : memref<100000x128xf32, #tpu.memory_space<hbm>> -> memref<125x128xf32, #tpu.memory_space<hbm>>
    tpu.wait_dma2 semaphore(%arg13 : memref<!tpu.dma_semaphore, #tpu.memory_space<semaphore_mem>>) src(%arg10 : memref<125x128xf32, #tpu.memory_space<vmem>>) dst(%dma_wait3A_1671 : memref<125x128xf32, #tpu.memory_space<hbm>>)
    %dma_start3A_1672 = arith.constant 14 : i32
    %dma_start3A_1673 = arith.constant 0 : i32
    %dma_start3A_1674 = tpu.memref_slice %arg8[%dma_start3A_1672, %dma_start3A_1673] : memref<25x125xi32, #tpu.memory_space<vmem>> -> memref<1x125xi32, #tpu.memory_space<vmem>>
    %dma_start3A_1675 = tpu.memref_squeeze %dma_start3A_1674 : memref<1x125xi32, #tpu.memory_space<vmem>> -> memref<125xi32, #tpu.memory_space<vmem>>
    %dma_start3A_1676 = arith.constant 0 : i32
    %dma_start3A_1677 = arith.constant 0 : i32
    %dma_start3A_1678 = tpu.memref_slice %arg9[%dma_start3A_1676, %dma_start3A_1677] : memref<10x128xf32, #tpu.memory_space<vmem_shared>> -> memref<10x128xf32, #tpu.memory_space<vmem_shared>>
    tpu.enqueue_indirect_dma source(%dma_start3A_1678 : memref<10x128xf32, #tpu.memory_space<vmem_shared>>) target(%arg10 : memref<125x128xf32, #tpu.memory_space<vmem>>) offsets(%dma_start3A_1675 : memref<125xi32, #tpu.memory_space<vmem>>) semaphore(%arg12 : memref<!tpu.dma_semaphore, #tpu.memory_space<semaphore_mem>>)
    %dma_wait3A_1679 = arith.constant 14 : i32
    %dma_wait3A_1680 = arith.constant 0 : i32
    %dma_wait3A_1681 = tpu.memref_slice %arg8[%dma_wait3A_1679, %dma_wait3A_1680] : memref<25x125xi32, #tpu.memory_space<vmem>> -> memref<1x125xi32, #tpu.memory_space<vmem>>
    %dma_wait3A_1682 = tpu.memref_squeeze %dma_wait3A_1681 : memref<1x125xi32, #tpu.memory_space<vmem>> -> memref<125xi32, #tpu.memory_space<vmem>>
    %dma_wait3A_1683 = arith.constant 0 : i32
    %dma_wait3A_1684 = arith.constant 0 : i32
    %dma_wait3A_1685 = tpu.memref_slice %arg9[%dma_wait3A_1683, %dma_wait3A_1684] : memref<10x128xf32, #tpu.memory_space<vmem_shared>> -> memref<10x128xf32, #tpu.memory_space<vmem_shared>>
    tpu.wait_indirect_dma semaphore(%arg12 : memref<!tpu.dma_semaphore, #tpu.memory_space<semaphore_mem>>) src(%dma_wait3A_1685 : memref<10x128xf32, #tpu.memory_space<vmem_shared>>) dst(%arg10 : memref<125x128xf32, #tpu.memory_space<vmem>>)
    %add3A_1686 = arith.constant 1750 : i32
    %add3A_1687 = arith.addi %mul3A_2, %add3A_1686 : i32
    %dma_start3A_1688 = arith.constant 0 : i32
    %dma_start3A_1689 = tpu.memref_slice %arg5[%add3A_1687, %dma_start3A_1688] : memref<100000x128xf32, #tpu.memory_space<hbm>> -> memref<125x128xf32, #tpu.memory_space<hbm>>
    %dma_start3A_1690 = arith.constant 0 : i32
    %dma_start3A_1691 = tpu.memref_slice %arg5[%add3A_1687, %dma_start3A_1690] : memref<100000x128xf32, #tpu.memory_space<hbm>> -> memref<125x128xf32, #tpu.memory_space<hbm>>
    tpu.enqueue_dma source(%arg10 : memref<125x128xf32, #tpu.memory_space<vmem>>) target(%dma_start3A_1691 : memref<125x128xf32, #tpu.memory_space<hbm>>) target_semaphore(%arg13 : memref<!tpu.dma_semaphore, #tpu.memory_space<semaphore_mem>>)
    %add3A_1692 = arith.constant 1875 : i32
    %add3A_1693 = arith.addi %sub3A_22, %add3A_1692 : i32
    %add3A_1694 = arith.constant 0 : i32
    %add3A_1695 = arith.addi %add3A_1693, %add3A_1694 : i32
    %get3A_1696 = arith.index_cast %add3A_1695 : i32 to index
    %get3A_1697 = tpu.vector_load %arg6[%get3A_1696] {strides = array<i32>} : memref<3136xi32, #tpu.memory_space<vmem>>, vector<16xi32>,
    %gather3A_1698 = tpu.vector_load_idx %arg7[%get3A_1697] : memref<119xi32, #tpu.memory_space<vmem>>[vector<16xi32>], vector<16xi32>,
    %swap3A_1699 = arith.constant 15 : i32
    %swap3A_1700 = arith.index_cast %swap3A_1699 : i32 to index
    %swap3A_1701 = arith.constant 0 : index
    %swap3A_1702 = tpu.vector_load %arg8[%swap3A_1700, %swap3A_1701] {strides = array<i32>} : memref<25x125xi32, #tpu.memory_space<vmem>>, vector<16xi32>,
    tpu.vector_store %arg8[%swap3A_1700, %swap3A_1701], %gather3A_1698 {strides = array<i32>} : memref<25x125xi32, #tpu.memory_space<vmem>>, vector<16xi32>,
    %add3A_1703 = arith.constant 1875 : i32
    %add3A_1704 = arith.addi %sub3A_22, %add3A_1703 : i32
    %add3A_1705 = arith.constant 16 : i32
    %add3A_1706 = arith.addi %add3A_1704, %add3A_1705 : i32
    %get3A_1707 = arith.index_cast %add3A_1706 : i32 to index
    %get3A_1708 = tpu.vector_load %arg6[%get3A_1707] {strides = array<i32>} : memref<3136xi32, #tpu.memory_space<vmem>>, vector<16xi32>,
    %gather3A_1709 = tpu.vector_load_idx %arg7[%get3A_1708] : memref<119xi32, #tpu.memory_space<vmem>>[vector<16xi32>], vector<16xi32>,
    %swap3A_1710 = arith.constant 15 : i32
    %swap3A_1711 = arith.index_cast %swap3A_1710 : i32 to index
    %swap3A_1712 = arith.constant 16 : index
    %swap3A_1713 = tpu.vector_load %arg8[%swap3A_1711, %swap3A_1712] {strides = array<i32>} : memref<25x125xi32, #tpu.memory_space<vmem>>, vector<16xi32>,
    tpu.vector_store %arg8[%swap3A_1711, %swap3A_1712], %gather3A_1709 {strides = array<i32>} : memref<25x125xi32, #tpu.memory_space<vmem>>, vector<16xi32>,
    %add3A_1714 = arith.constant 1875 : i32
    %add3A_1715 = arith.addi %sub3A_22, %add3A_1714 : i32
    %add3A_1716 = arith.constant 32 : i32
    %add3A_1717 = arith.addi %add3A_1715, %add3A_1716 : i32
    %get3A_1718 = arith.index_cast %add3A_1717 : i32 to index
    %get3A_1719 = tpu.vector_load %arg6[%get3A_1718] {strides = array<i32>} : memref<3136xi32, #tpu.memory_space<vmem>>, vector<16xi32>,
    %gather3A_1720 = tpu.vector_load_idx %arg7[%get3A_1719] : memref<119xi32, #tpu.memory_space<vmem>>[vector<16xi32>], vector<16xi32>,
    %swap3A_1721 = arith.constant 15 : i32
    %swap3A_1722 = arith.index_cast %swap3A_1721 : i32 to index
    %swap3A_1723 = arith.constant 32 : index
    %swap3A_1724 = tpu.vector_load %arg8[%swap3A_1722, %swap3A_1723] {strides = array<i32>} : memref<25x125xi32, #tpu.memory_space<vmem>>, vector<16xi32>,
    tpu.vector_store %arg8[%swap3A_1722, %swap3A_1723], %gather3A_1720 {strides = array<i32>} : memref<25x125xi32, #tpu.memory_space<vmem>>, vector<16xi32>,
    %add3A_1725 = arith.constant 1875 : i32
    %add3A_1726 = arith.addi %sub3A_22, %add3A_1725 : i32
    %add3A_1727 = arith.constant 48 : i32
    %add3A_1728 = arith.addi %add3A_1726, %add3A_1727 : i32
    %get3A_1729 = arith.index_cast %add3A_1728 : i32 to index
    %get3A_1730 = tpu.vector_load %arg6[%get3A_1729] {strides = array<i32>} : memref<3136xi32, #tpu.memory_space<vmem>>, vector<16xi32>,
    %gather3A_1731 = tpu.vector_load_idx %arg7[%get3A_1730] : memref<119xi32, #tpu.memory_space<vmem>>[vector<16xi32>], vector<16xi32>,
    %swap3A_1732 = arith.constant 15 : i32
    %swap3A_1733 = arith.index_cast %swap3A_1732 : i32 to index
    %swap3A_1734 = arith.constant 48 : index
    %swap3A_1735 = tpu.vector_load %arg8[%swap3A_1733, %swap3A_1734] {strides = array<i32>} : memref<25x125xi32, #tpu.memory_space<vmem>>, vector<16xi32>,
    tpu.vector_store %arg8[%swap3A_1733, %swap3A_1734], %gather3A_1731 {strides = array<i32>} : memref<25x125xi32, #tpu.memory_space<vmem>>, vector<16xi32>,
    %add3A_1736 = arith.constant 1875 : i32
    %add3A_1737 = arith.addi %sub3A_22, %add3A_1736 : i32
    %add3A_1738 = arith.constant 64 : i32
    %add3A_1739 = arith.addi %add3A_1737, %add3A_1738 : i32
    %get3A_1740 = arith.index_cast %add3A_1739 : i32 to index
    %get3A_1741 = tpu.vector_load %arg6[%get3A_1740] {strides = array<i32>} : memref<3136xi32, #tpu.memory_space<vmem>>, vector<16xi32>,
    %gather3A_1742 = tpu.vector_load_idx %arg7[%get3A_1741] : memref<119xi32, #tpu.memory_space<vmem>>[vector<16xi32>], vector<16xi32>,
    %swap3A_1743 = arith.constant 15 : i32
    %swap3A_1744 = arith.index_cast %swap3A_1743 : i32 to index
    %swap3A_1745 = arith.constant 64 : index
    %swap3A_1746 = tpu.vector_load %arg8[%swap3A_1744, %swap3A_1745] {strides = array<i32>} : memref<25x125xi32, #tpu.memory_space<vmem>>, vector<16xi32>,
    tpu.vector_store %arg8[%swap3A_1744, %swap3A_1745], %gather3A_1742 {strides = array<i32>} : memref<25x125xi32, #tpu.memory_space<vmem>>, vector<16xi32>,
    %add3A_1747 = arith.constant 1875 : i32
    %add3A_1748 = arith.addi %sub3A_22, %add3A_1747 : i32
    %add3A_1749 = arith.constant 80 : i32
    %add3A_1750 = arith.addi %add3A_1748, %add3A_1749 : i32
    %get3A_1751 = arith.index_cast %add3A_1750 : i32 to index
    %get3A_1752 = tpu.vector_load %arg6[%get3A_1751] {strides = array<i32>} : memref<3136xi32, #tpu.memory_space<vmem>>, vector<16xi32>,
    %gather3A_1753 = tpu.vector_load_idx %arg7[%get3A_1752] : memref<119xi32, #tpu.memory_space<vmem>>[vector<16xi32>], vector<16xi32>,
    %swap3A_1754 = arith.constant 15 : i32
    %swap3A_1755 = arith.index_cast %swap3A_1754 : i32 to index
    %swap3A_1756 = arith.constant 80 : index
    %swap3A_1757 = tpu.vector_load %arg8[%swap3A_1755, %swap3A_1756] {strides = array<i32>} : memref<25x125xi32, #tpu.memory_space<vmem>>, vector<16xi32>,
    tpu.vector_store %arg8[%swap3A_1755, %swap3A_1756], %gather3A_1753 {strides = array<i32>} : memref<25x125xi32, #tpu.memory_space<vmem>>, vector<16xi32>,
    %add3A_1758 = arith.constant 1875 : i32
    %add3A_1759 = arith.addi %sub3A_22, %add3A_1758 : i32
    %add3A_1760 = arith.constant 96 : i32
    %add3A_1761 = arith.addi %add3A_1759, %add3A_1760 : i32
    %get3A_1762 = arith.index_cast %add3A_1761 : i32 to index
    %get3A_1763 = tpu.vector_load %arg6[%get3A_1762] {strides = array<i32>} : memref<3136xi32, #tpu.memory_space<vmem>>, vector<16xi32>,
    %gather3A_1764 = tpu.vector_load_idx %arg7[%get3A_1763] : memref<119xi32, #tpu.memory_space<vmem>>[vector<16xi32>], vector<16xi32>,
    %swap3A_1765 = arith.constant 15 : i32
    %swap3A_1766 = arith.index_cast %swap3A_1765 : i32 to index
    %swap3A_1767 = arith.constant 96 : index
    %swap3A_1768 = tpu.vector_load %arg8[%swap3A_1766, %swap3A_1767] {strides = array<i32>} : memref<25x125xi32, #tpu.memory_space<vmem>>, vector<16xi32>,
    tpu.vector_store %arg8[%swap3A_1766, %swap3A_1767], %gather3A_1764 {strides = array<i32>} : memref<25x125xi32, #tpu.memory_space<vmem>>, vector<16xi32>,
    %add3A_1769 = arith.constant 1875 : i32
    %add3A_1770 = arith.addi %sub3A_22, %add3A_1769 : i32
    %add3A_1771 = arith.constant 109 : i32
    %add3A_1772 = arith.addi %add3A_1770, %add3A_1771 : i32
    %get3A_1773 = arith.index_cast %add3A_1772 : i32 to index
    %get3A_1774 = tpu.vector_load %arg6[%get3A_1773] {strides = array<i32>} : memref<3136xi32, #tpu.memory_space<vmem>>, vector<16xi32>,
    %gather3A_1775 = tpu.vector_load_idx %arg7[%get3A_1774] : memref<119xi32, #tpu.memory_space<vmem>>[vector<16xi32>], vector<16xi32>,
    %swap3A_1776 = arith.constant 15 : i32
    %swap3A_1777 = arith.index_cast %swap3A_1776 : i32 to index
    %swap3A_1778 = arith.constant 109 : index
    %swap3A_1779 = tpu.vector_load %arg8[%swap3A_1777, %swap3A_1778] {strides = array<i32>} : memref<25x125xi32, #tpu.memory_space<vmem>>, vector<16xi32>,
    tpu.vector_store %arg8[%swap3A_1777, %swap3A_1778], %gather3A_1775 {strides = array<i32>} : memref<25x125xi32, #tpu.memory_space<vmem>>, vector<16xi32>,
    %dma_wait3A_1780 = arith.constant 0 : i32
    %dma_wait3A_1781 = tpu.memref_slice %arg5[%add3A_1575, %dma_wait3A_1780] : memref<100000x128xf32, #tpu.memory_space<hbm>> -> memref<125x128xf32, #tpu.memory_space<hbm>>
    %dma_wait3A_1782 = arith.constant 0 : i32
    %dma_wait3A_1783 = tpu.memref_slice %arg5[%add3A_1575, %dma_wait3A_1782] : memref<100000x128xf32, #tpu.memory_space<hbm>> -> memref<125x128xf32, #tpu.memory_space<hbm>>
    tpu.wait_dma2 semaphore(%arg14 : memref<!tpu.dma_semaphore, #tpu.memory_space<semaphore_mem>>) src(%arg11 : memref<125x128xf32, #tpu.memory_space<vmem>>) dst(%dma_wait3A_1783 : memref<125x128xf32, #tpu.memory_space<hbm>>)
    %dma_start3A_1784 = arith.constant 15 : i32
    %dma_start3A_1785 = arith.constant 0 : i32
    %dma_start3A_1786 = tpu.memref_slice %arg8[%dma_start3A_1784, %dma_start3A_1785] : memref<25x125xi32, #tpu.memory_space<vmem>> -> memref<1x125xi32, #tpu.memory_space<vmem>>
    %dma_start3A_1787 = tpu.memref_squeeze %dma_start3A_1786 : memref<1x125xi32, #tpu.memory_space<vmem>> -> memref<125xi32, #tpu.memory_space<vmem>>
    %dma_start3A_1788 = arith.constant 0 : i32
    %dma_start3A_1789 = arith.constant 0 : i32
    %dma_start3A_1790 = tpu.memref_slice %arg9[%dma_start3A_1788, %dma_start3A_1789] : memref<10x128xf32, #tpu.memory_space<vmem_shared>> -> memref<10x128xf32, #tpu.memory_space<vmem_shared>>
    tpu.enqueue_indirect_dma source(%dma_start3A_1790 : memref<10x128xf32, #tpu.memory_space<vmem_shared>>) target(%arg11 : memref<125x128xf32, #tpu.memory_space<vmem>>) offsets(%dma_start3A_1787 : memref<125xi32, #tpu.memory_space<vmem>>) semaphore(%arg12 : memref<!tpu.dma_semaphore, #tpu.memory_space<semaphore_mem>>)
    %dma_wait3A_1791 = arith.constant 15 : i32
    %dma_wait3A_1792 = arith.constant 0 : i32
    %dma_wait3A_1793 = tpu.memref_slice %arg8[%dma_wait3A_1791, %dma_wait3A_1792] : memref<25x125xi32, #tpu.memory_space<vmem>> -> memref<1x125xi32, #tpu.memory_space<vmem>>
    %dma_wait3A_1794 = tpu.memref_squeeze %dma_wait3A_1793 : memref<1x125xi32, #tpu.memory_space<vmem>> -> memref<125xi32, #tpu.memory_space<vmem>>
    %dma_wait3A_1795 = arith.constant 0 : i32
    %dma_wait3A_1796 = arith.constant 0 : i32
    %dma_wait3A_1797 = tpu.memref_slice %arg9[%dma_wait3A_1795, %dma_wait3A_1796] : memref<10x128xf32, #tpu.memory_space<vmem_shared>> -> memref<10x128xf32, #tpu.memory_space<vmem_shared>>
    tpu.wait_indirect_dma semaphore(%arg12 : memref<!tpu.dma_semaphore, #tpu.memory_space<semaphore_mem>>) src(%dma_wait3A_1797 : memref<10x128xf32, #tpu.memory_space<vmem_shared>>) dst(%arg11 : memref<125x128xf32, #tpu.memory_space<vmem>>)
    %add3A_1798 = arith.constant 1875 : i32
    %add3A_1799 = arith.addi %mul3A_2, %add3A_1798 : i32
    %dma_start3A_1800 = arith.constant 0 : i32
    %dma_start3A_1801 = tpu.memref_slice %arg5[%add3A_1799, %dma_start3A_1800] : memref<100000x128xf32, #tpu.memory_space<hbm>> -> memref<125x128xf32, #tpu.memory_space<hbm>>
    %dma_start3A_1802 = arith.constant 0 : i32
    %dma_start3A_1803 = tpu.memref_slice %arg5[%add3A_1799, %dma_start3A_1802] : memref<100000x128xf32, #tpu.memory_space<hbm>> -> memref<125x128xf32, #tpu.memory_space<hbm>>
    tpu.enqueue_dma source(%arg11 : memref<125x128xf32, #tpu.memory_space<vmem>>) target(%dma_start3A_1803 : memref<125x128xf32, #tpu.memory_space<hbm>>) target_semaphore(%arg14 : memref<!tpu.dma_semaphore, #tpu.memory_space<semaphore_mem>>)
    %add3A_1804 = arith.constant 2000 : i32
    %add3A_1805 = arith.addi %sub3A_22, %add3A_1804 : i32
    %add3A_1806 = arith.constant 0 : i32
    %add3A_1807 = arith.addi %add3A_1805, %add3A_1806 : i32
    %get3A_1808 = arith.index_cast %add3A_1807 : i32 to index
    %get3A_1809 = tpu.vector_load %arg6[%get3A_1808] {strides = array<i32>} : memref<3136xi32, #tpu.memory_space<vmem>>, vector<16xi32>,
    %gather3A_1810 = tpu.vector_load_idx %arg7[%get3A_1809] : memref<119xi32, #tpu.memory_space<vmem>>[vector<16xi32>], vector<16xi32>,
    %swap3A_1811 = arith.constant 16 : i32
    %swap3A_1812 = arith.index_cast %swap3A_1811 : i32 to index
    %swap3A_1813 = arith.constant 0 : index
    %swap3A_1814 = tpu.vector_load %arg8[%swap3A_1812, %swap3A_1813] {strides = array<i32>} : memref<25x125xi32, #tpu.memory_space<vmem>>, vector<16xi32>,
    tpu.vector_store %arg8[%swap3A_1812, %swap3A_1813], %gather3A_1810 {strides = array<i32>} : memref<25x125xi32, #tpu.memory_space<vmem>>, vector<16xi32>,
    %add3A_1815 = arith.constant 2000 : i32
    %add3A_1816 = arith.addi %sub3A_22, %add3A_1815 : i32
    %add3A_1817 = arith.constant 16 : i32
    %add3A_1818 = arith.addi %add3A_1816, %add3A_1817 : i32
    %get3A_1819 = arith.index_cast %add3A_1818 : i32 to index
    %get3A_1820 = tpu.vector_load %arg6[%get3A_1819] {strides = array<i32>} : memref<3136xi32, #tpu.memory_space<vmem>>, vector<16xi32>,
    %gather3A_1821 = tpu.vector_load_idx %arg7[%get3A_1820] : memref<119xi32, #tpu.memory_space<vmem>>[vector<16xi32>], vector<16xi32>,
    %swap3A_1822 = arith.constant 16 : i32
    %swap3A_1823 = arith.index_cast %swap3A_1822 : i32 to index
    %swap3A_1824 = arith.constant 16 : index
    %swap3A_1825 = tpu.vector_load %arg8[%swap3A_1823, %swap3A_1824] {strides = array<i32>} : memref<25x125xi32, #tpu.memory_space<vmem>>, vector<16xi32>,
    tpu.vector_store %arg8[%swap3A_1823, %swap3A_1824], %gather3A_1821 {strides = array<i32>} : memref<25x125xi32, #tpu.memory_space<vmem>>, vector<16xi32>,
    %add3A_1826 = arith.constant 2000 : i32
    %add3A_1827 = arith.addi %sub3A_22, %add3A_1826 : i32
    %add3A_1828 = arith.constant 32 : i32
    %add3A_1829 = arith.addi %add3A_1827, %add3A_1828 : i32
    %get3A_1830 = arith.index_cast %add3A_1829 : i32 to index
    %get3A_1831 = tpu.vector_load %arg6[%get3A_1830] {strides = array<i32>} : memref<3136xi32, #tpu.memory_space<vmem>>, vector<16xi32>,
    %gather3A_1832 = tpu.vector_load_idx %arg7[%get3A_1831] : memref<119xi32, #tpu.memory_space<vmem>>[vector<16xi32>], vector<16xi32>,
    %swap3A_1833 = arith.constant 16 : i32
    %swap3A_1834 = arith.index_cast %swap3A_1833 : i32 to index
    %swap3A_1835 = arith.constant 32 : index
    %swap3A_1836 = tpu.vector_load %arg8[%swap3A_1834, %swap3A_1835] {strides = array<i32>} : memref<25x125xi32, #tpu.memory_space<vmem>>, vector<16xi32>,
    tpu.vector_store %arg8[%swap3A_1834, %swap3A_1835], %gather3A_1832 {strides = array<i32>} : memref<25x125xi32, #tpu.memory_space<vmem>>, vector<16xi32>,
    %add3A_1837 = arith.constant 2000 : i32
    %add3A_1838 = arith.addi %sub3A_22, %add3A_1837 : i32
    %add3A_1839 = arith.constant 48 : i32
    %add3A_1840 = arith.addi %add3A_1838, %add3A_1839 : i32
    %get3A_1841 = arith.index_cast %add3A_1840 : i32 to index
    %get3A_1842 = tpu.vector_load %arg6[%get3A_1841] {strides = array<i32>} : memref<3136xi32, #tpu.memory_space<vmem>>, vector<16xi32>,
    %gather3A_1843 = tpu.vector_load_idx %arg7[%get3A_1842] : memref<119xi32, #tpu.memory_space<vmem>>[vector<16xi32>], vector<16xi32>,
    %swap3A_1844 = arith.constant 16 : i32
    %swap3A_1845 = arith.index_cast %swap3A_1844 : i32 to index
    %swap3A_1846 = arith.constant 48 : index
    %swap3A_1847 = tpu.vector_load %arg8[%swap3A_1845, %swap3A_1846] {strides = array<i32>} : memref<25x125xi32, #tpu.memory_space<vmem>>, vector<16xi32>,
    tpu.vector_store %arg8[%swap3A_1845, %swap3A_1846], %gather3A_1843 {strides = array<i32>} : memref<25x125xi32, #tpu.memory_space<vmem>>, vector<16xi32>,
    %add3A_1848 = arith.constant 2000 : i32
    %add3A_1849 = arith.addi %sub3A_22, %add3A_1848 : i32
    %add3A_1850 = arith.constant 64 : i32
    %add3A_1851 = arith.addi %add3A_1849, %add3A_1850 : i32
    %get3A_1852 = arith.index_cast %add3A_1851 : i32 to index
    %get3A_1853 = tpu.vector_load %arg6[%get3A_1852] {strides = array<i32>} : memref<3136xi32, #tpu.memory_space<vmem>>, vector<16xi32>,
    %gather3A_1854 = tpu.vector_load_idx %arg7[%get3A_1853] : memref<119xi32, #tpu.memory_space<vmem>>[vector<16xi32>], vector<16xi32>,
    %swap3A_1855 = arith.constant 16 : i32
    %swap3A_1856 = arith.index_cast %swap3A_1855 : i32 to index
    %swap3A_1857 = arith.constant 64 : index
    %swap3A_1858 = tpu.vector_load %arg8[%swap3A_1856, %swap3A_1857] {strides = array<i32>} : memref<25x125xi32, #tpu.memory_space<vmem>>, vector<16xi32>,
    tpu.vector_store %arg8[%swap3A_1856, %swap3A_1857], %gather3A_1854 {strides = array<i32>} : memref<25x125xi32, #tpu.memory_space<vmem>>, vector<16xi32>,
    %add3A_1859 = arith.constant 2000 : i32
    %add3A_1860 = arith.addi %sub3A_22, %add3A_1859 : i32
    %add3A_1861 = arith.constant 80 : i32
    %add3A_1862 = arith.addi %add3A_1860, %add3A_1861 : i32
    %get3A_1863 = arith.index_cast %add3A_1862 : i32 to index
    %get3A_1864 = tpu.vector_load %arg6[%get3A_1863] {strides = array<i32>} : memref<3136xi32, #tpu.memory_space<vmem>>, vector<16xi32>,
    %gather3A_1865 = tpu.vector_load_idx %arg7[%get3A_1864] : memref<119xi32, #tpu.memory_space<vmem>>[vector<16xi32>], vector<16xi32>,
    %swap3A_1866 = arith.constant 16 : i32
    %swap3A_1867 = arith.index_cast %swap3A_1866 : i32 to index
    %swap3A_1868 = arith.constant 80 : index
    %swap3A_1869 = tpu.vector_load %arg8[%swap3A_1867, %swap3A_1868] {strides = array<i32>} : memref<25x125xi32, #tpu.memory_space<vmem>>, vector<16xi32>,
    tpu.vector_store %arg8[%swap3A_1867, %swap3A_1868], %gather3A_1865 {strides = array<i32>} : memref<25x125xi32, #tpu.memory_space<vmem>>, vector<16xi32>,
    %add3A_1870 = arith.constant 2000 : i32
    %add3A_1871 = arith.addi %sub3A_22, %add3A_1870 : i32
    %add3A_1872 = arith.constant 96 : i32
    %add3A_1873 = arith.addi %add3A_1871, %add3A_1872 : i32
    %get3A_1874 = arith.index_cast %add3A_1873 : i32 to index
    %get3A_1875 = tpu.vector_load %arg6[%get3A_1874] {strides = array<i32>} : memref<3136xi32, #tpu.memory_space<vmem>>, vector<16xi32>,
    %gather3A_1876 = tpu.vector_load_idx %arg7[%get3A_1875] : memref<119xi32, #tpu.memory_space<vmem>>[vector<16xi32>], vector<16xi32>,
    %swap3A_1877 = arith.constant 16 : i32
    %swap3A_1878 = arith.index_cast %swap3A_1877 : i32 to index
    %swap3A_1879 = arith.constant 96 : index
    %swap3A_1880 = tpu.vector_load %arg8[%swap3A_1878, %swap3A_1879] {strides = array<i32>} : memref<25x125xi32, #tpu.memory_space<vmem>>, vector<16xi32>,
    tpu.vector_store %arg8[%swap3A_1878, %swap3A_1879], %gather3A_1876 {strides = array<i32>} : memref<25x125xi32, #tpu.memory_space<vmem>>, vector<16xi32>,
    %add3A_1881 = arith.constant 2000 : i32
    %add3A_1882 = arith.addi %sub3A_22, %add3A_1881 : i32
    %add3A_1883 = arith.constant 109 : i32
    %add3A_1884 = arith.addi %add3A_1882, %add3A_1883 : i32
    %get3A_1885 = arith.index_cast %add3A_1884 : i32 to index
    %get3A_1886 = tpu.vector_load %arg6[%get3A_1885] {strides = array<i32>} : memref<3136xi32, #tpu.memory_space<vmem>>, vector<16xi32>,
    %gather3A_1887 = tpu.vector_load_idx %arg7[%get3A_1886] : memref<119xi32, #tpu.memory_space<vmem>>[vector<16xi32>], vector<16xi32>,
    %swap3A_1888 = arith.constant 16 : i32
    %swap3A_1889 = arith.index_cast %swap3A_1888 : i32 to index
    %swap3A_1890 = arith.constant 109 : index
    %swap3A_1891 = tpu.vector_load %arg8[%swap3A_1889, %swap3A_1890] {strides = array<i32>} : memref<25x125xi32, #tpu.memory_space<vmem>>, vector<16xi32>,
    tpu.vector_store %arg8[%swap3A_1889, %swap3A_1890], %gather3A_1887 {strides = array<i32>} : memref<25x125xi32, #tpu.memory_space<vmem>>, vector<16xi32>,
    %dma_wait3A_1892 = arith.constant 0 : i32
    %dma_wait3A_1893 = tpu.memref_slice %arg5[%add3A_1687, %dma_wait3A_1892] : memref<100000x128xf32, #tpu.memory_space<hbm>> -> memref<125x128xf32, #tpu.memory_space<hbm>>
    %dma_wait3A_1894 = arith.constant 0 : i32
    %dma_wait3A_1895 = tpu.memref_slice %arg5[%add3A_1687, %dma_wait3A_1894] : memref<100000x128xf32, #tpu.memory_space<hbm>> -> memref<125x128xf32, #tpu.memory_space<hbm>>
    tpu.wait_dma2 semaphore(%arg13 : memref<!tpu.dma_semaphore, #tpu.memory_space<semaphore_mem>>) src(%arg10 : memref<125x128xf32, #tpu.memory_space<vmem>>) dst(%dma_wait3A_1895 : memref<125x128xf32, #tpu.memory_space<hbm>>)
    %dma_start3A_1896 = arith.constant 16 : i32
    %dma_start3A_1897 = arith.constant 0 : i32
    %dma_start3A_1898 = tpu.memref_slice %arg8[%dma_start3A_1896, %dma_start3A_1897] : memref<25x125xi32, #tpu.memory_space<vmem>> -> memref<1x125xi32, #tpu.memory_space<vmem>>
    %dma_start3A_1899 = tpu.memref_squeeze %dma_start3A_1898 : memref<1x125xi32, #tpu.memory_space<vmem>> -> memref<125xi32, #tpu.memory_space<vmem>>
    %dma_start3A_1900 = arith.constant 0 : i32
    %dma_start3A_1901 = arith.constant 0 : i32
    %dma_start3A_1902 = tpu.memref_slice %arg9[%dma_start3A_1900, %dma_start3A_1901] : memref<10x128xf32, #tpu.memory_space<vmem_shared>> -> memref<10x128xf32, #tpu.memory_space<vmem_shared>>
    tpu.enqueue_indirect_dma source(%dma_start3A_1902 : memref<10x128xf32, #tpu.memory_space<vmem_shared>>) target(%arg10 : memref<125x128xf32, #tpu.memory_space<vmem>>) offsets(%dma_start3A_1899 : memref<125xi32, #tpu.memory_space<vmem>>) semaphore(%arg12 : memref<!tpu.dma_semaphore, #tpu.memory_space<semaphore_mem>>)
    %dma_wait3A_1903 = arith.constant 16 : i32
    %dma_wait3A_1904 = arith.constant 0 : i32
    %dma_wait3A_1905 = tpu.memref_slice %arg8[%dma_wait3A_1903, %dma_wait3A_1904] : memref<25x125xi32, #tpu.memory_space<vmem>> -> memref<1x125xi32, #tpu.memory_space<vmem>>
    %dma_wait3A_1906 = tpu.memref_squeeze %dma_wait3A_1905 : memref<1x125xi32, #tpu.memory_space<vmem>> -> memref<125xi32, #tpu.memory_space<vmem>>
    %dma_wait3A_1907 = arith.constant 0 : i32
    %dma_wait3A_1908 = arith.constant 0 : i32
    %dma_wait3A_1909 = tpu.memref_slice %arg9[%dma_wait3A_1907, %dma_wait3A_1908] : memref<10x128xf32, #tpu.memory_space<vmem_shared>> -> memref<10x128xf32, #tpu.memory_space<vmem_shared>>
    tpu.wait_indirect_dma semaphore(%arg12 : memref<!tpu.dma_semaphore, #tpu.memory_space<semaphore_mem>>) src(%dma_wait3A_1909 : memref<10x128xf32, #tpu.memory_space<vmem_shared>>) dst(%arg10 : memref<125x128xf32, #tpu.memory_space<vmem>>)
    %add3A_1910 = arith.constant 2000 : i32
    %add3A_1911 = arith.addi %mul3A_2, %add3A_1910 : i32
    %dma_start3A_1912 = arith.constant 0 : i32
    %dma_start3A_1913 = tpu.memref_slice %arg5[%add3A_1911, %dma_start3A_1912] : memref<100000x128xf32, #tpu.memory_space<hbm>> -> memref<125x128xf32, #tpu.memory_space<hbm>>
    %dma_start3A_1914 = arith.constant 0 : i32
    %dma_start3A_1915 = tpu.memref_slice %arg5[%add3A_1911, %dma_start3A_1914] : memref<100000x128xf32, #tpu.memory_space<hbm>> -> memref<125x128xf32, #tpu.memory_space<hbm>>
    tpu.enqueue_dma source(%arg10 : memref<125x128xf32, #tpu.memory_space<vmem>>) target(%dma_start3A_1915 : memref<125x128xf32, #tpu.memory_space<hbm>>) target_semaphore(%arg13 : memref<!tpu.dma_semaphore, #tpu.memory_space<semaphore_mem>>)
    %add3A_1916 = arith.constant 2125 : i32
    %add3A_1917 = arith.addi %sub3A_22, %add3A_1916 : i32
    %add3A_1918 = arith.constant 0 : i32
    %add3A_1919 = arith.addi %add3A_1917, %add3A_1918 : i32
    %get3A_1920 = arith.index_cast %add3A_1919 : i32 to index
    %get3A_1921 = tpu.vector_load %arg6[%get3A_1920] {strides = array<i32>} : memref<3136xi32, #tpu.memory_space<vmem>>, vector<16xi32>,
    %gather3A_1922 = tpu.vector_load_idx %arg7[%get3A_1921] : memref<119xi32, #tpu.memory_space<vmem>>[vector<16xi32>], vector<16xi32>,
    %swap3A_1923 = arith.constant 17 : i32
    %swap3A_1924 = arith.index_cast %swap3A_1923 : i32 to index
    %swap3A_1925 = arith.constant 0 : index
    %swap3A_1926 = tpu.vector_load %arg8[%swap3A_1924, %swap3A_1925] {strides = array<i32>} : memref<25x125xi32, #tpu.memory_space<vmem>>, vector<16xi32>,
    tpu.vector_store %arg8[%swap3A_1924, %swap3A_1925], %gather3A_1922 {strides = array<i32>} : memref<25x125xi32, #tpu.memory_space<vmem>>, vector<16xi32>,
    %add3A_1927 = arith.constant 2125 : i32
    %add3A_1928 = arith.addi %sub3A_22, %add3A_1927 : i32
    %add3A_1929 = arith.constant 16 : i32
    %add3A_1930 = arith.addi %add3A_1928, %add3A_1929 : i32
    %get3A_1931 = arith.index_cast %add3A_1930 : i32 to index
    %get3A_1932 = tpu.vector_load %arg6[%get3A_1931] {strides = array<i32>} : memref<3136xi32, #tpu.memory_space<vmem>>, vector<16xi32>,
    %gather3A_1933 = tpu.vector_load_idx %arg7[%get3A_1932] : memref<119xi32, #tpu.memory_space<vmem>>[vector<16xi32>], vector<16xi32>,
    %swap3A_1934 = arith.constant 17 : i32
    %swap3A_1935 = arith.index_cast %swap3A_1934 : i32 to index
    %swap3A_1936 = arith.constant 16 : index
    %swap3A_1937 = tpu.vector_load %arg8[%swap3A_1935, %swap3A_1936] {strides = array<i32>} : memref<25x125xi32, #tpu.memory_space<vmem>>, vector<16xi32>,
    tpu.vector_store %arg8[%swap3A_1935, %swap3A_1936], %gather3A_1933 {strides = array<i32>} : memref<25x125xi32, #tpu.memory_space<vmem>>, vector<16xi32>,
    %add3A_1938 = arith.constant 2125 : i32
    %add3A_1939 = arith.addi %sub3A_22, %add3A_1938 : i32
    %add3A_1940 = arith.constant 32 : i32
    %add3A_1941 = arith.addi %add3A_1939, %add3A_1940 : i32
    %get3A_1942 = arith.index_cast %add3A_1941 : i32 to index
    %get3A_1943 = tpu.vector_load %arg6[%get3A_1942] {strides = array<i32>} : memref<3136xi32, #tpu.memory_space<vmem>>, vector<16xi32>,
    %gather3A_1944 = tpu.vector_load_idx %arg7[%get3A_1943] : memref<119xi32, #tpu.memory_space<vmem>>[vector<16xi32>], vector<16xi32>,
    %swap3A_1945 = arith.constant 17 : i32
    %swap3A_1946 = arith.index_cast %swap3A_1945 : i32 to index
    %swap3A_1947 = arith.constant 32 : index
    %swap3A_1948 = tpu.vector_load %arg8[%swap3A_1946, %swap3A_1947] {strides = array<i32>} : memref<25x125xi32, #tpu.memory_space<vmem>>, vector<16xi32>,
    tpu.vector_store %arg8[%swap3A_1946, %swap3A_1947], %gather3A_1944 {strides = array<i32>} : memref<25x125xi32, #tpu.memory_space<vmem>>, vector<16xi32>,
    %add3A_1949 = arith.constant 2125 : i32
    %add3A_1950 = arith.addi %sub3A_22, %add3A_1949 : i32
    %add3A_1951 = arith.constant 48 : i32
    %add3A_1952 = arith.addi %add3A_1950, %add3A_1951 : i32
    %get3A_1953 = arith.index_cast %add3A_1952 : i32 to index
    %get3A_1954 = tpu.vector_load %arg6[%get3A_1953] {strides = array<i32>} : memref<3136xi32, #tpu.memory_space<vmem>>, vector<16xi32>,
    %gather3A_1955 = tpu.vector_load_idx %arg7[%get3A_1954] : memref<119xi32, #tpu.memory_space<vmem>>[vector<16xi32>], vector<16xi32>,
    %swap3A_1956 = arith.constant 17 : i32
    %swap3A_1957 = arith.index_cast %swap3A_1956 : i32 to index
    %swap3A_1958 = arith.constant 48 : index
    %swap3A_1959 = tpu.vector_load %arg8[%swap3A_1957, %swap3A_1958] {strides = array<i32>} : memref<25x125xi32, #tpu.memory_space<vmem>>, vector<16xi32>,
    tpu.vector_store %arg8[%swap3A_1957, %swap3A_1958], %gather3A_1955 {strides = array<i32>} : memref<25x125xi32, #tpu.memory_space<vmem>>, vector<16xi32>,
    %add3A_1960 = arith.constant 2125 : i32
    %add3A_1961 = arith.addi %sub3A_22, %add3A_1960 : i32
    %add3A_1962 = arith.constant 64 : i32
    %add3A_1963 = arith.addi %add3A_1961, %add3A_1962 : i32
    %get3A_1964 = arith.index_cast %add3A_1963 : i32 to index
    %get3A_1965 = tpu.vector_load %arg6[%get3A_1964] {strides = array<i32>} : memref<3136xi32, #tpu.memory_space<vmem>>, vector<16xi32>,
    %gather3A_1966 = tpu.vector_load_idx %arg7[%get3A_1965] : memref<119xi32, #tpu.memory_space<vmem>>[vector<16xi32>], vector<16xi32>,
    %swap3A_1967 = arith.constant 17 : i32
    %swap3A_1968 = arith.index_cast %swap3A_1967 : i32 to index
    %swap3A_1969 = arith.constant 64 : index
    %swap3A_1970 = tpu.vector_load %arg8[%swap3A_1968, %swap3A_1969] {strides = array<i32>} : memref<25x125xi32, #tpu.memory_space<vmem>>, vector<16xi32>,
    tpu.vector_store %arg8[%swap3A_1968, %swap3A_1969], %gather3A_1966 {strides = array<i32>} : memref<25x125xi32, #tpu.memory_space<vmem>>, vector<16xi32>,
    %add3A_1971 = arith.constant 2125 : i32
    %add3A_1972 = arith.addi %sub3A_22, %add3A_1971 : i32
    %add3A_1973 = arith.constant 80 : i32
    %add3A_1974 = arith.addi %add3A_1972, %add3A_1973 : i32
    %get3A_1975 = arith.index_cast %add3A_1974 : i32 to index
    %get3A_1976 = tpu.vector_load %arg6[%get3A_1975] {strides = array<i32>} : memref<3136xi32, #tpu.memory_space<vmem>>, vector<16xi32>,
    %gather3A_1977 = tpu.vector_load_idx %arg7[%get3A_1976] : memref<119xi32, #tpu.memory_space<vmem>>[vector<16xi32>], vector<16xi32>,
    %swap3A_1978 = arith.constant 17 : i32
    %swap3A_1979 = arith.index_cast %swap3A_1978 : i32 to index
    %swap3A_1980 = arith.constant 80 : index
    %swap3A_1981 = tpu.vector_load %arg8[%swap3A_1979, %swap3A_1980] {strides = array<i32>} : memref<25x125xi32, #tpu.memory_space<vmem>>, vector<16xi32>,
    tpu.vector_store %arg8[%swap3A_1979, %swap3A_1980], %gather3A_1977 {strides = array<i32>} : memref<25x125xi32, #tpu.memory_space<vmem>>, vector<16xi32>,
    %add3A_1982 = arith.constant 2125 : i32
    %add3A_1983 = arith.addi %sub3A_22, %add3A_1982 : i32
    %add3A_1984 = arith.constant 96 : i32
    %add3A_1985 = arith.addi %add3A_1983, %add3A_1984 : i32
    %get3A_1986 = arith.index_cast %add3A_1985 : i32 to index
    %get3A_1987 = tpu.vector_load %arg6[%get3A_1986] {strides = array<i32>} : memref<3136xi32, #tpu.memory_space<vmem>>, vector<16xi32>,
    %gather3A_1988 = tpu.vector_load_idx %arg7[%get3A_1987] : memref<119xi32, #tpu.memory_space<vmem>>[vector<16xi32>], vector<16xi32>,
    %swap3A_1989 = arith.constant 17 : i32
    %swap3A_1990 = arith.index_cast %swap3A_1989 : i32 to index
    %swap3A_1991 = arith.constant 96 : index
    %swap3A_1992 = tpu.vector_load %arg8[%swap3A_1990, %swap3A_1991] {strides = array<i32>} : memref<25x125xi32, #tpu.memory_space<vmem>>, vector<16xi32>,
    tpu.vector_store %arg8[%swap3A_1990, %swap3A_1991], %gather3A_1988 {strides = array<i32>} : memref<25x125xi32, #tpu.memory_space<vmem>>, vector<16xi32>,
    %add3A_1993 = arith.constant 2125 : i32
    %add3A_1994 = arith.addi %sub3A_22, %add3A_1993 : i32
    %add3A_1995 = arith.constant 109 : i32
    %add3A_1996 = arith.addi %add3A_1994, %add3A_1995 : i32
    %get3A_1997 = arith.index_cast %add3A_1996 : i32 to index
    %get3A_1998 = tpu.vector_load %arg6[%get3A_1997] {strides = array<i32>} : memref<3136xi32, #tpu.memory_space<vmem>>, vector<16xi32>,
    %gather3A_1999 = tpu.vector_load_idx %arg7[%get3A_1998] : memref<119xi32, #tpu.memory_space<vmem>>[vector<16xi32>], vector<16xi32>,
    %swap3A_2000 = arith.constant 17 : i32
    %swap3A_2001 = arith.index_cast %swap3A_2000 : i32 to index
    %swap3A_2002 = arith.constant 109 : index
    %swap3A_2003 = tpu.vector_load %arg8[%swap3A_2001, %swap3A_2002] {strides = array<i32>} : memref<25x125xi32, #tpu.memory_space<vmem>>, vector<16xi32>,
    tpu.vector_store %arg8[%swap3A_2001, %swap3A_2002], %gather3A_1999 {strides = array<i32>} : memref<25x125xi32, #tpu.memory_space<vmem>>, vector<16xi32>,
    %dma_wait3A_2004 = arith.constant 0 : i32
    %dma_wait3A_2005 = tpu.memref_slice %arg5[%add3A_1799, %dma_wait3A_2004] : memref<100000x128xf32, #tpu.memory_space<hbm>> -> memref<125x128xf32, #tpu.memory_space<hbm>>
    %dma_wait3A_2006 = arith.constant 0 : i32
    %dma_wait3A_2007 = tpu.memref_slice %arg5[%add3A_1799, %dma_wait3A_2006] : memref<100000x128xf32, #tpu.memory_space<hbm>> -> memref<125x128xf32, #tpu.memory_space<hbm>>
    tpu.wait_dma2 semaphore(%arg14 : memref<!tpu.dma_semaphore, #tpu.memory_space<semaphore_mem>>) src(%arg11 : memref<125x128xf32, #tpu.memory_space<vmem>>) dst(%dma_wait3A_2007 : memref<125x128xf32, #tpu.memory_space<hbm>>)
    %dma_start3A_2008 = arith.constant 17 : i32
    %dma_start3A_2009 = arith.constant 0 : i32
    %dma_start3A_2010 = tpu.memref_slice %arg8[%dma_start3A_2008, %dma_start3A_2009] : memref<25x125xi32, #tpu.memory_space<vmem>> -> memref<1x125xi32, #tpu.memory_space<vmem>>
    %dma_start3A_2011 = tpu.memref_squeeze %dma_start3A_2010 : memref<1x125xi32, #tpu.memory_space<vmem>> -> memref<125xi32, #tpu.memory_space<vmem>>
    %dma_start3A_2012 = arith.constant 0 : i32
    %dma_start3A_2013 = arith.constant 0 : i32
    %dma_start3A_2014 = tpu.memref_slice %arg9[%dma_start3A_2012, %dma_start3A_2013] : memref<10x128xf32, #tpu.memory_space<vmem_shared>> -> memref<10x128xf32, #tpu.memory_space<vmem_shared>>
    tpu.enqueue_indirect_dma source(%dma_start3A_2014 : memref<10x128xf32, #tpu.memory_space<vmem_shared>>) target(%arg11 : memref<125x128xf32, #tpu.memory_space<vmem>>) offsets(%dma_start3A_2011 : memref<125xi32, #tpu.memory_space<vmem>>) semaphore(%arg12 : memref<!tpu.dma_semaphore, #tpu.memory_space<semaphore_mem>>)
    %dma_wait3A_2015 = arith.constant 17 : i32
    %dma_wait3A_2016 = arith.constant 0 : i32
    %dma_wait3A_2017 = tpu.memref_slice %arg8[%dma_wait3A_2015, %dma_wait3A_2016] : memref<25x125xi32, #tpu.memory_space<vmem>> -> memref<1x125xi32, #tpu.memory_space<vmem>>
    %dma_wait3A_2018 = tpu.memref_squeeze %dma_wait3A_2017 : memref<1x125xi32, #tpu.memory_space<vmem>> -> memref<125xi32, #tpu.memory_space<vmem>>
    %dma_wait3A_2019 = arith.constant 0 : i32
    %dma_wait3A_2020 = arith.constant 0 : i32
    %dma_wait3A_2021 = tpu.memref_slice %arg9[%dma_wait3A_2019, %dma_wait3A_2020] : memref<10x128xf32, #tpu.memory_space<vmem_shared>> -> memref<10x128xf32, #tpu.memory_space<vmem_shared>>
    tpu.wait_indirect_dma semaphore(%arg12 : memref<!tpu.dma_semaphore, #tpu.memory_space<semaphore_mem>>) src(%dma_wait3A_2021 : memref<10x128xf32, #tpu.memory_space<vmem_shared>>) dst(%arg11 : memref<125x128xf32, #tpu.memory_space<vmem>>)
    %add3A_2022 = arith.constant 2125 : i32
    %add3A_2023 = arith.addi %mul3A_2, %add3A_2022 : i32
    %dma_start3A_2024 = arith.constant 0 : i32
    %dma_start3A_2025 = tpu.memref_slice %arg5[%add3A_2023, %dma_start3A_2024] : memref<100000x128xf32, #tpu.memory_space<hbm>> -> memref<125x128xf32, #tpu.memory_space<hbm>>
    %dma_start3A_2026 = arith.constant 0 : i32
    %dma_start3A_2027 = tpu.memref_slice %arg5[%add3A_2023, %dma_start3A_2026] : memref<100000x128xf32, #tpu.memory_space<hbm>> -> memref<125x128xf32, #tpu.memory_space<hbm>>
    tpu.enqueue_dma source(%arg11 : memref<125x128xf32, #tpu.memory_space<vmem>>) target(%dma_start3A_2027 : memref<125x128xf32, #tpu.memory_space<hbm>>) target_semaphore(%arg14 : memref<!tpu.dma_semaphore, #tpu.memory_space<semaphore_mem>>)
    %add3A_2028 = arith.constant 2250 : i32
    %add3A_2029 = arith.addi %sub3A_22, %add3A_2028 : i32
    %add3A_2030 = arith.constant 0 : i32
    %add3A_2031 = arith.addi %add3A_2029, %add3A_2030 : i32
    %get3A_2032 = arith.index_cast %add3A_2031 : i32 to index
    %get3A_2033 = tpu.vector_load %arg6[%get3A_2032] {strides = array<i32>} : memref<3136xi32, #tpu.memory_space<vmem>>, vector<16xi32>,
    %gather3A_2034 = tpu.vector_load_idx %arg7[%get3A_2033] : memref<119xi32, #tpu.memory_space<vmem>>[vector<16xi32>], vector<16xi32>,
    %swap3A_2035 = arith.constant 18 : i32
    %swap3A_2036 = arith.index_cast %swap3A_2035 : i32 to index
    %swap3A_2037 = arith.constant 0 : index
    %swap3A_2038 = tpu.vector_load %arg8[%swap3A_2036, %swap3A_2037] {strides = array<i32>} : memref<25x125xi32, #tpu.memory_space<vmem>>, vector<16xi32>,
    tpu.vector_store %arg8[%swap3A_2036, %swap3A_2037], %gather3A_2034 {strides = array<i32>} : memref<25x125xi32, #tpu.memory_space<vmem>>, vector<16xi32>,
    %add3A_2039 = arith.constant 2250 : i32
    %add3A_2040 = arith.addi %sub3A_22, %add3A_2039 : i32
    %add3A_2041 = arith.constant 16 : i32
    %add3A_2042 = arith.addi %add3A_2040, %add3A_2041 : i32
    %get3A_2043 = arith.index_cast %add3A_2042 : i32 to index
    %get3A_2044 = tpu.vector_load %arg6[%get3A_2043] {strides = array<i32>} : memref<3136xi32, #tpu.memory_space<vmem>>, vector<16xi32>,
    %gather3A_2045 = tpu.vector_load_idx %arg7[%get3A_2044] : memref<119xi32, #tpu.memory_space<vmem>>[vector<16xi32>], vector<16xi32>,
    %swap3A_2046 = arith.constant 18 : i32
    %swap3A_2047 = arith.index_cast %swap3A_2046 : i32 to index
    %swap3A_2048 = arith.constant 16 : index
    %swap3A_2049 = tpu.vector_load %arg8[%swap3A_2047, %swap3A_2048] {strides = array<i32>} : memref<25x125xi32, #tpu.memory_space<vmem>>, vector<16xi32>,
    tpu.vector_store %arg8[%swap3A_2047, %swap3A_2048], %gather3A_2045 {strides = array<i32>} : memref<25x125xi32, #tpu.memory_space<vmem>>, vector<16xi32>,
    %add3A_2050 = arith.constant 2250 : i32
    %add3A_2051 = arith.addi %sub3A_22, %add3A_2050 : i32
    %add3A_2052 = arith.constant 32 : i32
    %add3A_2053 = arith.addi %add3A_2051, %add3A_2052 : i32
    %get3A_2054 = arith.index_cast %add3A_2053 : i32 to index
    %get3A_2055 = tpu.vector_load %arg6[%get3A_2054] {strides = array<i32>} : memref<3136xi32, #tpu.memory_space<vmem>>, vector<16xi32>,
    %gather3A_2056 = tpu.vector_load_idx %arg7[%get3A_2055] : memref<119xi32, #tpu.memory_space<vmem>>[vector<16xi32>], vector<16xi32>,
    %swap3A_2057 = arith.constant 18 : i32
    %swap3A_2058 = arith.index_cast %swap3A_2057 : i32 to index
    %swap3A_2059 = arith.constant 32 : index
    %swap3A_2060 = tpu.vector_load %arg8[%swap3A_2058, %swap3A_2059] {strides = array<i32>} : memref<25x125xi32, #tpu.memory_space<vmem>>, vector<16xi32>,
    tpu.vector_store %arg8[%swap3A_2058, %swap3A_2059], %gather3A_2056 {strides = array<i32>} : memref<25x125xi32, #tpu.memory_space<vmem>>, vector<16xi32>,
    %add3A_2061 = arith.constant 2250 : i32
    %add3A_2062 = arith.addi %sub3A_22, %add3A_2061 : i32
    %add3A_2063 = arith.constant 48 : i32
    %add3A_2064 = arith.addi %add3A_2062, %add3A_2063 : i32
    %get3A_2065 = arith.index_cast %add3A_2064 : i32 to index
    %get3A_2066 = tpu.vector_load %arg6[%get3A_2065] {strides = array<i32>} : memref<3136xi32, #tpu.memory_space<vmem>>, vector<16xi32>,
    %gather3A_2067 = tpu.vector_load_idx %arg7[%get3A_2066] : memref<119xi32, #tpu.memory_space<vmem>>[vector<16xi32>], vector<16xi32>,
    %swap3A_2068 = arith.constant 18 : i32
    %swap3A_2069 = arith.index_cast %swap3A_2068 : i32 to index
    %swap3A_2070 = arith.constant 48 : index
    %swap3A_2071 = tpu.vector_load %arg8[%swap3A_2069, %swap3A_2070] {strides = array<i32>} : memref<25x125xi32, #tpu.memory_space<vmem>>, vector<16xi32>,
    tpu.vector_store %arg8[%swap3A_2069, %swap3A_2070], %gather3A_2067 {strides = array<i32>} : memref<25x125xi32, #tpu.memory_space<vmem>>, vector<16xi32>,
    %add3A_2072 = arith.constant 2250 : i32
    %add3A_2073 = arith.addi %sub3A_22, %add3A_2072 : i32
    %add3A_2074 = arith.constant 64 : i32
    %add3A_2075 = arith.addi %add3A_2073, %add3A_2074 : i32
    %get3A_2076 = arith.index_cast %add3A_2075 : i32 to index
    %get3A_2077 = tpu.vector_load %arg6[%get3A_2076] {strides = array<i32>} : memref<3136xi32, #tpu.memory_space<vmem>>, vector<16xi32>,
    %gather3A_2078 = tpu.vector_load_idx %arg7[%get3A_2077] : memref<119xi32, #tpu.memory_space<vmem>>[vector<16xi32>], vector<16xi32>,
    %swap3A_2079 = arith.constant 18 : i32
    %swap3A_2080 = arith.index_cast %swap3A_2079 : i32 to index
    %swap3A_2081 = arith.constant 64 : index
    %swap3A_2082 = tpu.vector_load %arg8[%swap3A_2080, %swap3A_2081] {strides = array<i32>} : memref<25x125xi32, #tpu.memory_space<vmem>>, vector<16xi32>,
    tpu.vector_store %arg8[%swap3A_2080, %swap3A_2081], %gather3A_2078 {strides = array<i32>} : memref<25x125xi32, #tpu.memory_space<vmem>>, vector<16xi32>,
    %add3A_2083 = arith.constant 2250 : i32
    %add3A_2084 = arith.addi %sub3A_22, %add3A_2083 : i32
    %add3A_2085 = arith.constant 80 : i32
    %add3A_2086 = arith.addi %add3A_2084, %add3A_2085 : i32
    %get3A_2087 = arith.index_cast %add3A_2086 : i32 to index
    %get3A_2088 = tpu.vector_load %arg6[%get3A_2087] {strides = array<i32>} : memref<3136xi32, #tpu.memory_space<vmem>>, vector<16xi32>,
    %gather3A_2089 = tpu.vector_load_idx %arg7[%get3A_2088] : memref<119xi32, #tpu.memory_space<vmem>>[vector<16xi32>], vector<16xi32>,
    %swap3A_2090 = arith.constant 18 : i32
    %swap3A_2091 = arith.index_cast %swap3A_2090 : i32 to index
    %swap3A_2092 = arith.constant 80 : index
    %swap3A_2093 = tpu.vector_load %arg8[%swap3A_2091, %swap3A_2092] {strides = array<i32>} : memref<25x125xi32, #tpu.memory_space<vmem>>, vector<16xi32>,
    tpu.vector_store %arg8[%swap3A_2091, %swap3A_2092], %gather3A_2089 {strides = array<i32>} : memref<25x125xi32, #tpu.memory_space<vmem>>, vector<16xi32>,
    %add3A_2094 = arith.constant 2250 : i32
    %add3A_2095 = arith.addi %sub3A_22, %add3A_2094 : i32
    %add3A_2096 = arith.constant 96 : i32
    %add3A_2097 = arith.addi %add3A_2095, %add3A_2096 : i32
    %get3A_2098 = arith.index_cast %add3A_2097 : i32 to index
    %get3A_2099 = tpu.vector_load %arg6[%get3A_2098] {strides = array<i32>} : memref<3136xi32, #tpu.memory_space<vmem>>, vector<16xi32>,
    %gather3A_2100 = tpu.vector_load_idx %arg7[%get3A_2099] : memref<119xi32, #tpu.memory_space<vmem>>[vector<16xi32>], vector<16xi32>,
    %swap3A_2101 = arith.constant 18 : i32
    %swap3A_2102 = arith.index_cast %swap3A_2101 : i32 to index
    %swap3A_2103 = arith.constant 96 : index
    %swap3A_2104 = tpu.vector_load %arg8[%swap3A_2102, %swap3A_2103] {strides = array<i32>} : memref<25x125xi32, #tpu.memory_space<vmem>>, vector<16xi32>,
    tpu.vector_store %arg8[%swap3A_2102, %swap3A_2103], %gather3A_2100 {strides = array<i32>} : memref<25x125xi32, #tpu.memory_space<vmem>>, vector<16xi32>,
    %add3A_2105 = arith.constant 2250 : i32
    %add3A_2106 = arith.addi %sub3A_22, %add3A_2105 : i32
    %add3A_2107 = arith.constant 109 : i32
    %add3A_2108 = arith.addi %add3A_2106, %add3A_2107 : i32
    %get3A_2109 = arith.index_cast %add3A_2108 : i32 to index
    %get3A_2110 = tpu.vector_load %arg6[%get3A_2109] {strides = array<i32>} : memref<3136xi32, #tpu.memory_space<vmem>>, vector<16xi32>,
    %gather3A_2111 = tpu.vector_load_idx %arg7[%get3A_2110] : memref<119xi32, #tpu.memory_space<vmem>>[vector<16xi32>], vector<16xi32>,
    %swap3A_2112 = arith.constant 18 : i32
    %swap3A_2113 = arith.index_cast %swap3A_2112 : i32 to index
    %swap3A_2114 = arith.constant 109 : index
    %swap3A_2115 = tpu.vector_load %arg8[%swap3A_2113, %swap3A_2114] {strides = array<i32>} : memref<25x125xi32, #tpu.memory_space<vmem>>, vector<16xi32>,
    tpu.vector_store %arg8[%swap3A_2113, %swap3A_2114], %gather3A_2111 {strides = array<i32>} : memref<25x125xi32, #tpu.memory_space<vmem>>, vector<16xi32>,
    %dma_wait3A_2116 = arith.constant 0 : i32
    %dma_wait3A_2117 = tpu.memref_slice %arg5[%add3A_1911, %dma_wait3A_2116] : memref<100000x128xf32, #tpu.memory_space<hbm>> -> memref<125x128xf32, #tpu.memory_space<hbm>>
    %dma_wait3A_2118 = arith.constant 0 : i32
    %dma_wait3A_2119 = tpu.memref_slice %arg5[%add3A_1911, %dma_wait3A_2118] : memref<100000x128xf32, #tpu.memory_space<hbm>> -> memref<125x128xf32, #tpu.memory_space<hbm>>
    tpu.wait_dma2 semaphore(%arg13 : memref<!tpu.dma_semaphore, #tpu.memory_space<semaphore_mem>>) src(%arg10 : memref<125x128xf32, #tpu.memory_space<vmem>>) dst(%dma_wait3A_2119 : memref<125x128xf32, #tpu.memory_space<hbm>>)
    %dma_start3A_2120 = arith.constant 18 : i32
    %dma_start3A_2121 = arith.constant 0 : i32
    %dma_start3A_2122 = tpu.memref_slice %arg8[%dma_start3A_2120, %dma_start3A_2121] : memref<25x125xi32, #tpu.memory_space<vmem>> -> memref<1x125xi32, #tpu.memory_space<vmem>>
    %dma_start3A_2123 = tpu.memref_squeeze %dma_start3A_2122 : memref<1x125xi32, #tpu.memory_space<vmem>> -> memref<125xi32, #tpu.memory_space<vmem>>
    %dma_start3A_2124 = arith.constant 0 : i32
    %dma_start3A_2125 = arith.constant 0 : i32
    %dma_start3A_2126 = tpu.memref_slice %arg9[%dma_start3A_2124, %dma_start3A_2125] : memref<10x128xf32, #tpu.memory_space<vmem_shared>> -> memref<10x128xf32, #tpu.memory_space<vmem_shared>>
    tpu.enqueue_indirect_dma source(%dma_start3A_2126 : memref<10x128xf32, #tpu.memory_space<vmem_shared>>) target(%arg10 : memref<125x128xf32, #tpu.memory_space<vmem>>) offsets(%dma_start3A_2123 : memref<125xi32, #tpu.memory_space<vmem>>) semaphore(%arg12 : memref<!tpu.dma_semaphore, #tpu.memory_space<semaphore_mem>>)
    %dma_wait3A_2127 = arith.constant 18 : i32
    %dma_wait3A_2128 = arith.constant 0 : i32
    %dma_wait3A_2129 = tpu.memref_slice %arg8[%dma_wait3A_2127, %dma_wait3A_2128] : memref<25x125xi32, #tpu.memory_space<vmem>> -> memref<1x125xi32, #tpu.memory_space<vmem>>
    %dma_wait3A_2130 = tpu.memref_squeeze %dma_wait3A_2129 : memref<1x125xi32, #tpu.memory_space<vmem>> -> memref<125xi32, #tpu.memory_space<vmem>>
    %dma_wait3A_2131 = arith.constant 0 : i32
    %dma_wait3A_2132 = arith.constant 0 : i32
    %dma_wait3A_2133 = tpu.memref_slice %arg9[%dma_wait3A_2131, %dma_wait3A_2132] : memref<10x128xf32, #tpu.memory_space<vmem_shared>> -> memref<10x128xf32, #tpu.memory_space<vmem_shared>>
    tpu.wait_indirect_dma semaphore(%arg12 : memref<!tpu.dma_semaphore, #tpu.memory_space<semaphore_mem>>) src(%dma_wait3A_2133 : memref<10x128xf32, #tpu.memory_space<vmem_shared>>) dst(%arg10 : memref<125x128xf32, #tpu.memory_space<vmem>>)
    %add3A_2134 = arith.constant 2250 : i32
    %add3A_2135 = arith.addi %mul3A_2, %add3A_2134 : i32
    %dma_start3A_2136 = arith.constant 0 : i32
    %dma_start3A_2137 = tpu.memref_slice %arg5[%add3A_2135, %dma_start3A_2136] : memref<100000x128xf32, #tpu.memory_space<hbm>> -> memref<125x128xf32, #tpu.memory_space<hbm>>
    %dma_start3A_2138 = arith.constant 0 : i32
    %dma_start3A_2139 = tpu.memref_slice %arg5[%add3A_2135, %dma_start3A_2138] : memref<100000x128xf32, #tpu.memory_space<hbm>> -> memref<125x128xf32, #tpu.memory_space<hbm>>
    tpu.enqueue_dma source(%arg10 : memref<125x128xf32, #tpu.memory_space<vmem>>) target(%dma_start3A_2139 : memref<125x128xf32, #tpu.memory_space<hbm>>) target_semaphore(%arg13 : memref<!tpu.dma_semaphore, #tpu.memory_space<semaphore_mem>>)
    %add3A_2140 = arith.constant 2375 : i32
    %add3A_2141 = arith.addi %sub3A_22, %add3A_2140 : i32
    %add3A_2142 = arith.constant 0 : i32
    %add3A_2143 = arith.addi %add3A_2141, %add3A_2142 : i32
    %get3A_2144 = arith.index_cast %add3A_2143 : i32 to index
    %get3A_2145 = tpu.vector_load %arg6[%get3A_2144] {strides = array<i32>} : memref<3136xi32, #tpu.memory_space<vmem>>, vector<16xi32>,
    %gather3A_2146 = tpu.vector_load_idx %arg7[%get3A_2145] : memref<119xi32, #tpu.memory_space<vmem>>[vector<16xi32>], vector<16xi32>,
    %swap3A_2147 = arith.constant 19 : i32
    %swap3A_2148 = arith.index_cast %swap3A_2147 : i32 to index
    %swap3A_2149 = arith.constant 0 : index
    %swap3A_2150 = tpu.vector_load %arg8[%swap3A_2148, %swap3A_2149] {strides = array<i32>} : memref<25x125xi32, #tpu.memory_space<vmem>>, vector<16xi32>,
    tpu.vector_store %arg8[%swap3A_2148, %swap3A_2149], %gather3A_2146 {strides = array<i32>} : memref<25x125xi32, #tpu.memory_space<vmem>>, vector<16xi32>,
    %add3A_2151 = arith.constant 2375 : i32
    %add3A_2152 = arith.addi %sub3A_22, %add3A_2151 : i32
    %add3A_2153 = arith.constant 16 : i32
    %add3A_2154 = arith.addi %add3A_2152, %add3A_2153 : i32
    %get3A_2155 = arith.index_cast %add3A_2154 : i32 to index
    %get3A_2156 = tpu.vector_load %arg6[%get3A_2155] {strides = array<i32>} : memref<3136xi32, #tpu.memory_space<vmem>>, vector<16xi32>,
    %gather3A_2157 = tpu.vector_load_idx %arg7[%get3A_2156] : memref<119xi32, #tpu.memory_space<vmem>>[vector<16xi32>], vector<16xi32>,
    %swap3A_2158 = arith.constant 19 : i32
    %swap3A_2159 = arith.index_cast %swap3A_2158 : i32 to index
    %swap3A_2160 = arith.constant 16 : index
    %swap3A_2161 = tpu.vector_load %arg8[%swap3A_2159, %swap3A_2160] {strides = array<i32>} : memref<25x125xi32, #tpu.memory_space<vmem>>, vector<16xi32>,
    tpu.vector_store %arg8[%swap3A_2159, %swap3A_2160], %gather3A_2157 {strides = array<i32>} : memref<25x125xi32, #tpu.memory_space<vmem>>, vector<16xi32>,
    %add3A_2162 = arith.constant 2375 : i32
    %add3A_2163 = arith.addi %sub3A_22, %add3A_2162 : i32
    %add3A_2164 = arith.constant 32 : i32
    %add3A_2165 = arith.addi %add3A_2163, %add3A_2164 : i32
    %get3A_2166 = arith.index_cast %add3A_2165 : i32 to index
    %get3A_2167 = tpu.vector_load %arg6[%get3A_2166] {strides = array<i32>} : memref<3136xi32, #tpu.memory_space<vmem>>, vector<16xi32>,
    %gather3A_2168 = tpu.vector_load_idx %arg7[%get3A_2167] : memref<119xi32, #tpu.memory_space<vmem>>[vector<16xi32>], vector<16xi32>,
    %swap3A_2169 = arith.constant 19 : i32
    %swap3A_2170 = arith.index_cast %swap3A_2169 : i32 to index
    %swap3A_2171 = arith.constant 32 : index
    %swap3A_2172 = tpu.vector_load %arg8[%swap3A_2170, %swap3A_2171] {strides = array<i32>} : memref<25x125xi32, #tpu.memory_space<vmem>>, vector<16xi32>,
    tpu.vector_store %arg8[%swap3A_2170, %swap3A_2171], %gather3A_2168 {strides = array<i32>} : memref<25x125xi32, #tpu.memory_space<vmem>>, vector<16xi32>,
    %add3A_2173 = arith.constant 2375 : i32
    %add3A_2174 = arith.addi %sub3A_22, %add3A_2173 : i32
    %add3A_2175 = arith.constant 48 : i32
    %add3A_2176 = arith.addi %add3A_2174, %add3A_2175 : i32
    %get3A_2177 = arith.index_cast %add3A_2176 : i32 to index
    %get3A_2178 = tpu.vector_load %arg6[%get3A_2177] {strides = array<i32>} : memref<3136xi32, #tpu.memory_space<vmem>>, vector<16xi32>,
    %gather3A_2179 = tpu.vector_load_idx %arg7[%get3A_2178] : memref<119xi32, #tpu.memory_space<vmem>>[vector<16xi32>], vector<16xi32>,
    %swap3A_2180 = arith.constant 19 : i32
    %swap3A_2181 = arith.index_cast %swap3A_2180 : i32 to index
    %swap3A_2182 = arith.constant 48 : index
    %swap3A_2183 = tpu.vector_load %arg8[%swap3A_2181, %swap3A_2182] {strides = array<i32>} : memref<25x125xi32, #tpu.memory_space<vmem>>, vector<16xi32>,
    tpu.vector_store %arg8[%swap3A_2181, %swap3A_2182], %gather3A_2179 {strides = array<i32>} : memref<25x125xi32, #tpu.memory_space<vmem>>, vector<16xi32>,
    %add3A_2184 = arith.constant 2375 : i32
    %add3A_2185 = arith.addi %sub3A_22, %add3A_2184 : i32
    %add3A_2186 = arith.constant 64 : i32
    %add3A_2187 = arith.addi %add3A_2185, %add3A_2186 : i32
    %get3A_2188 = arith.index_cast %add3A_2187 : i32 to index
    %get3A_2189 = tpu.vector_load %arg6[%get3A_2188] {strides = array<i32>} : memref<3136xi32, #tpu.memory_space<vmem>>, vector<16xi32>,
    %gather3A_2190 = tpu.vector_load_idx %arg7[%get3A_2189] : memref<119xi32, #tpu.memory_space<vmem>>[vector<16xi32>], vector<16xi32>,
    %swap3A_2191 = arith.constant 19 : i32
    %swap3A_2192 = arith.index_cast %swap3A_2191 : i32 to index
    %swap3A_2193 = arith.constant 64 : index
    %swap3A_2194 = tpu.vector_load %arg8[%swap3A_2192, %swap3A_2193] {strides = array<i32>} : memref<25x125xi32, #tpu.memory_space<vmem>>, vector<16xi32>,
    tpu.vector_store %arg8[%swap3A_2192, %swap3A_2193], %gather3A_2190 {strides = array<i32>} : memref<25x125xi32, #tpu.memory_space<vmem>>, vector<16xi32>,
    %add3A_2195 = arith.constant 2375 : i32
    %add3A_2196 = arith.addi %sub3A_22, %add3A_2195 : i32
    %add3A_2197 = arith.constant 80 : i32
    %add3A_2198 = arith.addi %add3A_2196, %add3A_2197 : i32
    %get3A_2199 = arith.index_cast %add3A_2198 : i32 to index
    %get3A_2200 = tpu.vector_load %arg6[%get3A_2199] {strides = array<i32>} : memref<3136xi32, #tpu.memory_space<vmem>>, vector<16xi32>,
    %gather3A_2201 = tpu.vector_load_idx %arg7[%get3A_2200] : memref<119xi32, #tpu.memory_space<vmem>>[vector<16xi32>], vector<16xi32>,
    %swap3A_2202 = arith.constant 19 : i32
    %swap3A_2203 = arith.index_cast %swap3A_2202 : i32 to index
    %swap3A_2204 = arith.constant 80 : index
    %swap3A_2205 = tpu.vector_load %arg8[%swap3A_2203, %swap3A_2204] {strides = array<i32>} : memref<25x125xi32, #tpu.memory_space<vmem>>, vector<16xi32>,
    tpu.vector_store %arg8[%swap3A_2203, %swap3A_2204], %gather3A_2201 {strides = array<i32>} : memref<25x125xi32, #tpu.memory_space<vmem>>, vector<16xi32>,
    %add3A_2206 = arith.constant 2375 : i32
    %add3A_2207 = arith.addi %sub3A_22, %add3A_2206 : i32
    %add3A_2208 = arith.constant 96 : i32
    %add3A_2209 = arith.addi %add3A_2207, %add3A_2208 : i32
    %get3A_2210 = arith.index_cast %add3A_2209 : i32 to index
    %get3A_2211 = tpu.vector_load %arg6[%get3A_2210] {strides = array<i32>} : memref<3136xi32, #tpu.memory_space<vmem>>, vector<16xi32>,
    %gather3A_2212 = tpu.vector_load_idx %arg7[%get3A_2211] : memref<119xi32, #tpu.memory_space<vmem>>[vector<16xi32>], vector<16xi32>,
    %swap3A_2213 = arith.constant 19 : i32
    %swap3A_2214 = arith.index_cast %swap3A_2213 : i32 to index
    %swap3A_2215 = arith.constant 96 : index
    %swap3A_2216 = tpu.vector_load %arg8[%swap3A_2214, %swap3A_2215] {strides = array<i32>} : memref<25x125xi32, #tpu.memory_space<vmem>>, vector<16xi32>,
    tpu.vector_store %arg8[%swap3A_2214, %swap3A_2215], %gather3A_2212 {strides = array<i32>} : memref<25x125xi32, #tpu.memory_space<vmem>>, vector<16xi32>,
    %add3A_2217 = arith.constant 2375 : i32
    %add3A_2218 = arith.addi %sub3A_22, %add3A_2217 : i32
    %add3A_2219 = arith.constant 109 : i32
    %add3A_2220 = arith.addi %add3A_2218, %add3A_2219 : i32
    %get3A_2221 = arith.index_cast %add3A_2220 : i32 to index
    %get3A_2222 = tpu.vector_load %arg6[%get3A_2221] {strides = array<i32>} : memref<3136xi32, #tpu.memory_space<vmem>>, vector<16xi32>,
    %gather3A_2223 = tpu.vector_load_idx %arg7[%get3A_2222] : memref<119xi32, #tpu.memory_space<vmem>>[vector<16xi32>], vector<16xi32>,
    %swap3A_2224 = arith.constant 19 : i32
    %swap3A_2225 = arith.index_cast %swap3A_2224 : i32 to index
    %swap3A_2226 = arith.constant 109 : index
    %swap3A_2227 = tpu.vector_load %arg8[%swap3A_2225, %swap3A_2226] {strides = array<i32>} : memref<25x125xi32, #tpu.memory_space<vmem>>, vector<16xi32>,
    tpu.vector_store %arg8[%swap3A_2225, %swap3A_2226], %gather3A_2223 {strides = array<i32>} : memref<25x125xi32, #tpu.memory_space<vmem>>, vector<16xi32>,
    %dma_wait3A_2228 = arith.constant 0 : i32
    %dma_wait3A_2229 = tpu.memref_slice %arg5[%add3A_2023, %dma_wait3A_2228] : memref<100000x128xf32, #tpu.memory_space<hbm>> -> memref<125x128xf32, #tpu.memory_space<hbm>>
    %dma_wait3A_2230 = arith.constant 0 : i32
    %dma_wait3A_2231 = tpu.memref_slice %arg5[%add3A_2023, %dma_wait3A_2230] : memref<100000x128xf32, #tpu.memory_space<hbm>> -> memref<125x128xf32, #tpu.memory_space<hbm>>
    tpu.wait_dma2 semaphore(%arg14 : memref<!tpu.dma_semaphore, #tpu.memory_space<semaphore_mem>>) src(%arg11 : memref<125x128xf32, #tpu.memory_space<vmem>>) dst(%dma_wait3A_2231 : memref<125x128xf32, #tpu.memory_space<hbm>>)
    %dma_start3A_2232 = arith.constant 19 : i32
    %dma_start3A_2233 = arith.constant 0 : i32
    %dma_start3A_2234 = tpu.memref_slice %arg8[%dma_start3A_2232, %dma_start3A_2233] : memref<25x125xi32, #tpu.memory_space<vmem>> -> memref<1x125xi32, #tpu.memory_space<vmem>>
    %dma_start3A_2235 = tpu.memref_squeeze %dma_start3A_2234 : memref<1x125xi32, #tpu.memory_space<vmem>> -> memref<125xi32, #tpu.memory_space<vmem>>
    %dma_start3A_2236 = arith.constant 0 : i32
    %dma_start3A_2237 = arith.constant 0 : i32
    %dma_start3A_2238 = tpu.memref_slice %arg9[%dma_start3A_2236, %dma_start3A_2237] : memref<10x128xf32, #tpu.memory_space<vmem_shared>> -> memref<10x128xf32, #tpu.memory_space<vmem_shared>>
    tpu.enqueue_indirect_dma source(%dma_start3A_2238 : memref<10x128xf32, #tpu.memory_space<vmem_shared>>) target(%arg11 : memref<125x128xf32, #tpu.memory_space<vmem>>) offsets(%dma_start3A_2235 : memref<125xi32, #tpu.memory_space<vmem>>) semaphore(%arg12 : memref<!tpu.dma_semaphore, #tpu.memory_space<semaphore_mem>>)
    %dma_wait3A_2239 = arith.constant 19 : i32
    %dma_wait3A_2240 = arith.constant 0 : i32
    %dma_wait3A_2241 = tpu.memref_slice %arg8[%dma_wait3A_2239, %dma_wait3A_2240] : memref<25x125xi32, #tpu.memory_space<vmem>> -> memref<1x125xi32, #tpu.memory_space<vmem>>
    %dma_wait3A_2242 = tpu.memref_squeeze %dma_wait3A_2241 : memref<1x125xi32, #tpu.memory_space<vmem>> -> memref<125xi32, #tpu.memory_space<vmem>>
    %dma_wait3A_2243 = arith.constant 0 : i32
    %dma_wait3A_2244 = arith.constant 0 : i32
    %dma_wait3A_2245 = tpu.memref_slice %arg9[%dma_wait3A_2243, %dma_wait3A_2244] : memref<10x128xf32, #tpu.memory_space<vmem_shared>> -> memref<10x128xf32, #tpu.memory_space<vmem_shared>>
    tpu.wait_indirect_dma semaphore(%arg12 : memref<!tpu.dma_semaphore, #tpu.memory_space<semaphore_mem>>) src(%dma_wait3A_2245 : memref<10x128xf32, #tpu.memory_space<vmem_shared>>) dst(%arg11 : memref<125x128xf32, #tpu.memory_space<vmem>>)
    %add3A_2246 = arith.constant 2375 : i32
    %add3A_2247 = arith.addi %mul3A_2, %add3A_2246 : i32
    %dma_start3A_2248 = arith.constant 0 : i32
    %dma_start3A_2249 = tpu.memref_slice %arg5[%add3A_2247, %dma_start3A_2248] : memref<100000x128xf32, #tpu.memory_space<hbm>> -> memref<125x128xf32, #tpu.memory_space<hbm>>
    %dma_start3A_2250 = arith.constant 0 : i32
    %dma_start3A_2251 = tpu.memref_slice %arg5[%add3A_2247, %dma_start3A_2250] : memref<100000x128xf32, #tpu.memory_space<hbm>> -> memref<125x128xf32, #tpu.memory_space<hbm>>
    tpu.enqueue_dma source(%arg11 : memref<125x128xf32, #tpu.memory_space<vmem>>) target(%dma_start3A_2251 : memref<125x128xf32, #tpu.memory_space<hbm>>) target_semaphore(%arg14 : memref<!tpu.dma_semaphore, #tpu.memory_space<semaphore_mem>>)
    %add3A_2252 = arith.constant 2500 : i32
    %add3A_2253 = arith.addi %sub3A_22, %add3A_2252 : i32
    %add3A_2254 = arith.constant 0 : i32
    %add3A_2255 = arith.addi %add3A_2253, %add3A_2254 : i32
    %get3A_2256 = arith.index_cast %add3A_2255 : i32 to index
    %get3A_2257 = tpu.vector_load %arg6[%get3A_2256] {strides = array<i32>} : memref<3136xi32, #tpu.memory_space<vmem>>, vector<16xi32>,
    %gather3A_2258 = tpu.vector_load_idx %arg7[%get3A_2257] : memref<119xi32, #tpu.memory_space<vmem>>[vector<16xi32>], vector<16xi32>,
    %swap3A_2259 = arith.constant 20 : i32
    %swap3A_2260 = arith.index_cast %swap3A_2259 : i32 to index
    %swap3A_2261 = arith.constant 0 : index
    %swap3A_2262 = tpu.vector_load %arg8[%swap3A_2260, %swap3A_2261] {strides = array<i32>} : memref<25x125xi32, #tpu.memory_space<vmem>>, vector<16xi32>,
    tpu.vector_store %arg8[%swap3A_2260, %swap3A_2261], %gather3A_2258 {strides = array<i32>} : memref<25x125xi32, #tpu.memory_space<vmem>>, vector<16xi32>,
    %add3A_2263 = arith.constant 2500 : i32
    %add3A_2264 = arith.addi %sub3A_22, %add3A_2263 : i32
    %add3A_2265 = arith.constant 16 : i32
    %add3A_2266 = arith.addi %add3A_2264, %add3A_2265 : i32
    %get3A_2267 = arith.index_cast %add3A_2266 : i32 to index
    %get3A_2268 = tpu.vector_load %arg6[%get3A_2267] {strides = array<i32>} : memref<3136xi32, #tpu.memory_space<vmem>>, vector<16xi32>,
    %gather3A_2269 = tpu.vector_load_idx %arg7[%get3A_2268] : memref<119xi32, #tpu.memory_space<vmem>>[vector<16xi32>], vector<16xi32>,
    %swap3A_2270 = arith.constant 20 : i32
    %swap3A_2271 = arith.index_cast %swap3A_2270 : i32 to index
    %swap3A_2272 = arith.constant 16 : index
    %swap3A_2273 = tpu.vector_load %arg8[%swap3A_2271, %swap3A_2272] {strides = array<i32>} : memref<25x125xi32, #tpu.memory_space<vmem>>, vector<16xi32>,
    tpu.vector_store %arg8[%swap3A_2271, %swap3A_2272], %gather3A_2269 {strides = array<i32>} : memref<25x125xi32, #tpu.memory_space<vmem>>, vector<16xi32>,
    %add3A_2274 = arith.constant 2500 : i32
    %add3A_2275 = arith.addi %sub3A_22, %add3A_2274 : i32
    %add3A_2276 = arith.constant 32 : i32
    %add3A_2277 = arith.addi %add3A_2275, %add3A_2276 : i32
    %get3A_2278 = arith.index_cast %add3A_2277 : i32 to index
    %get3A_2279 = tpu.vector_load %arg6[%get3A_2278] {strides = array<i32>} : memref<3136xi32, #tpu.memory_space<vmem>>, vector<16xi32>,
    %gather3A_2280 = tpu.vector_load_idx %arg7[%get3A_2279] : memref<119xi32, #tpu.memory_space<vmem>>[vector<16xi32>], vector<16xi32>,
    %swap3A_2281 = arith.constant 20 : i32
    %swap3A_2282 = arith.index_cast %swap3A_2281 : i32 to index
    %swap3A_2283 = arith.constant 32 : index
    %swap3A_2284 = tpu.vector_load %arg8[%swap3A_2282, %swap3A_2283] {strides = array<i32>} : memref<25x125xi32, #tpu.memory_space<vmem>>, vector<16xi32>,
    tpu.vector_store %arg8[%swap3A_2282, %swap3A_2283], %gather3A_2280 {strides = array<i32>} : memref<25x125xi32, #tpu.memory_space<vmem>>, vector<16xi32>,
    %add3A_2285 = arith.constant 2500 : i32
    %add3A_2286 = arith.addi %sub3A_22, %add3A_2285 : i32
    %add3A_2287 = arith.constant 48 : i32
    %add3A_2288 = arith.addi %add3A_2286, %add3A_2287 : i32
    %get3A_2289 = arith.index_cast %add3A_2288 : i32 to index
    %get3A_2290 = tpu.vector_load %arg6[%get3A_2289] {strides = array<i32>} : memref<3136xi32, #tpu.memory_space<vmem>>, vector<16xi32>,
    %gather3A_2291 = tpu.vector_load_idx %arg7[%get3A_2290] : memref<119xi32, #tpu.memory_space<vmem>>[vector<16xi32>], vector<16xi32>,
    %swap3A_2292 = arith.constant 20 : i32
    %swap3A_2293 = arith.index_cast %swap3A_2292 : i32 to index
    %swap3A_2294 = arith.constant 48 : index
    %swap3A_2295 = tpu.vector_load %arg8[%swap3A_2293, %swap3A_2294] {strides = array<i32>} : memref<25x125xi32, #tpu.memory_space<vmem>>, vector<16xi32>,
    tpu.vector_store %arg8[%swap3A_2293, %swap3A_2294], %gather3A_2291 {strides = array<i32>} : memref<25x125xi32, #tpu.memory_space<vmem>>, vector<16xi32>,
    %add3A_2296 = arith.constant 2500 : i32
    %add3A_2297 = arith.addi %sub3A_22, %add3A_2296 : i32
    %add3A_2298 = arith.constant 64 : i32
    %add3A_2299 = arith.addi %add3A_2297, %add3A_2298 : i32
    %get3A_2300 = arith.index_cast %add3A_2299 : i32 to index
    %get3A_2301 = tpu.vector_load %arg6[%get3A_2300] {strides = array<i32>} : memref<3136xi32, #tpu.memory_space<vmem>>, vector<16xi32>,
    %gather3A_2302 = tpu.vector_load_idx %arg7[%get3A_2301] : memref<119xi32, #tpu.memory_space<vmem>>[vector<16xi32>], vector<16xi32>,
    %swap3A_2303 = arith.constant 20 : i32
    %swap3A_2304 = arith.index_cast %swap3A_2303 : i32 to index
    %swap3A_2305 = arith.constant 64 : index
    %swap3A_2306 = tpu.vector_load %arg8[%swap3A_2304, %swap3A_2305] {strides = array<i32>} : memref<25x125xi32, #tpu.memory_space<vmem>>, vector<16xi32>,
    tpu.vector_store %arg8[%swap3A_2304, %swap3A_2305], %gather3A_2302 {strides = array<i32>} : memref<25x125xi32, #tpu.memory_space<vmem>>, vector<16xi32>,
    %add3A_2307 = arith.constant 2500 : i32
    %add3A_2308 = arith.addi %sub3A_22, %add3A_2307 : i32
    %add3A_2309 = arith.constant 80 : i32
    %add3A_2310 = arith.addi %add3A_2308, %add3A_2309 : i32
    %get3A_2311 = arith.index_cast %add3A_2310 : i32 to index
    %get3A_2312 = tpu.vector_load %arg6[%get3A_2311] {strides = array<i32>} : memref<3136xi32, #tpu.memory_space<vmem>>, vector<16xi32>,
    %gather3A_2313 = tpu.vector_load_idx %arg7[%get3A_2312] : memref<119xi32, #tpu.memory_space<vmem>>[vector<16xi32>], vector<16xi32>,
    %swap3A_2314 = arith.constant 20 : i32
    %swap3A_2315 = arith.index_cast %swap3A_2314 : i32 to index
    %swap3A_2316 = arith.constant 80 : index
    %swap3A_2317 = tpu.vector_load %arg8[%swap3A_2315, %swap3A_2316] {strides = array<i32>} : memref<25x125xi32, #tpu.memory_space<vmem>>, vector<16xi32>,
    tpu.vector_store %arg8[%swap3A_2315, %swap3A_2316], %gather3A_2313 {strides = array<i32>} : memref<25x125xi32, #tpu.memory_space<vmem>>, vector<16xi32>,
    %add3A_2318 = arith.constant 2500 : i32
    %add3A_2319 = arith.addi %sub3A_22, %add3A_2318 : i32
    %add3A_2320 = arith.constant 96 : i32
    %add3A_2321 = arith.addi %add3A_2319, %add3A_2320 : i32
    %get3A_2322 = arith.index_cast %add3A_2321 : i32 to index
    %get3A_2323 = tpu.vector_load %arg6[%get3A_2322] {strides = array<i32>} : memref<3136xi32, #tpu.memory_space<vmem>>, vector<16xi32>,
    %gather3A_2324 = tpu.vector_load_idx %arg7[%get3A_2323] : memref<119xi32, #tpu.memory_space<vmem>>[vector<16xi32>], vector<16xi32>,
    %swap3A_2325 = arith.constant 20 : i32
    %swap3A_2326 = arith.index_cast %swap3A_2325 : i32 to index
    %swap3A_2327 = arith.constant 96 : index
    %swap3A_2328 = tpu.vector_load %arg8[%swap3A_2326, %swap3A_2327] {strides = array<i32>} : memref<25x125xi32, #tpu.memory_space<vmem>>, vector<16xi32>,
    tpu.vector_store %arg8[%swap3A_2326, %swap3A_2327], %gather3A_2324 {strides = array<i32>} : memref<25x125xi32, #tpu.memory_space<vmem>>, vector<16xi32>,
    %add3A_2329 = arith.constant 2500 : i32
    %add3A_2330 = arith.addi %sub3A_22, %add3A_2329 : i32
    %add3A_2331 = arith.constant 109 : i32
    %add3A_2332 = arith.addi %add3A_2330, %add3A_2331 : i32
    %get3A_2333 = arith.index_cast %add3A_2332 : i32 to index
    %get3A_2334 = tpu.vector_load %arg6[%get3A_2333] {strides = array<i32>} : memref<3136xi32, #tpu.memory_space<vmem>>, vector<16xi32>,
    %gather3A_2335 = tpu.vector_load_idx %arg7[%get3A_2334] : memref<119xi32, #tpu.memory_space<vmem>>[vector<16xi32>], vector<16xi32>,
    %swap3A_2336 = arith.constant 20 : i32
    %swap3A_2337 = arith.index_cast %swap3A_2336 : i32 to index
    %swap3A_2338 = arith.constant 109 : index
    %swap3A_2339 = tpu.vector_load %arg8[%swap3A_2337, %swap3A_2338] {strides = array<i32>} : memref<25x125xi32, #tpu.memory_space<vmem>>, vector<16xi32>,
    tpu.vector_store %arg8[%swap3A_2337, %swap3A_2338], %gather3A_2335 {strides = array<i32>} : memref<25x125xi32, #tpu.memory_space<vmem>>, vector<16xi32>,
    %dma_wait3A_2340 = arith.constant 0 : i32
    %dma_wait3A_2341 = tpu.memref_slice %arg5[%add3A_2135, %dma_wait3A_2340] : memref<100000x128xf32, #tpu.memory_space<hbm>> -> memref<125x128xf32, #tpu.memory_space<hbm>>
    %dma_wait3A_2342 = arith.constant 0 : i32
    %dma_wait3A_2343 = tpu.memref_slice %arg5[%add3A_2135, %dma_wait3A_2342] : memref<100000x128xf32, #tpu.memory_space<hbm>> -> memref<125x128xf32, #tpu.memory_space<hbm>>
    tpu.wait_dma2 semaphore(%arg13 : memref<!tpu.dma_semaphore, #tpu.memory_space<semaphore_mem>>) src(%arg10 : memref<125x128xf32, #tpu.memory_space<vmem>>) dst(%dma_wait3A_2343 : memref<125x128xf32, #tpu.memory_space<hbm>>)
    %dma_start3A_2344 = arith.constant 20 : i32
    %dma_start3A_2345 = arith.constant 0 : i32
    %dma_start3A_2346 = tpu.memref_slice %arg8[%dma_start3A_2344, %dma_start3A_2345] : memref<25x125xi32, #tpu.memory_space<vmem>> -> memref<1x125xi32, #tpu.memory_space<vmem>>
    %dma_start3A_2347 = tpu.memref_squeeze %dma_start3A_2346 : memref<1x125xi32, #tpu.memory_space<vmem>> -> memref<125xi32, #tpu.memory_space<vmem>>
    %dma_start3A_2348 = arith.constant 0 : i32
    %dma_start3A_2349 = arith.constant 0 : i32
    %dma_start3A_2350 = tpu.memref_slice %arg9[%dma_start3A_2348, %dma_start3A_2349] : memref<10x128xf32, #tpu.memory_space<vmem_shared>> -> memref<10x128xf32, #tpu.memory_space<vmem_shared>>
    tpu.enqueue_indirect_dma source(%dma_start3A_2350 : memref<10x128xf32, #tpu.memory_space<vmem_shared>>) target(%arg10 : memref<125x128xf32, #tpu.memory_space<vmem>>) offsets(%dma_start3A_2347 : memref<125xi32, #tpu.memory_space<vmem>>) semaphore(%arg12 : memref<!tpu.dma_semaphore, #tpu.memory_space<semaphore_mem>>)
    %dma_wait3A_2351 = arith.constant 20 : i32
    %dma_wait3A_2352 = arith.constant 0 : i32
    %dma_wait3A_2353 = tpu.memref_slice %arg8[%dma_wait3A_2351, %dma_wait3A_2352] : memref<25x125xi32, #tpu.memory_space<vmem>> -> memref<1x125xi32, #tpu.memory_space<vmem>>
    %dma_wait3A_2354 = tpu.memref_squeeze %dma_wait3A_2353 : memref<1x125xi32, #tpu.memory_space<vmem>> -> memref<125xi32, #tpu.memory_space<vmem>>
    %dma_wait3A_2355 = arith.constant 0 : i32
    %dma_wait3A_2356 = arith.constant 0 : i32
    %dma_wait3A_2357 = tpu.memref_slice %arg9[%dma_wait3A_2355, %dma_wait3A_2356] : memref<10x128xf32, #tpu.memory_space<vmem_shared>> -> memref<10x128xf32, #tpu.memory_space<vmem_shared>>
    tpu.wait_indirect_dma semaphore(%arg12 : memref<!tpu.dma_semaphore, #tpu.memory_space<semaphore_mem>>) src(%dma_wait3A_2357 : memref<10x128xf32, #tpu.memory_space<vmem_shared>>) dst(%arg10 : memref<125x128xf32, #tpu.memory_space<vmem>>)
    %add3A_2358 = arith.constant 2500 : i32
    %add3A_2359 = arith.addi %mul3A_2, %add3A_2358 : i32
    %dma_start3A_2360 = arith.constant 0 : i32
    %dma_start3A_2361 = tpu.memref_slice %arg5[%add3A_2359, %dma_start3A_2360] : memref<100000x128xf32, #tpu.memory_space<hbm>> -> memref<125x128xf32, #tpu.memory_space<hbm>>
    %dma_start3A_2362 = arith.constant 0 : i32
    %dma_start3A_2363 = tpu.memref_slice %arg5[%add3A_2359, %dma_start3A_2362] : memref<100000x128xf32, #tpu.memory_space<hbm>> -> memref<125x128xf32, #tpu.memory_space<hbm>>
    tpu.enqueue_dma source(%arg10 : memref<125x128xf32, #tpu.memory_space<vmem>>) target(%dma_start3A_2363 : memref<125x128xf32, #tpu.memory_space<hbm>>) target_semaphore(%arg13 : memref<!tpu.dma_semaphore, #tpu.memory_space<semaphore_mem>>)
    %add3A_2364 = arith.constant 2625 : i32
    %add3A_2365 = arith.addi %sub3A_22, %add3A_2364 : i32
    %add3A_2366 = arith.constant 0 : i32
    %add3A_2367 = arith.addi %add3A_2365, %add3A_2366 : i32
    %get3A_2368 = arith.index_cast %add3A_2367 : i32 to index
    %get3A_2369 = tpu.vector_load %arg6[%get3A_2368] {strides = array<i32>} : memref<3136xi32, #tpu.memory_space<vmem>>, vector<16xi32>,
    %gather3A_2370 = tpu.vector_load_idx %arg7[%get3A_2369] : memref<119xi32, #tpu.memory_space<vmem>>[vector<16xi32>], vector<16xi32>,
    %swap3A_2371 = arith.constant 21 : i32
    %swap3A_2372 = arith.index_cast %swap3A_2371 : i32 to index
    %swap3A_2373 = arith.constant 0 : index
    %swap3A_2374 = tpu.vector_load %arg8[%swap3A_2372, %swap3A_2373] {strides = array<i32>} : memref<25x125xi32, #tpu.memory_space<vmem>>, vector<16xi32>,
    tpu.vector_store %arg8[%swap3A_2372, %swap3A_2373], %gather3A_2370 {strides = array<i32>} : memref<25x125xi32, #tpu.memory_space<vmem>>, vector<16xi32>,
    %add3A_2375 = arith.constant 2625 : i32
    %add3A_2376 = arith.addi %sub3A_22, %add3A_2375 : i32
    %add3A_2377 = arith.constant 16 : i32
    %add3A_2378 = arith.addi %add3A_2376, %add3A_2377 : i32
    %get3A_2379 = arith.index_cast %add3A_2378 : i32 to index
    %get3A_2380 = tpu.vector_load %arg6[%get3A_2379] {strides = array<i32>} : memref<3136xi32, #tpu.memory_space<vmem>>, vector<16xi32>,
    %gather3A_2381 = tpu.vector_load_idx %arg7[%get3A_2380] : memref<119xi32, #tpu.memory_space<vmem>>[vector<16xi32>], vector<16xi32>,
    %swap3A_2382 = arith.constant 21 : i32
    %swap3A_2383 = arith.index_cast %swap3A_2382 : i32 to index
    %swap3A_2384 = arith.constant 16 : index
    %swap3A_2385 = tpu.vector_load %arg8[%swap3A_2383, %swap3A_2384] {strides = array<i32>} : memref<25x125xi32, #tpu.memory_space<vmem>>, vector<16xi32>,
    tpu.vector_store %arg8[%swap3A_2383, %swap3A_2384], %gather3A_2381 {strides = array<i32>} : memref<25x125xi32, #tpu.memory_space<vmem>>, vector<16xi32>,
    %add3A_2386 = arith.constant 2625 : i32
    %add3A_2387 = arith.addi %sub3A_22, %add3A_2386 : i32
    %add3A_2388 = arith.constant 32 : i32
    %add3A_2389 = arith.addi %add3A_2387, %add3A_2388 : i32
    %get3A_2390 = arith.index_cast %add3A_2389 : i32 to index
    %get3A_2391 = tpu.vector_load %arg6[%get3A_2390] {strides = array<i32>} : memref<3136xi32, #tpu.memory_space<vmem>>, vector<16xi32>,
    %gather3A_2392 = tpu.vector_load_idx %arg7[%get3A_2391] : memref<119xi32, #tpu.memory_space<vmem>>[vector<16xi32>], vector<16xi32>,
    %swap3A_2393 = arith.constant 21 : i32
    %swap3A_2394 = arith.index_cast %swap3A_2393 : i32 to index
    %swap3A_2395 = arith.constant 32 : index
    %swap3A_2396 = tpu.vector_load %arg8[%swap3A_2394, %swap3A_2395] {strides = array<i32>} : memref<25x125xi32, #tpu.memory_space<vmem>>, vector<16xi32>,
    tpu.vector_store %arg8[%swap3A_2394, %swap3A_2395], %gather3A_2392 {strides = array<i32>} : memref<25x125xi32, #tpu.memory_space<vmem>>, vector<16xi32>,
    %add3A_2397 = arith.constant 2625 : i32
    %add3A_2398 = arith.addi %sub3A_22, %add3A_2397 : i32
    %add3A_2399 = arith.constant 48 : i32
    %add3A_2400 = arith.addi %add3A_2398, %add3A_2399 : i32
    %get3A_2401 = arith.index_cast %add3A_2400 : i32 to index
    %get3A_2402 = tpu.vector_load %arg6[%get3A_2401] {strides = array<i32>} : memref<3136xi32, #tpu.memory_space<vmem>>, vector<16xi32>,
    %gather3A_2403 = tpu.vector_load_idx %arg7[%get3A_2402] : memref<119xi32, #tpu.memory_space<vmem>>[vector<16xi32>], vector<16xi32>,
    %swap3A_2404 = arith.constant 21 : i32
    %swap3A_2405 = arith.index_cast %swap3A_2404 : i32 to index
    %swap3A_2406 = arith.constant 48 : index
    %swap3A_2407 = tpu.vector_load %arg8[%swap3A_2405, %swap3A_2406] {strides = array<i32>} : memref<25x125xi32, #tpu.memory_space<vmem>>, vector<16xi32>,
    tpu.vector_store %arg8[%swap3A_2405, %swap3A_2406], %gather3A_2403 {strides = array<i32>} : memref<25x125xi32, #tpu.memory_space<vmem>>, vector<16xi32>,
    %add3A_2408 = arith.constant 2625 : i32
    %add3A_2409 = arith.addi %sub3A_22, %add3A_2408 : i32
    %add3A_2410 = arith.constant 64 : i32
    %add3A_2411 = arith.addi %add3A_2409, %add3A_2410 : i32
    %get3A_2412 = arith.index_cast %add3A_2411 : i32 to index
    %get3A_2413 = tpu.vector_load %arg6[%get3A_2412] {strides = array<i32>} : memref<3136xi32, #tpu.memory_space<vmem>>, vector<16xi32>,
    %gather3A_2414 = tpu.vector_load_idx %arg7[%get3A_2413] : memref<119xi32, #tpu.memory_space<vmem>>[vector<16xi32>], vector<16xi32>,
    %swap3A_2415 = arith.constant 21 : i32
    %swap3A_2416 = arith.index_cast %swap3A_2415 : i32 to index
    %swap3A_2417 = arith.constant 64 : index
    %swap3A_2418 = tpu.vector_load %arg8[%swap3A_2416, %swap3A_2417] {strides = array<i32>} : memref<25x125xi32, #tpu.memory_space<vmem>>, vector<16xi32>,
    tpu.vector_store %arg8[%swap3A_2416, %swap3A_2417], %gather3A_2414 {strides = array<i32>} : memref<25x125xi32, #tpu.memory_space<vmem>>, vector<16xi32>,
    %add3A_2419 = arith.constant 2625 : i32
    %add3A_2420 = arith.addi %sub3A_22, %add3A_2419 : i32
    %add3A_2421 = arith.constant 80 : i32
    %add3A_2422 = arith.addi %add3A_2420, %add3A_2421 : i32
    %get3A_2423 = arith.index_cast %add3A_2422 : i32 to index
    %get3A_2424 = tpu.vector_load %arg6[%get3A_2423] {strides = array<i32>} : memref<3136xi32, #tpu.memory_space<vmem>>, vector<16xi32>,
    %gather3A_2425 = tpu.vector_load_idx %arg7[%get3A_2424] : memref<119xi32, #tpu.memory_space<vmem>>[vector<16xi32>], vector<16xi32>,
    %swap3A_2426 = arith.constant 21 : i32
    %swap3A_2427 = arith.index_cast %swap3A_2426 : i32 to index
    %swap3A_2428 = arith.constant 80 : index
    %swap3A_2429 = tpu.vector_load %arg8[%swap3A_2427, %swap3A_2428] {strides = array<i32>} : memref<25x125xi32, #tpu.memory_space<vmem>>, vector<16xi32>,
    tpu.vector_store %arg8[%swap3A_2427, %swap3A_2428], %gather3A_2425 {strides = array<i32>} : memref<25x125xi32, #tpu.memory_space<vmem>>, vector<16xi32>,
    %add3A_2430 = arith.constant 2625 : i32
    %add3A_2431 = arith.addi %sub3A_22, %add3A_2430 : i32
    %add3A_2432 = arith.constant 96 : i32
    %add3A_2433 = arith.addi %add3A_2431, %add3A_2432 : i32
    %get3A_2434 = arith.index_cast %add3A_2433 : i32 to index
    %get3A_2435 = tpu.vector_load %arg6[%get3A_2434] {strides = array<i32>} : memref<3136xi32, #tpu.memory_space<vmem>>, vector<16xi32>,
    %gather3A_2436 = tpu.vector_load_idx %arg7[%get3A_2435] : memref<119xi32, #tpu.memory_space<vmem>>[vector<16xi32>], vector<16xi32>,
    %swap3A_2437 = arith.constant 21 : i32
    %swap3A_2438 = arith.index_cast %swap3A_2437 : i32 to index
    %swap3A_2439 = arith.constant 96 : index
    %swap3A_2440 = tpu.vector_load %arg8[%swap3A_2438, %swap3A_2439] {strides = array<i32>} : memref<25x125xi32, #tpu.memory_space<vmem>>, vector<16xi32>,
    tpu.vector_store %arg8[%swap3A_2438, %swap3A_2439], %gather3A_2436 {strides = array<i32>} : memref<25x125xi32, #tpu.memory_space<vmem>>, vector<16xi32>,
    %add3A_2441 = arith.constant 2625 : i32
    %add3A_2442 = arith.addi %sub3A_22, %add3A_2441 : i32
    %add3A_2443 = arith.constant 109 : i32
    %add3A_2444 = arith.addi %add3A_2442, %add3A_2443 : i32
    %get3A_2445 = arith.index_cast %add3A_2444 : i32 to index
    %get3A_2446 = tpu.vector_load %arg6[%get3A_2445] {strides = array<i32>} : memref<3136xi32, #tpu.memory_space<vmem>>, vector<16xi32>,
    %gather3A_2447 = tpu.vector_load_idx %arg7[%get3A_2446] : memref<119xi32, #tpu.memory_space<vmem>>[vector<16xi32>], vector<16xi32>,
    %swap3A_2448 = arith.constant 21 : i32
    %swap3A_2449 = arith.index_cast %swap3A_2448 : i32 to index
    %swap3A_2450 = arith.constant 109 : index
    %swap3A_2451 = tpu.vector_load %arg8[%swap3A_2449, %swap3A_2450] {strides = array<i32>} : memref<25x125xi32, #tpu.memory_space<vmem>>, vector<16xi32>,
    tpu.vector_store %arg8[%swap3A_2449, %swap3A_2450], %gather3A_2447 {strides = array<i32>} : memref<25x125xi32, #tpu.memory_space<vmem>>, vector<16xi32>,
    %dma_wait3A_2452 = arith.constant 0 : i32
    %dma_wait3A_2453 = tpu.memref_slice %arg5[%add3A_2247, %dma_wait3A_2452] : memref<100000x128xf32, #tpu.memory_space<hbm>> -> memref<125x128xf32, #tpu.memory_space<hbm>>
    %dma_wait3A_2454 = arith.constant 0 : i32
    %dma_wait3A_2455 = tpu.memref_slice %arg5[%add3A_2247, %dma_wait3A_2454] : memref<100000x128xf32, #tpu.memory_space<hbm>> -> memref<125x128xf32, #tpu.memory_space<hbm>>
    tpu.wait_dma2 semaphore(%arg14 : memref<!tpu.dma_semaphore, #tpu.memory_space<semaphore_mem>>) src(%arg11 : memref<125x128xf32, #tpu.memory_space<vmem>>) dst(%dma_wait3A_2455 : memref<125x128xf32, #tpu.memory_space<hbm>>)
    %dma_start3A_2456 = arith.constant 21 : i32
    %dma_start3A_2457 = arith.constant 0 : i32
    %dma_start3A_2458 = tpu.memref_slice %arg8[%dma_start3A_2456, %dma_start3A_2457] : memref<25x125xi32, #tpu.memory_space<vmem>> -> memref<1x125xi32, #tpu.memory_space<vmem>>
    %dma_start3A_2459 = tpu.memref_squeeze %dma_start3A_2458 : memref<1x125xi32, #tpu.memory_space<vmem>> -> memref<125xi32, #tpu.memory_space<vmem>>
    %dma_start3A_2460 = arith.constant 0 : i32
    %dma_start3A_2461 = arith.constant 0 : i32
    %dma_start3A_2462 = tpu.memref_slice %arg9[%dma_start3A_2460, %dma_start3A_2461] : memref<10x128xf32, #tpu.memory_space<vmem_shared>> -> memref<10x128xf32, #tpu.memory_space<vmem_shared>>
    tpu.enqueue_indirect_dma source(%dma_start3A_2462 : memref<10x128xf32, #tpu.memory_space<vmem_shared>>) target(%arg11 : memref<125x128xf32, #tpu.memory_space<vmem>>) offsets(%dma_start3A_2459 : memref<125xi32, #tpu.memory_space<vmem>>) semaphore(%arg12 : memref<!tpu.dma_semaphore, #tpu.memory_space<semaphore_mem>>)
    %dma_wait3A_2463 = arith.constant 21 : i32
    %dma_wait3A_2464 = arith.constant 0 : i32
    %dma_wait3A_2465 = tpu.memref_slice %arg8[%dma_wait3A_2463, %dma_wait3A_2464] : memref<25x125xi32, #tpu.memory_space<vmem>> -> memref<1x125xi32, #tpu.memory_space<vmem>>
    %dma_wait3A_2466 = tpu.memref_squeeze %dma_wait3A_2465 : memref<1x125xi32, #tpu.memory_space<vmem>> -> memref<125xi32, #tpu.memory_space<vmem>>
    %dma_wait3A_2467 = arith.constant 0 : i32
    %dma_wait3A_2468 = arith.constant 0 : i32
    %dma_wait3A_2469 = tpu.memref_slice %arg9[%dma_wait3A_2467, %dma_wait3A_2468] : memref<10x128xf32, #tpu.memory_space<vmem_shared>> -> memref<10x128xf32, #tpu.memory_space<vmem_shared>>
    tpu.wait_indirect_dma semaphore(%arg12 : memref<!tpu.dma_semaphore, #tpu.memory_space<semaphore_mem>>) src(%dma_wait3A_2469 : memref<10x128xf32, #tpu.memory_space<vmem_shared>>) dst(%arg11 : memref<125x128xf32, #tpu.memory_space<vmem>>)
    %add3A_2470 = arith.constant 2625 : i32
    %add3A_2471 = arith.addi %mul3A_2, %add3A_2470 : i32
    %dma_start3A_2472 = arith.constant 0 : i32
    %dma_start3A_2473 = tpu.memref_slice %arg5[%add3A_2471, %dma_start3A_2472] : memref<100000x128xf32, #tpu.memory_space<hbm>> -> memref<125x128xf32, #tpu.memory_space<hbm>>
    %dma_start3A_2474 = arith.constant 0 : i32
    %dma_start3A_2475 = tpu.memref_slice %arg5[%add3A_2471, %dma_start3A_2474] : memref<100000x128xf32, #tpu.memory_space<hbm>> -> memref<125x128xf32, #tpu.memory_space<hbm>>
    tpu.enqueue_dma source(%arg11 : memref<125x128xf32, #tpu.memory_space<vmem>>) target(%dma_start3A_2475 : memref<125x128xf32, #tpu.memory_space<hbm>>) target_semaphore(%arg14 : memref<!tpu.dma_semaphore, #tpu.memory_space<semaphore_mem>>)
    %add3A_2476 = arith.constant 2750 : i32
    %add3A_2477 = arith.addi %sub3A_22, %add3A_2476 : i32
    %add3A_2478 = arith.constant 0 : i32
    %add3A_2479 = arith.addi %add3A_2477, %add3A_2478 : i32
    %get3A_2480 = arith.index_cast %add3A_2479 : i32 to index
    %get3A_2481 = tpu.vector_load %arg6[%get3A_2480] {strides = array<i32>} : memref<3136xi32, #tpu.memory_space<vmem>>, vector<16xi32>,
    %gather3A_2482 = tpu.vector_load_idx %arg7[%get3A_2481] : memref<119xi32, #tpu.memory_space<vmem>>[vector<16xi32>], vector<16xi32>,
    %swap3A_2483 = arith.constant 22 : i32
    %swap3A_2484 = arith.index_cast %swap3A_2483 : i32 to index
    %swap3A_2485 = arith.constant 0 : index
    %swap3A_2486 = tpu.vector_load %arg8[%swap3A_2484, %swap3A_2485] {strides = array<i32>} : memref<25x125xi32, #tpu.memory_space<vmem>>, vector<16xi32>,
    tpu.vector_store %arg8[%swap3A_2484, %swap3A_2485], %gather3A_2482 {strides = array<i32>} : memref<25x125xi32, #tpu.memory_space<vmem>>, vector<16xi32>,
    %add3A_2487 = arith.constant 2750 : i32
    %add3A_2488 = arith.addi %sub3A_22, %add3A_2487 : i32
    %add3A_2489 = arith.constant 16 : i32
    %add3A_2490 = arith.addi %add3A_2488, %add3A_2489 : i32
    %get3A_2491 = arith.index_cast %add3A_2490 : i32 to index
    %get3A_2492 = tpu.vector_load %arg6[%get3A_2491] {strides = array<i32>} : memref<3136xi32, #tpu.memory_space<vmem>>, vector<16xi32>,
    %gather3A_2493 = tpu.vector_load_idx %arg7[%get3A_2492] : memref<119xi32, #tpu.memory_space<vmem>>[vector<16xi32>], vector<16xi32>,
    %swap3A_2494 = arith.constant 22 : i32
    %swap3A_2495 = arith.index_cast %swap3A_2494 : i32 to index
    %swap3A_2496 = arith.constant 16 : index
    %swap3A_2497 = tpu.vector_load %arg8[%swap3A_2495, %swap3A_2496] {strides = array<i32>} : memref<25x125xi32, #tpu.memory_space<vmem>>, vector<16xi32>,
    tpu.vector_store %arg8[%swap3A_2495, %swap3A_2496], %gather3A_2493 {strides = array<i32>} : memref<25x125xi32, #tpu.memory_space<vmem>>, vector<16xi32>,
    %add3A_2498 = arith.constant 2750 : i32
    %add3A_2499 = arith.addi %sub3A_22, %add3A_2498 : i32
    %add3A_2500 = arith.constant 32 : i32
    %add3A_2501 = arith.addi %add3A_2499, %add3A_2500 : i32
    %get3A_2502 = arith.index_cast %add3A_2501 : i32 to index
    %get3A_2503 = tpu.vector_load %arg6[%get3A_2502] {strides = array<i32>} : memref<3136xi32, #tpu.memory_space<vmem>>, vector<16xi32>,
    %gather3A_2504 = tpu.vector_load_idx %arg7[%get3A_2503] : memref<119xi32, #tpu.memory_space<vmem>>[vector<16xi32>], vector<16xi32>,
    %swap3A_2505 = arith.constant 22 : i32
    %swap3A_2506 = arith.index_cast %swap3A_2505 : i32 to index
    %swap3A_2507 = arith.constant 32 : index
    %swap3A_2508 = tpu.vector_load %arg8[%swap3A_2506, %swap3A_2507] {strides = array<i32>} : memref<25x125xi32, #tpu.memory_space<vmem>>, vector<16xi32>,
    tpu.vector_store %arg8[%swap3A_2506, %swap3A_2507], %gather3A_2504 {strides = array<i32>} : memref<25x125xi32, #tpu.memory_space<vmem>>, vector<16xi32>,
    %add3A_2509 = arith.constant 2750 : i32
    %add3A_2510 = arith.addi %sub3A_22, %add3A_2509 : i32
    %add3A_2511 = arith.constant 48 : i32
    %add3A_2512 = arith.addi %add3A_2510, %add3A_2511 : i32
    %get3A_2513 = arith.index_cast %add3A_2512 : i32 to index
    %get3A_2514 = tpu.vector_load %arg6[%get3A_2513] {strides = array<i32>} : memref<3136xi32, #tpu.memory_space<vmem>>, vector<16xi32>,
    %gather3A_2515 = tpu.vector_load_idx %arg7[%get3A_2514] : memref<119xi32, #tpu.memory_space<vmem>>[vector<16xi32>], vector<16xi32>,
    %swap3A_2516 = arith.constant 22 : i32
    %swap3A_2517 = arith.index_cast %swap3A_2516 : i32 to index
    %swap3A_2518 = arith.constant 48 : index
    %swap3A_2519 = tpu.vector_load %arg8[%swap3A_2517, %swap3A_2518] {strides = array<i32>} : memref<25x125xi32, #tpu.memory_space<vmem>>, vector<16xi32>,
    tpu.vector_store %arg8[%swap3A_2517, %swap3A_2518], %gather3A_2515 {strides = array<i32>} : memref<25x125xi32, #tpu.memory_space<vmem>>, vector<16xi32>,
    %add3A_2520 = arith.constant 2750 : i32
    %add3A_2521 = arith.addi %sub3A_22, %add3A_2520 : i32
    %add3A_2522 = arith.constant 64 : i32
    %add3A_2523 = arith.addi %add3A_2521, %add3A_2522 : i32
    %get3A_2524 = arith.index_cast %add3A_2523 : i32 to index
    %get3A_2525 = tpu.vector_load %arg6[%get3A_2524] {strides = array<i32>} : memref<3136xi32, #tpu.memory_space<vmem>>, vector<16xi32>,
    %gather3A_2526 = tpu.vector_load_idx %arg7[%get3A_2525] : memref<119xi32, #tpu.memory_space<vmem>>[vector<16xi32>], vector<16xi32>,
    %swap3A_2527 = arith.constant 22 : i32
    %swap3A_2528 = arith.index_cast %swap3A_2527 : i32 to index
    %swap3A_2529 = arith.constant 64 : index
    %swap3A_2530 = tpu.vector_load %arg8[%swap3A_2528, %swap3A_2529] {strides = array<i32>} : memref<25x125xi32, #tpu.memory_space<vmem>>, vector<16xi32>,
    tpu.vector_store %arg8[%swap3A_2528, %swap3A_2529], %gather3A_2526 {strides = array<i32>} : memref<25x125xi32, #tpu.memory_space<vmem>>, vector<16xi32>,
    %add3A_2531 = arith.constant 2750 : i32
    %add3A_2532 = arith.addi %sub3A_22, %add3A_2531 : i32
    %add3A_2533 = arith.constant 80 : i32
    %add3A_2534 = arith.addi %add3A_2532, %add3A_2533 : i32
    %get3A_2535 = arith.index_cast %add3A_2534 : i32 to index
    %get3A_2536 = tpu.vector_load %arg6[%get3A_2535] {strides = array<i32>} : memref<3136xi32, #tpu.memory_space<vmem>>, vector<16xi32>,
    %gather3A_2537 = tpu.vector_load_idx %arg7[%get3A_2536] : memref<119xi32, #tpu.memory_space<vmem>>[vector<16xi32>], vector<16xi32>,
    %swap3A_2538 = arith.constant 22 : i32
    %swap3A_2539 = arith.index_cast %swap3A_2538 : i32 to index
    %swap3A_2540 = arith.constant 80 : index
    %swap3A_2541 = tpu.vector_load %arg8[%swap3A_2539, %swap3A_2540] {strides = array<i32>} : memref<25x125xi32, #tpu.memory_space<vmem>>, vector<16xi32>,
    tpu.vector_store %arg8[%swap3A_2539, %swap3A_2540], %gather3A_2537 {strides = array<i32>} : memref<25x125xi32, #tpu.memory_space<vmem>>, vector<16xi32>,
    %add3A_2542 = arith.constant 2750 : i32
    %add3A_2543 = arith.addi %sub3A_22, %add3A_2542 : i32
    %add3A_2544 = arith.constant 96 : i32
    %add3A_2545 = arith.addi %add3A_2543, %add3A_2544 : i32
    %get3A_2546 = arith.index_cast %add3A_2545 : i32 to index
    %get3A_2547 = tpu.vector_load %arg6[%get3A_2546] {strides = array<i32>} : memref<3136xi32, #tpu.memory_space<vmem>>, vector<16xi32>,
    %gather3A_2548 = tpu.vector_load_idx %arg7[%get3A_2547] : memref<119xi32, #tpu.memory_space<vmem>>[vector<16xi32>], vector<16xi32>,
    %swap3A_2549 = arith.constant 22 : i32
    %swap3A_2550 = arith.index_cast %swap3A_2549 : i32 to index
    %swap3A_2551 = arith.constant 96 : index
    %swap3A_2552 = tpu.vector_load %arg8[%swap3A_2550, %swap3A_2551] {strides = array<i32>} : memref<25x125xi32, #tpu.memory_space<vmem>>, vector<16xi32>,
    tpu.vector_store %arg8[%swap3A_2550, %swap3A_2551], %gather3A_2548 {strides = array<i32>} : memref<25x125xi32, #tpu.memory_space<vmem>>, vector<16xi32>,
    %add3A_2553 = arith.constant 2750 : i32
    %add3A_2554 = arith.addi %sub3A_22, %add3A_2553 : i32
    %add3A_2555 = arith.constant 109 : i32
    %add3A_2556 = arith.addi %add3A_2554, %add3A_2555 : i32
    %get3A_2557 = arith.index_cast %add3A_2556 : i32 to index
    %get3A_2558 = tpu.vector_load %arg6[%get3A_2557] {strides = array<i32>} : memref<3136xi32, #tpu.memory_space<vmem>>, vector<16xi32>,
    %gather3A_2559 = tpu.vector_load_idx %arg7[%get3A_2558] : memref<119xi32, #tpu.memory_space<vmem>>[vector<16xi32>], vector<16xi32>,
    %swap3A_2560 = arith.constant 22 : i32
    %swap3A_2561 = arith.index_cast %swap3A_2560 : i32 to index
    %swap3A_2562 = arith.constant 109 : index
    %swap3A_2563 = tpu.vector_load %arg8[%swap3A_2561, %swap3A_2562] {strides = array<i32>} : memref<25x125xi32, #tpu.memory_space<vmem>>, vector<16xi32>,
    tpu.vector_store %arg8[%swap3A_2561, %swap3A_2562], %gather3A_2559 {strides = array<i32>} : memref<25x125xi32, #tpu.memory_space<vmem>>, vector<16xi32>,
    %dma_wait3A_2564 = arith.constant 0 : i32
    %dma_wait3A_2565 = tpu.memref_slice %arg5[%add3A_2359, %dma_wait3A_2564] : memref<100000x128xf32, #tpu.memory_space<hbm>> -> memref<125x128xf32, #tpu.memory_space<hbm>>
    %dma_wait3A_2566 = arith.constant 0 : i32
    %dma_wait3A_2567 = tpu.memref_slice %arg5[%add3A_2359, %dma_wait3A_2566] : memref<100000x128xf32, #tpu.memory_space<hbm>> -> memref<125x128xf32, #tpu.memory_space<hbm>>
    tpu.wait_dma2 semaphore(%arg13 : memref<!tpu.dma_semaphore, #tpu.memory_space<semaphore_mem>>) src(%arg10 : memref<125x128xf32, #tpu.memory_space<vmem>>) dst(%dma_wait3A_2567 : memref<125x128xf32, #tpu.memory_space<hbm>>)
    %dma_start3A_2568 = arith.constant 22 : i32
    %dma_start3A_2569 = arith.constant 0 : i32
    %dma_start3A_2570 = tpu.memref_slice %arg8[%dma_start3A_2568, %dma_start3A_2569] : memref<25x125xi32, #tpu.memory_space<vmem>> -> memref<1x125xi32, #tpu.memory_space<vmem>>
    %dma_start3A_2571 = tpu.memref_squeeze %dma_start3A_2570 : memref<1x125xi32, #tpu.memory_space<vmem>> -> memref<125xi32, #tpu.memory_space<vmem>>
    %dma_start3A_2572 = arith.constant 0 : i32
    %dma_start3A_2573 = arith.constant 0 : i32
    %dma_start3A_2574 = tpu.memref_slice %arg9[%dma_start3A_2572, %dma_start3A_2573] : memref<10x128xf32, #tpu.memory_space<vmem_shared>> -> memref<10x128xf32, #tpu.memory_space<vmem_shared>>
    tpu.enqueue_indirect_dma source(%dma_start3A_2574 : memref<10x128xf32, #tpu.memory_space<vmem_shared>>) target(%arg10 : memref<125x128xf32, #tpu.memory_space<vmem>>) offsets(%dma_start3A_2571 : memref<125xi32, #tpu.memory_space<vmem>>) semaphore(%arg12 : memref<!tpu.dma_semaphore, #tpu.memory_space<semaphore_mem>>)
    %dma_wait3A_2575 = arith.constant 22 : i32
    %dma_wait3A_2576 = arith.constant 0 : i32
    %dma_wait3A_2577 = tpu.memref_slice %arg8[%dma_wait3A_2575, %dma_wait3A_2576] : memref<25x125xi32, #tpu.memory_space<vmem>> -> memref<1x125xi32, #tpu.memory_space<vmem>>
    %dma_wait3A_2578 = tpu.memref_squeeze %dma_wait3A_2577 : memref<1x125xi32, #tpu.memory_space<vmem>> -> memref<125xi32, #tpu.memory_space<vmem>>
    %dma_wait3A_2579 = arith.constant 0 : i32
    %dma_wait3A_2580 = arith.constant 0 : i32
    %dma_wait3A_2581 = tpu.memref_slice %arg9[%dma_wait3A_2579, %dma_wait3A_2580] : memref<10x128xf32, #tpu.memory_space<vmem_shared>> -> memref<10x128xf32, #tpu.memory_space<vmem_shared>>
    tpu.wait_indirect_dma semaphore(%arg12 : memref<!tpu.dma_semaphore, #tpu.memory_space<semaphore_mem>>) src(%dma_wait3A_2581 : memref<10x128xf32, #tpu.memory_space<vmem_shared>>) dst(%arg10 : memref<125x128xf32, #tpu.memory_space<vmem>>)
    %add3A_2582 = arith.constant 2750 : i32
    %add3A_2583 = arith.addi %mul3A_2, %add3A_2582 : i32
    %dma_start3A_2584 = arith.constant 0 : i32
    %dma_start3A_2585 = tpu.memref_slice %arg5[%add3A_2583, %dma_start3A_2584] : memref<100000x128xf32, #tpu.memory_space<hbm>> -> memref<125x128xf32, #tpu.memory_space<hbm>>
    %dma_start3A_2586 = arith.constant 0 : i32
    %dma_start3A_2587 = tpu.memref_slice %arg5[%add3A_2583, %dma_start3A_2586] : memref<100000x128xf32, #tpu.memory_space<hbm>> -> memref<125x128xf32, #tpu.memory_space<hbm>>
    tpu.enqueue_dma source(%arg10 : memref<125x128xf32, #tpu.memory_space<vmem>>) target(%dma_start3A_2587 : memref<125x128xf32, #tpu.memory_space<hbm>>) target_semaphore(%arg13 : memref<!tpu.dma_semaphore, #tpu.memory_space<semaphore_mem>>)
    %add3A_2588 = arith.constant 2875 : i32
    %add3A_2589 = arith.addi %sub3A_22, %add3A_2588 : i32
    %add3A_2590 = arith.constant 0 : i32
    %add3A_2591 = arith.addi %add3A_2589, %add3A_2590 : i32
    %get3A_2592 = arith.index_cast %add3A_2591 : i32 to index
    %get3A_2593 = tpu.vector_load %arg6[%get3A_2592] {strides = array<i32>} : memref<3136xi32, #tpu.memory_space<vmem>>, vector<16xi32>,
    %gather3A_2594 = tpu.vector_load_idx %arg7[%get3A_2593] : memref<119xi32, #tpu.memory_space<vmem>>[vector<16xi32>], vector<16xi32>,
    %swap3A_2595 = arith.constant 23 : i32
    %swap3A_2596 = arith.index_cast %swap3A_2595 : i32 to index
    %swap3A_2597 = arith.constant 0 : index
    %swap3A_2598 = tpu.vector_load %arg8[%swap3A_2596, %swap3A_2597] {strides = array<i32>} : memref<25x125xi32, #tpu.memory_space<vmem>>, vector<16xi32>,
    tpu.vector_store %arg8[%swap3A_2596, %swap3A_2597], %gather3A_2594 {strides = array<i32>} : memref<25x125xi32, #tpu.memory_space<vmem>>, vector<16xi32>,
    %add3A_2599 = arith.constant 2875 : i32
    %add3A_2600 = arith.addi %sub3A_22, %add3A_2599 : i32
    %add3A_2601 = arith.constant 16 : i32
    %add3A_2602 = arith.addi %add3A_2600, %add3A_2601 : i32
    %get3A_2603 = arith.index_cast %add3A_2602 : i32 to index
    %get3A_2604 = tpu.vector_load %arg6[%get3A_2603] {strides = array<i32>} : memref<3136xi32, #tpu.memory_space<vmem>>, vector<16xi32>,
    %gather3A_2605 = tpu.vector_load_idx %arg7[%get3A_2604] : memref<119xi32, #tpu.memory_space<vmem>>[vector<16xi32>], vector<16xi32>,
    %swap3A_2606 = arith.constant 23 : i32
    %swap3A_2607 = arith.index_cast %swap3A_2606 : i32 to index
    %swap3A_2608 = arith.constant 16 : index
    %swap3A_2609 = tpu.vector_load %arg8[%swap3A_2607, %swap3A_2608] {strides = array<i32>} : memref<25x125xi32, #tpu.memory_space<vmem>>, vector<16xi32>,
    tpu.vector_store %arg8[%swap3A_2607, %swap3A_2608], %gather3A_2605 {strides = array<i32>} : memref<25x125xi32, #tpu.memory_space<vmem>>, vector<16xi32>,
    %add3A_2610 = arith.constant 2875 : i32
    %add3A_2611 = arith.addi %sub3A_22, %add3A_2610 : i32
    %add3A_2612 = arith.constant 32 : i32
    %add3A_2613 = arith.addi %add3A_2611, %add3A_2612 : i32
    %get3A_2614 = arith.index_cast %add3A_2613 : i32 to index
    %get3A_2615 = tpu.vector_load %arg6[%get3A_2614] {strides = array<i32>} : memref<3136xi32, #tpu.memory_space<vmem>>, vector<16xi32>,
    %gather3A_2616 = tpu.vector_load_idx %arg7[%get3A_2615] : memref<119xi32, #tpu.memory_space<vmem>>[vector<16xi32>], vector<16xi32>,
    %swap3A_2617 = arith.constant 23 : i32
    %swap3A_2618 = arith.index_cast %swap3A_2617 : i32 to index
    %swap3A_2619 = arith.constant 32 : index
    %swap3A_2620 = tpu.vector_load %arg8[%swap3A_2618, %swap3A_2619] {strides = array<i32>} : memref<25x125xi32, #tpu.memory_space<vmem>>, vector<16xi32>,
    tpu.vector_store %arg8[%swap3A_2618, %swap3A_2619], %gather3A_2616 {strides = array<i32>} : memref<25x125xi32, #tpu.memory_space<vmem>>, vector<16xi32>,
    %add3A_2621 = arith.constant 2875 : i32
    %add3A_2622 = arith.addi %sub3A_22, %add3A_2621 : i32
    %add3A_2623 = arith.constant 48 : i32
    %add3A_2624 = arith.addi %add3A_2622, %add3A_2623 : i32
    %get3A_2625 = arith.index_cast %add3A_2624 : i32 to index
    %get3A_2626 = tpu.vector_load %arg6[%get3A_2625] {strides = array<i32>} : memref<3136xi32, #tpu.memory_space<vmem>>, vector<16xi32>,
    %gather3A_2627 = tpu.vector_load_idx %arg7[%get3A_2626] : memref<119xi32, #tpu.memory_space<vmem>>[vector<16xi32>], vector<16xi32>,
    %swap3A_2628 = arith.constant 23 : i32
    %swap3A_2629 = arith.index_cast %swap3A_2628 : i32 to index
    %swap3A_2630 = arith.constant 48 : index
    %swap3A_2631 = tpu.vector_load %arg8[%swap3A_2629, %swap3A_2630] {strides = array<i32>} : memref<25x125xi32, #tpu.memory_space<vmem>>, vector<16xi32>,
    tpu.vector_store %arg8[%swap3A_2629, %swap3A_2630], %gather3A_2627 {strides = array<i32>} : memref<25x125xi32, #tpu.memory_space<vmem>>, vector<16xi32>,
    %add3A_2632 = arith.constant 2875 : i32
    %add3A_2633 = arith.addi %sub3A_22, %add3A_2632 : i32
    %add3A_2634 = arith.constant 64 : i32
    %add3A_2635 = arith.addi %add3A_2633, %add3A_2634 : i32
    %get3A_2636 = arith.index_cast %add3A_2635 : i32 to index
    %get3A_2637 = tpu.vector_load %arg6[%get3A_2636] {strides = array<i32>} : memref<3136xi32, #tpu.memory_space<vmem>>, vector<16xi32>,
    %gather3A_2638 = tpu.vector_load_idx %arg7[%get3A_2637] : memref<119xi32, #tpu.memory_space<vmem>>[vector<16xi32>], vector<16xi32>,
    %swap3A_2639 = arith.constant 23 : i32
    %swap3A_2640 = arith.index_cast %swap3A_2639 : i32 to index
    %swap3A_2641 = arith.constant 64 : index
    %swap3A_2642 = tpu.vector_load %arg8[%swap3A_2640, %swap3A_2641] {strides = array<i32>} : memref<25x125xi32, #tpu.memory_space<vmem>>, vector<16xi32>,
    tpu.vector_store %arg8[%swap3A_2640, %swap3A_2641], %gather3A_2638 {strides = array<i32>} : memref<25x125xi32, #tpu.memory_space<vmem>>, vector<16xi32>,
    %add3A_2643 = arith.constant 2875 : i32
    %add3A_2644 = arith.addi %sub3A_22, %add3A_2643 : i32
    %add3A_2645 = arith.constant 80 : i32
    %add3A_2646 = arith.addi %add3A_2644, %add3A_2645 : i32
    %get3A_2647 = arith.index_cast %add3A_2646 : i32 to index
    %get3A_2648 = tpu.vector_load %arg6[%get3A_2647] {strides = array<i32>} : memref<3136xi32, #tpu.memory_space<vmem>>, vector<16xi32>,
    %gather3A_2649 = tpu.vector_load_idx %arg7[%get3A_2648] : memref<119xi32, #tpu.memory_space<vmem>>[vector<16xi32>], vector<16xi32>,
    %swap3A_2650 = arith.constant 23 : i32
    %swap3A_2651 = arith.index_cast %swap3A_2650 : i32 to index
    %swap3A_2652 = arith.constant 80 : index
    %swap3A_2653 = tpu.vector_load %arg8[%swap3A_2651, %swap3A_2652] {strides = array<i32>} : memref<25x125xi32, #tpu.memory_space<vmem>>, vector<16xi32>,
    tpu.vector_store %arg8[%swap3A_2651, %swap3A_2652], %gather3A_2649 {strides = array<i32>} : memref<25x125xi32, #tpu.memory_space<vmem>>, vector<16xi32>,
    %add3A_2654 = arith.constant 2875 : i32
    %add3A_2655 = arith.addi %sub3A_22, %add3A_2654 : i32
    %add3A_2656 = arith.constant 96 : i32
    %add3A_2657 = arith.addi %add3A_2655, %add3A_2656 : i32
    %get3A_2658 = arith.index_cast %add3A_2657 : i32 to index
    %get3A_2659 = tpu.vector_load %arg6[%get3A_2658] {strides = array<i32>} : memref<3136xi32, #tpu.memory_space<vmem>>, vector<16xi32>,
    %gather3A_2660 = tpu.vector_load_idx %arg7[%get3A_2659] : memref<119xi32, #tpu.memory_space<vmem>>[vector<16xi32>], vector<16xi32>,
    %swap3A_2661 = arith.constant 23 : i32
    %swap3A_2662 = arith.index_cast %swap3A_2661 : i32 to index
    %swap3A_2663 = arith.constant 96 : index
    %swap3A_2664 = tpu.vector_load %arg8[%swap3A_2662, %swap3A_2663] {strides = array<i32>} : memref<25x125xi32, #tpu.memory_space<vmem>>, vector<16xi32>,
    tpu.vector_store %arg8[%swap3A_2662, %swap3A_2663], %gather3A_2660 {strides = array<i32>} : memref<25x125xi32, #tpu.memory_space<vmem>>, vector<16xi32>,
    %add3A_2665 = arith.constant 2875 : i32
    %add3A_2666 = arith.addi %sub3A_22, %add3A_2665 : i32
    %add3A_2667 = arith.constant 109 : i32
    %add3A_2668 = arith.addi %add3A_2666, %add3A_2667 : i32
    %get3A_2669 = arith.index_cast %add3A_2668 : i32 to index
    %get3A_2670 = tpu.vector_load %arg6[%get3A_2669] {strides = array<i32>} : memref<3136xi32, #tpu.memory_space<vmem>>, vector<16xi32>,
    %gather3A_2671 = tpu.vector_load_idx %arg7[%get3A_2670] : memref<119xi32, #tpu.memory_space<vmem>>[vector<16xi32>], vector<16xi32>,
    %swap3A_2672 = arith.constant 23 : i32
    %swap3A_2673 = arith.index_cast %swap3A_2672 : i32 to index
    %swap3A_2674 = arith.constant 109 : index
    %swap3A_2675 = tpu.vector_load %arg8[%swap3A_2673, %swap3A_2674] {strides = array<i32>} : memref<25x125xi32, #tpu.memory_space<vmem>>, vector<16xi32>,
    tpu.vector_store %arg8[%swap3A_2673, %swap3A_2674], %gather3A_2671 {strides = array<i32>} : memref<25x125xi32, #tpu.memory_space<vmem>>, vector<16xi32>,
    %dma_wait3A_2676 = arith.constant 0 : i32
    %dma_wait3A_2677 = tpu.memref_slice %arg5[%add3A_2471, %dma_wait3A_2676] : memref<100000x128xf32, #tpu.memory_space<hbm>> -> memref<125x128xf32, #tpu.memory_space<hbm>>
    %dma_wait3A_2678 = arith.constant 0 : i32
    %dma_wait3A_2679 = tpu.memref_slice %arg5[%add3A_2471, %dma_wait3A_2678] : memref<100000x128xf32, #tpu.memory_space<hbm>> -> memref<125x128xf32, #tpu.memory_space<hbm>>
    tpu.wait_dma2 semaphore(%arg14 : memref<!tpu.dma_semaphore, #tpu.memory_space<semaphore_mem>>) src(%arg11 : memref<125x128xf32, #tpu.memory_space<vmem>>) dst(%dma_wait3A_2679 : memref<125x128xf32, #tpu.memory_space<hbm>>)
    %dma_start3A_2680 = arith.constant 23 : i32
    %dma_start3A_2681 = arith.constant 0 : i32
    %dma_start3A_2682 = tpu.memref_slice %arg8[%dma_start3A_2680, %dma_start3A_2681] : memref<25x125xi32, #tpu.memory_space<vmem>> -> memref<1x125xi32, #tpu.memory_space<vmem>>
    %dma_start3A_2683 = tpu.memref_squeeze %dma_start3A_2682 : memref<1x125xi32, #tpu.memory_space<vmem>> -> memref<125xi32, #tpu.memory_space<vmem>>
    %dma_start3A_2684 = arith.constant 0 : i32
    %dma_start3A_2685 = arith.constant 0 : i32
    %dma_start3A_2686 = tpu.memref_slice %arg9[%dma_start3A_2684, %dma_start3A_2685] : memref<10x128xf32, #tpu.memory_space<vmem_shared>> -> memref<10x128xf32, #tpu.memory_space<vmem_shared>>
    tpu.enqueue_indirect_dma source(%dma_start3A_2686 : memref<10x128xf32, #tpu.memory_space<vmem_shared>>) target(%arg11 : memref<125x128xf32, #tpu.memory_space<vmem>>) offsets(%dma_start3A_2683 : memref<125xi32, #tpu.memory_space<vmem>>) semaphore(%arg12 : memref<!tpu.dma_semaphore, #tpu.memory_space<semaphore_mem>>)
    %dma_wait3A_2687 = arith.constant 23 : i32
    %dma_wait3A_2688 = arith.constant 0 : i32
    %dma_wait3A_2689 = tpu.memref_slice %arg8[%dma_wait3A_2687, %dma_wait3A_2688] : memref<25x125xi32, #tpu.memory_space<vmem>> -> memref<1x125xi32, #tpu.memory_space<vmem>>
    %dma_wait3A_2690 = tpu.memref_squeeze %dma_wait3A_2689 : memref<1x125xi32, #tpu.memory_space<vmem>> -> memref<125xi32, #tpu.memory_space<vmem>>
    %dma_wait3A_2691 = arith.constant 0 : i32
    %dma_wait3A_2692 = arith.constant 0 : i32
    %dma_wait3A_2693 = tpu.memref_slice %arg9[%dma_wait3A_2691, %dma_wait3A_2692] : memref<10x128xf32, #tpu.memory_space<vmem_shared>> -> memref<10x128xf32, #tpu.memory_space<vmem_shared>>
    tpu.wait_indirect_dma semaphore(%arg12 : memref<!tpu.dma_semaphore, #tpu.memory_space<semaphore_mem>>) src(%dma_wait3A_2693 : memref<10x128xf32, #tpu.memory_space<vmem_shared>>) dst(%arg11 : memref<125x128xf32, #tpu.memory_space<vmem>>)
    %add3A_2694 = arith.constant 2875 : i32
    %add3A_2695 = arith.addi %mul3A_2, %add3A_2694 : i32
    %dma_start3A_2696 = arith.constant 0 : i32
    %dma_start3A_2697 = tpu.memref_slice %arg5[%add3A_2695, %dma_start3A_2696] : memref<100000x128xf32, #tpu.memory_space<hbm>> -> memref<125x128xf32, #tpu.memory_space<hbm>>
    %dma_start3A_2698 = arith.constant 0 : i32
    %dma_start3A_2699 = tpu.memref_slice %arg5[%add3A_2695, %dma_start3A_2698] : memref<100000x128xf32, #tpu.memory_space<hbm>> -> memref<125x128xf32, #tpu.memory_space<hbm>>
    tpu.enqueue_dma source(%arg11 : memref<125x128xf32, #tpu.memory_space<vmem>>) target(%dma_start3A_2699 : memref<125x128xf32, #tpu.memory_space<hbm>>) target_semaphore(%arg14 : memref<!tpu.dma_semaphore, #tpu.memory_space<semaphore_mem>>)
    %add3A_2700 = arith.constant 3000 : i32
    %add3A_2701 = arith.addi %sub3A_22, %add3A_2700 : i32
    %add3A_2702 = arith.constant 0 : i32
    %add3A_2703 = arith.addi %add3A_2701, %add3A_2702 : i32
    %get3A_2704 = arith.index_cast %add3A_2703 : i32 to index
    %get3A_2705 = tpu.vector_load %arg6[%get3A_2704] {strides = array<i32>} : memref<3136xi32, #tpu.memory_space<vmem>>, vector<16xi32>,
    %gather3A_2706 = tpu.vector_load_idx %arg7[%get3A_2705] : memref<119xi32, #tpu.memory_space<vmem>>[vector<16xi32>], vector<16xi32>,
    %swap3A_2707 = arith.constant 24 : i32
    %swap3A_2708 = arith.index_cast %swap3A_2707 : i32 to index
    %swap3A_2709 = arith.constant 0 : index
    %swap3A_2710 = tpu.vector_load %arg8[%swap3A_2708, %swap3A_2709] {strides = array<i32>} : memref<25x125xi32, #tpu.memory_space<vmem>>, vector<16xi32>,
    tpu.vector_store %arg8[%swap3A_2708, %swap3A_2709], %gather3A_2706 {strides = array<i32>} : memref<25x125xi32, #tpu.memory_space<vmem>>, vector<16xi32>,
    %add3A_2711 = arith.constant 3000 : i32
    %add3A_2712 = arith.addi %sub3A_22, %add3A_2711 : i32
    %add3A_2713 = arith.constant 16 : i32
    %add3A_2714 = arith.addi %add3A_2712, %add3A_2713 : i32
    %get3A_2715 = arith.index_cast %add3A_2714 : i32 to index
    %get3A_2716 = tpu.vector_load %arg6[%get3A_2715] {strides = array<i32>} : memref<3136xi32, #tpu.memory_space<vmem>>, vector<16xi32>,
    %gather3A_2717 = tpu.vector_load_idx %arg7[%get3A_2716] : memref<119xi32, #tpu.memory_space<vmem>>[vector<16xi32>], vector<16xi32>,
    %swap3A_2718 = arith.constant 24 : i32
    %swap3A_2719 = arith.index_cast %swap3A_2718 : i32 to index
    %swap3A_2720 = arith.constant 16 : index
    %swap3A_2721 = tpu.vector_load %arg8[%swap3A_2719, %swap3A_2720] {strides = array<i32>} : memref<25x125xi32, #tpu.memory_space<vmem>>, vector<16xi32>,
    tpu.vector_store %arg8[%swap3A_2719, %swap3A_2720], %gather3A_2717 {strides = array<i32>} : memref<25x125xi32, #tpu.memory_space<vmem>>, vector<16xi32>,
    %add3A_2722 = arith.constant 3000 : i32
    %add3A_2723 = arith.addi %sub3A_22, %add3A_2722 : i32
    %add3A_2724 = arith.constant 32 : i32
    %add3A_2725 = arith.addi %add3A_2723, %add3A_2724 : i32
    %get3A_2726 = arith.index_cast %add3A_2725 : i32 to index
    %get3A_2727 = tpu.vector_load %arg6[%get3A_2726] {strides = array<i32>} : memref<3136xi32, #tpu.memory_space<vmem>>, vector<16xi32>,
    %gather3A_2728 = tpu.vector_load_idx %arg7[%get3A_2727] : memref<119xi32, #tpu.memory_space<vmem>>[vector<16xi32>], vector<16xi32>,
    %swap3A_2729 = arith.constant 24 : i32
    %swap3A_2730 = arith.index_cast %swap3A_2729 : i32 to index
    %swap3A_2731 = arith.constant 32 : index
    %swap3A_2732 = tpu.vector_load %arg8[%swap3A_2730, %swap3A_2731] {strides = array<i32>} : memref<25x125xi32, #tpu.memory_space<vmem>>, vector<16xi32>,
    tpu.vector_store %arg8[%swap3A_2730, %swap3A_2731], %gather3A_2728 {strides = array<i32>} : memref<25x125xi32, #tpu.memory_space<vmem>>, vector<16xi32>,
    %add3A_2733 = arith.constant 3000 : i32
    %add3A_2734 = arith.addi %sub3A_22, %add3A_2733 : i32
    %add3A_2735 = arith.constant 48 : i32
    %add3A_2736 = arith.addi %add3A_2734, %add3A_2735 : i32
    %get3A_2737 = arith.index_cast %add3A_2736 : i32 to index
    %get3A_2738 = tpu.vector_load %arg6[%get3A_2737] {strides = array<i32>} : memref<3136xi32, #tpu.memory_space<vmem>>, vector<16xi32>,
    %gather3A_2739 = tpu.vector_load_idx %arg7[%get3A_2738] : memref<119xi32, #tpu.memory_space<vmem>>[vector<16xi32>], vector<16xi32>,
    %swap3A_2740 = arith.constant 24 : i32
    %swap3A_2741 = arith.index_cast %swap3A_2740 : i32 to index
    %swap3A_2742 = arith.constant 48 : index
    %swap3A_2743 = tpu.vector_load %arg8[%swap3A_2741, %swap3A_2742] {strides = array<i32>} : memref<25x125xi32, #tpu.memory_space<vmem>>, vector<16xi32>,
    tpu.vector_store %arg8[%swap3A_2741, %swap3A_2742], %gather3A_2739 {strides = array<i32>} : memref<25x125xi32, #tpu.memory_space<vmem>>, vector<16xi32>,
    %add3A_2744 = arith.constant 3000 : i32
    %add3A_2745 = arith.addi %sub3A_22, %add3A_2744 : i32
    %add3A_2746 = arith.constant 64 : i32
    %add3A_2747 = arith.addi %add3A_2745, %add3A_2746 : i32
    %get3A_2748 = arith.index_cast %add3A_2747 : i32 to index
    %get3A_2749 = tpu.vector_load %arg6[%get3A_2748] {strides = array<i32>} : memref<3136xi32, #tpu.memory_space<vmem>>, vector<16xi32>,
    %gather3A_2750 = tpu.vector_load_idx %arg7[%get3A_2749] : memref<119xi32, #tpu.memory_space<vmem>>[vector<16xi32>], vector<16xi32>,
    %swap3A_2751 = arith.constant 24 : i32
    %swap3A_2752 = arith.index_cast %swap3A_2751 : i32 to index
    %swap3A_2753 = arith.constant 64 : index
    %swap3A_2754 = tpu.vector_load %arg8[%swap3A_2752, %swap3A_2753] {strides = array<i32>} : memref<25x125xi32, #tpu.memory_space<vmem>>, vector<16xi32>,
    tpu.vector_store %arg8[%swap3A_2752, %swap3A_2753], %gather3A_2750 {strides = array<i32>} : memref<25x125xi32, #tpu.memory_space<vmem>>, vector<16xi32>,
    %add3A_2755 = arith.constant 3000 : i32
    %add3A_2756 = arith.addi %sub3A_22, %add3A_2755 : i32
    %add3A_2757 = arith.constant 80 : i32
    %add3A_2758 = arith.addi %add3A_2756, %add3A_2757 : i32
    %get3A_2759 = arith.index_cast %add3A_2758 : i32 to index
    %get3A_2760 = tpu.vector_load %arg6[%get3A_2759] {strides = array<i32>} : memref<3136xi32, #tpu.memory_space<vmem>>, vector<16xi32>,
    %gather3A_2761 = tpu.vector_load_idx %arg7[%get3A_2760] : memref<119xi32, #tpu.memory_space<vmem>>[vector<16xi32>], vector<16xi32>,
    %swap3A_2762 = arith.constant 24 : i32
    %swap3A_2763 = arith.index_cast %swap3A_2762 : i32 to index
    %swap3A_2764 = arith.constant 80 : index
    %swap3A_2765 = tpu.vector_load %arg8[%swap3A_2763, %swap3A_2764] {strides = array<i32>} : memref<25x125xi32, #tpu.memory_space<vmem>>, vector<16xi32>,
    tpu.vector_store %arg8[%swap3A_2763, %swap3A_2764], %gather3A_2761 {strides = array<i32>} : memref<25x125xi32, #tpu.memory_space<vmem>>, vector<16xi32>,
    %add3A_2766 = arith.constant 3000 : i32
    %add3A_2767 = arith.addi %sub3A_22, %add3A_2766 : i32
    %add3A_2768 = arith.constant 96 : i32
    %add3A_2769 = arith.addi %add3A_2767, %add3A_2768 : i32
    %get3A_2770 = arith.index_cast %add3A_2769 : i32 to index
    %get3A_2771 = tpu.vector_load %arg6[%get3A_2770] {strides = array<i32>} : memref<3136xi32, #tpu.memory_space<vmem>>, vector<16xi32>,
    %gather3A_2772 = tpu.vector_load_idx %arg7[%get3A_2771] : memref<119xi32, #tpu.memory_space<vmem>>[vector<16xi32>], vector<16xi32>,
    %swap3A_2773 = arith.constant 24 : i32
    %swap3A_2774 = arith.index_cast %swap3A_2773 : i32 to index
    %swap3A_2775 = arith.constant 96 : index
    %swap3A_2776 = tpu.vector_load %arg8[%swap3A_2774, %swap3A_2775] {strides = array<i32>} : memref<25x125xi32, #tpu.memory_space<vmem>>, vector<16xi32>,
    tpu.vector_store %arg8[%swap3A_2774, %swap3A_2775], %gather3A_2772 {strides = array<i32>} : memref<25x125xi32, #tpu.memory_space<vmem>>, vector<16xi32>,
    %add3A_2777 = arith.constant 3000 : i32
    %add3A_2778 = arith.addi %sub3A_22, %add3A_2777 : i32
    %add3A_2779 = arith.constant 109 : i32
    %add3A_2780 = arith.addi %add3A_2778, %add3A_2779 : i32
    %get3A_2781 = arith.index_cast %add3A_2780 : i32 to index
    %get3A_2782 = tpu.vector_load %arg6[%get3A_2781] {strides = array<i32>} : memref<3136xi32, #tpu.memory_space<vmem>>, vector<16xi32>,
    %gather3A_2783 = tpu.vector_load_idx %arg7[%get3A_2782] : memref<119xi32, #tpu.memory_space<vmem>>[vector<16xi32>], vector<16xi32>,
    %swap3A_2784 = arith.constant 24 : i32
    %swap3A_2785 = arith.index_cast %swap3A_2784 : i32 to index
    %swap3A_2786 = arith.constant 109 : index
    %swap3A_2787 = tpu.vector_load %arg8[%swap3A_2785, %swap3A_2786] {strides = array<i32>} : memref<25x125xi32, #tpu.memory_space<vmem>>, vector<16xi32>,
    tpu.vector_store %arg8[%swap3A_2785, %swap3A_2786], %gather3A_2783 {strides = array<i32>} : memref<25x125xi32, #tpu.memory_space<vmem>>, vector<16xi32>,
    %dma_wait3A_2788 = arith.constant 0 : i32
    %dma_wait3A_2789 = tpu.memref_slice %arg5[%add3A_2583, %dma_wait3A_2788] : memref<100000x128xf32, #tpu.memory_space<hbm>> -> memref<125x128xf32, #tpu.memory_space<hbm>>
    %dma_wait3A_2790 = arith.constant 0 : i32
    %dma_wait3A_2791 = tpu.memref_slice %arg5[%add3A_2583, %dma_wait3A_2790] : memref<100000x128xf32, #tpu.memory_space<hbm>> -> memref<125x128xf32, #tpu.memory_space<hbm>>
    tpu.wait_dma2 semaphore(%arg13 : memref<!tpu.dma_semaphore, #tpu.memory_space<semaphore_mem>>) src(%arg10 : memref<125x128xf32, #tpu.memory_space<vmem>>) dst(%dma_wait3A_2791 : memref<125x128xf32, #tpu.memory_space<hbm>>)
    %dma_start3A_2792 = arith.constant 24 : i32
    %dma_start3A_2793 = arith.constant 0 : i32
    %dma_start3A_2794 = tpu.memref_slice %arg8[%dma_start3A_2792, %dma_start3A_2793] : memref<25x125xi32, #tpu.memory_space<vmem>> -> memref<1x125xi32, #tpu.memory_space<vmem>>
    %dma_start3A_2795 = tpu.memref_squeeze %dma_start3A_2794 : memref<1x125xi32, #tpu.memory_space<vmem>> -> memref<125xi32, #tpu.memory_space<vmem>>
    %dma_start3A_2796 = arith.constant 0 : i32
    %dma_start3A_2797 = arith.constant 0 : i32
    %dma_start3A_2798 = tpu.memref_slice %arg9[%dma_start3A_2796, %dma_start3A_2797] : memref<10x128xf32, #tpu.memory_space<vmem_shared>> -> memref<10x128xf32, #tpu.memory_space<vmem_shared>>
    tpu.enqueue_indirect_dma source(%dma_start3A_2798 : memref<10x128xf32, #tpu.memory_space<vmem_shared>>) target(%arg10 : memref<125x128xf32, #tpu.memory_space<vmem>>) offsets(%dma_start3A_2795 : memref<125xi32, #tpu.memory_space<vmem>>) semaphore(%arg12 : memref<!tpu.dma_semaphore, #tpu.memory_space<semaphore_mem>>)
    %dma_wait3A_2799 = arith.constant 24 : i32
    %dma_wait3A_2800 = arith.constant 0 : i32
    %dma_wait3A_2801 = tpu.memref_slice %arg8[%dma_wait3A_2799, %dma_wait3A_2800] : memref<25x125xi32, #tpu.memory_space<vmem>> -> memref<1x125xi32, #tpu.memory_space<vmem>>
    %dma_wait3A_2802 = tpu.memref_squeeze %dma_wait3A_2801 : memref<1x125xi32, #tpu.memory_space<vmem>> -> memref<125xi32, #tpu.memory_space<vmem>>
    %dma_wait3A_2803 = arith.constant 0 : i32
    %dma_wait3A_2804 = arith.constant 0 : i32
    %dma_wait3A_2805 = tpu.memref_slice %arg9[%dma_wait3A_2803, %dma_wait3A_2804] : memref<10x128xf32, #tpu.memory_space<vmem_shared>> -> memref<10x128xf32, #tpu.memory_space<vmem_shared>>
    tpu.wait_indirect_dma semaphore(%arg12 : memref<!tpu.dma_semaphore, #tpu.memory_space<semaphore_mem>>) src(%dma_wait3A_2805 : memref<10x128xf32, #tpu.memory_space<vmem_shared>>) dst(%arg10 : memref<125x128xf32, #tpu.memory_space<vmem>>)
    %add3A_2806 = arith.constant 3000 : i32
    %add3A_2807 = arith.addi %mul3A_2, %add3A_2806 : i32
    %dma_start3A_2808 = arith.constant 0 : i32
    %dma_start3A_2809 = tpu.memref_slice %arg5[%add3A_2807, %dma_start3A_2808] : memref<100000x128xf32, #tpu.memory_space<hbm>> -> memref<125x128xf32, #tpu.memory_space<hbm>>
    %dma_start3A_2810 = arith.constant 0 : i32
    %dma_start3A_2811 = tpu.memref_slice %arg5[%add3A_2807, %dma_start3A_2810] : memref<100000x128xf32, #tpu.memory_space<hbm>> -> memref<125x128xf32, #tpu.memory_space<hbm>>
    tpu.enqueue_dma source(%arg10 : memref<125x128xf32, #tpu.memory_space<vmem>>) target(%dma_start3A_2811 : memref<125x128xf32, #tpu.memory_space<hbm>>) target_semaphore(%arg13 : memref<!tpu.dma_semaphore, #tpu.memory_space<semaphore_mem>>)
    %dma_wait3A_2812 = arith.constant 0 : i32
    %dma_wait3A_2813 = tpu.memref_slice %arg5[%add3A_2807, %dma_wait3A_2812] : memref<100000x128xf32, #tpu.memory_space<hbm>> -> memref<125x128xf32, #tpu.memory_space<hbm>>
    %dma_wait3A_2814 = arith.constant 0 : i32
    %dma_wait3A_2815 = tpu.memref_slice %arg5[%add3A_2807, %dma_wait3A_2814] : memref<100000x128xf32, #tpu.memory_space<hbm>> -> memref<125x128xf32, #tpu.memory_space<hbm>>
    tpu.wait_dma2 semaphore(%arg13 : memref<!tpu.dma_semaphore, #tpu.memory_space<semaphore_mem>>) src(%arg10 : memref<125x128xf32, #tpu.memory_space<vmem>>) dst(%dma_wait3A_2815 : memref<125x128xf32, #tpu.memory_space<hbm>>)
    %dma_wait3A_2816 = arith.constant 0 : i32
    %dma_wait3A_2817 = tpu.memref_slice %arg5[%add3A_2695, %dma_wait3A_2816] : memref<100000x128xf32, #tpu.memory_space<hbm>> -> memref<125x128xf32, #tpu.memory_space<hbm>>
    %dma_wait3A_2818 = arith.constant 0 : i32
    %dma_wait3A_2819 = tpu.memref_slice %arg5[%add3A_2695, %dma_wait3A_2818] : memref<100000x128xf32, #tpu.memory_space<hbm>> -> memref<125x128xf32, #tpu.memory_space<hbm>>
    tpu.wait_dma2 semaphore(%arg14 : memref<!tpu.dma_semaphore, #tpu.memory_space<semaphore_mem>>) src(%arg11 : memref<125x128xf32, #tpu.memory_space<vmem>>) dst(%dma_wait3A_2819 : memref<125x128xf32, #tpu.memory_space<hbm>>)
    return
  }
}

</mosaic_0001>

<sc_bundles>
// kernel: _run.3.cloned.1.call-start
scs
__scs_entry_jumppad:
0x0: {  	(pc) =	sbr.rel $0x88, $3  }
0x1: {  	(tag) =	ssettag $0x0;
	lr =	simm.s32 $0x1  }
0x2: {  	[smem:$0x3F9E] =	sst lr;
	_ =	strace $0xD0000000  }
0x3: {  	_ = 	snop  }
0x4: {  	_ = 	snop  }
0x5: {  	_ = 	snop  }
0x6: {  	_ = 	snop  }
0x7: {  	_ = 	snop  }
__scs_overlays_trampoline_lowered:
0x8: {  	[smem:$0x3FAD] =	sst s0  }
0x9: {  	[smem:$0x3FAE] =	sst s1  }
0xa: {  	[smem:$0x3FAF] =	sst s2  }
0xb: {  	[smem:$0x3FB0] =	sst s3  }
0xc: {  	[smem:$0x3FB1] =	sst s4  }
0xd: {  	[smem:$0x3FB2] =	sst s5  }
0xe: {  	[smem:$0x3FB3] =	sst s6  }
0xf: {  	[smem:$0x3FB4] =	sst s7  }
0x10: {  	[smem:$0x3FB5] =	sst s8  }
0x11: {  	[smem:$0x3FB6] =	sst s9;
	s0 =	simm.s32 @!p0 $0x0  }
0x12: {  	s1 =	sld [smem:$0x3F9C];
	s0 =	simm.s32 @p0 $0x1  }
0x13: {  	[smem:$0x3FB7] =	sst s0;
	s0 =	simm.s32 @!p1 $0x0  }
0x14: {  	s2 =	sld [smem:$0x3F9B];
	s0 =	simm.s32 @p1 $0x1  }
0x15: {  	[smem:$0x3FB8] =	sst s0;
	s0 =	simm.s32 @!p2 $0x0  }
0x16: {  	s3 =	sld [smem:$0x3FDB];
	s0 =	simm.s32 @p2 $0x1  }
0x17: {  	s4 =	simm.s32 $0x1BF5;
	[smem:$0x3FBA] =	sst s0  }
0x18: {  	s0 =	sld [smem:$0x3F9D];
	_ =	swait.ge [sflag:s4], $0x0  }
0x19: {  	s7 =	sld [smem:$0x3F9E]  }
0x1a: {  	s8 =	sadd.s32 $0xFFFFE003, lr  }
0x1b: {  	s9 =	sadd.s32 $0xFFFFFEF7, lr;
	s5 =	simm.s32 $0xFFFFFFFF;
	p2 =	slt.u32 s8, $0xFFFFF086  }
0x1c: {  	p1 =	slt.u32 s9, $0xF7A;
	s5 =	simm.s32 @!p2 $0x0  }
0x1d: {  	s5 =	simm.s32 @p1 $0x1;
	p0 =	seq.s32 s7, s2  }
0x1e: {  	s7 =	smul.u32 @!p0 $0xF7A, s2;
	p2 =	seq.s32 @!p0 s5, $0x0  }
0x1f: {  	s9 =	smul.u32 $0xF7A, s1;
	s8 =	simm.s32 @!p0 $0x1BF5;
	p2 =	por !p2, p0  }
0x20: {  	[sflag:s8] =	ssyncset.s32 @!p0 $0xFFFFF086;
	s6 =	sadd.s32 @!p0 s3, s7;
	s7 =	simm.s32 @!p0 $0x108  }
0x21: {  	s3 =	sadd.s32 s3, s9;
	s6 =	sadd.s32 @!p0 $0x88, s6;
	s7 =	simm.s32 @p2 $0x1082  }
0x22: {  	[simem:s7], [sflag:s8] =	dma.local @!p0 [hbm:s6], $0xF7A  }
0x23: {  	s9 =	sor.u32 $0xD0000000, s2;
	s6 =	simm.s32 $0x108;
	_ =	swait.ge @!p0 [sflag:s8], $0x0  }
0x24: {  	s3 =	sadd.s32 $0x88, s3;
	s6 =	simm.s32 @!p1 $0x1082;
	[sflag:s4] =	ssyncset.s32 $0xFFFFF086  }
0x25: {  	[simem:s6], [sflag:s4] =	dma.local [hbm:s3], $0xF7A  }
0x26: {  	[smem:$0x3F9E] =	sst s1;
	(tag) =	ssettag s2;
	_ =	strace s9  }
0x27: {  	s1 =	sld [smem:$0x3FAE]  }
0x28: {  	s2 =	sld [smem:$0x3FAF]  }
0x29: {  	s4 =	sld [smem:$0x3FB1]  }
0x2a: {  	p0 =	seq.s32 s5, $0x0;
	s5 =	sld [smem:$0x3FB2]  }
0x2b: {  	s6 =	sld [smem:$0x3FB3]  }
0x2c: {  	s7 =	sld [smem:$0x3FB4]  }
0x2d: {  	s3 =	simm.s32 $0x108;
	s8 =	sld [smem:$0x3FB5]  }
0x2e: {  	s3 =	simm.s32 @!p0 $0x1082;
	s9 =	sld [smem:$0x3FB6]  }
0x2f: {  	lr =	sadd.s32 s0, s3;
	s0 =	sld [smem:$0x3FAD]  }
0x30: {  	s3 =	sld [smem:$0x3FB0]  }
0x31: {  	[smem:$0x3FB9] =	sst s10  }
0x32: {  	s10 =	sld [smem:$0x3FB7];
	_ =	sdelay $0x3  }
0x33: {  	p0 =	seq.s32 s10, $0x1;
	s10 =	sld [smem:$0x3FB9];
	_ =	sdelay $0x3  }
0x34: {  	[smem:$0x3FB9] =	sst s10  }
0x35: {  	s10 =	sld [smem:$0x3FB8];
	_ =	sdelay $0x3  }
0x36: {  	p1 =	seq.s32 s10, $0x1;
	s10 =	sld [smem:$0x3FB9];
	_ =	sdelay $0x3  }
0x37: {  	[smem:$0x3FB9] =	sst s10  }
0x38: {  	s10 =	sld [smem:$0x3FBA]  }
0x39: {  	_ = 	snop;
	(pc) =	sbr.ind lr, $3  }
0x3a: {  	_ = 	snop  }
0x3b: {  	_ = 	snop  }
0x3c: {  	p2 =	seq.s32 s10, $0x1;
	s10 =	sld [smem:$0x3FB9]  }
0x3d: {  	_ =	shalt  }
0x3e: {  	_ =	shalt  }
0x3f: {  	_ =	shalt  }
0x40: {  	_ =	shalt  }
0x41: {  	_ =	shalt  }
0x42: {  	_ =	shalt  }
0x43: {  	_ =	shalt  }
0x44: {  	_ =	shalt  }
0x45: {  	_ =	shalt  }
0x46: {  	_ =	shalt  }
0x47: {  	_ =	shalt  }
0x48: {  	_ =	shalt  }
0x49: {  	_ =	shalt  }
0x4a: {  	_ =	shalt  }
0x4b: {  	_ =	shalt  }
0x4c: {  	_ =	shalt  }
0x4d: {  	_ =	shalt  }
0x4e: {  	_ =	shalt  }
0x4f: {  	_ =	shalt  }
0x50: {  	_ =	shalt  }
0x51: {  	_ =	shalt  }
0x52: {  	_ =	shalt  }
0x53: {  	_ =	shalt  }
0x54: {  	_ =	shalt  }
0x55: {  	_ =	shalt  }
0x56: {  	_ =	shalt  }
0x57: {  	_ =	shalt  }
0x58: {  	_ =	shalt  }
0x59: {  	_ =	shalt  }
0x5a: {  	_ =	shalt  }
0x5b: {  	_ =	shalt  }
0x5c: {  	_ =	shalt  }
0x5d: {  	_ =	shalt  }
0x5e: {  	_ =	shalt  }
0x5f: {  	_ =	shalt  }
0x60: {  	_ =	shalt  }
0x61: {  	_ =	shalt  }
0x62: {  	_ =	shalt  }
0x63: {  	_ =	shalt  }
0x64: {  	_ =	shalt  }
0x65: {  	_ =	shalt  }
0x66: {  	_ =	shalt  }
0x67: {  	_ =	shalt  }
0x68: {  	_ =	shalt  }
0x69: {  	_ =	shalt  }
0x6a: {  	_ =	shalt  }
0x6b: {  	_ =	shalt  }
0x6c: {  	_ =	shalt  }
0x6d: {  	_ =	shalt  }
0x6e: {  	_ =	shalt  }
0x6f: {  	_ =	shalt  }
0x70: {  	_ =	shalt  }
0x71: {  	_ =	shalt  }
0x72: {  	_ =	shalt  }
0x73: {  	_ =	shalt  }
0x74: {  	_ =	shalt  }
0x75: {  	_ =	shalt  }
0x76: {  	_ =	shalt  }
0x77: {  	_ =	shalt  }
0x78: {  	_ =	shalt  }
0x79: {  	_ =	shalt  }
0x7a: {  	_ =	shalt  }
0x7b: {  	_ =	shalt  }
0x7c: {  	_ =	shalt  }
0x7d: {  	_ =	shalt  }
0x7e: {  	_ =	shalt  }
0x7f: {  	_ =	shalt  }
0x80: {  	_ =	shalt  }
0x81: {  	_ =	shalt  }
0x82: {  	_ =	shalt  }
0x83: {  	_ =	shalt  }
0x84: {  	_ =	shalt  }
0x85: {  	_ =	shalt  }
0x86: {  	_ =	shalt  }
0x87: {  	_ =	shalt  }
.Lfunc_end0:
.L_simem_size_0:
called_computation_lowered:
.L_overlay_start_0:
0x88: {  	s2 =	sld [smem:$0x3FD9]  }
0x89: {  	s3 =	sld [smem:$0x3FFE];
	_ =	sdelay $0x1  }
0x8a: {  	s1 =	srdreg.scid  }
0x8b: {  	s0 =	sand.u32 $0x1, s1  }
0x8c: {  	s18 =	sshll.u32 s0, $0xA;
	s2 =	sadd.s32 s3, s2  }
0x8d: {  	s2 =	sadd.s32 s2, s18  }
0x8e: {  	[smem:$0x3FC5] =	sst s2  }
0x8f: {  	_ = 	snop  }
0x90: {  	s2 =	sld [smem:$0x3FC9]  }
0x91: {  	s19 =	sld [smem:$0x3FC8]  }
0x92: {  	s4 =	sld [smem:$0x3FC7]  }
0x93: {  	s5 =	sld [smem:$0x3FD0];
	(tm) =	ssettm $0x1  }
0x94: {  	s6 =	sld [smem:$0x3FFB];
	_ =	sdelay $0x3  }
0x95: {  	_ =	strace s6  }
0x96: {  	s6 =	sld [smem:$0x3FFC];
	_ =	sdelay $0x3  }
0x97: {  	_ =	strace s6  }
0x98: {  	s6 =	sld [smem:$0x3FFD];
	_ =	sdelay $0x3  }
0x99: {  	_ =	strace s6  }
0x9a: {  	_ =	strace $0x8FFFFFFF  }
0x9b: {  	s20 =	sld [smem:$0x3FDB];
	_ =	sdelay $0x1  }
0x9c: {  	s7 =	simm.s32 $_scs_section_size  }
0x9d: {  	s8 =	simm.s32 $_size__tile_overlayer_lowered;
	s9 =	simm.s32 $_tile_overlayer_lowered  }
0x9e: {  	s23 =	simm.s32 $0x1BFF;
	s22 =	sshll.u32 s9, $0x1;
	s6 =	sadd.s32 s7, s20  }
0x9f: {  	s10 =	simm.s32 $0x0;
	s21 =	sshll.u32 s8, $0x1;
	s8 =	sadd.s32 s22, s6  }
0xa0: {  	[timem:s10], [sflag:s23] =	dma.local [hbm:s8], s21  }
0xa1: {  	_ =	swait.ge [sflag:s23], s21  }
0xa2: {  	s7 =	ssub.s32 $0x0, s21;
	[sflag:s23] =	ssyncset.done $0x0  }
0xa3: {  	[sflag:s23] =	ssyncadd.s32 s7;
	_ =	sdelay $0x1  }
0xa4: {  	s24 =	simm.s32 $0x1B8B  }
0xa5: {  	_ =	swait.ge [sflag:s24], $0x1  }
0xa6: {  	[sflag:s24] =	ssyncset.done $0x0  }
0xa7: {  	s25 =	simm.s32 $0x1B8E;
	[sflag:s24] =	ssyncadd.s32 $0xFFFFFFFF  }
0xa8: {  	s26 =	simm.s32 $execute0_lowered;
	[smem:$0x3FD2] =	sst s25  }
0xa9: {  	s7 =	sshll.u32 s26, $0x1;
	_ =	strace $0x80000046;
	[dreg:$0x1] =	wrdreg $0xFFFFFFFF  }
0xaa: {  	s28 =	simm.s32 $_size_execute0_lowered;
	s6 =	sadd.s32 s6, s7;
	[dreg:$0x0] =	wrdreg $0x0  }
0xab: {  	s7 =	sshll.u32 s28, $0x1;
	[dreg:$0x2] =	wrdreg s6  }
0xac: {  	[dreg:$0x3] =	wrdreg s7  }
0xad: {  	[dreg:$0x4] =	wrdreg $0xC0  }
0xae: {  	_ =	task [dreg:s10], $0x5FFFF  }
0xaf: {  	[dreg:$0x1] =	wrdreg $0xFFFFFFFF  }
0xb0: {  	[dreg:$0x0] =	wrdreg $0x60  }
0xb1: {  	[dreg:$0x2] =	wrdreg s2  }
0xb2: {  	[dreg:$0x3] =	wrdreg s19  }
0xb3: {  	[dreg:$0x4] =	wrdreg s4  }
0xb4: {  	[dreg:$0x5] =	wrdreg s5  }
0xb5: {  	[dreg:$0x6] =	wrdreg $0x19380  }
0xb6: {  	[dreg:$0x7] =	wrdreg $0x9  }
0xb7: {  	_ =	task.clear_ibuf [dreg:s10], $0x8FFFF;
	_ =	strace $0x90000046  }
0xb8: {  	s29 =	simm.s32 $0x9;
	_ =	strace $0x80000048  }
0xb9: {  	_ =	swait.ge [sflag:s29], $0x1  }
0xba: {  	[sflag:s29] =	ssyncadd.s32 $0xFFFFFFFF  }
0xbb: {  	_ =	strace $0x90000048  }
0xbc: {  	_ =	sfence  }
0xbd: {  	s30 =	sld [smem:$0x0];
	_ =	sdelay $0x2  }
0xbe: {  	s31 =	sshll.u32 s1, $0xD;
	s1 =	sshrl.u32 s1, $0x2  }
0xbf: {  	s3 =	sand.u32 $0x4000, s31;
	s1 =	sadd.s32 s1, s30  }
0xc0: {  	s0 =	sor.u32 s3, s0;
	s1 =	sshll.u32 s1, $0x11  }
0xc1: {  	s0 =	sor.u32 s1, s0  }
0xc2: {  	s0 =	sadd.s32 $0x8F2B, s0  }
0xc3: {  	[sflag:s0] =	ssyncadd.remote.s32 $0x1  }
0xc4: {  	_ =	sfence.sel $0xFFFF  }
0xc5: {  	[dreg:$0x0] =	wrdreg $0xFFFFFFFF;
	(pc) =	sbr.abs _section_cstart, $3  }
0xc6: {  	[dreg:$0x1] =	wrdreg $0xFFFFFFFF  }
0xc7: {  	_ =	task.clear_ibuf [dreg:s10], $0x2FFFF;
	_ =	strace $0x9FFFFFFF  }
0xc8: {  	(tm) =	ssettm $0x7FFFFFFF  }
0xc9: {  	_ =	shalt  }
tec
execute0_lowered:
.L_overlay_start_1:
0x0: {  	(tag) =	ssettag $0x1  }
0x1: {  	s3 =	rddreg [dreg:$0x0]  }
0x2: {  	s0 =	rddreg [dreg:$0x1]  }
0x3: {  	s16 =	srdreg.scid;
	s6 =	stileid.u32  }
0x4: {  	s1 =	rddreg [dreg:$0x2];
	s5 =	sand.u32 $0x1, s16;
	s17 =	sshll.u32 s6, $0x1  }
0x5: {  	s8 =	rddreg [dreg:$0x3];
	s7 =	sor.u32 s5, s17  }
0x6: {  	[dreg:$0x6] =	wrdreg s0;
	s4 =	smul.u32 $0xC35, s7  }
0x7: {  	[dreg:$0x7] =	wrdreg s1;
	s10 =	smul.u32 $0x61A80, s7  }
0x8: {  	s1 =	rddreg [dreg:$0x4];
	s7 =	smul.u32 $0xC350, s7  }
0x9: {  	s2 =	simm.s32 $0x0;
	s0 =	rddreg [dreg:$0x5];
	s10 =	sshrl.u32 s10, $0x3  }
0xa: {  	[smem:$0x7FF] =	sst s2;
	s18 =	sadd.s32 s8, s7;
	s7 =	sadd.s32 s8, s10  }
0xb: {  	_ =	strace $0x80000047;
	[dreg:$0x9] =	wrdreg s18;
	s19 =	sadd.s32 $0x7D0, s7  }
0xc: {  	s20 =	sadd.s32 $0xFA0, s7;
	[dreg:$0xa] =	wrdreg s19  }
0xd: {  	s21 =	sadd.s32 $0x1770, s7;
	[dreg:$0xb] =	wrdreg s20  }
0xe: {  	s22 =	sadd.s32 $0x1F40, s7;
	[dreg:$0xc] =	wrdreg s21  }
0xf: {  	s23 =	sadd.s32 $0x2710, s7;
	[dreg:$0xd] =	wrdreg s22  }
0x10: {  	s24 =	sadd.s32 $0x2EE0, s7;
	[dreg:$0xe] =	wrdreg s23  }
0x11: {  	s25 =	sadd.s32 $0x36B0, s7;
	[dreg:$0xf] =	wrdreg s24  }
0x12: {  	s26 =	sadd.s32 $0x3E80, s7;
	[dreg:$0x10] =	wrdreg s25  }
0x13: {  	s29 =	sadd.s32 $0x4650, s7;
	[dreg:$0x11] =	wrdreg s26  }
0x14: {  	s30 =	sadd.s32 $0x4E20, s7;
	[dreg:$0x12] =	wrdreg s29  }
0x15: {  	s31 =	sadd.s32 $0x55F0, s7;
	[dreg:$0x13] =	wrdreg s30  }
0x16: {  	s8 =	sadd.s32 $0x5DC0, s7;
	[dreg:$0x14] =	wrdreg s31  }
0x17: {  	s10 =	sadd.s32 $0x6590, s7;
	[dreg:$0x15] =	wrdreg s8  }
0x18: {  	s12 =	sadd.s32 $0x7530, s7;
	[dreg:$0x16] =	wrdreg s10  }
0x19: {  	s13 =	sadd.s32 $0x7D00, s7;
	[dreg:$0x18] =	wrdreg s12  }
0x1a: {  	s14 =	sadd.s32 $0x84D0, s7;
	[dreg:$0x19] =	wrdreg s13  }
0x1b: {  	s9 =	sand.u32 $0x1FFF8, s4;
	s15 =	sadd.s32 $0x8CA0, s7;
	[dreg:$0x1a] =	wrdreg s14  }
0x1c: {  	s9 =	smin.u32 s9, $0x17A60;
	s16 =	sadd.s32 $0x9470, s7;
	[dreg:$0x1b] =	wrdreg s15  }
0x1d: {  	s11 =	sshrl.u32 s9, $0x3;
	s18 =	sadd.s32 $0x9C40, s7;
	[dreg:$0x1c] =	wrdreg s16  }
0x1e: {  	s28 =	simm.s32 $0x18B8;
	s3 =	sadd.s32 s3, s11;
	[dreg:$0x1d] =	wrdreg s18  }
0x1f: {  	p0 =	sne.s32 s6, $0x0;
	s11 =	sadd.s32 $0x6D60, s7;
	[dreg:$0x8] =	wrdreg s3  }
0x20: {  	s6 =	simm.s32 $0x4;
	s19 =	sadd.s32 $0xA410, s7;
	[dreg:$0x17] =	wrdreg s11  }
0x21: {  	s5 =	ssub.s32 $0x2, s5;
	s20 =	sadd.s32 $0xABE0, s7;
	[dreg:$0x1e] =	wrdreg s19  }
0x22: {  	s17 =	sshrl.u32 s5, $0x1;
	s21 =	sadd.s32 $0xB3B0, s7;
	[dreg:$0x1f] =	wrdreg s20  }
0x23: {  	s5 =	ssub.s32 s5, s17;
	s7 =	sadd.s32 $0xBB80, s7;
	[smem:$0x7F1] =	sst s21  }
0x24: {  	s17 =	simm.s32 $0x13B8;
	s22 =	simm.s32 $0xCB8;
	[smem:$0x7F2] =	sst s7  }
0x25: {  	s5 =	smax.u32 s5, $0x1;
	s23 =	simm.s32 $0xD38;
	[smem:$0x7F3] =	sst s22  }
0x26: {  	s24 =	simm.s32 $0xDB8;
	s25 =	simm.s32 $0xE38;
	[smem:$0x7F4] =	sst s23  }
0x27: {  	s26 =	simm.s32 $0xEB8;
	s8 =	simm.s32 $0x7D;
	[smem:$0x7F5] =	sst s24  }
0x28: {  	s29 =	simm.s32 $0xF38;
	s30 =	simm.s32 $0xFB8;
	[smem:$0x7F6] =	sst s25  }
0x29: {  	s10 =	simm.s32 $0x1;
	s12 =	simm.s32 $0x1038;
	[smem:$0x7F7] =	sst s26  }
0x2a: {  	s13 =	simm.s32 $0x10B8;
	s14 =	simm.s32 $0x1138;
	[smem:$0x7F8] =	sst s29  }
0x2b: {  	s31 =	simm.s32 $0x11B8;
	s15 =	simm.s32 $0x12B8;
	[smem:$0x7F9] =	sst s30  }
0x2c: {  	s16 =	simm.s32 $0x1338;
	s18 =	simm.s32 $0x1438;
	[smem:$0x7FA] =	sst s12  }
0x2d: {  	s3 =	ssub.s32 s4, s9;
	s4 =	sand.u32 $0x7, s4;
	[smem:$0x7FB] =	sst s13  }
0x2e: {  	s7 =	simm.s32 $0xC40;
	s11 =	simm.s32 $0x5808;
	[smem:$0x7FC] =	sst s14  }
0x2f: {  	s12 =	simm.s32 $0x2;
	s13 =	simm.s32 $0x3;
	[smem:$0x7FD] =	sst s31  }
0x30: {  	s14 =	simm.s32 $0x1238;
	s19 =	simm.s32 $0x14B8;
	s20 =	simm.s32 $0x1538  }
0x31: {  	s21 =	simm.s32 $0x15B8;
	s22 =	simm.s32 $0x1638;
	s23 =	simm.s32 $0x16B8  }
0x32: {  	s24 =	simm.s32 $0x1738;
	s25 =	simm.s32 $0x17B8;
	s9 =	sand.u32 $0xFFFFFFF8, s3  }
0x33: {  	s26 =	simm.s32 $0x1838;
	s4 =	sor.u32 s4, s9;
	s9 =	simm.s32 $0x1988  }
.LBB2_1:
0x34: {  	s29 =	rddreg [dreg:$0x8]  }
0x35: {  	[tilespmem:s2], [sflag:$0x4] =	stream.linear.gather [hbm4b:s29+s2], $0xC40, $0x38;
	[tilespmem:$0x9688] =	vst v63  }
0x36: {  	_ =	swait.ge [sflag:s6], $0xC40  }
0x37: {  	[sflag:s6] =	ssyncset.done $0x0  }
0x38: {  	s31 =	rddreg [dreg:$0x6];
	[sflag:s6] =	ssyncadd.s32 $0xFFFFF3C0  }
0x39: {  	[tilespmem:s7], [sflag:$0x4] =	stream.linear.gather [hbm4b:s31+s2], $0x78, $0x38;
	[tilespmem:$0x9688] =	vst v63  }
0x3a: {  	_ =	swait.ge [sflag:s6], $0x78  }
0x3b: {  	s30 =	sshrl.u32 @!p0 s1, $0x3;
	[sflag:s6] =	ssyncset.done $0x0  }
0x3c: {  	s31 =	simm.s32 @!p0 $0x1C04;
	s29 =	rddreg [dreg:$0x7];
	[sflag:s6] =	ssyncadd.s32 $0xFFFFFF88  }
0x3d: {  	[spmem:s30], [sflag:s31] =	dma.local @!p0 [hbm:s29], $0xA0  }
0x3e: {  	s29 =	simm.s32 @!p0 $0x4  }
0x3f: {  	_ =	swait.ge @!p0 [sflag:s29], $0xA0  }
0x40: {  	[sflag:s29] =	ssyncset.done @!p0 $0x0  }
0x41: {  	[sflag:s29] =	ssyncadd.s32 @!p0 $0xFFFFFF60  }
0x42: {  	[bflag:$0x0] =	sbarrier.arrive $0xFFFF  }
0x43: {  	v0 =	vld [tilespmem:s4+$0x0];
	_ =	sdelay $0x7  }
0x44: {  	v0 =	vld.idx.msk [tilespmem:v0+s7+$0x0], $0xffff;
	_ =	sdelay $0x4  }
0x45: {  	[tilespmem:$0xCB8] =	vst v0  }
0x46: {  	v0 =	vld [tilespmem:s4+$0x10];
	_ =	sdelay $0x7  }
0x47: {  	v0 =	vld.idx.msk [tilespmem:v0+s7+$0x0], $0xffff;
	_ =	sdelay $0x4  }
0x48: {  	[tilespmem:$0xCC8] =	vst v0  }
0x49: {  	v0 =	vld [tilespmem:s4+$0x20];
	_ =	sdelay $0x7  }
0x4a: {  	v0 =	vld.idx.msk [tilespmem:v0+s7+$0x0], $0xffff;
	_ =	sdelay $0x4  }
0x4b: {  	[tilespmem:$0xCD8] =	vst v0  }
0x4c: {  	v0 =	vld [tilespmem:s4+$0x30];
	_ =	sdelay $0x7  }
0x4d: {  	v0 =	vld.idx.msk [tilespmem:v0+s7+$0x0], $0xffff;
	_ =	sdelay $0x4  }
0x4e: {  	[tilespmem:$0xCE8] =	vst v0  }
0x4f: {  	v0 =	vld [tilespmem:s4+$0x40];
	_ =	sdelay $0x7  }
0x50: {  	v0 =	vld.idx.msk [tilespmem:v0+s7+$0x0], $0xffff;
	_ =	sdelay $0x4  }
0x51: {  	[tilespmem:$0xCF8] =	vst v0  }
0x52: {  	v0 =	vld [tilespmem:s4+$0x50];
	_ =	sdelay $0x7  }
0x53: {  	v0 =	vld.idx.msk [tilespmem:v0+s7+$0x0], $0xffff;
	_ =	sdelay $0x4  }
0x54: {  	[tilespmem:$0xD08] =	vst v0  }
0x55: {  	v0 =	vld [tilespmem:s4+$0x60];
	_ =	sdelay $0x7  }
0x56: {  	v0 =	vld.idx.msk [tilespmem:v0+s7+$0x0], $0xffff;
	_ =	sdelay $0x4  }
0x57: {  	[tilespmem:$0xD18] =	vst v0  }
0x58: {  	v0 =	vld [tilespmem:s3+$0x6D];
	_ =	sdelay $0x7  }
0x59: {  	v0 =	vld.idx.msk [tilespmem:v0+s7+$0x0], $0xffff;
	_ =	sdelay $0x2  }
0x5a: {  	s30 =	sld [smem:$0x7F3];
	_ =	sdelay $0x1  }
0x5b: {  	[tilespmem:$0xD25] =	vst v0  }
0x5c: {  	[tilespmem:s9], [sflag:$0x1] =	stream.indirect.gather [spmem:s1], $0x80, s30, s8, $0xb8;
	[tilespmem:$0x9688] =	vst v63  }
0x5d: {  	_ =	swait.ge [sflag:s10], $0x3E80  }
0x5e: {  	[sflag:s10] =	ssyncset.done $0x0  }
0x5f: {  	s31 =	rddreg [dreg:$0x9];
	[sflag:s10] =	ssyncadd.s32 $0xFFFFC180  }
0x60: {  	[hbm4b:s31+s2] =	stream.linear.scatter [tilespmem:s9], [sflag:$0x2], $0x3E80, $0x38;
	[tilespmem:$0x9688] =	vst v63  }
0x61: {  	v40 =	vld [tilespmem:s3+$0x7D];
	_ =	sdelay $0x7  }
0x62: {  	v0 =	vld.idx.msk [tilespmem:v40+s7+$0x0], $0xffff;
	_ =	sdelay $0x4  }
0x63: {  	[tilespmem:$0xD38] =	vst v0  }
0x64: {  	v0 =	vld [tilespmem:s3+$0x8D];
	_ =	sdelay $0x7  }
0x65: {  	v0 =	vld.idx.msk [tilespmem:v0+s7+$0x0], $0xffff;
	_ =	sdelay $0x4  }
0x66: {  	[tilespmem:$0xD48] =	vst v0  }
0x67: {  	v0 =	vld [tilespmem:s3+$0x9D];
	_ =	sdelay $0x7  }
0x68: {  	v0 =	vld.idx.msk [tilespmem:v0+s7+$0x0], $0xffff;
	_ =	sdelay $0x4  }
0x69: {  	[tilespmem:$0xD58] =	vst v0  }
0x6a: {  	v0 =	vld [tilespmem:s3+$0xAD];
	_ =	sdelay $0x7  }
0x6b: {  	v0 =	vld.idx.msk [tilespmem:v0+s7+$0x0], $0xffff;
	_ =	sdelay $0x4  }
0x6c: {  	[tilespmem:$0xD68] =	vst v0  }
0x6d: {  	v0 =	vld [tilespmem:s3+$0xBD];
	_ =	sdelay $0x7  }
0x6e: {  	v0 =	vld.idx.msk [tilespmem:v0+s7+$0x0], $0xffff;
	_ =	sdelay $0x4  }
0x6f: {  	[tilespmem:$0xD78] =	vst v0  }
0x70: {  	v0 =	vld [tilespmem:s3+$0xCD];
	_ =	sdelay $0x7  }
0x71: {  	v0 =	vld.idx.msk [tilespmem:v0+s7+$0x0], $0xffff;
	_ =	sdelay $0x4  }
0x72: {  	[tilespmem:$0xD88] =	vst v0  }
0x73: {  	v0 =	vld [tilespmem:s3+$0xDD];
	_ =	sdelay $0x7  }
0x74: {  	v0 =	vld.idx.msk [tilespmem:v0+s7+$0x0], $0xffff;
	_ =	sdelay $0x4  }
0x75: {  	[tilespmem:$0xD98] =	vst v0  }
0x76: {  	v0 =	vld [tilespmem:s3+$0xEA];
	_ =	sdelay $0x7  }
0x77: {  	v0 =	vld.idx.msk [tilespmem:v0+s7+$0x0], $0xffff;
	_ =	sdelay $0x2  }
0x78: {  	s30 =	sld [smem:$0x7F4];
	_ =	sdelay $0x1  }
0x79: {  	[tilespmem:$0xDA5] =	vst v0  }
0x7a: {  	[tilespmem:s11], [sflag:$0x1] =	stream.indirect.gather [spmem:s1], $0x80, s30, s8, $0xb8;
	[tilespmem:$0x9688] =	vst v63  }
0x7b: {  	_ =	swait.ge [sflag:s10], $0x3E80  }
0x7c: {  	[sflag:s10] =	ssyncset.done $0x0  }
0x7d: {  	s31 =	rddreg [dreg:$0xa];
	[sflag:s10] =	ssyncadd.s32 $0xFFFFC180  }
0x7e: {  	[hbm4b:s31+s2] =	stream.linear.scatter [tilespmem:s11], [sflag:$0x3], $0x3E80, $0x38;
	[tilespmem:$0x9688] =	vst v63  }
0x7f: {  	v41 =	vld [tilespmem:s3+$0xFA];
	_ =	sdelay $0x7  }
0x80: {  	v0 =	vld.idx.msk [tilespmem:v41+s7+$0x0], $0xffff;
	_ =	sdelay $0x4  }
0x81: {  	[tilespmem:$0xDB8] =	vst v0  }
0x82: {  	v0 =	vld [tilespmem:s3+$0x10A];
	_ =	sdelay $0x7  }
0x83: {  	v0 =	vld.idx.msk [tilespmem:v0+s7+$0x0], $0xffff;
	_ =	sdelay $0x4  }
0x84: {  	[tilespmem:$0xDC8] =	vst v0  }
0x85: {  	v0 =	vld [tilespmem:s3+$0x11A];
	_ =	sdelay $0x7  }
0x86: {  	v0 =	vld.idx.msk [tilespmem:v0+s7+$0x0], $0xffff;
	_ =	sdelay $0x4  }
0x87: {  	[tilespmem:$0xDD8] =	vst v0  }
0x88: {  	v0 =	vld [tilespmem:s3+$0x12A];
	_ =	sdelay $0x7  }
0x89: {  	v0 =	vld.idx.msk [tilespmem:v0+s7+$0x0], $0xffff;
	_ =	sdelay $0x4  }
0x8a: {  	[tilespmem:$0xDE8] =	vst v0  }
0x8b: {  	v0 =	vld [tilespmem:s3+$0x13A];
	_ =	sdelay $0x7  }
0x8c: {  	v0 =	vld.idx.msk [tilespmem:v0+s7+$0x0], $0xffff;
	_ =	sdelay $0x4  }
0x8d: {  	[tilespmem:$0xDF8] =	vst v0  }
0x8e: {  	v0 =	vld [tilespmem:s3+$0x14A];
	_ =	sdelay $0x7  }
0x8f: {  	v0 =	vld.idx.msk [tilespmem:v0+s7+$0x0], $0xffff;
	_ =	sdelay $0x4  }
0x90: {  	[tilespmem:$0xE08] =	vst v0  }
0x91: {  	v0 =	vld [tilespmem:s3+$0x15A];
	_ =	sdelay $0x7  }
0x92: {  	v0 =	vld.idx.msk [tilespmem:v0+s7+$0x0], $0xffff;
	_ =	sdelay $0x4  }
0x93: {  	[tilespmem:$0xE18] =	vst v0  }
0x94: {  	v0 =	vld [tilespmem:s3+$0x167];
	_ =	sdelay $0x7  }
0x95: {  	v0 =	vld.idx.msk [tilespmem:v0+s7+$0x0], $0xffff;
	_ =	sdelay $0x4  }
0x96: {  	[tilespmem:$0xE25] =	vst v0  }
0x97: {  	_ =	swait.ge [sflag:s12], $0x3E80  }
0x98: {  	s30 =	sld [smem:$0x7F5]  }
0x99: {  	[sflag:s12] =	ssyncset.done $0x0  }
0x9a: {  	[sflag:s12] =	ssyncadd.s32 $0xFFFFC180  }
0x9b: {  	[tilespmem:s9], [sflag:$0x1] =	stream.indirect.gather [spmem:s1], $0x80, s30, s8, $0xb8;
	[tilespmem:$0x9688] =	vst v63  }
0x9c: {  	_ =	swait.ge [sflag:s10], $0x3E80  }
0x9d: {  	[sflag:s10] =	ssyncset.done $0x0  }
0x9e: {  	s31 =	rddreg [dreg:$0xb];
	[sflag:s10] =	ssyncadd.s32 $0xFFFFC180  }
0x9f: {  	[hbm4b:s31+s2] =	stream.linear.scatter [tilespmem:s9], [sflag:$0x2], $0x3E80, $0x38;
	[tilespmem:$0x9688] =	vst v63  }
0xa0: {  	v42 =	vld [tilespmem:s3+$0x177];
	_ =	sdelay $0x7  }
0xa1: {  	v0 =	vld.idx.msk [tilespmem:v42+s7+$0x0], $0xffff;
	_ =	sdelay $0x4  }
0xa2: {  	[tilespmem:$0xE38] =	vst v0  }
0xa3: {  	v0 =	vld [tilespmem:s3+$0x187];
	_ =	sdelay $0x7  }
0xa4: {  	v0 =	vld.idx.msk [tilespmem:v0+s7+$0x0], $0xffff;
	_ =	sdelay $0x4  }
0xa5: {  	[tilespmem:$0xE48] =	vst v0  }
0xa6: {  	v0 =	vld [tilespmem:s3+$0x197];
	_ =	sdelay $0x7  }
0xa7: {  	v0 =	vld.idx.msk [tilespmem:v0+s7+$0x0], $0xffff;
	_ =	sdelay $0x4  }
0xa8: {  	[tilespmem:$0xE58] =	vst v0  }
0xa9: {  	v0 =	vld [tilespmem:s3+$0x1A7];
	_ =	sdelay $0x7  }
0xaa: {  	v0 =	vld.idx.msk [tilespmem:v0+s7+$0x0], $0xffff;
	_ =	sdelay $0x4  }
0xab: {  	[tilespmem:$0xE68] =	vst v0  }
0xac: {  	v0 =	vld [tilespmem:s3+$0x1B7];
	_ =	sdelay $0x7  }
0xad: {  	v0 =	vld.idx.msk [tilespmem:v0+s7+$0x0], $0xffff;
	_ =	sdelay $0x4  }
0xae: {  	[tilespmem:$0xE78] =	vst v0  }
0xaf: {  	v0 =	vld [tilespmem:s3+$0x1C7];
	_ =	sdelay $0x7  }
0xb0: {  	v0 =	vld.idx.msk [tilespmem:v0+s7+$0x0], $0xffff;
	_ =	sdelay $0x4  }
0xb1: {  	[tilespmem:$0xE88] =	vst v0  }
0xb2: {  	v0 =	vld [tilespmem:s3+$0x1D7];
	_ =	sdelay $0x7  }
0xb3: {  	v0 =	vld.idx.msk [tilespmem:v0+s7+$0x0], $0xffff;
	_ =	sdelay $0x4  }
0xb4: {  	[tilespmem:$0xE98] =	vst v0  }
0xb5: {  	v0 =	vld [tilespmem:s3+$0x1E4];
	_ =	sdelay $0x7  }
0xb6: {  	v0 =	vld.idx.msk [tilespmem:v0+s7+$0x0], $0xffff;
	_ =	sdelay $0x4  }
0xb7: {  	[tilespmem:$0xEA5] =	vst v0  }
0xb8: {  	_ =	swait.ge [sflag:s13], $0x3E80  }
0xb9: {  	s30 =	sld [smem:$0x7F6]  }
0xba: {  	[sflag:s13] =	ssyncset.done $0x0  }
0xbb: {  	[sflag:s13] =	ssyncadd.s32 $0xFFFFC180  }
0xbc: {  	[tilespmem:s11], [sflag:$0x1] =	stream.indirect.gather [spmem:s1], $0x80, s30, s8, $0xb8;
	[tilespmem:$0x9688] =	vst v63  }
0xbd: {  	_ =	swait.ge [sflag:s10], $0x3E80  }
0xbe: {  	[sflag:s10] =	ssyncset.done $0x0  }
0xbf: {  	s31 =	rddreg [dreg:$0xc];
	[sflag:s10] =	ssyncadd.s32 $0xFFFFC180  }
0xc0: {  	[hbm4b:s31+s2] =	stream.linear.scatter [tilespmem:s11], [sflag:$0x3], $0x3E80, $0x38;
	[tilespmem:$0x9688] =	vst v63  }
0xc1: {  	v43 =	vld [tilespmem:s3+$0x1F4];
	_ =	sdelay $0x7  }
0xc2: {  	v0 =	vld.idx.msk [tilespmem:v43+s7+$0x0], $0xffff;
	_ =	sdelay $0x4  }
0xc3: {  	[tilespmem:$0xEB8] =	vst v0  }
0xc4: {  	v0 =	vld [tilespmem:s3+$0x204];
	_ =	sdelay $0x7  }
0xc5: {  	v0 =	vld.idx.msk [tilespmem:v0+s7+$0x0], $0xffff;
	_ =	sdelay $0x4  }
0xc6: {  	[tilespmem:$0xEC8] =	vst v0  }
0xc7: {  	v0 =	vld [tilespmem:s3+$0x214];
	_ =	sdelay $0x7  }
0xc8: {  	v0 =	vld.idx.msk [tilespmem:v0+s7+$0x0], $0xffff;
	_ =	sdelay $0x4  }
0xc9: {  	[tilespmem:$0xED8] =	vst v0  }
0xca: {  	v0 =	vld [tilespmem:s3+$0x224];
	_ =	sdelay $0x7  }
0xcb: {  	v0 =	vld.idx.msk [tilespmem:v0+s7+$0x0], $0xffff;
	_ =	sdelay $0x4  }
0xcc: {  	[tilespmem:$0xEE8] =	vst v0  }
0xcd: {  	v0 =	vld [tilespmem:s3+$0x234];
	_ =	sdelay $0x7  }
0xce: {  	v0 =	vld.idx.msk [tilespmem:v0+s7+$0x0], $0xffff;
	_ =	sdelay $0x4  }
0xcf: {  	[tilespmem:$0xEF8] =	vst v0  }
0xd0: {  	v0 =	vld [tilespmem:s3+$0x244];
	_ =	sdelay $0x7  }
0xd1: {  	v0 =	vld.idx.msk [tilespmem:v0+s7+$0x0], $0xffff;
	_ =	sdelay $0x4  }
0xd2: {  	[tilespmem:$0xF08] =	vst v0  }
0xd3: {  	v0 =	vld [tilespmem:s3+$0x254];
	_ =	sdelay $0x7  }
0xd4: {  	v0 =	vld.idx.msk [tilespmem:v0+s7+$0x0], $0xffff;
	_ =	sdelay $0x4  }
0xd5: {  	[tilespmem:$0xF18] =	vst v0  }
0xd6: {  	v0 =	vld [tilespmem:s3+$0x261];
	_ =	sdelay $0x7  }
0xd7: {  	v0 =	vld.idx.msk [tilespmem:v0+s7+$0x0], $0xffff;
	_ =	sdelay $0x4  }
0xd8: {  	[tilespmem:$0xF25] =	vst v0  }
0xd9: {  	_ =	swait.ge [sflag:s12], $0x3E80  }
0xda: {  	s30 =	sld [smem:$0x7F7]  }
0xdb: {  	[sflag:s12] =	ssyncset.done $0x0  }
0xdc: {  	[sflag:s12] =	ssyncadd.s32 $0xFFFFC180  }
0xdd: {  	[tilespmem:s9], [sflag:$0x1] =	stream.indirect.gather [spmem:s1], $0x80, s30, s8, $0xb8;
	[tilespmem:$0x9688] =	vst v63  }
0xde: {  	_ =	swait.ge [sflag:s10], $0x3E80  }
0xdf: {  	[sflag:s10] =	ssyncset.done $0x0  }
0xe0: {  	s31 =	rddreg [dreg:$0xd];
	[sflag:s10] =	ssyncadd.s32 $0xFFFFC180  }
0xe1: {  	[hbm4b:s31+s2] =	stream.linear.scatter [tilespmem:s9], [sflag:$0x2], $0x3E80, $0x38;
	[tilespmem:$0x9688] =	vst v63  }
0xe2: {  	v44 =	vld [tilespmem:s3+$0x271];
	_ =	sdelay $0x7  }
0xe3: {  	v0 =	vld.idx.msk [tilespmem:v44+s7+$0x0], $0xffff;
	_ =	sdelay $0x4  }
0xe4: {  	[tilespmem:$0xF38] =	vst v0  }
0xe5: {  	v0 =	vld [tilespmem:s3+$0x281];
	_ =	sdelay $0x7  }
0xe6: {  	v0 =	vld.idx.msk [tilespmem:v0+s7+$0x0], $0xffff;
	_ =	sdelay $0x4  }
0xe7: {  	[tilespmem:$0xF48] =	vst v0  }
0xe8: {  	v0 =	vld [tilespmem:s3+$0x291];
	_ =	sdelay $0x7  }
0xe9: {  	v0 =	vld.idx.msk [tilespmem:v0+s7+$0x0], $0xffff;
	_ =	sdelay $0x4  }
0xea: {  	[tilespmem:$0xF58] =	vst v0  }
0xeb: {  	v0 =	vld [tilespmem:s3+$0x2A1];
	_ =	sdelay $0x7  }
0xec: {  	v0 =	vld.idx.msk [tilespmem:v0+s7+$0x0], $0xffff;
	_ =	sdelay $0x4  }
0xed: {  	[tilespmem:$0xF68] =	vst v0  }
0xee: {  	v0 =	vld [tilespmem:s3+$0x2B1];
	_ =	sdelay $0x7  }
0xef: {  	v0 =	vld.idx.msk [tilespmem:v0+s7+$0x0], $0xffff;
	_ =	sdelay $0x4  }
0xf0: {  	[tilespmem:$0xF78] =	vst v0  }
0xf1: {  	v0 =	vld [tilespmem:s3+$0x2C1];
	_ =	sdelay $0x7  }
0xf2: {  	v0 =	vld.idx.msk [tilespmem:v0+s7+$0x0], $0xffff;
	_ =	sdelay $0x4  }
0xf3: {  	[tilespmem:$0xF88] =	vst v0  }
0xf4: {  	v0 =	vld [tilespmem:s3+$0x2D1];
	_ =	sdelay $0x7  }
0xf5: {  	v0 =	vld.idx.msk [tilespmem:v0+s7+$0x0], $0xffff;
	_ =	sdelay $0x4  }
0xf6: {  	[tilespmem:$0xF98] =	vst v0  }
0xf7: {  	v0 =	vld [tilespmem:s3+$0x2DE];
	_ =	sdelay $0x7  }
0xf8: {  	v0 =	vld.idx.msk [tilespmem:v0+s7+$0x0], $0xffff;
	_ =	sdelay $0x4  }
0xf9: {  	[tilespmem:$0xFA5] =	vst v0  }
0xfa: {  	_ =	swait.ge [sflag:s13], $0x3E80  }
0xfb: {  	s30 =	sld [smem:$0x7F8]  }
0xfc: {  	[sflag:s13] =	ssyncset.done $0x0  }
0xfd: {  	[sflag:s13] =	ssyncadd.s32 $0xFFFFC180  }
0xfe: {  	[tilespmem:s11], [sflag:$0x1] =	stream.indirect.gather [spmem:s1], $0x80, s30, s8, $0xb8;
	[tilespmem:$0x9688] =	vst v63  }
0xff: {  	_ =	swait.ge [sflag:s10], $0x3E80  }
0x100: {  	[sflag:s10] =	ssyncset.done $0x0  }
0x101: {  	s31 =	rddreg [dreg:$0xe];
	[sflag:s10] =	ssyncadd.s32 $0xFFFFC180  }
0x102: {  	[hbm4b:s31+s2] =	stream.linear.scatter [tilespmem:s11], [sflag:$0x3], $0x3E80, $0x38;
	[tilespmem:$0x9688] =	vst v63  }
0x103: {  	v45 =	vld [tilespmem:s3+$0x2EE];
	_ =	sdelay $0x7  }
0x104: {  	v0 =	vld.idx.msk [tilespmem:v45+s7+$0x0], $0xffff;
	_ =	sdelay $0x4  }
0x105: {  	[tilespmem:$0xFB8] =	vst v0  }
0x106: {  	v0 =	vld [tilespmem:s3+$0x2FE];
	_ =	sdelay $0x7  }
0x107: {  	v0 =	vld.idx.msk [tilespmem:v0+s7+$0x0], $0xffff;
	_ =	sdelay $0x4  }
0x108: {  	[tilespmem:$0xFC8] =	vst v0  }
0x109: {  	v0 =	vld [tilespmem:s3+$0x30E];
	_ =	sdelay $0x7  }
0x10a: {  	v0 =	vld.idx.msk [tilespmem:v0+s7+$0x0], $0xffff;
	_ =	sdelay $0x4  }
0x10b: {  	[tilespmem:$0xFD8] =	vst v0  }
0x10c: {  	v0 =	vld [tilespmem:s3+$0x31E];
	_ =	sdelay $0x7  }
0x10d: {  	v0 =	vld.idx.msk [tilespmem:v0+s7+$0x0], $0xffff;
	_ =	sdelay $0x4  }
0x10e: {  	[tilespmem:$0xFE8] =	vst v0  }
0x10f: {  	v0 =	vld [tilespmem:s3+$0x32E];
	_ =	sdelay $0x7  }
0x110: {  	v0 =	vld.idx.msk [tilespmem:v0+s7+$0x0], $0xffff;
	_ =	sdelay $0x4  }
0x111: {  	[tilespmem:$0xFF8] =	vst v0  }
0x112: {  	v0 =	vld [tilespmem:s3+$0x33E];
	_ =	sdelay $0x7  }
0x113: {  	v0 =	vld.idx.msk [tilespmem:v0+s7+$0x0], $0xffff;
	_ =	sdelay $0x4  }
0x114: {  	[tilespmem:$0x1008] =	vst v0  }
0x115: {  	v0 =	vld [tilespmem:s3+$0x34E];
	_ =	sdelay $0x7  }
0x116: {  	v0 =	vld.idx.msk [tilespmem:v0+s7+$0x0], $0xffff;
	_ =	sdelay $0x4  }
0x117: {  	[tilespmem:$0x1018] =	vst v0  }
0x118: {  	v0 =	vld [tilespmem:s3+$0x35B];
	_ =	sdelay $0x7  }
0x119: {  	v0 =	vld.idx.msk [tilespmem:v0+s7+$0x0], $0xffff;
	_ =	sdelay $0x4  }
0x11a: {  	[tilespmem:$0x1025] =	vst v0  }
0x11b: {  	_ =	swait.ge [sflag:s12], $0x3E80  }
0x11c: {  	s30 =	sld [smem:$0x7F9]  }
0x11d: {  	[sflag:s12] =	ssyncset.done $0x0  }
0x11e: {  	[sflag:s12] =	ssyncadd.s32 $0xFFFFC180  }
0x11f: {  	[tilespmem:s9], [sflag:$0x1] =	stream.indirect.gather [spmem:s1], $0x80, s30, s8, $0xb8;
	[tilespmem:$0x9688] =	vst v63  }
0x120: {  	_ =	swait.ge [sflag:s10], $0x3E80  }
0x121: {  	[sflag:s10] =	ssyncset.done $0x0  }
0x122: {  	s31 =	rddreg [dreg:$0xf];
	[sflag:s10] =	ssyncadd.s32 $0xFFFFC180  }
0x123: {  	[hbm4b:s31+s2] =	stream.linear.scatter [tilespmem:s9], [sflag:$0x2], $0x3E80, $0x38;
	[tilespmem:$0x9688] =	vst v63  }
0x124: {  	v46 =	vld [tilespmem:s3+$0x36B];
	_ =	sdelay $0x7  }
0x125: {  	v0 =	vld.idx.msk [tilespmem:v46+s7+$0x0], $0xffff;
	_ =	sdelay $0x4  }
0x126: {  	[tilespmem:$0x1038] =	vst v0  }
0x127: {  	v0 =	vld [tilespmem:s3+$0x37B];
	_ =	sdelay $0x7  }
0x128: {  	v0 =	vld.idx.msk [tilespmem:v0+s7+$0x0], $0xffff;
	_ =	sdelay $0x4  }
0x129: {  	[tilespmem:$0x1048] =	vst v0  }
0x12a: {  	v0 =	vld [tilespmem:s3+$0x38B];
	_ =	sdelay $0x7  }
0x12b: {  	v0 =	vld.idx.msk [tilespmem:v0+s7+$0x0], $0xffff;
	_ =	sdelay $0x4  }
0x12c: {  	[tilespmem:$0x1058] =	vst v0  }
0x12d: {  	v0 =	vld [tilespmem:s3+$0x39B];
	_ =	sdelay $0x7  }
0x12e: {  	v0 =	vld.idx.msk [tilespmem:v0+s7+$0x0], $0xffff;
	_ =	sdelay $0x4  }
0x12f: {  	[tilespmem:$0x1068] =	vst v0  }
0x130: {  	v0 =	vld [tilespmem:s3+$0x3AB];
	_ =	sdelay $0x7  }
0x131: {  	v0 =	vld.idx.msk [tilespmem:v0+s7+$0x0], $0xffff;
	_ =	sdelay $0x4  }
0x132: {  	[tilespmem:$0x1078] =	vst v0  }
0x133: {  	v0 =	vld [tilespmem:s3+$0x3BB];
	_ =	sdelay $0x7  }
0x134: {  	v0 =	vld.idx.msk [tilespmem:v0+s7+$0x0], $0xffff;
	_ =	sdelay $0x4  }
0x135: {  	[tilespmem:$0x1088] =	vst v0  }
0x136: {  	v0 =	vld [tilespmem:s3+$0x3CB];
	_ =	sdelay $0x7  }
0x137: {  	v0 =	vld.idx.msk [tilespmem:v0+s7+$0x0], $0xffff;
	_ =	sdelay $0x4  }
0x138: {  	[tilespmem:$0x1098] =	vst v0  }
0x139: {  	v0 =	vld [tilespmem:s4+$0x3D8];
	_ =	sdelay $0x7  }
0x13a: {  	v0 =	vld.idx.msk [tilespmem:v0+s7+$0x0], $0xffff;
	_ =	sdelay $0x4  }
0x13b: {  	[tilespmem:$0x10A5] =	vst v0  }
0x13c: {  	_ =	swait.ge [sflag:s13], $0x3E80  }
0x13d: {  	s30 =	sld [smem:$0x7FA]  }
0x13e: {  	[sflag:s13] =	ssyncset.done $0x0  }
0x13f: {  	[sflag:s13] =	ssyncadd.s32 $0xFFFFC180  }
0x140: {  	[tilespmem:s11], [sflag:$0x1] =	stream.indirect.gather [spmem:s1], $0x80, s30, s8, $0xb8;
	[tilespmem:$0x9688] =	vst v63  }
0x141: {  	_ =	swait.ge [sflag:s10], $0x3E80  }
0x142: {  	[sflag:s10] =	ssyncset.done $0x0  }
0x143: {  	s31 =	rddreg [dreg:$0x10];
	[sflag:s10] =	ssyncadd.s32 $0xFFFFC180  }
0x144: {  	[hbm4b:s31+s2] =	stream.linear.scatter [tilespmem:s11], [sflag:$0x3], $0x3E80, $0x38;
	[tilespmem:$0x9688] =	vst v63  }
0x145: {  	v47 =	vld [tilespmem:s4+$0x3E8];
	_ =	sdelay $0x7  }
0x146: {  	v0 =	vld.idx.msk [tilespmem:v47+s7+$0x0], $0xffff;
	_ =	sdelay $0x4  }
0x147: {  	[tilespmem:$0x10B8] =	vst v0  }
0x148: {  	v0 =	vld [tilespmem:s4+$0x3F8];
	_ =	sdelay $0x7  }
0x149: {  	v0 =	vld.idx.msk [tilespmem:v0+s7+$0x0], $0xffff;
	_ =	sdelay $0x4  }
0x14a: {  	[tilespmem:$0x10C8] =	vst v0  }
0x14b: {  	v0 =	vld [tilespmem:s4+$0x408];
	_ =	sdelay $0x7  }
0x14c: {  	v0 =	vld.idx.msk [tilespmem:v0+s7+$0x0], $0xffff;
	_ =	sdelay $0x4  }
0x14d: {  	[tilespmem:$0x10D8] =	vst v0  }
0x14e: {  	v0 =	vld [tilespmem:s4+$0x418];
	_ =	sdelay $0x7  }
0x14f: {  	v0 =	vld.idx.msk [tilespmem:v0+s7+$0x0], $0xffff;
	_ =	sdelay $0x4  }
0x150: {  	[tilespmem:$0x10E8] =	vst v0  }
0x151: {  	v0 =	vld [tilespmem:s4+$0x428];
	_ =	sdelay $0x7  }
0x152: {  	v0 =	vld.idx.msk [tilespmem:v0+s7+$0x0], $0xffff;
	_ =	sdelay $0x4  }
0x153: {  	[tilespmem:$0x10F8] =	vst v0  }
0x154: {  	v0 =	vld [tilespmem:s4+$0x438];
	_ =	sdelay $0x7  }
0x155: {  	v0 =	vld.idx.msk [tilespmem:v0+s7+$0x0], $0xffff;
	_ =	sdelay $0x4  }
0x156: {  	[tilespmem:$0x1108] =	vst v0  }
0x157: {  	v0 =	vld [tilespmem:s4+$0x448];
	_ =	sdelay $0x7  }
0x158: {  	v0 =	vld.idx.msk [tilespmem:v0+s7+$0x0], $0xffff;
	_ =	sdelay $0x4  }
0x159: {  	[tilespmem:$0x1118] =	vst v0  }
0x15a: {  	v0 =	vld [tilespmem:s3+$0x455];
	_ =	sdelay $0x7  }
0x15b: {  	v0 =	vld.idx.msk [tilespmem:v0+s7+$0x0], $0xffff;
	_ =	sdelay $0x4  }
0x15c: {  	[tilespmem:$0x1125] =	vst v0  }
0x15d: {  	_ =	swait.ge [sflag:s12], $0x3E80  }
0x15e: {  	s30 =	sld [smem:$0x7FB]  }
0x15f: {  	[sflag:s12] =	ssyncset.done $0x0  }
0x160: {  	[sflag:s12] =	ssyncadd.s32 $0xFFFFC180  }
0x161: {  	[tilespmem:s9], [sflag:$0x1] =	stream.indirect.gather [spmem:s1], $0x80, s30, s8, $0xb8;
	[tilespmem:$0x9688] =	vst v63  }
0x162: {  	_ =	swait.ge [sflag:s10], $0x3E80  }
0x163: {  	[sflag:s10] =	ssyncset.done $0x0  }
0x164: {  	s31 =	rddreg [dreg:$0x11];
	[sflag:s10] =	ssyncadd.s32 $0xFFFFC180  }
0x165: {  	[hbm4b:s31+s2] =	stream.linear.scatter [tilespmem:s9], [sflag:$0x2], $0x3E80, $0x38;
	[tilespmem:$0x9688] =	vst v63  }
0x166: {  	v48 =	vld [tilespmem:s3+$0x465];
	_ =	sdelay $0x7  }
0x167: {  	v0 =	vld.idx.msk [tilespmem:v48+s7+$0x0], $0xffff;
	_ =	sdelay $0x4  }
0x168: {  	[tilespmem:$0x1138] =	vst v0  }
0x169: {  	v0 =	vld [tilespmem:s3+$0x475];
	_ =	sdelay $0x7  }
0x16a: {  	v0 =	vld.idx.msk [tilespmem:v0+s7+$0x0], $0xffff;
	_ =	sdelay $0x4  }
0x16b: {  	[tilespmem:$0x1148] =	vst v0  }
0x16c: {  	v0 =	vld [tilespmem:s3+$0x485];
	_ =	sdelay $0x7  }
0x16d: {  	v0 =	vld.idx.msk [tilespmem:v0+s7+$0x0], $0xffff;
	_ =	sdelay $0x4  }
0x16e: {  	[tilespmem:$0x1158] =	vst v0  }
0x16f: {  	v0 =	vld [tilespmem:s3+$0x495];
	_ =	sdelay $0x7  }
0x170: {  	v0 =	vld.idx.msk [tilespmem:v0+s7+$0x0], $0xffff;
	_ =	sdelay $0x4  }
0x171: {  	[tilespmem:$0x1168] =	vst v0  }
0x172: {  	v0 =	vld [tilespmem:s3+$0x4A5];
	_ =	sdelay $0x7  }
0x173: {  	v0 =	vld.idx.msk [tilespmem:v0+s7+$0x0], $0xffff;
	_ =	sdelay $0x4  }
0x174: {  	[tilespmem:$0x1178] =	vst v0  }
0x175: {  	v0 =	vld [tilespmem:s3+$0x4B5];
	_ =	sdelay $0x7  }
0x176: {  	v0 =	vld.idx.msk [tilespmem:v0+s7+$0x0], $0xffff;
	_ =	sdelay $0x4  }
0x177: {  	[tilespmem:$0x1188] =	vst v0  }
0x178: {  	v0 =	vld [tilespmem:s3+$0x4C5];
	_ =	sdelay $0x7  }
0x179: {  	v0 =	vld.idx.msk [tilespmem:v0+s7+$0x0], $0xffff;
	_ =	sdelay $0x4  }
0x17a: {  	[tilespmem:$0x1198] =	vst v0  }
0x17b: {  	v0 =	vld [tilespmem:s3+$0x4D2];
	_ =	sdelay $0x7  }
0x17c: {  	v0 =	vld.idx.msk [tilespmem:v0+s7+$0x0], $0xffff;
	_ =	sdelay $0x4  }
0x17d: {  	[tilespmem:$0x11A5] =	vst v0  }
0x17e: {  	_ =	swait.ge [sflag:s13], $0x3E80  }
0x17f: {  	s30 =	sld [smem:$0x7FC]  }
0x180: {  	[sflag:s13] =	ssyncset.done $0x0  }
0x181: {  	[sflag:s13] =	ssyncadd.s32 $0xFFFFC180  }
0x182: {  	[tilespmem:s11], [sflag:$0x1] =	stream.indirect.gather [spmem:s1], $0x80, s30, s8, $0xb8;
	[tilespmem:$0x9688] =	vst v63  }
0x183: {  	_ =	swait.ge [sflag:s10], $0x3E80  }
0x184: {  	[sflag:s10] =	ssyncset.done $0x0  }
0x185: {  	s31 =	rddreg [dreg:$0x12];
	[sflag:s10] =	ssyncadd.s32 $0xFFFFC180  }
0x186: {  	[hbm4b:s31+s2] =	stream.linear.scatter [tilespmem:s11], [sflag:$0x3], $0x3E80, $0x38;
	[tilespmem:$0x9688] =	vst v63  }
0x187: {  	v49 =	vld [tilespmem:s3+$0x4E2];
	_ =	sdelay $0x7  }
0x188: {  	v0 =	vld.idx.msk [tilespmem:v49+s7+$0x0], $0xffff;
	_ =	sdelay $0x4  }
0x189: {  	[tilespmem:$0x11B8] =	vst v0  }
0x18a: {  	v0 =	vld [tilespmem:s3+$0x4F2];
	_ =	sdelay $0x7  }
0x18b: {  	v0 =	vld.idx.msk [tilespmem:v0+s7+$0x0], $0xffff;
	_ =	sdelay $0x4  }
0x18c: {  	[tilespmem:$0x11C8] =	vst v0  }
0x18d: {  	v0 =	vld [tilespmem:s3+$0x502];
	_ =	sdelay $0x7  }
0x18e: {  	v0 =	vld.idx.msk [tilespmem:v0+s7+$0x0], $0xffff;
	_ =	sdelay $0x4  }
0x18f: {  	[tilespmem:$0x11D8] =	vst v0  }
0x190: {  	v0 =	vld [tilespmem:s3+$0x512];
	_ =	sdelay $0x7  }
0x191: {  	v0 =	vld.idx.msk [tilespmem:v0+s7+$0x0], $0xffff;
	_ =	sdelay $0x4  }
0x192: {  	[tilespmem:$0x11E8] =	vst v0  }
0x193: {  	v0 =	vld [tilespmem:s3+$0x522];
	_ =	sdelay $0x7  }
0x194: {  	v0 =	vld.idx.msk [tilespmem:v0+s7+$0x0], $0xffff;
	_ =	sdelay $0x4  }
0x195: {  	[tilespmem:$0x11F8] =	vst v0  }
0x196: {  	v0 =	vld [tilespmem:s3+$0x532];
	_ =	sdelay $0x7  }
0x197: {  	v0 =	vld.idx.msk [tilespmem:v0+s7+$0x0], $0xffff;
	_ =	sdelay $0x4  }
0x198: {  	[tilespmem:$0x1208] =	vst v0  }
0x199: {  	v0 =	vld [tilespmem:s3+$0x542];
	_ =	sdelay $0x7  }
0x19a: {  	v0 =	vld.idx.msk [tilespmem:v0+s7+$0x0], $0xffff;
	_ =	sdelay $0x4  }
0x19b: {  	[tilespmem:$0x1218] =	vst v0  }
0x19c: {  	v0 =	vld [tilespmem:s3+$0x54F];
	_ =	sdelay $0x7  }
0x19d: {  	v0 =	vld.idx.msk [tilespmem:v0+s7+$0x0], $0xffff;
	_ =	sdelay $0x4  }
0x19e: {  	[tilespmem:$0x1225] =	vst v0  }
0x19f: {  	_ =	swait.ge [sflag:s12], $0x3E80  }
0x1a0: {  	s30 =	sld [smem:$0x7FD]  }
0x1a1: {  	[sflag:s12] =	ssyncset.done $0x0  }
0x1a2: {  	[sflag:s12] =	ssyncadd.s32 $0xFFFFC180  }
0x1a3: {  	[tilespmem:s9], [sflag:$0x1] =	stream.indirect.gather [spmem:s1], $0x80, s30, s8, $0xb8;
	[tilespmem:$0x9688] =	vst v63  }
0x1a4: {  	_ =	swait.ge [sflag:s10], $0x3E80  }
0x1a5: {  	[sflag:s10] =	ssyncset.done $0x0  }
0x1a6: {  	s31 =	rddreg [dreg:$0x13];
	[sflag:s10] =	ssyncadd.s32 $0xFFFFC180  }
0x1a7: {  	[hbm4b:s31+s2] =	stream.linear.scatter [tilespmem:s9], [sflag:$0x2], $0x3E80, $0x38;
	[tilespmem:$0x9688] =	vst v63  }
0x1a8: {  	v50 =	vld [tilespmem:s3+$0x55F];
	_ =	sdelay $0x7  }
0x1a9: {  	v0 =	vld.idx.msk [tilespmem:v50+s7+$0x0], $0xffff;
	_ =	sdelay $0x4  }
0x1aa: {  	[tilespmem:$0x1238] =	vst v0  }
0x1ab: {  	v0 =	vld [tilespmem:s3+$0x56F];
	_ =	sdelay $0x7  }
0x1ac: {  	v0 =	vld.idx.msk [tilespmem:v0+s7+$0x0], $0xffff;
	_ =	sdelay $0x4  }
0x1ad: {  	[tilespmem:$0x1248] =	vst v0  }
0x1ae: {  	v0 =	vld [tilespmem:s3+$0x57F];
	_ =	sdelay $0x7  }
0x1af: {  	v0 =	vld.idx.msk [tilespmem:v0+s7+$0x0], $0xffff;
	_ =	sdelay $0x4  }
0x1b0: {  	[tilespmem:$0x1258] =	vst v0  }
0x1b1: {  	v0 =	vld [tilespmem:s3+$0x58F];
	_ =	sdelay $0x7  }
0x1b2: {  	v0 =	vld.idx.msk [tilespmem:v0+s7+$0x0], $0xffff;
	_ =	sdelay $0x4  }
0x1b3: {  	[tilespmem:$0x1268] =	vst v0  }
0x1b4: {  	v0 =	vld [tilespmem:s3+$0x59F];
	_ =	sdelay $0x7  }
0x1b5: {  	v0 =	vld.idx.msk [tilespmem:v0+s7+$0x0], $0xffff;
	_ =	sdelay $0x4  }
0x1b6: {  	[tilespmem:$0x1278] =	vst v0  }
0x1b7: {  	v0 =	vld [tilespmem:s3+$0x5AF];
	_ =	sdelay $0x7  }
0x1b8: {  	v0 =	vld.idx.msk [tilespmem:v0+s7+$0x0], $0xffff;
	_ =	sdelay $0x4  }
0x1b9: {  	[tilespmem:$0x1288] =	vst v0  }
0x1ba: {  	v0 =	vld [tilespmem:s3+$0x5BF];
	_ =	sdelay $0x7  }
0x1bb: {  	v0 =	vld.idx.msk [tilespmem:v0+s7+$0x0], $0xffff;
	_ =	sdelay $0x4  }
0x1bc: {  	[tilespmem:$0x1298] =	vst v0  }
0x1bd: {  	v0 =	vld [tilespmem:s3+$0x5CC];
	_ =	sdelay $0x7  }
0x1be: {  	v0 =	vld.idx.msk [tilespmem:v0+s7+$0x0], $0xffff;
	_ =	sdelay $0x4  }
0x1bf: {  	[tilespmem:$0x12A5] =	vst v0  }
0x1c0: {  	_ =	swait.ge [sflag:s13], $0x3E80  }
0x1c1: {  	[sflag:s13] =	ssyncset.done $0x0  }
0x1c2: {  	[sflag:s13] =	ssyncadd.s32 $0xFFFFC180  }
0x1c3: {  	[tilespmem:s11], [sflag:$0x1] =	stream.indirect.gather [spmem:s1], $0x80, s14, s8, $0xb8;
	[tilespmem:$0x9688] =	vst v63  }
0x1c4: {  	_ =	swait.ge [sflag:s10], $0x3E80  }
0x1c5: {  	[sflag:s10] =	ssyncset.done $0x0  }
0x1c6: {  	s30 =	rddreg [dreg:$0x14];
	[sflag:s10] =	ssyncadd.s32 $0xFFFFC180  }
0x1c7: {  	[hbm4b:s30+s2] =	stream.linear.scatter [tilespmem:s11], [sflag:$0x3], $0x3E80, $0x38;
	[tilespmem:$0x9688] =	vst v63  }
0x1c8: {  	v51 =	vld [tilespmem:s3+$0x5DC];
	_ =	sdelay $0x7  }
0x1c9: {  	v0 =	vld.idx.msk [tilespmem:v51+s7+$0x0], $0xffff;
	_ =	sdelay $0x4  }
0x1ca: {  	[tilespmem:$0x12B8] =	vst v0  }
0x1cb: {  	v0 =	vld [tilespmem:s3+$0x5EC];
	_ =	sdelay $0x7  }
0x1cc: {  	v0 =	vld.idx.msk [tilespmem:v0+s7+$0x0], $0xffff;
	_ =	sdelay $0x4  }
0x1cd: {  	[tilespmem:$0x12C8] =	vst v0  }
0x1ce: {  	v0 =	vld [tilespmem:s3+$0x5FC];
	_ =	sdelay $0x7  }
0x1cf: {  	v0 =	vld.idx.msk [tilespmem:v0+s7+$0x0], $0xffff;
	_ =	sdelay $0x4  }
0x1d0: {  	[tilespmem:$0x12D8] =	vst v0  }
0x1d1: {  	v0 =	vld [tilespmem:s3+$0x60C];
	_ =	sdelay $0x7  }
0x1d2: {  	v0 =	vld.idx.msk [tilespmem:v0+s7+$0x0], $0xffff;
	_ =	sdelay $0x4  }
0x1d3: {  	[tilespmem:$0x12E8] =	vst v0  }
0x1d4: {  	v0 =	vld [tilespmem:s3+$0x61C];
	_ =	sdelay $0x7  }
0x1d5: {  	v0 =	vld.idx.msk [tilespmem:v0+s7+$0x0], $0xffff;
	_ =	sdelay $0x4  }
0x1d6: {  	[tilespmem:$0x12F8] =	vst v0  }
0x1d7: {  	v0 =	vld [tilespmem:s3+$0x62C];
	_ =	sdelay $0x7  }
0x1d8: {  	v0 =	vld.idx.msk [tilespmem:v0+s7+$0x0], $0xffff;
	_ =	sdelay $0x4  }
0x1d9: {  	[tilespmem:$0x1308] =	vst v0  }
0x1da: {  	v0 =	vld [tilespmem:s3+$0x63C];
	_ =	sdelay $0x7  }
0x1db: {  	v0 =	vld.idx.msk [tilespmem:v0+s7+$0x0], $0xffff;
	_ =	sdelay $0x4  }
0x1dc: {  	[tilespmem:$0x1318] =	vst v0  }
0x1dd: {  	v0 =	vld [tilespmem:s3+$0x649];
	_ =	sdelay $0x7  }
0x1de: {  	v0 =	vld.idx.msk [tilespmem:v0+s7+$0x0], $0xffff;
	_ =	sdelay $0x4  }
0x1df: {  	[tilespmem:$0x1325] =	vst v0  }
0x1e0: {  	_ =	swait.ge [sflag:s12], $0x3E80  }
0x1e1: {  	[sflag:s12] =	ssyncset.done $0x0  }
0x1e2: {  	[sflag:s12] =	ssyncadd.s32 $0xFFFFC180  }
0x1e3: {  	[tilespmem:s9], [sflag:$0x1] =	stream.indirect.gather [spmem:s1], $0x80, s15, s8, $0xb8;
	[tilespmem:$0x9688] =	vst v63  }
0x1e4: {  	_ =	swait.ge [sflag:s10], $0x3E80  }
0x1e5: {  	[sflag:s10] =	ssyncset.done $0x0  }
0x1e6: {  	s31 =	rddreg [dreg:$0x15];
	[sflag:s10] =	ssyncadd.s32 $0xFFFFC180  }
0x1e7: {  	[hbm4b:s31+s2] =	stream.linear.scatter [tilespmem:s9], [sflag:$0x2], $0x3E80, $0x38;
	[tilespmem:$0x9688] =	vst v63  }
0x1e8: {  	v52 =	vld [tilespmem:s3+$0x659];
	_ =	sdelay $0x7  }
0x1e9: {  	v0 =	vld.idx.msk [tilespmem:v52+s7+$0x0], $0xffff;
	_ =	sdelay $0x4  }
0x1ea: {  	[tilespmem:$0x1338] =	vst v0  }
0x1eb: {  	v0 =	vld [tilespmem:s3+$0x669];
	_ =	sdelay $0x7  }
0x1ec: {  	v0 =	vld.idx.msk [tilespmem:v0+s7+$0x0], $0xffff;
	_ =	sdelay $0x4  }
0x1ed: {  	[tilespmem:$0x1348] =	vst v0  }
0x1ee: {  	v0 =	vld [tilespmem:s3+$0x679];
	_ =	sdelay $0x7  }
0x1ef: {  	v0 =	vld.idx.msk [tilespmem:v0+s7+$0x0], $0xffff;
	_ =	sdelay $0x4  }
0x1f0: {  	[tilespmem:$0x1358] =	vst v0  }
0x1f1: {  	v0 =	vld [tilespmem:s3+$0x689];
	_ =	sdelay $0x7  }
0x1f2: {  	v0 =	vld.idx.msk [tilespmem:v0+s7+$0x0], $0xffff;
	_ =	sdelay $0x4  }
0x1f3: {  	[tilespmem:$0x1368] =	vst v0  }
0x1f4: {  	v0 =	vld [tilespmem:s3+$0x699];
	_ =	sdelay $0x7  }
0x1f5: {  	v0 =	vld.idx.msk [tilespmem:v0+s7+$0x0], $0xffff;
	_ =	sdelay $0x4  }
0x1f6: {  	[tilespmem:$0x1378] =	vst v0  }
0x1f7: {  	v0 =	vld [tilespmem:s3+$0x6A9];
	_ =	sdelay $0x7  }
0x1f8: {  	v0 =	vld.idx.msk [tilespmem:v0+s7+$0x0], $0xffff;
	_ =	sdelay $0x4  }
0x1f9: {  	[tilespmem:$0x1388] =	vst v0  }
0x1fa: {  	v0 =	vld [tilespmem:s3+$0x6B9];
	_ =	sdelay $0x7  }
0x1fb: {  	v0 =	vld.idx.msk [tilespmem:v0+s7+$0x0], $0xffff;
	_ =	sdelay $0x4  }
0x1fc: {  	[tilespmem:$0x1398] =	vst v0  }
0x1fd: {  	v0 =	vld [tilespmem:s3+$0x6C6];
	_ =	sdelay $0x7  }
0x1fe: {  	v0 =	vld.idx.msk [tilespmem:v0+s7+$0x0], $0xffff;
	_ =	sdelay $0x4  }
0x1ff: {  	[tilespmem:$0x13A5] =	vst v0  }
0x200: {  	_ =	swait.ge [sflag:s13], $0x3E80  }
0x201: {  	[sflag:s13] =	ssyncset.done $0x0  }
0x202: {  	[sflag:s13] =	ssyncadd.s32 $0xFFFFC180  }
0x203: {  	[tilespmem:s11], [sflag:$0x1] =	stream.indirect.gather [spmem:s1], $0x80, s16, s8, $0xb8;
	[tilespmem:$0x9688] =	vst v63  }
0x204: {  	_ =	swait.ge [sflag:s10], $0x3E80  }
0x205: {  	[sflag:s10] =	ssyncset.done $0x0  }
0x206: {  	s30 =	rddreg [dreg:$0x16];
	[sflag:s10] =	ssyncadd.s32 $0xFFFFC180  }
0x207: {  	[hbm4b:s30+s2] =	stream.linear.scatter [tilespmem:s11], [sflag:$0x3], $0x3E80, $0x38;
	[tilespmem:$0x9688] =	vst v63  }
0x208: {  	v53 =	vld [tilespmem:s3+$0x6D6];
	_ =	sdelay $0x7  }
0x209: {  	v0 =	vld.idx.msk [tilespmem:v53+s7+$0x0], $0xffff;
	_ =	sdelay $0x4  }
0x20a: {  	[tilespmem:$0x13B8] =	vst v0  }
0x20b: {  	v0 =	vld [tilespmem:s3+$0x6E6];
	_ =	sdelay $0x7  }
0x20c: {  	v0 =	vld.idx.msk [tilespmem:v0+s7+$0x0], $0xffff;
	_ =	sdelay $0x4  }
0x20d: {  	[tilespmem:$0x13C8] =	vst v0  }
0x20e: {  	v0 =	vld [tilespmem:s3+$0x6F6];
	_ =	sdelay $0x7  }
0x20f: {  	v0 =	vld.idx.msk [tilespmem:v0+s7+$0x0], $0xffff;
	_ =	sdelay $0x4  }
0x210: {  	[tilespmem:$0x13D8] =	vst v0  }
0x211: {  	v0 =	vld [tilespmem:s3+$0x706];
	_ =	sdelay $0x7  }
0x212: {  	v0 =	vld.idx.msk [tilespmem:v0+s7+$0x0], $0xffff;
	_ =	sdelay $0x4  }
0x213: {  	[tilespmem:$0x13E8] =	vst v0  }
0x214: {  	v0 =	vld [tilespmem:s3+$0x716];
	_ =	sdelay $0x7  }
0x215: {  	v0 =	vld.idx.msk [tilespmem:v0+s7+$0x0], $0xffff;
	_ =	sdelay $0x4  }
0x216: {  	[tilespmem:$0x13F8] =	vst v0  }
0x217: {  	v0 =	vld [tilespmem:s3+$0x726];
	_ =	sdelay $0x7  }
0x218: {  	v0 =	vld.idx.msk [tilespmem:v0+s7+$0x0], $0xffff;
	_ =	sdelay $0x4  }
0x219: {  	[tilespmem:$0x1408] =	vst v0  }
0x21a: {  	v0 =	vld [tilespmem:s3+$0x736];
	_ =	sdelay $0x7  }
0x21b: {  	v0 =	vld.idx.msk [tilespmem:v0+s7+$0x0], $0xffff;
	_ =	sdelay $0x4  }
0x21c: {  	[tilespmem:$0x1418] =	vst v0  }
0x21d: {  	v0 =	vld [tilespmem:s3+$0x743];
	_ =	sdelay $0x7  }
0x21e: {  	v0 =	vld.idx.msk [tilespmem:v0+s7+$0x0], $0xffff;
	_ =	sdelay $0x4  }
0x21f: {  	[tilespmem:$0x1425] =	vst v0  }
0x220: {  	_ =	swait.ge [sflag:s12], $0x3E80  }
0x221: {  	[sflag:s12] =	ssyncset.done $0x0  }
0x222: {  	[sflag:s12] =	ssyncadd.s32 $0xFFFFC180  }
0x223: {  	[tilespmem:s9], [sflag:$0x1] =	stream.indirect.gather [spmem:s1], $0x80, s17, s8, $0xb8;
	[tilespmem:$0x9688] =	vst v63  }
0x224: {  	_ =	swait.ge [sflag:s10], $0x3E80  }
0x225: {  	[sflag:s10] =	ssyncset.done $0x0  }
0x226: {  	s31 =	rddreg [dreg:$0x17];
	[sflag:s10] =	ssyncadd.s32 $0xFFFFC180  }
0x227: {  	[hbm4b:s31+s2] =	stream.linear.scatter [tilespmem:s9], [sflag:$0x2], $0x3E80, $0x38;
	[tilespmem:$0x9688] =	vst v63  }
0x228: {  	v54 =	vld [tilespmem:s3+$0x753];
	_ =	sdelay $0x7  }
0x229: {  	v0 =	vld.idx.msk [tilespmem:v54+s7+$0x0], $0xffff;
	_ =	sdelay $0x4  }
0x22a: {  	[tilespmem:$0x1438] =	vst v0  }
0x22b: {  	v0 =	vld [tilespmem:s3+$0x763];
	_ =	sdelay $0x7  }
0x22c: {  	v0 =	vld.idx.msk [tilespmem:v0+s7+$0x0], $0xffff;
	_ =	sdelay $0x4  }
0x22d: {  	[tilespmem:$0x1448] =	vst v0  }
0x22e: {  	v0 =	vld [tilespmem:s3+$0x773];
	_ =	sdelay $0x7  }
0x22f: {  	v0 =	vld.idx.msk [tilespmem:v0+s7+$0x0], $0xffff;
	_ =	sdelay $0x4  }
0x230: {  	[tilespmem:$0x1458] =	vst v0  }
0x231: {  	v0 =	vld [tilespmem:s3+$0x783];
	_ =	sdelay $0x7  }
0x232: {  	v0 =	vld.idx.msk [tilespmem:v0+s7+$0x0], $0xffff;
	_ =	sdelay $0x4  }
0x233: {  	[tilespmem:$0x1468] =	vst v0  }
0x234: {  	v0 =	vld [tilespmem:s3+$0x793];
	_ =	sdelay $0x7  }
0x235: {  	v0 =	vld.idx.msk [tilespmem:v0+s7+$0x0], $0xffff;
	_ =	sdelay $0x4  }
0x236: {  	[tilespmem:$0x1478] =	vst v0  }
0x237: {  	v0 =	vld [tilespmem:s3+$0x7A3];
	_ =	sdelay $0x7  }
0x238: {  	v0 =	vld.idx.msk [tilespmem:v0+s7+$0x0], $0xffff;
	_ =	sdelay $0x4  }
0x239: {  	[tilespmem:$0x1488] =	vst v0  }
0x23a: {  	v0 =	vld [tilespmem:s3+$0x7B3];
	_ =	sdelay $0x7  }
0x23b: {  	v0 =	vld.idx.msk [tilespmem:v0+s7+$0x0], $0xffff;
	_ =	sdelay $0x4  }
0x23c: {  	[tilespmem:$0x1498] =	vst v0  }
0x23d: {  	v0 =	vld [tilespmem:s4+$0x7C0];
	_ =	sdelay $0x7  }
0x23e: {  	v0 =	vld.idx.msk [tilespmem:v0+s7+$0x0], $0xffff;
	_ =	sdelay $0x4  }
0x23f: {  	[tilespmem:$0x14A5] =	vst v0  }
0x240: {  	_ =	swait.ge [sflag:s13], $0x3E80  }
0x241: {  	[sflag:s13] =	ssyncset.done $0x0  }
0x242: {  	[sflag:s13] =	ssyncadd.s32 $0xFFFFC180  }
0x243: {  	[tilespmem:s11], [sflag:$0x1] =	stream.indirect.gather [spmem:s1], $0x80, s18, s8, $0xb8;
	[tilespmem:$0x9688] =	vst v63  }
0x244: {  	_ =	swait.ge [sflag:s10], $0x3E80  }
0x245: {  	[sflag:s10] =	ssyncset.done $0x0  }
0x246: {  	s30 =	rddreg [dreg:$0x18];
	[sflag:s10] =	ssyncadd.s32 $0xFFFFC180  }
0x247: {  	[hbm4b:s30+s2] =	stream.linear.scatter [tilespmem:s11], [sflag:$0x3], $0x3E80, $0x38;
	[tilespmem:$0x9688] =	vst v63  }
0x248: {  	v55 =	vld [tilespmem:s4+$0x7D0];
	_ =	sdelay $0x7  }
0x249: {  	v0 =	vld.idx.msk [tilespmem:v55+s7+$0x0], $0xffff;
	_ =	sdelay $0x4  }
0x24a: {  	[tilespmem:$0x14B8] =	vst v0  }
0x24b: {  	v0 =	vld [tilespmem:s4+$0x7E0];
	_ =	sdelay $0x7  }
0x24c: {  	v0 =	vld.idx.msk [tilespmem:v0+s7+$0x0], $0xffff;
	_ =	sdelay $0x4  }
0x24d: {  	[tilespmem:$0x14C8] =	vst v0  }
0x24e: {  	v0 =	vld [tilespmem:s4+$0x7F0];
	_ =	sdelay $0x7  }
0x24f: {  	v0 =	vld.idx.msk [tilespmem:v0+s7+$0x0], $0xffff;
	_ =	sdelay $0x4  }
0x250: {  	[tilespmem:$0x14D8] =	vst v0  }
0x251: {  	v0 =	vld [tilespmem:s4+$0x800];
	_ =	sdelay $0x7  }
0x252: {  	v0 =	vld.idx.msk [tilespmem:v0+s7+$0x0], $0xffff;
	_ =	sdelay $0x4  }
0x253: {  	[tilespmem:$0x14E8] =	vst v0  }
0x254: {  	v0 =	vld [tilespmem:s4+$0x810];
	_ =	sdelay $0x7  }
0x255: {  	v0 =	vld.idx.msk [tilespmem:v0+s7+$0x0], $0xffff;
	_ =	sdelay $0x4  }
0x256: {  	[tilespmem:$0x14F8] =	vst v0  }
0x257: {  	v0 =	vld [tilespmem:s4+$0x820];
	_ =	sdelay $0x7  }
0x258: {  	v0 =	vld.idx.msk [tilespmem:v0+s7+$0x0], $0xffff;
	_ =	sdelay $0x4  }
0x259: {  	[tilespmem:$0x1508] =	vst v0  }
0x25a: {  	v0 =	vld [tilespmem:s4+$0x830];
	_ =	sdelay $0x7  }
0x25b: {  	v0 =	vld.idx.msk [tilespmem:v0+s7+$0x0], $0xffff;
	_ =	sdelay $0x4  }
0x25c: {  	[tilespmem:$0x1518] =	vst v0  }
0x25d: {  	v0 =	vld [tilespmem:s3+$0x83D];
	_ =	sdelay $0x7  }
0x25e: {  	v0 =	vld.idx.msk [tilespmem:v0+s7+$0x0], $0xffff;
	_ =	sdelay $0x4  }
0x25f: {  	[tilespmem:$0x1525] =	vst v0  }
0x260: {  	_ =	swait.ge [sflag:s12], $0x3E80  }
0x261: {  	[sflag:s12] =	ssyncset.done $0x0  }
0x262: {  	[sflag:s12] =	ssyncadd.s32 $0xFFFFC180  }
0x263: {  	[tilespmem:s9], [sflag:$0x1] =	stream.indirect.gather [spmem:s1], $0x80, s19, s8, $0xb8;
	[tilespmem:$0x9688] =	vst v63  }
0x264: {  	_ =	swait.ge [sflag:s10], $0x3E80  }
0x265: {  	[sflag:s10] =	ssyncset.done $0x0  }
0x266: {  	s31 =	rddreg [dreg:$0x19];
	[sflag:s10] =	ssyncadd.s32 $0xFFFFC180  }
0x267: {  	[hbm4b:s31+s2] =	stream.linear.scatter [tilespmem:s9], [sflag:$0x2], $0x3E80, $0x38;
	[tilespmem:$0x9688] =	vst v63  }
0x268: {  	v56 =	vld [tilespmem:s3+$0x84D];
	_ =	sdelay $0x7  }
0x269: {  	v0 =	vld.idx.msk [tilespmem:v56+s7+$0x0], $0xffff;
	_ =	sdelay $0x4  }
0x26a: {  	[tilespmem:$0x1538] =	vst v0  }
0x26b: {  	v0 =	vld [tilespmem:s3+$0x85D];
	_ =	sdelay $0x7  }
0x26c: {  	v0 =	vld.idx.msk [tilespmem:v0+s7+$0x0], $0xffff;
	_ =	sdelay $0x4  }
0x26d: {  	[tilespmem:$0x1548] =	vst v0  }
0x26e: {  	v0 =	vld [tilespmem:s3+$0x86D];
	_ =	sdelay $0x7  }
0x26f: {  	v0 =	vld.idx.msk [tilespmem:v0+s7+$0x0], $0xffff;
	_ =	sdelay $0x4  }
0x270: {  	[tilespmem:$0x1558] =	vst v0  }
0x271: {  	v0 =	vld [tilespmem:s3+$0x87D];
	_ =	sdelay $0x7  }
0x272: {  	v0 =	vld.idx.msk [tilespmem:v0+s7+$0x0], $0xffff;
	_ =	sdelay $0x4  }
0x273: {  	[tilespmem:$0x1568] =	vst v0  }
0x274: {  	v0 =	vld [tilespmem:s3+$0x88D];
	_ =	sdelay $0x7  }
0x275: {  	v0 =	vld.idx.msk [tilespmem:v0+s7+$0x0], $0xffff;
	_ =	sdelay $0x4  }
0x276: {  	[tilespmem:$0x1578] =	vst v0  }
0x277: {  	v0 =	vld [tilespmem:s3+$0x89D];
	_ =	sdelay $0x7  }
0x278: {  	v0 =	vld.idx.msk [tilespmem:v0+s7+$0x0], $0xffff;
	_ =	sdelay $0x4  }
0x279: {  	[tilespmem:$0x1588] =	vst v0  }
0x27a: {  	v0 =	vld [tilespmem:s3+$0x8AD];
	_ =	sdelay $0x7  }
0x27b: {  	v0 =	vld.idx.msk [tilespmem:v0+s7+$0x0], $0xffff;
	_ =	sdelay $0x4  }
0x27c: {  	[tilespmem:$0x1598] =	vst v0  }
0x27d: {  	v0 =	vld [tilespmem:s3+$0x8BA];
	_ =	sdelay $0x7  }
0x27e: {  	v0 =	vld.idx.msk [tilespmem:v0+s7+$0x0], $0xffff;
	_ =	sdelay $0x4  }
0x27f: {  	[tilespmem:$0x15A5] =	vst v0  }
0x280: {  	_ =	swait.ge [sflag:s13], $0x3E80  }
0x281: {  	[sflag:s13] =	ssyncset.done $0x0  }
0x282: {  	[sflag:s13] =	ssyncadd.s32 $0xFFFFC180  }
0x283: {  	[tilespmem:s11], [sflag:$0x1] =	stream.indirect.gather [spmem:s1], $0x80, s20, s8, $0xb8;
	[tilespmem:$0x9688] =	vst v63  }
0x284: {  	_ =	swait.ge [sflag:s10], $0x3E80  }
0x285: {  	[sflag:s10] =	ssyncset.done $0x0  }
0x286: {  	s30 =	rddreg [dreg:$0x1a];
	[sflag:s10] =	ssyncadd.s32 $0xFFFFC180  }
0x287: {  	[hbm4b:s30+s2] =	stream.linear.scatter [tilespmem:s11], [sflag:$0x3], $0x3E80, $0x38;
	[tilespmem:$0x9688] =	vst v63  }
0x288: {  	v57 =	vld [tilespmem:s3+$0x8CA];
	_ =	sdelay $0x7  }
0x289: {  	v0 =	vld.idx.msk [tilespmem:v57+s7+$0x0], $0xffff;
	_ =	sdelay $0x4  }
0x28a: {  	[tilespmem:$0x15B8] =	vst v0  }
0x28b: {  	v0 =	vld [tilespmem:s3+$0x8DA];
	_ =	sdelay $0x7  }
0x28c: {  	v0 =	vld.idx.msk [tilespmem:v0+s7+$0x0], $0xffff;
	_ =	sdelay $0x4  }
0x28d: {  	[tilespmem:$0x15C8] =	vst v0  }
0x28e: {  	v0 =	vld [tilespmem:s3+$0x8EA];
	_ =	sdelay $0x7  }
0x28f: {  	v0 =	vld.idx.msk [tilespmem:v0+s7+$0x0], $0xffff;
	_ =	sdelay $0x4  }
0x290: {  	[tilespmem:$0x15D8] =	vst v0  }
0x291: {  	v0 =	vld [tilespmem:s3+$0x8FA];
	_ =	sdelay $0x7  }
0x292: {  	v0 =	vld.idx.msk [tilespmem:v0+s7+$0x0], $0xffff;
	_ =	sdelay $0x4  }
0x293: {  	[tilespmem:$0x15E8] =	vst v0  }
0x294: {  	v0 =	vld [tilespmem:s3+$0x90A];
	_ =	sdelay $0x7  }
0x295: {  	v0 =	vld.idx.msk [tilespmem:v0+s7+$0x0], $0xffff;
	_ =	sdelay $0x4  }
0x296: {  	[tilespmem:$0x15F8] =	vst v0  }
0x297: {  	v0 =	vld [tilespmem:s3+$0x91A];
	_ =	sdelay $0x7  }
0x298: {  	v0 =	vld.idx.msk [tilespmem:v0+s7+$0x0], $0xffff;
	_ =	sdelay $0x4  }
0x299: {  	[tilespmem:$0x1608] =	vst v0  }
0x29a: {  	v0 =	vld [tilespmem:s3+$0x92A];
	_ =	sdelay $0x7  }
0x29b: {  	v0 =	vld.idx.msk [tilespmem:v0+s7+$0x0], $0xffff;
	_ =	sdelay $0x4  }
0x29c: {  	[tilespmem:$0x1618] =	vst v0  }
0x29d: {  	v0 =	vld [tilespmem:s3+$0x937];
	_ =	sdelay $0x7  }
0x29e: {  	v0 =	vld.idx.msk [tilespmem:v0+s7+$0x0], $0xffff;
	_ =	sdelay $0x4  }
0x29f: {  	[tilespmem:$0x1625] =	vst v0  }
0x2a0: {  	_ =	swait.ge [sflag:s12], $0x3E80  }
0x2a1: {  	[sflag:s12] =	ssyncset.done $0x0  }
0x2a2: {  	[sflag:s12] =	ssyncadd.s32 $0xFFFFC180  }
0x2a3: {  	[tilespmem:s9], [sflag:$0x1] =	stream.indirect.gather [spmem:s1], $0x80, s21, s8, $0xb8;
	[tilespmem:$0x9688] =	vst v63  }
0x2a4: {  	_ =	swait.ge [sflag:s10], $0x3E80  }
0x2a5: {  	[sflag:s10] =	ssyncset.done $0x0  }
0x2a6: {  	s31 =	rddreg [dreg:$0x1b];
	[sflag:s10] =	ssyncadd.s32 $0xFFFFC180  }
0x2a7: {  	[hbm4b:s31+s2] =	stream.linear.scatter [tilespmem:s9], [sflag:$0x2], $0x3E80, $0x38;
	[tilespmem:$0x9688] =	vst v63  }
0x2a8: {  	v58 =	vld [tilespmem:s3+$0x947];
	_ =	sdelay $0x7  }
0x2a9: {  	v0 =	vld.idx.msk [tilespmem:v58+s7+$0x0], $0xffff;
	_ =	sdelay $0x4  }
0x2aa: {  	[tilespmem:$0x1638] =	vst v0  }
0x2ab: {  	v0 =	vld [tilespmem:s3+$0x957];
	_ =	sdelay $0x7  }
0x2ac: {  	v0 =	vld.idx.msk [tilespmem:v0+s7+$0x0], $0xffff;
	_ =	sdelay $0x4  }
0x2ad: {  	[tilespmem:$0x1648] =	vst v0  }
0x2ae: {  	v0 =	vld [tilespmem:s3+$0x967];
	_ =	sdelay $0x7  }
0x2af: {  	v0 =	vld.idx.msk [tilespmem:v0+s7+$0x0], $0xffff;
	_ =	sdelay $0x4  }
0x2b0: {  	[tilespmem:$0x1658] =	vst v0  }
0x2b1: {  	v0 =	vld [tilespmem:s3+$0x977];
	_ =	sdelay $0x7  }
0x2b2: {  	v0 =	vld.idx.msk [tilespmem:v0+s7+$0x0], $0xffff;
	_ =	sdelay $0x4  }
0x2b3: {  	[tilespmem:$0x1668] =	vst v0  }
0x2b4: {  	v0 =	vld [tilespmem:s3+$0x987];
	_ =	sdelay $0x7  }
0x2b5: {  	v0 =	vld.idx.msk [tilespmem:v0+s7+$0x0], $0xffff;
	_ =	sdelay $0x4  }
0x2b6: {  	[tilespmem:$0x1678] =	vst v0  }
0x2b7: {  	v0 =	vld [tilespmem:s3+$0x997];
	_ =	sdelay $0x7  }
0x2b8: {  	v0 =	vld.idx.msk [tilespmem:v0+s7+$0x0], $0xffff;
	_ =	sdelay $0x4  }
0x2b9: {  	[tilespmem:$0x1688] =	vst v0  }
0x2ba: {  	v0 =	vld [tilespmem:s3+$0x9A7];
	_ =	sdelay $0x7  }
0x2bb: {  	v0 =	vld.idx.msk [tilespmem:v0+s7+$0x0], $0xffff;
	_ =	sdelay $0x4  }
0x2bc: {  	[tilespmem:$0x1698] =	vst v0  }
0x2bd: {  	v0 =	vld [tilespmem:s3+$0x9B4];
	_ =	sdelay $0x7  }
0x2be: {  	v0 =	vld.idx.msk [tilespmem:v0+s7+$0x0], $0xffff;
	_ =	sdelay $0x4  }
0x2bf: {  	[tilespmem:$0x16A5] =	vst v0  }
0x2c0: {  	_ =	swait.ge [sflag:s13], $0x3E80  }
0x2c1: {  	[sflag:s13] =	ssyncset.done $0x0  }
0x2c2: {  	[sflag:s13] =	ssyncadd.s32 $0xFFFFC180  }
0x2c3: {  	[tilespmem:s11], [sflag:$0x1] =	stream.indirect.gather [spmem:s1], $0x80, s22, s8, $0xb8;
	[tilespmem:$0x9688] =	vst v63  }
0x2c4: {  	_ =	swait.ge [sflag:s10], $0x3E80  }
0x2c5: {  	[sflag:s10] =	ssyncset.done $0x0  }
0x2c6: {  	s30 =	rddreg [dreg:$0x1c];
	[sflag:s10] =	ssyncadd.s32 $0xFFFFC180  }
0x2c7: {  	[hbm4b:s30+s2] =	stream.linear.scatter [tilespmem:s11], [sflag:$0x3], $0x3E80, $0x38;
	[tilespmem:$0x9688] =	vst v63  }
0x2c8: {  	v59 =	vld [tilespmem:s3+$0x9C4];
	_ =	sdelay $0x7  }
0x2c9: {  	v0 =	vld.idx.msk [tilespmem:v59+s7+$0x0], $0xffff;
	_ =	sdelay $0x4  }
0x2ca: {  	[tilespmem:$0x16B8] =	vst v0  }
0x2cb: {  	v0 =	vld [tilespmem:s3+$0x9D4];
	_ =	sdelay $0x7  }
0x2cc: {  	v0 =	vld.idx.msk [tilespmem:v0+s7+$0x0], $0xffff;
	_ =	sdelay $0x4  }
0x2cd: {  	[tilespmem:$0x16C8] =	vst v0  }
0x2ce: {  	v0 =	vld [tilespmem:s3+$0x9E4];
	_ =	sdelay $0x7  }
0x2cf: {  	v0 =	vld.idx.msk [tilespmem:v0+s7+$0x0], $0xffff;
	_ =	sdelay $0x4  }
0x2d0: {  	[tilespmem:$0x16D8] =	vst v0  }
0x2d1: {  	v0 =	vld [tilespmem:s3+$0x9F4];
	_ =	sdelay $0x7  }
0x2d2: {  	v0 =	vld.idx.msk [tilespmem:v0+s7+$0x0], $0xffff;
	_ =	sdelay $0x4  }
0x2d3: {  	[tilespmem:$0x16E8] =	vst v0  }
0x2d4: {  	v0 =	vld [tilespmem:s3+$0xA04];
	_ =	sdelay $0x7  }
0x2d5: {  	v0 =	vld.idx.msk [tilespmem:v0+s7+$0x0], $0xffff;
	_ =	sdelay $0x4  }
0x2d6: {  	[tilespmem:$0x16F8] =	vst v0  }
0x2d7: {  	v0 =	vld [tilespmem:s3+$0xA14];
	_ =	sdelay $0x7  }
0x2d8: {  	v0 =	vld.idx.msk [tilespmem:v0+s7+$0x0], $0xffff;
	_ =	sdelay $0x4  }
0x2d9: {  	[tilespmem:$0x1708] =	vst v0  }
0x2da: {  	v0 =	vld [tilespmem:s3+$0xA24];
	_ =	sdelay $0x7  }
0x2db: {  	v0 =	vld.idx.msk [tilespmem:v0+s7+$0x0], $0xffff;
	_ =	sdelay $0x4  }
0x2dc: {  	[tilespmem:$0x1718] =	vst v0  }
0x2dd: {  	v0 =	vld [tilespmem:s3+$0xA31];
	_ =	sdelay $0x7  }
0x2de: {  	v0 =	vld.idx.msk [tilespmem:v0+s7+$0x0], $0xffff;
	_ =	sdelay $0x4  }
0x2df: {  	[tilespmem:$0x1725] =	vst v0  }
0x2e0: {  	_ =	swait.ge [sflag:s12], $0x3E80  }
0x2e1: {  	[sflag:s12] =	ssyncset.done $0x0  }
0x2e2: {  	[sflag:s12] =	ssyncadd.s32 $0xFFFFC180  }
0x2e3: {  	[tilespmem:s9], [sflag:$0x1] =	stream.indirect.gather [spmem:s1], $0x80, s23, s8, $0xb8;
	[tilespmem:$0x9688] =	vst v63  }
0x2e4: {  	_ =	swait.ge [sflag:s10], $0x3E80  }
0x2e5: {  	[sflag:s10] =	ssyncset.done $0x0  }
0x2e6: {  	s31 =	rddreg [dreg:$0x1d];
	[sflag:s10] =	ssyncadd.s32 $0xFFFFC180  }
0x2e7: {  	[hbm4b:s31+s2] =	stream.linear.scatter [tilespmem:s9], [sflag:$0x2], $0x3E80, $0x38;
	[tilespmem:$0x9688] =	vst v63  }
0x2e8: {  	v60 =	vld [tilespmem:s3+$0xA41];
	_ =	sdelay $0x7  }
0x2e9: {  	v0 =	vld.idx.msk [tilespmem:v60+s7+$0x0], $0xffff;
	_ =	sdelay $0x4  }
0x2ea: {  	[tilespmem:$0x1738] =	vst v0  }
0x2eb: {  	v0 =	vld [tilespmem:s3+$0xA51];
	_ =	sdelay $0x7  }
0x2ec: {  	v0 =	vld.idx.msk [tilespmem:v0+s7+$0x0], $0xffff;
	_ =	sdelay $0x4  }
0x2ed: {  	[tilespmem:$0x1748] =	vst v0  }
0x2ee: {  	v0 =	vld [tilespmem:s3+$0xA61];
	_ =	sdelay $0x7  }
0x2ef: {  	v0 =	vld.idx.msk [tilespmem:v0+s7+$0x0], $0xffff;
	_ =	sdelay $0x4  }
0x2f0: {  	[tilespmem:$0x1758] =	vst v0  }
0x2f1: {  	v0 =	vld [tilespmem:s3+$0xA71];
	_ =	sdelay $0x7  }
0x2f2: {  	v0 =	vld.idx.msk [tilespmem:v0+s7+$0x0], $0xffff;
	_ =	sdelay $0x4  }
0x2f3: {  	[tilespmem:$0x1768] =	vst v0  }
0x2f4: {  	v0 =	vld [tilespmem:s3+$0xA81];
	_ =	sdelay $0x7  }
0x2f5: {  	v0 =	vld.idx.msk [tilespmem:v0+s7+$0x0], $0xffff;
	_ =	sdelay $0x4  }
0x2f6: {  	[tilespmem:$0x1778] =	vst v0  }
0x2f7: {  	v0 =	vld [tilespmem:s3+$0xA91];
	_ =	sdelay $0x7  }
0x2f8: {  	v0 =	vld.idx.msk [tilespmem:v0+s7+$0x0], $0xffff;
	_ =	sdelay $0x4  }
0x2f9: {  	[tilespmem:$0x1788] =	vst v0  }
0x2fa: {  	v0 =	vld [tilespmem:s3+$0xAA1];
	_ =	sdelay $0x7  }
0x2fb: {  	v0 =	vld.idx.msk [tilespmem:v0+s7+$0x0], $0xffff;
	_ =	sdelay $0x4  }
0x2fc: {  	[tilespmem:$0x1798] =	vst v0  }
0x2fd: {  	v0 =	vld [tilespmem:s3+$0xAAE];
	_ =	sdelay $0x7  }
0x2fe: {  	v0 =	vld.idx.msk [tilespmem:v0+s7+$0x0], $0xffff;
	_ =	sdelay $0x4  }
0x2ff: {  	[tilespmem:$0x17A5] =	vst v0  }
0x300: {  	_ =	swait.ge [sflag:s13], $0x3E80  }
0x301: {  	[sflag:s13] =	ssyncset.done $0x0  }
0x302: {  	[sflag:s13] =	ssyncadd.s32 $0xFFFFC180  }
0x303: {  	[tilespmem:s11], [sflag:$0x1] =	stream.indirect.gather [spmem:s1], $0x80, s24, s8, $0xb8;
	[tilespmem:$0x9688] =	vst v63  }
0x304: {  	_ =	swait.ge [sflag:s10], $0x3E80  }
0x305: {  	[sflag:s10] =	ssyncset.done $0x0  }
0x306: {  	s30 =	rddreg [dreg:$0x1e];
	[sflag:s10] =	ssyncadd.s32 $0xFFFFC180  }
0x307: {  	[hbm4b:s30+s2] =	stream.linear.scatter [tilespmem:s11], [sflag:$0x3], $0x3E80, $0x38;
	[tilespmem:$0x9688] =	vst v63  }
0x308: {  	v61 =	vld [tilespmem:s3+$0xABE];
	_ =	sdelay $0x7  }
0x309: {  	v0 =	vld.idx.msk [tilespmem:v61+s7+$0x0], $0xffff;
	_ =	sdelay $0x4  }
0x30a: {  	[tilespmem:$0x17B8] =	vst v0  }
0x30b: {  	v0 =	vld [tilespmem:s3+$0xACE];
	_ =	sdelay $0x7  }
0x30c: {  	v0 =	vld.idx.msk [tilespmem:v0+s7+$0x0], $0xffff;
	_ =	sdelay $0x4  }
0x30d: {  	[tilespmem:$0x17C8] =	vst v0  }
0x30e: {  	v0 =	vld [tilespmem:s3+$0xADE];
	_ =	sdelay $0x7  }
0x30f: {  	v0 =	vld.idx.msk [tilespmem:v0+s7+$0x0], $0xffff;
	_ =	sdelay $0x4  }
0x310: {  	[tilespmem:$0x17D8] =	vst v0  }
0x311: {  	v0 =	vld [tilespmem:s3+$0xAEE];
	_ =	sdelay $0x7  }
0x312: {  	v0 =	vld.idx.msk [tilespmem:v0+s7+$0x0], $0xffff;
	_ =	sdelay $0x4  }
0x313: {  	[tilespmem:$0x17E8] =	vst v0  }
0x314: {  	v0 =	vld [tilespmem:s3+$0xAFE];
	_ =	sdelay $0x7  }
0x315: {  	v0 =	vld.idx.msk [tilespmem:v0+s7+$0x0], $0xffff;
	_ =	sdelay $0x4  }
0x316: {  	[tilespmem:$0x17F8] =	vst v0  }
0x317: {  	v0 =	vld [tilespmem:s3+$0xB0E];
	_ =	sdelay $0x7  }
0x318: {  	v0 =	vld.idx.msk [tilespmem:v0+s7+$0x0], $0xffff;
	_ =	sdelay $0x4  }
0x319: {  	[tilespmem:$0x1808] =	vst v0  }
0x31a: {  	v0 =	vld [tilespmem:s3+$0xB1E];
	_ =	sdelay $0x7  }
0x31b: {  	v0 =	vld.idx.msk [tilespmem:v0+s7+$0x0], $0xffff;
	_ =	sdelay $0x4  }
0x31c: {  	[tilespmem:$0x1818] =	vst v0  }
0x31d: {  	v0 =	vld [tilespmem:s3+$0xB2B];
	_ =	sdelay $0x7  }
0x31e: {  	v0 =	vld.idx.msk [tilespmem:v0+s7+$0x0], $0xffff;
	_ =	sdelay $0x4  }
0x31f: {  	[tilespmem:$0x1825] =	vst v0  }
0x320: {  	_ =	swait.ge [sflag:s12], $0x3E80  }
0x321: {  	[sflag:s12] =	ssyncset.done $0x0  }
0x322: {  	[sflag:s12] =	ssyncadd.s32 $0xFFFFC180  }
0x323: {  	[tilespmem:s9], [sflag:$0x1] =	stream.indirect.gather [spmem:s1], $0x80, s25, s8, $0xb8;
	[tilespmem:$0x9688] =	vst v63  }
0x324: {  	_ =	swait.ge [sflag:s10], $0x3E80  }
0x325: {  	[sflag:s10] =	ssyncset.done $0x0  }
0x326: {  	s31 =	rddreg [dreg:$0x1f];
	[sflag:s10] =	ssyncadd.s32 $0xFFFFC180  }
0x327: {  	[hbm4b:s31+s2] =	stream.linear.scatter [tilespmem:s9], [sflag:$0x2], $0x3E80, $0x38;
	[tilespmem:$0x9688] =	vst v63  }
0x328: {  	v62 =	vld [tilespmem:s3+$0xB3B];
	_ =	sdelay $0x7  }
0x329: {  	v0 =	vld.idx.msk [tilespmem:v62+s7+$0x0], $0xffff;
	_ =	sdelay $0x4  }
0x32a: {  	[tilespmem:$0x1838] =	vst v0  }
0x32b: {  	v0 =	vld [tilespmem:s3+$0xB4B];
	_ =	sdelay $0x7  }
0x32c: {  	v0 =	vld.idx.msk [tilespmem:v0+s7+$0x0], $0xffff;
	_ =	sdelay $0x4  }
0x32d: {  	[tilespmem:$0x1848] =	vst v0  }
0x32e: {  	v0 =	vld [tilespmem:s3+$0xB5B];
	_ =	sdelay $0x7  }
0x32f: {  	v0 =	vld.idx.msk [tilespmem:v0+s7+$0x0], $0xffff;
	_ =	sdelay $0x4  }
0x330: {  	[tilespmem:$0x1858] =	vst v0  }
0x331: {  	v0 =	vld [tilespmem:s3+$0xB6B];
	_ =	sdelay $0x7  }
0x332: {  	v0 =	vld.idx.msk [tilespmem:v0+s7+$0x0], $0xffff;
	_ =	sdelay $0x4  }
0x333: {  	[tilespmem:$0x1868] =	vst v0  }
0x334: {  	v0 =	vld [tilespmem:s3+$0xB7B];
	_ =	sdelay $0x7  }
0x335: {  	v0 =	vld.idx.msk [tilespmem:v0+s7+$0x0], $0xffff;
	_ =	sdelay $0x4  }
0x336: {  	[tilespmem:$0x1878] =	vst v0  }
0x337: {  	v0 =	vld [tilespmem:s3+$0xB8B];
	_ =	sdelay $0x7  }
0x338: {  	v0 =	vld.idx.msk [tilespmem:v0+s7+$0x0], $0xffff;
	_ =	sdelay $0x4  }
0x339: {  	[tilespmem:$0x1888] =	vst v0  }
0x33a: {  	v0 =	vld [tilespmem:s3+$0xB9B];
	_ =	sdelay $0x7  }
0x33b: {  	v0 =	vld.idx.msk [tilespmem:v0+s7+$0x0], $0xffff;
	_ =	sdelay $0x4  }
0x33c: {  	[tilespmem:$0x1898] =	vst v0  }
0x33d: {  	v0 =	vld [tilespmem:s4+$0xBA8];
	_ =	sdelay $0x7  }
0x33e: {  	v0 =	vld.idx.msk [tilespmem:v0+s7+$0x0], $0xffff;
	_ =	sdelay $0x4  }
0x33f: {  	[tilespmem:$0x18A5] =	vst v0  }
0x340: {  	_ =	swait.ge [sflag:s13], $0x3E80  }
0x341: {  	[sflag:s13] =	ssyncset.done $0x0  }
0x342: {  	[sflag:s13] =	ssyncadd.s32 $0xFFFFC180  }
0x343: {  	[tilespmem:s11], [sflag:$0x1] =	stream.indirect.gather [spmem:s1], $0x80, s26, s8, $0xb8;
	[tilespmem:$0x9688] =	vst v63  }
0x344: {  	_ =	swait.ge [sflag:s10], $0x3E80  }
0x345: {  	s30 =	sld [smem:$0x7F1]  }
0x346: {  	[sflag:s10] =	ssyncset.done $0x0  }
0x347: {  	[sflag:s10] =	ssyncadd.s32 $0xFFFFC180  }
0x348: {  	[hbm4b:s30+s2] =	stream.linear.scatter [tilespmem:s11], [sflag:$0x3], $0x3E80, $0x38;
	[tilespmem:$0x9688] =	vst v63  }
0x349: {  	v63 =	vld [tilespmem:s4+$0xBB8];
	_ =	sdelay $0x7  }
0x34a: {  	v0 =	vld.idx.msk [tilespmem:v63+s7+$0x0], $0xffff;
	_ =	sdelay $0x4  }
0x34b: {  	[tilespmem:$0x18B8] =	vst v0  }
0x34c: {  	v0 =	vld [tilespmem:s4+$0xBC8];
	_ =	sdelay $0x7  }
0x34d: {  	v0 =	vld.idx.msk [tilespmem:v0+s7+$0x0], $0xffff;
	_ =	sdelay $0x4  }
0x34e: {  	[tilespmem:$0x18C8] =	vst v0  }
0x34f: {  	v0 =	vld [tilespmem:s4+$0xBD8];
	_ =	sdelay $0x7  }
0x350: {  	v0 =	vld.idx.msk [tilespmem:v0+s7+$0x0], $0xffff;
	_ =	sdelay $0x4  }
0x351: {  	[tilespmem:$0x18D8] =	vst v0  }
0x352: {  	v0 =	vld [tilespmem:s4+$0xBE8];
	_ =	sdelay $0x7  }
0x353: {  	v0 =	vld.idx.msk [tilespmem:v0+s7+$0x0], $0xffff;
	_ =	sdelay $0x4  }
0x354: {  	[tilespmem:$0x18E8] =	vst v0  }
0x355: {  	v0 =	vld [tilespmem:s4+$0xBF8];
	_ =	sdelay $0x7  }
0x356: {  	v0 =	vld.idx.msk [tilespmem:v0+s7+$0x0], $0xffff;
	_ =	sdelay $0x4  }
0x357: {  	[tilespmem:$0x18F8] =	vst v0  }
0x358: {  	v0 =	vld [tilespmem:s4+$0xC08];
	_ =	sdelay $0x7  }
0x359: {  	v0 =	vld.idx.msk [tilespmem:v0+s7+$0x0], $0xffff;
	_ =	sdelay $0x4  }
0x35a: {  	[tilespmem:$0x1908] =	vst v0  }
0x35b: {  	v0 =	vld [tilespmem:s4+$0xC18];
	_ =	sdelay $0x7  }
0x35c: {  	v0 =	vld.idx.msk [tilespmem:v0+s7+$0x0], $0xffff;
	_ =	sdelay $0x4  }
0x35d: {  	[tilespmem:$0x1918] =	vst v0  }
0x35e: {  	v0 =	vld [tilespmem:s3+$0xC25];
	_ =	sdelay $0x7  }
0x35f: {  	v0 =	vld.idx.msk [tilespmem:v0+s7+$0x0], $0xffff;
	_ =	sdelay $0x4  }
0x360: {  	[tilespmem:$0x1925] =	vst v0  }
0x361: {  	_ =	swait.ge [sflag:s12], $0x3E80  }
0x362: {  	[sflag:s12] =	ssyncset.done $0x0  }
0x363: {  	[sflag:s12] =	ssyncadd.s32 $0xFFFFC180  }
0x364: {  	[tilespmem:s9], [sflag:$0x1] =	stream.indirect.gather [spmem:s1], $0x80, s28, s8, $0xb8;
	[tilespmem:$0x9688] =	vst v63  }
0x365: {  	_ =	swait.ge [sflag:s10], $0x3E80  }
0x366: {  	s31 =	sld [smem:$0x7F2]  }
0x367: {  	[sflag:s10] =	ssyncset.done $0x0  }
0x368: {  	s5 =	sadd.s32 $0xFFFFFFFF, s5;
	[sflag:s10] =	ssyncadd.s32 $0xFFFFC180  }
0x369: {  	[hbm4b:s31+s2] =	stream.linear.scatter [tilespmem:s9], [sflag:$0x2], $0x3E80, $0x38;
	[tilespmem:$0x9688] =	vst v63  }
0x36a: {  	p1 =	sne.s32 s5, $0x0;
	_ =	swait.ge [sflag:s12], $0x3E80  }
.Ltmp0:
0x36b: {  	[sflag:s12] =	ssyncset.done $0x0;
	(pc) =	sbr.rel @p1 .LBB2_1-.Ltmp0, $4  }
0x36c: {  	[sflag:s12] =	ssyncadd.s32 $0xFFFFC180  }
0x36d: {  	_ =	swait.ge [sflag:s13], $0x3E80  }
0x36e: {  	[sflag:s13] =	ssyncset.done $0x0  }
0x36f: {  	[sflag:s13] =	ssyncadd.s32 $0xFFFFC180  }
0x370: {  	_ =	sfence.sel $0x180000  }
0x371: {  	[bflag:$0x0] =	sbarrier.arrive $0xFFFF  }
0x372: {  	_ =	strace $0x90000047  }
0x373: {  	s0 =	sadd.s32 @!p0 $0x100000, s0;
	[bflag:$0x2] =	sbarrier.arrive $0xFFFF  }
0x374: {  	[sflag:s0] =	ssyncadd.tile.s32 @!p0 $0x1;
	_ =	shalt  }
.Lfunc_end2:
_tile_overlayer_lowered:
.L_overlay_start_2:
0x375: {  	(tag) =	ssettag $0x2  }
0x376: {  	s0 =	rddreg [dreg:$0x0];
	s2 =	stileid.u32  }
0x377: {  	s1 =	rddreg [dreg:$0x1];
	p0 =	sne.s32 s2, $0x0  }
0x378: {  	s3 =	rddreg [dreg:$0x2];
	[bflag:$0x3] =	sbarrier.arrive $0xFFFF;
	s2 =	simm.s32 @!p0 $0x1C04  }
0x379: {  	[timem:s3], [sflag:s2] =	dma.local @!p0 [hbm:s0], s1  }
0x37a: {  	s0 =	simm.s32 @!p0 $0x4  }
0x37b: {  	_ =	swait.ge @!p0 [sflag:s0], s1  }
0x37c: {  	s1 =	ssub.s32 @!p0 $0x0, s1;
	[sflag:s0] =	ssyncset.done @!p0 $0x0  }
0x37d: {  	[sflag:s0] =	ssyncadd.s32 @!p0 s1  }
0x37e: {  	[bflag:$0x3] =	sbarrier.arrive $0xFFFF  }
0x37f: {  	_ =	shalt  }

</sc_bundles>
